<compile_context>
chip_gen: v7x
topology: tpu7x:2x2x1
jax: 0.10.2.dev20260603
libtpu: 0.0.44.dev20260713+nightly
codegen_flags: <defaults>
</compile_context>

<pallas_src>
import functools

import jax
import jax.numpy as jnp
from jax import lax
from jax.experimental import pallas as pl
from jax.experimental.pallas import tpu as pltpu
from jax.experimental.pallas import tpu_sc as plsc

E = 16
TOPK = 2
D = 1024
FF = 2048
T = 2048
NPAIR = T * TOPK

BLK = 128
NPAD = NPAIR + E * BLK
NB = NPAD // BLK

NC = 2
NS = 16
NW = NC * NS
SLOTS_PER = NPAD // NW
D2 = D // 2
GCH = 24
NGB = 4
TPW = T // NW
TCH = 16


_CH = 256


def _gate_body(x_ref, wg_ref, coef_ref, pos_ref, be_ref):
    xf = x_ref[...]
    logits = jnp.dot(xf, wg_ref[...], preferred_element_type=jnp.float32)
    m = jnp.max(logits, axis=-1, keepdims=True)
    ex = jnp.exp(logits - m)
    probs = ex / jnp.sum(ex, axis=-1, keepdims=True)
    iota = lax.broadcasted_iota(jnp.int32, (T, E), 1)
    m1 = jnp.max(probs, axis=-1, keepdims=True)
    i1 = jnp.min(jnp.where(probs == m1, iota, E), axis=-1, keepdims=True)
    masked = jnp.where(iota == i1, -jnp.float32(jnp.inf), probs)
    m2 = jnp.max(masked, axis=-1, keepdims=True)
    i2 = jnp.min(jnp.where(masked == m2, iota, E), axis=-1, keepdims=True)
    s = m1 + m2
    c0col = m1 / s
    c1col = m2 / s

    oh0 = (iota == i1).astype(jnp.float32)
    oh1 = (iota == i2).astype(jnp.float32)
    cnt0 = jnp.sum(oh0, axis=0, keepdims=True)
    cnt1 = jnp.sum(oh1, axis=0, keepdims=True)
    total = cnt0 + cnt1
    pcnt = jnp.floor((total + (BLK - 1)) * (1.0 / BLK)) * BLK
    up = (lax.broadcasted_iota(jnp.int32, (E, E), 0)
          < lax.broadcasted_iota(jnp.int32, (E, E), 1)).astype(jnp.float32)
    poff = jnp.dot(pcnt, up, preferred_element_type=jnp.float32)
    pend = poff + pcnt
    total_padded = jnp.sum(pcnt)

    wlow = (lax.broadcasted_iota(jnp.int32, (_CH, _CH), 1)
            < lax.broadcasted_iota(jnp.int32, (_CH, _CH), 0)).astype(jnp.float32)
    carry0 = jnp.zeros((1, E), jnp.float32)
    carry1 = cnt0
    for c in range(T // _CH):
        sl = slice(c * _CH, (c + 1) * _CH)
        oh0c = oh0[sl]
        oh1c = oh1[sl]
        r0 = jnp.dot(wlow, oh0c, preferred_element_type=jnp.float32) + carry0
        r1 = jnp.dot(wlow, oh1c, preferred_element_type=jnp.float32) + carry1
        pos0 = jnp.sum(oh0c * (r0 + poff), axis=1, keepdims=True)
        pos1 = jnp.sum(oh1c * (r1 + poff), axis=1, keepdims=True)
        pos_ref[pl.ds(c * _CH, _CH), 0:1] = pos0.astype(jnp.int32)
        pos_ref[pl.ds(T + c * _CH, _CH), 0:1] = pos1.astype(jnp.int32)
        coef_ref[pl.ds(c * _CH, _CH), 0:1] = c0col[sl]
        coef_ref[pl.ds(T + c * _CH, _CH), 0:1] = c1col[sl]
        carry0 = carry0 + jnp.sum(oh0c, axis=0, keepdims=True)
        carry1 = carry1 + jnp.sum(oh1c, axis=0, keepdims=True)

    brow = (lax.broadcasted_iota(jnp.int32, (1, NB), 1) * BLK).astype(jnp.float32)
    brow = jnp.minimum(brow, total_padded - BLK)
    be = jnp.zeros((1, NB), jnp.float32)
    for e in range(E):
        pe = pend[:, e:e + 1]
        be = be + (brow >= pe).astype(jnp.float32)
    be_ref[...] = be.astype(jnp.int32)


def _gate(xf, Wg):
    return pl.pallas_call(
        _gate_body,
        out_shape=(
            jax.ShapeDtypeStruct((NPAIR, 1), jnp.float32),
            jax.ShapeDtypeStruct((NPAIR, 1), jnp.int32),
            jax.ShapeDtypeStruct((1, NB), jnp.int32),
        ),
        compiler_params=pltpu.CompilerParams(
            vmem_limit_bytes=100 * 1024 * 1024),
    )(xf, Wg)


def _route_body(pos_hbm, x_hbm, xs_hbm, idx0_vm, idx1_vm, rows_v,
                sem_g, sem_s0, sem_s1):
    core = lax.axis_index("c")
    sub = lax.axis_index("s")
    gwid = core * NS + sub
    tbase = gwid * TPW

    pltpu.sync_copy(pos_hbm.at[pl.ds(tbase, TPW)], idx0_vm)
    pltpu.sync_copy(pos_hbm.at[pl.ds(T + tbase, TPW)], idx1_vm)
    pltpu.sync_copy(x_hbm.at[pl.ds(tbase, TPW)], rows_v)
    cp0 = pltpu.async_copy(rows_v, xs_hbm.at[idx0_vm], sem_s0)
    cp1 = pltpu.async_copy(rows_v, xs_hbm.at[idx1_vm], sem_s1)
    cp0.wait()
    cp1.wait()


def _route(pos, xpk):
    mesh = plsc.VectorSubcoreMesh(core_axis_name="c", subcore_axis_name="s")
    k = pl.kernel(
        _route_body,
        out_type=jax.ShapeDtypeStruct((NPAD, D), jnp.float32),
        mesh=mesh,
        compiler_params=pltpu.CompilerParams(needs_layout_passes=False),
        scratch_types=[
            pltpu.VMEM((TPW,), jnp.int32),
            pltpu.VMEM((TPW,), jnp.int32),
            pltpu.VMEM((TPW, D), jnp.float32),
            pltpu.SemaphoreType.DMA,
            pltpu.SemaphoreType.DMA,
            pltpu.SemaphoreType.DMA,
        ],
    )
    return k(pos, xpk)


def _ffn_body(be_ref, xs_ref, w1_ref, b1_ref, w2_ref, b2_ref, ys_ref):
    xb = xs_ref[...]
    h = jnp.dot(xb, w1_ref[0], preferred_element_type=jnp.float32) + b1_ref[0]
    h = jax.nn.gelu(h)
    ys_ref[...] = (
        jnp.dot(h, w2_ref[0], preferred_element_type=jnp.float32) + b2_ref[0]
    )


def _ffn(be, xs, W1, b1, W2, b2):
    grid_spec = pltpu.PrefetchScalarGridSpec(
        num_scalar_prefetch=1,
        grid=(NB,),
        in_specs=[
            pl.BlockSpec((BLK, D), lambda i, be: (i, 0)),
            pl.BlockSpec((1, D, FF), lambda i, be: (be[i], 0, 0)),
            pl.BlockSpec((1, 1, FF), lambda i, be: (be[i], 0, 0)),
            pl.BlockSpec((1, FF, D), lambda i, be: (be[i], 0, 0)),
            pl.BlockSpec((1, 1, D), lambda i, be: (be[i], 0, 0)),
        ],
        out_specs=pl.BlockSpec((BLK, D), lambda i, be: (i, 0)),
    )
    return pl.pallas_call(
        _ffn_body,
        grid_spec=grid_spec,
        out_shape=jax.ShapeDtypeStruct((NPAD, D), jnp.float32),
        compiler_params=pltpu.CompilerParams(
            vmem_limit_bytes=100 * 1024 * 1024),
    )(be, xs, W1, b1.reshape(E, 1, FF), W2, b2.reshape(E, 1, D))


def _combine_body(ys_hbm, pos_hbm, c_hbm, y_hbm,
                  idx0_vm, idx1_vm, c0_vm, c1_vm,
                  r0a, r1a, r0b, r1b, r0c, r1c, sm0, sm1, sm2):
    core = lax.axis_index("c")
    sub = lax.axis_index("s")
    gwid = core * NS + sub
    tbase = gwid * TPW
    pltpu.sync_copy(pos_hbm.at[pl.ds(tbase, TPW)], idx0_vm)
    pltpu.sync_copy(pos_hbm.at[pl.ds(T + tbase, TPW)], idx1_vm)
    pltpu.sync_copy(c_hbm.at[pl.ds(tbase, TPW)], c0_vm)
    pltpu.sync_copy(c_hbm.at[pl.ds(T + tbase, TPW)], c1_vm)

    bufs = ((r0a, r1a, sm0), (r0b, r1b, sm1), (r0c, r1c, sm2))
    NP = len(bufs)
    nch = TPW // TCH

    def fire_gather(c):
        b0, b1, sg = bufs[c % NP]
        cp0 = pltpu.async_copy(ys_hbm.at[idx0_vm.at[pl.ds(c * TCH, TCH)]], b0, sg)
        cp1 = pltpu.async_copy(ys_hbm.at[idx1_vm.at[pl.ds(c * TCH, TCH)]], b1, sg)
        return cp0, cp1

    gats = {c: fire_gather(c) for c in range(min(NP, nch))}
    sts = {}
    for c in range(nch):
        b0, b1, sg = bufs[c % NP]
        g0, g1 = gats[c]
        g0.wait()
        g1.wait()
        for g in range(TCH // 16):
            c0v = c0_vm[pl.ds(c * TCH + g * 16, 16)]
            c1v = c1_vm[pl.ds(c * TCH + g * 16, 16)]
            for l in range(16):
                r = g * 16 + l
                c0 = c0v[l]
                c1 = c1v[l]

                def vec_step(v, carry2):
                    o = (b0[r, pl.ds(v * 16, 16)] * c0
                         + b1[r, pl.ds(v * 16, 16)] * c1)
                    b0[r, pl.ds(v * 16, 16)] = o
                    return carry2

                lax.fori_loop(0, D // 16, vec_step, 0)
        sts[c] = pltpu.async_copy(
            b0, y_hbm.at[pl.ds(tbase + c * TCH, TCH)], sg)
        if c + NP < nch:
            sts[c].wait()
            gats[c + NP] = fire_gather(c + NP)
    for c in range(max(0, nch - NP), nch):
        sts[c].wait()


def _combine(ys, pos, c_flat):
    mesh = plsc.VectorSubcoreMesh(core_axis_name="c", subcore_axis_name="s")
    k = pl.kernel(
        _combine_body,
        out_type=jax.ShapeDtypeStruct((T, D), jnp.float32),
        mesh=mesh,
        compiler_params=pltpu.CompilerParams(needs_layout_passes=False),
        scratch_types=[
            pltpu.VMEM((TPW,), jnp.int32),
            pltpu.VMEM((TPW,), jnp.int32),
            pltpu.VMEM((TPW,), jnp.float32),
            pltpu.VMEM((TPW,), jnp.float32),
            pltpu.VMEM((TCH, D), jnp.float32),
            pltpu.VMEM((TCH, D), jnp.float32),
            pltpu.VMEM((TCH, D), jnp.float32),
            pltpu.VMEM((TCH, D), jnp.float32),
            pltpu.VMEM((TCH, D), jnp.float32),
            pltpu.VMEM((TCH, D), jnp.float32),
            pltpu.SemaphoreType.DMA,
            pltpu.SemaphoreType.DMA,
            pltpu.SemaphoreType.DMA,
        ],
    )
    return k(ys, pos, c_flat)


def kernel(x, Wg, W1, b1, W2, b2):
    Bs, Ts, C = x.shape
    xf = x.reshape(T, D)
    coefs, pos2, be = _gate(xf, Wg)
    pos = pos2.reshape(NPAIR)
    c_flat = coefs.reshape(NPAIR)
    xs = _route(pos, xf)
    ys = _ffn(be.reshape(NB), xs, W1, b1, W2, b2)
    y = _combine(ys, pos, c_flat)
    return y.reshape(Bs, Ts, C)

# --- scband reference (transcript-rebuilt; emitter-appended) ---
"""Pipeline reference for scband-sparse-moe-8624294331061 (READ-ONLY COPY).

The authoritative reference and input builder live on the scoring server;
editing this copy changes nothing except your own understanding.
"""

import jax, jax.numpy as jnp
import numpy as np

E = 16
K = 2
D = 1024
FF = 2048
B = 1
T = 2048


def setup_inputs(seed: int = 0) -> dict:
    key = jax.random.key(seed)
    ks = jax.random.split(key, 6)
    x = jax.random.normal(ks[0], (B, T, D), dtype=jnp.float32)
    Wg = jax.random.normal(ks[1], (D, E), dtype=jnp.float32) * (1.0 / np.sqrt(D))
    W1 = jax.random.normal(ks[2], (E, D, FF), dtype=jnp.float32) * (1.0 / np.sqrt(D))
    b1 = jnp.zeros((E, FF), dtype=jnp.float32)
    W2 = jax.random.normal(ks[3], (E, FF, D), dtype=jnp.float32) * (1.0 / np.sqrt(FF))
    b2 = jnp.zeros((E, D), dtype=jnp.float32)
    return {"x": x, "Wg": Wg, "W1": W1, "b1": b1, "W2": W2, "b2": b2}


def reference(x, Wg, W1, b1, W2, b2):
    Bs, Ts, C = x.shape
    xf = x.reshape(-1, C)
    # gate
    logits = xf @ Wg.astype(x.dtype)
    probs = jax.nn.softmax(logits.astype(jnp.float32), axis=-1)
    top_p, top_i = jax.lax.top_k(probs, K)
    # norm_probs=True
    top_p = top_p / jnp.sum(top_p, axis=-1, keepdims=True)
    top_p = top_p.astype(x.dtype)
    n_tok = xf.shape[0]
    # per-token per-expert combine coefficients (scatter of top-k probs)
    coef = jnp.zeros((n_tok, E), dtype=x.dtype).at[jnp.arange(n_tok)[:, None], top_i].add(top_p)

    def body(y, packed):
        W1e, b1e, W2e, b2e, ce = packed
        W1e = W1e.astype(xf.dtype)
        b1e = b1e.astype(xf.dtype)
        W2e = W2e.astype(xf.dtype)
        b2e = b2e.astype(xf.dtype)
        ce = ce.astype(xf.dtype)
        h = jax.nn.gelu(xf @ W1e + b1e)
        out = h @ W2e + b2e
        return (y + ce[:, None] * out).astype(y.dtype), None

    y, _ = jax.lax.scan(body, jnp.zeros_like(xf), (W1, b1, W2, b2, coef.T))
    return y.reshape(Bs, Ts, C)

if __name__ == "__main__":
    import jax
    _d = setup_inputs()
    print(jax.jit(kernel)(*tuple(_d.values())))

</pallas_src>

<mosaic_0001>
#map = affine_map<(d0, d1) -> (0)>
#map1 = affine_map<(d0, d1) -> (0, 0)>
module attributes {stable_mosaic.version = 14 : i64} {
  func.func @_route_body(%arg0: i32, %arg1: i32, %arg2: memref<4096xi32, #tpu.memory_space<hbm>>, %arg3: memref<2048x1024xf32, #tpu.memory_space<hbm>>, %arg4: memref<6144x1024xf32, #tpu.memory_space<hbm>>, %arg5: memref<64xi32, #tpu.memory_space<vmem>>, %arg6: memref<64xi32, #tpu.memory_space<vmem>>, %arg7: memref<64x1024xf32, #tpu.memory_space<vmem>>, %arg8: memref<!tpu.dma_semaphore, #tpu.memory_space<semaphore_mem>>, %arg9: memref<!tpu.dma_semaphore, #tpu.memory_space<semaphore_mem>>, %arg10: memref<!tpu.dma_semaphore, #tpu.memory_space<semaphore_mem>>) attributes {dimension_semantics = [#tpu.dimension_semantics<core_parallel>, #tpu.dimension_semantics<subcore_parallel>], iteration_bounds = array<i64: 2, 16>, scalar_prefetch = 0 : i64, scratch_operands = 6 : i64, tpu.core_type = #tpu.core_type<sc_vector_subcore>, window_params = [{transform_indices = #map}, {transform_indices = #map1}, {transform_indices = #map1}]} {
    %mul3A = arith.constant 16 : i32
    %mul3A_0 = arith.muli %arg0, %mul3A : i32
    %add3A = arith.addi %mul3A_0, %arg1 : i32
    %mul3A_1 = arith.constant 64 : i32
    %mul3A_2 = arith.muli %add3A, %mul3A_1 : i32
    "tpu.region"() ({
      %run_scoped3A = tpu.sem_alloc : memref<!tpu.dma_semaphore, #tpu.memory_space<semaphore_mem>>
      %dma_start3A_15 = tpu.memref_slice %arg2[%mul3A_2] : memref<4096xi32, #tpu.memory_space<hbm>> -> memref<64xi32, #tpu.memory_space<hbm>>
      %dma_start3A_16 = tpu.memref_slice %arg2[%mul3A_2] : memref<4096xi32, #tpu.memory_space<hbm>> -> memref<64xi32, #tpu.memory_space<hbm>>
      tpu.enqueue_dma source(%dma_start3A_16 : memref<64xi32, #tpu.memory_space<hbm>>) target(%arg5 : memref<64xi32, #tpu.memory_space<vmem>>) target_semaphore(%run_scoped3A : memref<!tpu.dma_semaphore, #tpu.memory_space<semaphore_mem>>)
      %dma_wait3A_17 = tpu.memref_slice %arg2[%mul3A_2] : memref<4096xi32, #tpu.memory_space<hbm>> -> memref<64xi32, #tpu.memory_space<hbm>>
      %dma_wait3A_18 = tpu.memref_slice %arg2[%mul3A_2] : memref<4096xi32, #tpu.memory_space<hbm>> -> memref<64xi32, #tpu.memory_space<hbm>>
      tpu.wait_dma2 semaphore(%run_scoped3A : memref<!tpu.dma_semaphore, #tpu.memory_space<semaphore_mem>>) src(%dma_wait3A_18 : memref<64xi32, #tpu.memory_space<hbm>>) dst(%arg5 : memref<64xi32, #tpu.memory_space<vmem>>)
      tpu.yield
    }) : () -> ()
    %add3A_3 = arith.constant 2048 : i32
    %add3A_4 = arith.addi %add3A_3, %mul3A_2 : i32
    "tpu.region"() ({
      %run_scoped3A = tpu.sem_alloc : memref<!tpu.dma_semaphore, #tpu.memory_space<semaphore_mem>>
      %dma_start3A_15 = tpu.memref_slice %arg2[%add3A_4] : memref<4096xi32, #tpu.memory_space<hbm>> -> memref<64xi32, #tpu.memory_space<hbm>>
      %dma_start3A_16 = tpu.memref_slice %arg2[%add3A_4] : memref<4096xi32, #tpu.memory_space<hbm>> -> memref<64xi32, #tpu.memory_space<hbm>>
      tpu.enqueue_dma source(%dma_start3A_16 : memref<64xi32, #tpu.memory_space<hbm>>) target(%arg6 : memref<64xi32, #tpu.memory_space<vmem>>) target_semaphore(%run_scoped3A : memref<!tpu.dma_semaphore, #tpu.memory_space<semaphore_mem>>)
      %dma_wait3A_17 = tpu.memref_slice %arg2[%add3A_4] : memref<4096xi32, #tpu.memory_space<hbm>> -> memref<64xi32, #tpu.memory_space<hbm>>
      %dma_wait3A_18 = tpu.memref_slice %arg2[%add3A_4] : memref<4096xi32, #tpu.memory_space<hbm>> -> memref<64xi32, #tpu.memory_space<hbm>>
      tpu.wait_dma2 semaphore(%run_scoped3A : memref<!tpu.dma_semaphore, #tpu.memory_space<semaphore_mem>>) src(%dma_wait3A_18 : memref<64xi32, #tpu.memory_space<hbm>>) dst(%arg6 : memref<64xi32, #tpu.memory_space<vmem>>)
      tpu.yield
    }) : () -> ()
    "tpu.region"() ({
      %run_scoped3A = tpu.sem_alloc : memref<!tpu.dma_semaphore, #tpu.memory_space<semaphore_mem>>
      %dma_start3A_15 = arith.constant 0 : i32
      %dma_start3A_16 = tpu.memref_slice %arg3[%mul3A_2, %dma_start3A_15] : memref<2048x1024xf32, #tpu.memory_space<hbm>> -> memref<64x1024xf32, #tpu.memory_space<hbm>>
      %dma_start3A_17 = arith.constant 0 : i32
      %dma_start3A_18 = tpu.memref_slice %arg3[%mul3A_2, %dma_start3A_17] : memref<2048x1024xf32, #tpu.memory_space<hbm>> -> memref<64x1024xf32, #tpu.memory_space<hbm>>
      tpu.enqueue_dma source(%dma_start3A_18 : memref<64x1024xf32, #tpu.memory_space<hbm>>) target(%arg7 : memref<64x1024xf32, #tpu.memory_space<vmem>>) target_semaphore(%run_scoped3A : memref<!tpu.dma_semaphore, #tpu.memory_space<semaphore_mem>>)
      %dma_wait3A_19 = arith.constant 0 : i32
      %dma_wait3A_20 = tpu.memref_slice %arg3[%mul3A_2, %dma_wait3A_19] : memref<2048x1024xf32, #tpu.memory_space<hbm>> -> memref<64x1024xf32, #tpu.memory_space<hbm>>
      %dma_wait3A_21 = arith.constant 0 : i32
      %dma_wait3A_22 = tpu.memref_slice %arg3[%mul3A_2, %dma_wait3A_21] : memref<2048x1024xf32, #tpu.memory_space<hbm>> -> memref<64x1024xf32, #tpu.memory_space<hbm>>
      tpu.wait_dma2 semaphore(%run_scoped3A : memref<!tpu.dma_semaphore, #tpu.memory_space<semaphore_mem>>) src(%dma_wait3A_22 : memref<64x1024xf32, #tpu.memory_space<hbm>>) dst(%arg7 : memref<64x1024xf32, #tpu.memory_space<vmem>>)
      tpu.yield
    }) : () -> ()
    %dma_start3A = arith.constant 0 : i32
    %dma_start3A_5 = arith.constant 0 : i32
    %dma_start3A_6 = tpu.memref_slice %arg4[%dma_start3A, %dma_start3A_5] : memref<6144x1024xf32, #tpu.memory_space<hbm>> -> memref<6144x1024xf32, #tpu.memory_space<hbm>>
    tpu.enqueue_indirect_dma source(%arg7 : memref<64x1024xf32, #tpu.memory_space<vmem>>) target(%dma_start3A_6 : memref<6144x1024xf32, #tpu.memory_space<hbm>>) offsets(%arg5 : memref<64xi32, #tpu.memory_space<vmem>>) semaphore(%arg9 : memref<!tpu.dma_semaphore, #tpu.memory_space<semaphore_mem>>)
    %dma_start3A_7 = arith.constant 0 : i32
    %dma_start3A_8 = arith.constant 0 : i32
    %dma_start3A_9 = tpu.memref_slice %arg4[%dma_start3A_7, %dma_start3A_8] : memref<6144x1024xf32, #tpu.memory_space<hbm>> -> memref<6144x1024xf32, #tpu.memory_space<hbm>>
    tpu.enqueue_indirect_dma source(%arg7 : memref<64x1024xf32, #tpu.memory_space<vmem>>) target(%dma_start3A_9 : memref<6144x1024xf32, #tpu.memory_space<hbm>>) offsets(%arg6 : memref<64xi32, #tpu.memory_space<vmem>>) semaphore(%arg10 : memref<!tpu.dma_semaphore, #tpu.memory_space<semaphore_mem>>)
    %dma_wait3A = arith.constant 0 : i32
    %dma_wait3A_10 = arith.constant 0 : i32
    %dma_wait3A_11 = tpu.memref_slice %arg4[%dma_wait3A, %dma_wait3A_10] : memref<6144x1024xf32, #tpu.memory_space<hbm>> -> memref<6144x1024xf32, #tpu.memory_space<hbm>>
    tpu.wait_indirect_dma semaphore(%arg9 : memref<!tpu.dma_semaphore, #tpu.memory_space<semaphore_mem>>) src(%arg7 : memref<64x1024xf32, #tpu.memory_space<vmem>>) dst(%dma_wait3A_11 : memref<6144x1024xf32, #tpu.memory_space<hbm>>)
    %dma_wait3A_12 = arith.constant 0 : i32
    %dma_wait3A_13 = arith.constant 0 : i32
    %dma_wait3A_14 = tpu.memref_slice %arg4[%dma_wait3A_12, %dma_wait3A_13] : memref<6144x1024xf32, #tpu.memory_space<hbm>> -> memref<6144x1024xf32, #tpu.memory_space<hbm>>
    tpu.wait_indirect_dma semaphore(%arg10 : memref<!tpu.dma_semaphore, #tpu.memory_space<semaphore_mem>>) src(%arg7 : memref<64x1024xf32, #tpu.memory_space<vmem>>) dst(%dma_wait3A_14 : memref<6144x1024xf32, #tpu.memory_space<hbm>>)
    return
  }
}

#map = affine_map<(d0, d1) -> (0, 0)>
#map1 = affine_map<(d0, d1) -> (0)>
module attributes {stable_mosaic.version = 14 : i64} {
  func.func @_combine_body(%arg0: i32, %arg1: i32, %arg2: memref<6144x1024xf32, #tpu.memory_space<hbm>>, %arg3: memref<4096xi32, #tpu.memory_space<hbm>>, %arg4: memref<4096xf32, #tpu.memory_space<hbm>>, %arg5: memref<2048x1024xf32, #tpu.memory_space<hbm>>, %arg6: memref<64xi32, #tpu.memory_space<vmem>>, %arg7: memref<64xi32, #tpu.memory_space<vmem>>, %arg8: memref<64xf32, #tpu.memory_space<vmem>>, %arg9: memref<64xf32, #tpu.memory_space<vmem>>, %arg10: memref<16x1024xf32, #tpu.memory_space<vmem>>, %arg11: memref<16x1024xf32, #tpu.memory_space<vmem>>, %arg12: memref<16x1024xf32, #tpu.memory_space<vmem>>, %arg13: memref<16x1024xf32, #tpu.memory_space<vmem>>, %arg14: memref<16x1024xf32, #tpu.memory_space<vmem>>, %arg15: memref<16x1024xf32, #tpu.memory_space<vmem>>, %arg16: memref<!tpu.dma_semaphore, #tpu.memory_space<semaphore_mem>>, %arg17: memref<!tpu.dma_semaphore, #tpu.memory_space<semaphore_mem>>, %arg18: memref<!tpu.dma_semaphore, #tpu.memory_space<semaphore_mem>>) attributes {dimension_semantics = [#tpu.dimension_semantics<core_parallel>, #tpu.dimension_semantics<subcore_parallel>], iteration_bounds = array<i64: 2, 16>, scalar_prefetch = 0 : i64, scratch_operands = 13 : i64, tpu.core_type = #tpu.core_type<sc_vector_subcore>, window_params = [{transform_indices = #map}, {transform_indices = #map1}, {transform_indices = #map1}, {transform_indices = #map}]} {
    %mul3A = arith.constant 16 : i32
    %mul3A_0 = arith.muli %arg0, %mul3A : i32
    %add3A = arith.addi %mul3A_0, %arg1 : i32
    %mul3A_1 = arith.constant 64 : i32
    %mul3A_2 = arith.muli %add3A, %mul3A_1 : i32
    "tpu.region"() ({
      %run_scoped3A = tpu.sem_alloc : memref<!tpu.dma_semaphore, #tpu.memory_space<semaphore_mem>>
      %dma_start3A_777 = tpu.memref_slice %arg3[%mul3A_2] : memref<4096xi32, #tpu.memory_space<hbm>> -> memref<64xi32, #tpu.memory_space<hbm>>
      %dma_start3A_778 = tpu.memref_slice %arg3[%mul3A_2] : memref<4096xi32, #tpu.memory_space<hbm>> -> memref<64xi32, #tpu.memory_space<hbm>>
      tpu.enqueue_dma source(%dma_start3A_778 : memref<64xi32, #tpu.memory_space<hbm>>) target(%arg6 : memref<64xi32, #tpu.memory_space<vmem>>) target_semaphore(%run_scoped3A : memref<!tpu.dma_semaphore, #tpu.memory_space<semaphore_mem>>)
      %dma_wait3A_779 = tpu.memref_slice %arg3[%mul3A_2] : memref<4096xi32, #tpu.memory_space<hbm>> -> memref<64xi32, #tpu.memory_space<hbm>>
      %dma_wait3A_780 = tpu.memref_slice %arg3[%mul3A_2] : memref<4096xi32, #tpu.memory_space<hbm>> -> memref<64xi32, #tpu.memory_space<hbm>>
      tpu.wait_dma2 semaphore(%run_scoped3A : memref<!tpu.dma_semaphore, #tpu.memory_space<semaphore_mem>>) src(%dma_wait3A_780 : memref<64xi32, #tpu.memory_space<hbm>>) dst(%arg6 : memref<64xi32, #tpu.memory_space<vmem>>)
      tpu.yield
    }) : () -> ()
    %add3A_3 = arith.constant 2048 : i32
    %add3A_4 = arith.addi %add3A_3, %mul3A_2 : i32
    "tpu.region"() ({
      %run_scoped3A = tpu.sem_alloc : memref<!tpu.dma_semaphore, #tpu.memory_space<semaphore_mem>>
      %dma_start3A_777 = tpu.memref_slice %arg3[%add3A_4] : memref<4096xi32, #tpu.memory_space<hbm>> -> memref<64xi32, #tpu.memory_space<hbm>>
      %dma_start3A_778 = tpu.memref_slice %arg3[%add3A_4] : memref<4096xi32, #tpu.memory_space<hbm>> -> memref<64xi32, #tpu.memory_space<hbm>>
      tpu.enqueue_dma source(%dma_start3A_778 : memref<64xi32, #tpu.memory_space<hbm>>) target(%arg7 : memref<64xi32, #tpu.memory_space<vmem>>) target_semaphore(%run_scoped3A : memref<!tpu.dma_semaphore, #tpu.memory_space<semaphore_mem>>)
      %dma_wait3A_779 = tpu.memref_slice %arg3[%add3A_4] : memref<4096xi32, #tpu.memory_space<hbm>> -> memref<64xi32, #tpu.memory_space<hbm>>
      %dma_wait3A_780 = tpu.memref_slice %arg3[%add3A_4] : memref<4096xi32, #tpu.memory_space<hbm>> -> memref<64xi32, #tpu.memory_space<hbm>>
      tpu.wait_dma2 semaphore(%run_scoped3A : memref<!tpu.dma_semaphore, #tpu.memory_space<semaphore_mem>>) src(%dma_wait3A_780 : memref<64xi32, #tpu.memory_space<hbm>>) dst(%arg7 : memref<64xi32, #tpu.memory_space<vmem>>)
      tpu.yield
    }) : () -> ()
    "tpu.region"() ({
      %run_scoped3A = tpu.sem_alloc : memref<!tpu.dma_semaphore, #tpu.memory_space<semaphore_mem>>
      %dma_start3A_777 = tpu.memref_slice %arg4[%mul3A_2] : memref<4096xf32, #tpu.memory_space<hbm>> -> memref<64xf32, #tpu.memory_space<hbm>>
      %dma_start3A_778 = tpu.memref_slice %arg4[%mul3A_2] : memref<4096xf32, #tpu.memory_space<hbm>> -> memref<64xf32, #tpu.memory_space<hbm>>
      tpu.enqueue_dma source(%dma_start3A_778 : memref<64xf32, #tpu.memory_space<hbm>>) target(%arg8 : memref<64xf32, #tpu.memory_space<vmem>>) target_semaphore(%run_scoped3A : memref<!tpu.dma_semaphore, #tpu.memory_space<semaphore_mem>>)
      %dma_wait3A_779 = tpu.memref_slice %arg4[%mul3A_2] : memref<4096xf32, #tpu.memory_space<hbm>> -> memref<64xf32, #tpu.memory_space<hbm>>
      %dma_wait3A_780 = tpu.memref_slice %arg4[%mul3A_2] : memref<4096xf32, #tpu.memory_space<hbm>> -> memref<64xf32, #tpu.memory_space<hbm>>
      tpu.wait_dma2 semaphore(%run_scoped3A : memref<!tpu.dma_semaphore, #tpu.memory_space<semaphore_mem>>) src(%dma_wait3A_780 : memref<64xf32, #tpu.memory_space<hbm>>) dst(%arg8 : memref<64xf32, #tpu.memory_space<vmem>>)
      tpu.yield
    }) : () -> ()
    %add3A_5 = arith.constant 2048 : i32
    %add3A_6 = arith.addi %add3A_5, %mul3A_2 : i32
    "tpu.region"() ({
      %run_scoped3A = tpu.sem_alloc : memref<!tpu.dma_semaphore, #tpu.memory_space<semaphore_mem>>
      %dma_start3A_777 = tpu.memref_slice %arg4[%add3A_6] : memref<4096xf32, #tpu.memory_space<hbm>> -> memref<64xf32, #tpu.memory_space<hbm>>
      %dma_start3A_778 = tpu.memref_slice %arg4[%add3A_6] : memref<4096xf32, #tpu.memory_space<hbm>> -> memref<64xf32, #tpu.memory_space<hbm>>
      tpu.enqueue_dma source(%dma_start3A_778 : memref<64xf32, #tpu.memory_space<hbm>>) target(%arg9 : memref<64xf32, #tpu.memory_space<vmem>>) target_semaphore(%run_scoped3A : memref<!tpu.dma_semaphore, #tpu.memory_space<semaphore_mem>>)
      %dma_wait3A_779 = tpu.memref_slice %arg4[%add3A_6] : memref<4096xf32, #tpu.memory_space<hbm>> -> memref<64xf32, #tpu.memory_space<hbm>>
      %dma_wait3A_780 = tpu.memref_slice %arg4[%add3A_6] : memref<4096xf32, #tpu.memory_space<hbm>> -> memref<64xf32, #tpu.memory_space<hbm>>
      tpu.wait_dma2 semaphore(%run_scoped3A : memref<!tpu.dma_semaphore, #tpu.memory_space<semaphore_mem>>) src(%dma_wait3A_780 : memref<64xf32, #tpu.memory_space<hbm>>) dst(%arg9 : memref<64xf32, #tpu.memory_space<vmem>>)
      tpu.yield
    }) : () -> ()
    %dma_start3A = arith.constant 0 : i32
    %dma_start3A_7 = tpu.memref_slice %arg6[%dma_start3A] : memref<64xi32, #tpu.memory_space<vmem>> -> memref<16xi32, #tpu.memory_space<vmem>>
    %dma_start3A_8 = arith.constant 0 : i32
    %dma_start3A_9 = arith.constant 0 : i32
    %dma_start3A_10 = tpu.memref_slice %arg2[%dma_start3A_8, %dma_start3A_9] : memref<6144x1024xf32, #tpu.memory_space<hbm>> -> memref<6144x1024xf32, #tpu.memory_space<hbm>>
    tpu.enqueue_indirect_dma source(%dma_start3A_10 : memref<6144x1024xf32, #tpu.memory_space<hbm>>) target(%arg10 : memref<16x1024xf32, #tpu.memory_space<vmem>>) offsets(%dma_start3A_7 : memref<16xi32, #tpu.memory_space<vmem>>) semaphore(%arg16 : memref<!tpu.dma_semaphore, #tpu.memory_space<semaphore_mem>>)
    %dma_start3A_11 = arith.constant 0 : i32
    %dma_start3A_12 = tpu.memref_slice %arg7[%dma_start3A_11] : memref<64xi32, #tpu.memory_space<vmem>> -> memref<16xi32, #tpu.memory_space<vmem>>
    %dma_start3A_13 = arith.constant 0 : i32
    %dma_start3A_14 = arith.constant 0 : i32
    %dma_start3A_15 = tpu.memref_slice %arg2[%dma_start3A_13, %dma_start3A_14] : memref<6144x1024xf32, #tpu.memory_space<hbm>> -> memref<6144x1024xf32, #tpu.memory_space<hbm>>
    tpu.enqueue_indirect_dma source(%dma_start3A_15 : memref<6144x1024xf32, #tpu.memory_space<hbm>>) target(%arg11 : memref<16x1024xf32, #tpu.memory_space<vmem>>) offsets(%dma_start3A_12 : memref<16xi32, #tpu.memory_space<vmem>>) semaphore(%arg16 : memref<!tpu.dma_semaphore, #tpu.memory_space<semaphore_mem>>)
    %dma_start3A_16 = arith.constant 16 : i32
    %dma_start3A_17 = tpu.memref_slice %arg6[%dma_start3A_16] : memref<64xi32, #tpu.memory_space<vmem>> -> memref<16xi32, #tpu.memory_space<vmem>>
    %dma_start3A_18 = arith.constant 0 : i32
    %dma_start3A_19 = arith.constant 0 : i32
    %dma_start3A_20 = tpu.memref_slice %arg2[%dma_start3A_18, %dma_start3A_19] : memref<6144x1024xf32, #tpu.memory_space<hbm>> -> memref<6144x1024xf32, #tpu.memory_space<hbm>>
    tpu.enqueue_indirect_dma source(%dma_start3A_20 : memref<6144x1024xf32, #tpu.memory_space<hbm>>) target(%arg12 : memref<16x1024xf32, #tpu.memory_space<vmem>>) offsets(%dma_start3A_17 : memref<16xi32, #tpu.memory_space<vmem>>) semaphore(%arg17 : memref<!tpu.dma_semaphore, #tpu.memory_space<semaphore_mem>>)
    %dma_start3A_21 = arith.constant 16 : i32
    %dma_start3A_22 = tpu.memref_slice %arg7[%dma_start3A_21] : memref<64xi32, #tpu.memory_space<vmem>> -> memref<16xi32, #tpu.memory_space<vmem>>
    %dma_start3A_23 = arith.constant 0 : i32
    %dma_start3A_24 = arith.constant 0 : i32
    %dma_start3A_25 = tpu.memref_slice %arg2[%dma_start3A_23, %dma_start3A_24] : memref<6144x1024xf32, #tpu.memory_space<hbm>> -> memref<6144x1024xf32, #tpu.memory_space<hbm>>
    tpu.enqueue_indirect_dma source(%dma_start3A_25 : memref<6144x1024xf32, #tpu.memory_space<hbm>>) target(%arg13 : memref<16x1024xf32, #tpu.memory_space<vmem>>) offsets(%dma_start3A_22 : memref<16xi32, #tpu.memory_space<vmem>>) semaphore(%arg17 : memref<!tpu.dma_semaphore, #tpu.memory_space<semaphore_mem>>)
    %dma_start3A_26 = arith.constant 32 : i32
    %dma_start3A_27 = tpu.memref_slice %arg6[%dma_start3A_26] : memref<64xi32, #tpu.memory_space<vmem>> -> memref<16xi32, #tpu.memory_space<vmem>>
    %dma_start3A_28 = arith.constant 0 : i32
    %dma_start3A_29 = arith.constant 0 : i32
    %dma_start3A_30 = tpu.memref_slice %arg2[%dma_start3A_28, %dma_start3A_29] : memref<6144x1024xf32, #tpu.memory_space<hbm>> -> memref<6144x1024xf32, #tpu.memory_space<hbm>>
    tpu.enqueue_indirect_dma source(%dma_start3A_30 : memref<6144x1024xf32, #tpu.memory_space<hbm>>) target(%arg14 : memref<16x1024xf32, #tpu.memory_space<vmem>>) offsets(%dma_start3A_27 : memref<16xi32, #tpu.memory_space<vmem>>) semaphore(%arg18 : memref<!tpu.dma_semaphore, #tpu.memory_space<semaphore_mem>>)
    %dma_start3A_31 = arith.constant 32 : i32
    %dma_start3A_32 = tpu.memref_slice %arg7[%dma_start3A_31] : memref<64xi32, #tpu.memory_space<vmem>> -> memref<16xi32, #tpu.memory_space<vmem>>
    %dma_start3A_33 = arith.constant 0 : i32
    %dma_start3A_34 = arith.constant 0 : i32
    %dma_start3A_35 = tpu.memref_slice %arg2[%dma_start3A_33, %dma_start3A_34] : memref<6144x1024xf32, #tpu.memory_space<hbm>> -> memref<6144x1024xf32, #tpu.memory_space<hbm>>
    tpu.enqueue_indirect_dma source(%dma_start3A_35 : memref<6144x1024xf32, #tpu.memory_space<hbm>>) target(%arg15 : memref<16x1024xf32, #tpu.memory_space<vmem>>) offsets(%dma_start3A_32 : memref<16xi32, #tpu.memory_space<vmem>>) semaphore(%arg18 : memref<!tpu.dma_semaphore, #tpu.memory_space<semaphore_mem>>)
    %dma_wait3A = arith.constant 0 : i32
    %dma_wait3A_36 = tpu.memref_slice %arg6[%dma_wait3A] : memref<64xi32, #tpu.memory_space<vmem>> -> memref<16xi32, #tpu.memory_space<vmem>>
    %dma_wait3A_37 = arith.constant 0 : i32
    %dma_wait3A_38 = arith.constant 0 : i32
    %dma_wait3A_39 = tpu.memref_slice %arg2[%dma_wait3A_37, %dma_wait3A_38] : memref<6144x1024xf32, #tpu.memory_space<hbm>> -> memref<6144x1024xf32, #tpu.memory_space<hbm>>
    tpu.wait_indirect_dma semaphore(%arg16 : memref<!tpu.dma_semaphore, #tpu.memory_space<semaphore_mem>>) src(%dma_wait3A_39 : memref<6144x1024xf32, #tpu.memory_space<hbm>>) dst(%arg10 : memref<16x1024xf32, #tpu.memory_space<vmem>>)
    %dma_wait3A_40 = arith.constant 0 : i32
    %dma_wait3A_41 = tpu.memref_slice %arg7[%dma_wait3A_40] : memref<64xi32, #tpu.memory_space<vmem>> -> memref<16xi32, #tpu.memory_space<vmem>>
    %dma_wait3A_42 = arith.constant 0 : i32
    %dma_wait3A_43 = arith.constant 0 : i32
    %dma_wait3A_44 = tpu.memref_slice %arg2[%dma_wait3A_42, %dma_wait3A_43] : memref<6144x1024xf32, #tpu.memory_space<hbm>> -> memref<6144x1024xf32, #tpu.memory_space<hbm>>
    tpu.wait_indirect_dma semaphore(%arg16 : memref<!tpu.dma_semaphore, #tpu.memory_space<semaphore_mem>>) src(%dma_wait3A_44 : memref<6144x1024xf32, #tpu.memory_space<hbm>>) dst(%arg11 : memref<16x1024xf32, #tpu.memory_space<vmem>>)
    %get3A = arith.constant 0 : index
    %get3A_45 = tpu.vector_load %arg8[%get3A] {strides = array<i32>} : memref<64xf32, #tpu.memory_space<vmem>>, vector<16xf32>,
    %get3A_46 = arith.constant 0 : index
    %get3A_47 = tpu.vector_load %arg9[%get3A_46] {strides = array<i32>} : memref<64xf32, #tpu.memory_space<vmem>>, vector<16xf32>,
    %slice3A = vector.extract_strided_slice %get3A_45 {offsets = [0], sizes = [1], strides = [1]} : vector<16xf32> to vector<1xf32>
    %squeeze3A = vector.extract %slice3A[0] : f32 from vector<1xf32>
    %slice3A_48 = vector.extract_strided_slice %get3A_47 {offsets = [0], sizes = [1], strides = [1]} : vector<16xf32> to vector<1xf32>
    %squeeze3A_49 = vector.extract %slice3A_48[0] : f32 from vector<1xf32>
    %scan3A = arith.constant 0 : i32
    %scan3A_50 = arith.constant 0 : i32
    %scan3A_51 = arith.constant 64 : i32
    %scan3A_52 = arith.addi %scan3A_50, %scan3A_51 : i32
    %scan3A_53 = arith.constant 1 : i32
    scf.for %scan3A_777 = %scan3A_50 to %scan3A_52 step %scan3A_53  : i32 {
      %mul3A_778 = arith.constant 16 : i32
      %mul3A_779 = arith.muli %scan3A_777, %mul3A_778 : i32
      %get3A_780 = arith.constant 0 : i32
      %get3A_781 = arith.index_cast %get3A_780 : i32 to index
      %get3A_782 = arith.index_cast %mul3A_779 : i32 to index
      %get3A_783 = tpu.vector_load %arg10[%get3A_781, %get3A_782] {strides = array<i32>} : memref<16x1024xf32, #tpu.memory_space<vmem>>, vector<16xf32>,
      %mul3A_784 = vector.broadcast %squeeze3A : f32 to vector<16xf32>
      %mul3A_785 = arith.mulf %get3A_783, %mul3A_784 : vector<16xf32>
      %mul3A_786 = arith.constant 16 : i32
      %mul3A_787 = arith.muli %scan3A_777, %mul3A_786 : i32
      %get3A_788 = arith.constant 0 : i32
      %get3A_789 = arith.index_cast %get3A_788 : i32 to index
      %get3A_790 = arith.index_cast %mul3A_787 : i32 to index
      %get3A_791 = tpu.vector_load %arg11[%get3A_789, %get3A_790] {strides = array<i32>} : memref<16x1024xf32, #tpu.memory_space<vmem>>, vector<16xf32>,
      %mul3A_792 = vector.broadcast %squeeze3A_49 : f32 to vector<16xf32>
      %mul3A_793 = arith.mulf %get3A_791, %mul3A_792 : vector<16xf32>
      %add3A_794 = arith.addf %mul3A_785, %mul3A_793 : vector<16xf32>
      %mul3A_795 = arith.constant 16 : i32
      %mul3A_796 = arith.muli %scan3A_777, %mul3A_795 : i32
      %swap3A = arith.constant 0 : i32
      %swap3A_797 = arith.index_cast %swap3A : i32 to index
      %swap3A_798 = arith.index_cast %mul3A_796 : i32 to index
      %swap3A_799 = tpu.vector_load %arg10[%swap3A_797, %swap3A_798] {strides = array<i32>} : memref<16x1024xf32, #tpu.memory_space<vmem>>, vector<16xf32>,
      tpu.vector_store %arg10[%swap3A_797, %swap3A_798], %add3A_794 {strides = array<i32>} : memref<16x1024xf32, #tpu.memory_space<vmem>>, vector<16xf32>,
    }
    %scan3A_54 = arith.constant 64 : i32
    %slice3A_55 = vector.extract_strided_slice %get3A_45 {offsets = [1], sizes = [1], strides = [1]} : vector<16xf32> to vector<1xf32>
    %squeeze3A_56 = vector.extract %slice3A_55[0] : f32 from vector<1xf32>
    %slice3A_57 = vector.extract_strided_slice %get3A_47 {offsets = [1], sizes = [1], strides = [1]} : vector<16xf32> to vector<1xf32>
    %squeeze3A_58 = vector.extract %slice3A_57[0] : f32 from vector<1xf32>
    %scan3A_59 = arith.constant 0 : i32
    %scan3A_60 = arith.constant 0 : i32
    %scan3A_61 = arith.constant 64 : i32
    %scan3A_62 = arith.addi %scan3A_60, %scan3A_61 : i32
    %scan3A_63 = arith.constant 1 : i32
    scf.for %scan3A_777 = %scan3A_60 to %scan3A_62 step %scan3A_63  : i32 {
      %mul3A_778 = arith.constant 16 : i32
      %mul3A_779 = arith.muli %scan3A_777, %mul3A_778 : i32
      %get3A_780 = arith.constant 1 : i32
      %get3A_781 = arith.index_cast %get3A_780 : i32 to index
      %get3A_782 = arith.index_cast %mul3A_779 : i32 to index
      %get3A_783 = tpu.vector_load %arg10[%get3A_781, %get3A_782] {strides = array<i32>} : memref<16x1024xf32, #tpu.memory_space<vmem>>, vector<16xf32>,
      %mul3A_784 = vector.broadcast %squeeze3A_56 : f32 to vector<16xf32>
      %mul3A_785 = arith.mulf %get3A_783, %mul3A_784 : vector<16xf32>
      %mul3A_786 = arith.constant 16 : i32
      %mul3A_787 = arith.muli %scan3A_777, %mul3A_786 : i32
      %get3A_788 = arith.constant 1 : i32
      %get3A_789 = arith.index_cast %get3A_788 : i32 to index
      %get3A_790 = arith.index_cast %mul3A_787 : i32 to index
      %get3A_791 = tpu.vector_load %arg11[%get3A_789, %get3A_790] {strides = array<i32>} : memref<16x1024xf32, #tpu.memory_space<vmem>>, vector<16xf32>,
      %mul3A_792 = vector.broadcast %squeeze3A_58 : f32 to vector<16xf32>
      %mul3A_793 = arith.mulf %get3A_791, %mul3A_792 : vector<16xf32>
      %add3A_794 = arith.addf %mul3A_785, %mul3A_793 : vector<16xf32>
      %mul3A_795 = arith.constant 16 : i32
      %mul3A_796 = arith.muli %scan3A_777, %mul3A_795 : i32
      %swap3A = arith.constant 1 : i32
      %swap3A_797 = arith.index_cast %swap3A : i32 to index
      %swap3A_798 = arith.index_cast %mul3A_796 : i32 to index
      %swap3A_799 = tpu.vector_load %arg10[%swap3A_797, %swap3A_798] {strides = array<i32>} : memref<16x1024xf32, #tpu.memory_space<vmem>>, vector<16xf32>,
      tpu.vector_store %arg10[%swap3A_797, %swap3A_798], %add3A_794 {strides = array<i32>} : memref<16x1024xf32, #tpu.memory_space<vmem>>, vector<16xf32>,
    }
    %scan3A_64 = arith.constant 64 : i32
    %slice3A_65 = vector.extract_strided_slice %get3A_45 {offsets = [2], sizes = [1], strides = [1]} : vector<16xf32> to vector<1xf32>
    %squeeze3A_66 = vector.extract %slice3A_65[0] : f32 from vector<1xf32>
    %slice3A_67 = vector.extract_strided_slice %get3A_47 {offsets = [2], sizes = [1], strides = [1]} : vector<16xf32> to vector<1xf32>
    %squeeze3A_68 = vector.extract %slice3A_67[0] : f32 from vector<1xf32>
    %scan3A_69 = arith.constant 0 : i32
    %scan3A_70 = arith.constant 0 : i32
    %scan3A_71 = arith.constant 64 : i32
    %scan3A_72 = arith.addi %scan3A_70, %scan3A_71 : i32
    %scan3A_73 = arith.constant 1 : i32
    scf.for %scan3A_777 = %scan3A_70 to %scan3A_72 step %scan3A_73  : i32 {
      %mul3A_778 = arith.constant 16 : i32
      %mul3A_779 = arith.muli %scan3A_777, %mul3A_778 : i32
      %get3A_780 = arith.constant 2 : i32
      %get3A_781 = arith.index_cast %get3A_780 : i32 to index
      %get3A_782 = arith.index_cast %mul3A_779 : i32 to index
      %get3A_783 = tpu.vector_load %arg10[%get3A_781, %get3A_782] {strides = array<i32>} : memref<16x1024xf32, #tpu.memory_space<vmem>>, vector<16xf32>,
      %mul3A_784 = vector.broadcast %squeeze3A_66 : f32 to vector<16xf32>
      %mul3A_785 = arith.mulf %get3A_783, %mul3A_784 : vector<16xf32>
      %mul3A_786 = arith.constant 16 : i32
      %mul3A_787 = arith.muli %scan3A_777, %mul3A_786 : i32
      %get3A_788 = arith.constant 2 : i32
      %get3A_789 = arith.index_cast %get3A_788 : i32 to index
      %get3A_790 = arith.index_cast %mul3A_787 : i32 to index
      %get3A_791 = tpu.vector_load %arg11[%get3A_789, %get3A_790] {strides = array<i32>} : memref<16x1024xf32, #tpu.memory_space<vmem>>, vector<16xf32>,
      %mul3A_792 = vector.broadcast %squeeze3A_68 : f32 to vector<16xf32>
      %mul3A_793 = arith.mulf %get3A_791, %mul3A_792 : vector<16xf32>
      %add3A_794 = arith.addf %mul3A_785, %mul3A_793 : vector<16xf32>
      %mul3A_795 = arith.constant 16 : i32
      %mul3A_796 = arith.muli %scan3A_777, %mul3A_795 : i32
      %swap3A = arith.constant 2 : i32
      %swap3A_797 = arith.index_cast %swap3A : i32 to index
      %swap3A_798 = arith.index_cast %mul3A_796 : i32 to index
      %swap3A_799 = tpu.vector_load %arg10[%swap3A_797, %swap3A_798] {strides = array<i32>} : memref<16x1024xf32, #tpu.memory_space<vmem>>, vector<16xf32>,
      tpu.vector_store %arg10[%swap3A_797, %swap3A_798], %add3A_794 {strides = array<i32>} : memref<16x1024xf32, #tpu.memory_space<vmem>>, vector<16xf32>,
    }
    %scan3A_74 = arith.constant 64 : i32
    %slice3A_75 = vector.extract_strided_slice %get3A_45 {offsets = [3], sizes = [1], strides = [1]} : vector<16xf32> to vector<1xf32>
    %squeeze3A_76 = vector.extract %slice3A_75[0] : f32 from vector<1xf32>
    %slice3A_77 = vector.extract_strided_slice %get3A_47 {offsets = [3], sizes = [1], strides = [1]} : vector<16xf32> to vector<1xf32>
    %squeeze3A_78 = vector.extract %slice3A_77[0] : f32 from vector<1xf32>
    %scan3A_79 = arith.constant 0 : i32
    %scan3A_80 = arith.constant 0 : i32
    %scan3A_81 = arith.constant 64 : i32
    %scan3A_82 = arith.addi %scan3A_80, %scan3A_81 : i32
    %scan3A_83 = arith.constant 1 : i32
    scf.for %scan3A_777 = %scan3A_80 to %scan3A_82 step %scan3A_83  : i32 {
      %mul3A_778 = arith.constant 16 : i32
      %mul3A_779 = arith.muli %scan3A_777, %mul3A_778 : i32
      %get3A_780 = arith.constant 3 : i32
      %get3A_781 = arith.index_cast %get3A_780 : i32 to index
      %get3A_782 = arith.index_cast %mul3A_779 : i32 to index
      %get3A_783 = tpu.vector_load %arg10[%get3A_781, %get3A_782] {strides = array<i32>} : memref<16x1024xf32, #tpu.memory_space<vmem>>, vector<16xf32>,
      %mul3A_784 = vector.broadcast %squeeze3A_76 : f32 to vector<16xf32>
      %mul3A_785 = arith.mulf %get3A_783, %mul3A_784 : vector<16xf32>
      %mul3A_786 = arith.constant 16 : i32
      %mul3A_787 = arith.muli %scan3A_777, %mul3A_786 : i32
      %get3A_788 = arith.constant 3 : i32
      %get3A_789 = arith.index_cast %get3A_788 : i32 to index
      %get3A_790 = arith.index_cast %mul3A_787 : i32 to index
      %get3A_791 = tpu.vector_load %arg11[%get3A_789, %get3A_790] {strides = array<i32>} : memref<16x1024xf32, #tpu.memory_space<vmem>>, vector<16xf32>,
      %mul3A_792 = vector.broadcast %squeeze3A_78 : f32 to vector<16xf32>
      %mul3A_793 = arith.mulf %get3A_791, %mul3A_792 : vector<16xf32>
      %add3A_794 = arith.addf %mul3A_785, %mul3A_793 : vector<16xf32>
      %mul3A_795 = arith.constant 16 : i32
      %mul3A_796 = arith.muli %scan3A_777, %mul3A_795 : i32
      %swap3A = arith.constant 3 : i32
      %swap3A_797 = arith.index_cast %swap3A : i32 to index
      %swap3A_798 = arith.index_cast %mul3A_796 : i32 to index
      %swap3A_799 = tpu.vector_load %arg10[%swap3A_797, %swap3A_798] {strides = array<i32>} : memref<16x1024xf32, #tpu.memory_space<vmem>>, vector<16xf32>,
      tpu.vector_store %arg10[%swap3A_797, %swap3A_798], %add3A_794 {strides = array<i32>} : memref<16x1024xf32, #tpu.memory_space<vmem>>, vector<16xf32>,
    }
    %scan3A_84 = arith.constant 64 : i32
    %slice3A_85 = vector.extract_strided_slice %get3A_45 {offsets = [4], sizes = [1], strides = [1]} : vector<16xf32> to vector<1xf32>
    %squeeze3A_86 = vector.extract %slice3A_85[0] : f32 from vector<1xf32>
    %slice3A_87 = vector.extract_strided_slice %get3A_47 {offsets = [4], sizes = [1], strides = [1]} : vector<16xf32> to vector<1xf32>
    %squeeze3A_88 = vector.extract %slice3A_87[0] : f32 from vector<1xf32>
    %scan3A_89 = arith.constant 0 : i32
    %scan3A_90 = arith.constant 0 : i32
    %scan3A_91 = arith.constant 64 : i32
    %scan3A_92 = arith.addi %scan3A_90, %scan3A_91 : i32
    %scan3A_93 = arith.constant 1 : i32
    scf.for %scan3A_777 = %scan3A_90 to %scan3A_92 step %scan3A_93  : i32 {
      %mul3A_778 = arith.constant 16 : i32
      %mul3A_779 = arith.muli %scan3A_777, %mul3A_778 : i32
      %get3A_780 = arith.constant 4 : i32
      %get3A_781 = arith.index_cast %get3A_780 : i32 to index
      %get3A_782 = arith.index_cast %mul3A_779 : i32 to index
      %get3A_783 = tpu.vector_load %arg10[%get3A_781, %get3A_782] {strides = array<i32>} : memref<16x1024xf32, #tpu.memory_space<vmem>>, vector<16xf32>,
      %mul3A_784 = vector.broadcast %squeeze3A_86 : f32 to vector<16xf32>
      %mul3A_785 = arith.mulf %get3A_783, %mul3A_784 : vector<16xf32>
      %mul3A_786 = arith.constant 16 : i32
      %mul3A_787 = arith.muli %scan3A_777, %mul3A_786 : i32
      %get3A_788 = arith.constant 4 : i32
      %get3A_789 = arith.index_cast %get3A_788 : i32 to index
      %get3A_790 = arith.index_cast %mul3A_787 : i32 to index
      %get3A_791 = tpu.vector_load %arg11[%get3A_789, %get3A_790] {strides = array<i32>} : memref<16x1024xf32, #tpu.memory_space<vmem>>, vector<16xf32>,
      %mul3A_792 = vector.broadcast %squeeze3A_88 : f32 to vector<16xf32>
      %mul3A_793 = arith.mulf %get3A_791, %mul3A_792 : vector<16xf32>
      %add3A_794 = arith.addf %mul3A_785, %mul3A_793 : vector<16xf32>
      %mul3A_795 = arith.constant 16 : i32
      %mul3A_796 = arith.muli %scan3A_777, %mul3A_795 : i32
      %swap3A = arith.constant 4 : i32
      %swap3A_797 = arith.index_cast %swap3A : i32 to index
      %swap3A_798 = arith.index_cast %mul3A_796 : i32 to index
      %swap3A_799 = tpu.vector_load %arg10[%swap3A_797, %swap3A_798] {strides = array<i32>} : memref<16x1024xf32, #tpu.memory_space<vmem>>, vector<16xf32>,
      tpu.vector_store %arg10[%swap3A_797, %swap3A_798], %add3A_794 {strides = array<i32>} : memref<16x1024xf32, #tpu.memory_space<vmem>>, vector<16xf32>,
    }
    %scan3A_94 = arith.constant 64 : i32
    %slice3A_95 = vector.extract_strided_slice %get3A_45 {offsets = [5], sizes = [1], strides = [1]} : vector<16xf32> to vector<1xf32>
    %squeeze3A_96 = vector.extract %slice3A_95[0] : f32 from vector<1xf32>
    %slice3A_97 = vector.extract_strided_slice %get3A_47 {offsets = [5], sizes = [1], strides = [1]} : vector<16xf32> to vector<1xf32>
    %squeeze3A_98 = vector.extract %slice3A_97[0] : f32 from vector<1xf32>
    %scan3A_99 = arith.constant 0 : i32
    %scan3A_100 = arith.constant 0 : i32
    %scan3A_101 = arith.constant 64 : i32
    %scan3A_102 = arith.addi %scan3A_100, %scan3A_101 : i32
    %scan3A_103 = arith.constant 1 : i32
    scf.for %scan3A_777 = %scan3A_100 to %scan3A_102 step %scan3A_103  : i32 {
      %mul3A_778 = arith.constant 16 : i32
      %mul3A_779 = arith.muli %scan3A_777, %mul3A_778 : i32
      %get3A_780 = arith.constant 5 : i32
      %get3A_781 = arith.index_cast %get3A_780 : i32 to index
      %get3A_782 = arith.index_cast %mul3A_779 : i32 to index
      %get3A_783 = tpu.vector_load %arg10[%get3A_781, %get3A_782] {strides = array<i32>} : memref<16x1024xf32, #tpu.memory_space<vmem>>, vector<16xf32>,
      %mul3A_784 = vector.broadcast %squeeze3A_96 : f32 to vector<16xf32>
      %mul3A_785 = arith.mulf %get3A_783, %mul3A_784 : vector<16xf32>
      %mul3A_786 = arith.constant 16 : i32
      %mul3A_787 = arith.muli %scan3A_777, %mul3A_786 : i32
      %get3A_788 = arith.constant 5 : i32
      %get3A_789 = arith.index_cast %get3A_788 : i32 to index
      %get3A_790 = arith.index_cast %mul3A_787 : i32 to index
      %get3A_791 = tpu.vector_load %arg11[%get3A_789, %get3A_790] {strides = array<i32>} : memref<16x1024xf32, #tpu.memory_space<vmem>>, vector<16xf32>,
      %mul3A_792 = vector.broadcast %squeeze3A_98 : f32 to vector<16xf32>
      %mul3A_793 = arith.mulf %get3A_791, %mul3A_792 : vector<16xf32>
      %add3A_794 = arith.addf %mul3A_785, %mul3A_793 : vector<16xf32>
      %mul3A_795 = arith.constant 16 : i32
      %mul3A_796 = arith.muli %scan3A_777, %mul3A_795 : i32
      %swap3A = arith.constant 5 : i32
      %swap3A_797 = arith.index_cast %swap3A : i32 to index
      %swap3A_798 = arith.index_cast %mul3A_796 : i32 to index
      %swap3A_799 = tpu.vector_load %arg10[%swap3A_797, %swap3A_798] {strides = array<i32>} : memref<16x1024xf32, #tpu.memory_space<vmem>>, vector<16xf32>,
      tpu.vector_store %arg10[%swap3A_797, %swap3A_798], %add3A_794 {strides = array<i32>} : memref<16x1024xf32, #tpu.memory_space<vmem>>, vector<16xf32>,
    }
    %scan3A_104 = arith.constant 64 : i32
    %slice3A_105 = vector.extract_strided_slice %get3A_45 {offsets = [6], sizes = [1], strides = [1]} : vector<16xf32> to vector<1xf32>
    %squeeze3A_106 = vector.extract %slice3A_105[0] : f32 from vector<1xf32>
    %slice3A_107 = vector.extract_strided_slice %get3A_47 {offsets = [6], sizes = [1], strides = [1]} : vector<16xf32> to vector<1xf32>
    %squeeze3A_108 = vector.extract %slice3A_107[0] : f32 from vector<1xf32>
    %scan3A_109 = arith.constant 0 : i32
    %scan3A_110 = arith.constant 0 : i32
    %scan3A_111 = arith.constant 64 : i32
    %scan3A_112 = arith.addi %scan3A_110, %scan3A_111 : i32
    %scan3A_113 = arith.constant 1 : i32
    scf.for %scan3A_777 = %scan3A_110 to %scan3A_112 step %scan3A_113  : i32 {
      %mul3A_778 = arith.constant 16 : i32
      %mul3A_779 = arith.muli %scan3A_777, %mul3A_778 : i32
      %get3A_780 = arith.constant 6 : i32
      %get3A_781 = arith.index_cast %get3A_780 : i32 to index
      %get3A_782 = arith.index_cast %mul3A_779 : i32 to index
      %get3A_783 = tpu.vector_load %arg10[%get3A_781, %get3A_782] {strides = array<i32>} : memref<16x1024xf32, #tpu.memory_space<vmem>>, vector<16xf32>,
      %mul3A_784 = vector.broadcast %squeeze3A_106 : f32 to vector<16xf32>
      %mul3A_785 = arith.mulf %get3A_783, %mul3A_784 : vector<16xf32>
      %mul3A_786 = arith.constant 16 : i32
      %mul3A_787 = arith.muli %scan3A_777, %mul3A_786 : i32
      %get3A_788 = arith.constant 6 : i32
      %get3A_789 = arith.index_cast %get3A_788 : i32 to index
      %get3A_790 = arith.index_cast %mul3A_787 : i32 to index
      %get3A_791 = tpu.vector_load %arg11[%get3A_789, %get3A_790] {strides = array<i32>} : memref<16x1024xf32, #tpu.memory_space<vmem>>, vector<16xf32>,
      %mul3A_792 = vector.broadcast %squeeze3A_108 : f32 to vector<16xf32>
      %mul3A_793 = arith.mulf %get3A_791, %mul3A_792 : vector<16xf32>
      %add3A_794 = arith.addf %mul3A_785, %mul3A_793 : vector<16xf32>
      %mul3A_795 = arith.constant 16 : i32
      %mul3A_796 = arith.muli %scan3A_777, %mul3A_795 : i32
      %swap3A = arith.constant 6 : i32
      %swap3A_797 = arith.index_cast %swap3A : i32 to index
      %swap3A_798 = arith.index_cast %mul3A_796 : i32 to index
      %swap3A_799 = tpu.vector_load %arg10[%swap3A_797, %swap3A_798] {strides = array<i32>} : memref<16x1024xf32, #tpu.memory_space<vmem>>, vector<16xf32>,
      tpu.vector_store %arg10[%swap3A_797, %swap3A_798], %add3A_794 {strides = array<i32>} : memref<16x1024xf32, #tpu.memory_space<vmem>>, vector<16xf32>,
    }
    %scan3A_114 = arith.constant 64 : i32
    %slice3A_115 = vector.extract_strided_slice %get3A_45 {offsets = [7], sizes = [1], strides = [1]} : vector<16xf32> to vector<1xf32>
    %squeeze3A_116 = vector.extract %slice3A_115[0] : f32 from vector<1xf32>
    %slice3A_117 = vector.extract_strided_slice %get3A_47 {offsets = [7], sizes = [1], strides = [1]} : vector<16xf32> to vector<1xf32>
    %squeeze3A_118 = vector.extract %slice3A_117[0] : f32 from vector<1xf32>
    %scan3A_119 = arith.constant 0 : i32
    %scan3A_120 = arith.constant 0 : i32
    %scan3A_121 = arith.constant 64 : i32
    %scan3A_122 = arith.addi %scan3A_120, %scan3A_121 : i32
    %scan3A_123 = arith.constant 1 : i32
    scf.for %scan3A_777 = %scan3A_120 to %scan3A_122 step %scan3A_123  : i32 {
      %mul3A_778 = arith.constant 16 : i32
      %mul3A_779 = arith.muli %scan3A_777, %mul3A_778 : i32
      %get3A_780 = arith.constant 7 : i32
      %get3A_781 = arith.index_cast %get3A_780 : i32 to index
      %get3A_782 = arith.index_cast %mul3A_779 : i32 to index
      %get3A_783 = tpu.vector_load %arg10[%get3A_781, %get3A_782] {strides = array<i32>} : memref<16x1024xf32, #tpu.memory_space<vmem>>, vector<16xf32>,
      %mul3A_784 = vector.broadcast %squeeze3A_116 : f32 to vector<16xf32>
      %mul3A_785 = arith.mulf %get3A_783, %mul3A_784 : vector<16xf32>
      %mul3A_786 = arith.constant 16 : i32
      %mul3A_787 = arith.muli %scan3A_777, %mul3A_786 : i32
      %get3A_788 = arith.constant 7 : i32
      %get3A_789 = arith.index_cast %get3A_788 : i32 to index
      %get3A_790 = arith.index_cast %mul3A_787 : i32 to index
      %get3A_791 = tpu.vector_load %arg11[%get3A_789, %get3A_790] {strides = array<i32>} : memref<16x1024xf32, #tpu.memory_space<vmem>>, vector<16xf32>,
      %mul3A_792 = vector.broadcast %squeeze3A_118 : f32 to vector<16xf32>
      %mul3A_793 = arith.mulf %get3A_791, %mul3A_792 : vector<16xf32>
      %add3A_794 = arith.addf %mul3A_785, %mul3A_793 : vector<16xf32>
      %mul3A_795 = arith.constant 16 : i32
      %mul3A_796 = arith.muli %scan3A_777, %mul3A_795 : i32
      %swap3A = arith.constant 7 : i32
      %swap3A_797 = arith.index_cast %swap3A : i32 to index
      %swap3A_798 = arith.index_cast %mul3A_796 : i32 to index
      %swap3A_799 = tpu.vector_load %arg10[%swap3A_797, %swap3A_798] {strides = array<i32>} : memref<16x1024xf32, #tpu.memory_space<vmem>>, vector<16xf32>,
      tpu.vector_store %arg10[%swap3A_797, %swap3A_798], %add3A_794 {strides = array<i32>} : memref<16x1024xf32, #tpu.memory_space<vmem>>, vector<16xf32>,
    }
    %scan3A_124 = arith.constant 64 : i32
    %slice3A_125 = vector.extract_strided_slice %get3A_45 {offsets = [8], sizes = [1], strides = [1]} : vector<16xf32> to vector<1xf32>
    %squeeze3A_126 = vector.extract %slice3A_125[0] : f32 from vector<1xf32>
    %slice3A_127 = vector.extract_strided_slice %get3A_47 {offsets = [8], sizes = [1], strides = [1]} : vector<16xf32> to vector<1xf32>
    %squeeze3A_128 = vector.extract %slice3A_127[0] : f32 from vector<1xf32>
    %scan3A_129 = arith.constant 0 : i32
    %scan3A_130 = arith.constant 0 : i32
    %scan3A_131 = arith.constant 64 : i32
    %scan3A_132 = arith.addi %scan3A_130, %scan3A_131 : i32
    %scan3A_133 = arith.constant 1 : i32
    scf.for %scan3A_777 = %scan3A_130 to %scan3A_132 step %scan3A_133  : i32 {
      %mul3A_778 = arith.constant 16 : i32
      %mul3A_779 = arith.muli %scan3A_777, %mul3A_778 : i32
      %get3A_780 = arith.constant 8 : i32
      %get3A_781 = arith.index_cast %get3A_780 : i32 to index
      %get3A_782 = arith.index_cast %mul3A_779 : i32 to index
      %get3A_783 = tpu.vector_load %arg10[%get3A_781, %get3A_782] {strides = array<i32>} : memref<16x1024xf32, #tpu.memory_space<vmem>>, vector<16xf32>,
      %mul3A_784 = vector.broadcast %squeeze3A_126 : f32 to vector<16xf32>
      %mul3A_785 = arith.mulf %get3A_783, %mul3A_784 : vector<16xf32>
      %mul3A_786 = arith.constant 16 : i32
      %mul3A_787 = arith.muli %scan3A_777, %mul3A_786 : i32
      %get3A_788 = arith.constant 8 : i32
      %get3A_789 = arith.index_cast %get3A_788 : i32 to index
      %get3A_790 = arith.index_cast %mul3A_787 : i32 to index
      %get3A_791 = tpu.vector_load %arg11[%get3A_789, %get3A_790] {strides = array<i32>} : memref<16x1024xf32, #tpu.memory_space<vmem>>, vector<16xf32>,
      %mul3A_792 = vector.broadcast %squeeze3A_128 : f32 to vector<16xf32>
      %mul3A_793 = arith.mulf %get3A_791, %mul3A_792 : vector<16xf32>
      %add3A_794 = arith.addf %mul3A_785, %mul3A_793 : vector<16xf32>
      %mul3A_795 = arith.constant 16 : i32
      %mul3A_796 = arith.muli %scan3A_777, %mul3A_795 : i32
      %swap3A = arith.constant 8 : i32
      %swap3A_797 = arith.index_cast %swap3A : i32 to index
      %swap3A_798 = arith.index_cast %mul3A_796 : i32 to index
      %swap3A_799 = tpu.vector_load %arg10[%swap3A_797, %swap3A_798] {strides = array<i32>} : memref<16x1024xf32, #tpu.memory_space<vmem>>, vector<16xf32>,
      tpu.vector_store %arg10[%swap3A_797, %swap3A_798], %add3A_794 {strides = array<i32>} : memref<16x1024xf32, #tpu.memory_space<vmem>>, vector<16xf32>,
    }
    %scan3A_134 = arith.constant 64 : i32
    %slice3A_135 = vector.extract_strided_slice %get3A_45 {offsets = [9], sizes = [1], strides = [1]} : vector<16xf32> to vector<1xf32>
    %squeeze3A_136 = vector.extract %slice3A_135[0] : f32 from vector<1xf32>
    %slice3A_137 = vector.extract_strided_slice %get3A_47 {offsets = [9], sizes = [1], strides = [1]} : vector<16xf32> to vector<1xf32>
    %squeeze3A_138 = vector.extract %slice3A_137[0] : f32 from vector<1xf32>
    %scan3A_139 = arith.constant 0 : i32
    %scan3A_140 = arith.constant 0 : i32
    %scan3A_141 = arith.constant 64 : i32
    %scan3A_142 = arith.addi %scan3A_140, %scan3A_141 : i32
    %scan3A_143 = arith.constant 1 : i32
    scf.for %scan3A_777 = %scan3A_140 to %scan3A_142 step %scan3A_143  : i32 {
      %mul3A_778 = arith.constant 16 : i32
      %mul3A_779 = arith.muli %scan3A_777, %mul3A_778 : i32
      %get3A_780 = arith.constant 9 : i32
      %get3A_781 = arith.index_cast %get3A_780 : i32 to index
      %get3A_782 = arith.index_cast %mul3A_779 : i32 to index
      %get3A_783 = tpu.vector_load %arg10[%get3A_781, %get3A_782] {strides = array<i32>} : memref<16x1024xf32, #tpu.memory_space<vmem>>, vector<16xf32>,
      %mul3A_784 = vector.broadcast %squeeze3A_136 : f32 to vector<16xf32>
      %mul3A_785 = arith.mulf %get3A_783, %mul3A_784 : vector<16xf32>
      %mul3A_786 = arith.constant 16 : i32
      %mul3A_787 = arith.muli %scan3A_777, %mul3A_786 : i32
      %get3A_788 = arith.constant 9 : i32
      %get3A_789 = arith.index_cast %get3A_788 : i32 to index
      %get3A_790 = arith.index_cast %mul3A_787 : i32 to index
      %get3A_791 = tpu.vector_load %arg11[%get3A_789, %get3A_790] {strides = array<i32>} : memref<16x1024xf32, #tpu.memory_space<vmem>>, vector<16xf32>,
      %mul3A_792 = vector.broadcast %squeeze3A_138 : f32 to vector<16xf32>
      %mul3A_793 = arith.mulf %get3A_791, %mul3A_792 : vector<16xf32>
      %add3A_794 = arith.addf %mul3A_785, %mul3A_793 : vector<16xf32>
      %mul3A_795 = arith.constant 16 : i32
      %mul3A_796 = arith.muli %scan3A_777, %mul3A_795 : i32
      %swap3A = arith.constant 9 : i32
      %swap3A_797 = arith.index_cast %swap3A : i32 to index
      %swap3A_798 = arith.index_cast %mul3A_796 : i32 to index
      %swap3A_799 = tpu.vector_load %arg10[%swap3A_797, %swap3A_798] {strides = array<i32>} : memref<16x1024xf32, #tpu.memory_space<vmem>>, vector<16xf32>,
      tpu.vector_store %arg10[%swap3A_797, %swap3A_798], %add3A_794 {strides = array<i32>} : memref<16x1024xf32, #tpu.memory_space<vmem>>, vector<16xf32>,
    }
    %scan3A_144 = arith.constant 64 : i32
    %slice3A_145 = vector.extract_strided_slice %get3A_45 {offsets = [10], sizes = [1], strides = [1]} : vector<16xf32> to vector<1xf32>
    %squeeze3A_146 = vector.extract %slice3A_145[0] : f32 from vector<1xf32>
    %slice3A_147 = vector.extract_strided_slice %get3A_47 {offsets = [10], sizes = [1], strides = [1]} : vector<16xf32> to vector<1xf32>
    %squeeze3A_148 = vector.extract %slice3A_147[0] : f32 from vector<1xf32>
    %scan3A_149 = arith.constant 0 : i32
    %scan3A_150 = arith.constant 0 : i32
    %scan3A_151 = arith.constant 64 : i32
    %scan3A_152 = arith.addi %scan3A_150, %scan3A_151 : i32
    %scan3A_153 = arith.constant 1 : i32
    scf.for %scan3A_777 = %scan3A_150 to %scan3A_152 step %scan3A_153  : i32 {
      %mul3A_778 = arith.constant 16 : i32
      %mul3A_779 = arith.muli %scan3A_777, %mul3A_778 : i32
      %get3A_780 = arith.constant 10 : i32
      %get3A_781 = arith.index_cast %get3A_780 : i32 to index
      %get3A_782 = arith.index_cast %mul3A_779 : i32 to index
      %get3A_783 = tpu.vector_load %arg10[%get3A_781, %get3A_782] {strides = array<i32>} : memref<16x1024xf32, #tpu.memory_space<vmem>>, vector<16xf32>,
      %mul3A_784 = vector.broadcast %squeeze3A_146 : f32 to vector<16xf32>
      %mul3A_785 = arith.mulf %get3A_783, %mul3A_784 : vector<16xf32>
      %mul3A_786 = arith.constant 16 : i32
      %mul3A_787 = arith.muli %scan3A_777, %mul3A_786 : i32
      %get3A_788 = arith.constant 10 : i32
      %get3A_789 = arith.index_cast %get3A_788 : i32 to index
      %get3A_790 = arith.index_cast %mul3A_787 : i32 to index
      %get3A_791 = tpu.vector_load %arg11[%get3A_789, %get3A_790] {strides = array<i32>} : memref<16x1024xf32, #tpu.memory_space<vmem>>, vector<16xf32>,
      %mul3A_792 = vector.broadcast %squeeze3A_148 : f32 to vector<16xf32>
      %mul3A_793 = arith.mulf %get3A_791, %mul3A_792 : vector<16xf32>
      %add3A_794 = arith.addf %mul3A_785, %mul3A_793 : vector<16xf32>
      %mul3A_795 = arith.constant 16 : i32
      %mul3A_796 = arith.muli %scan3A_777, %mul3A_795 : i32
      %swap3A = arith.constant 10 : i32
      %swap3A_797 = arith.index_cast %swap3A : i32 to index
      %swap3A_798 = arith.index_cast %mul3A_796 : i32 to index
      %swap3A_799 = tpu.vector_load %arg10[%swap3A_797, %swap3A_798] {strides = array<i32>} : memref<16x1024xf32, #tpu.memory_space<vmem>>, vector<16xf32>,
      tpu.vector_store %arg10[%swap3A_797, %swap3A_798], %add3A_794 {strides = array<i32>} : memref<16x1024xf32, #tpu.memory_space<vmem>>, vector<16xf32>,
    }
    %scan3A_154 = arith.constant 64 : i32
    %slice3A_155 = vector.extract_strided_slice %get3A_45 {offsets = [11], sizes = [1], strides = [1]} : vector<16xf32> to vector<1xf32>
    %squeeze3A_156 = vector.extract %slice3A_155[0] : f32 from vector<1xf32>
    %slice3A_157 = vector.extract_strided_slice %get3A_47 {offsets = [11], sizes = [1], strides = [1]} : vector<16xf32> to vector<1xf32>
    %squeeze3A_158 = vector.extract %slice3A_157[0] : f32 from vector<1xf32>
    %scan3A_159 = arith.constant 0 : i32
    %scan3A_160 = arith.constant 0 : i32
    %scan3A_161 = arith.constant 64 : i32
    %scan3A_162 = arith.addi %scan3A_160, %scan3A_161 : i32
    %scan3A_163 = arith.constant 1 : i32
    scf.for %scan3A_777 = %scan3A_160 to %scan3A_162 step %scan3A_163  : i32 {
      %mul3A_778 = arith.constant 16 : i32
      %mul3A_779 = arith.muli %scan3A_777, %mul3A_778 : i32
      %get3A_780 = arith.constant 11 : i32
      %get3A_781 = arith.index_cast %get3A_780 : i32 to index
      %get3A_782 = arith.index_cast %mul3A_779 : i32 to index
      %get3A_783 = tpu.vector_load %arg10[%get3A_781, %get3A_782] {strides = array<i32>} : memref<16x1024xf32, #tpu.memory_space<vmem>>, vector<16xf32>,
      %mul3A_784 = vector.broadcast %squeeze3A_156 : f32 to vector<16xf32>
      %mul3A_785 = arith.mulf %get3A_783, %mul3A_784 : vector<16xf32>
      %mul3A_786 = arith.constant 16 : i32
      %mul3A_787 = arith.muli %scan3A_777, %mul3A_786 : i32
      %get3A_788 = arith.constant 11 : i32
      %get3A_789 = arith.index_cast %get3A_788 : i32 to index
      %get3A_790 = arith.index_cast %mul3A_787 : i32 to index
      %get3A_791 = tpu.vector_load %arg11[%get3A_789, %get3A_790] {strides = array<i32>} : memref<16x1024xf32, #tpu.memory_space<vmem>>, vector<16xf32>,
      %mul3A_792 = vector.broadcast %squeeze3A_158 : f32 to vector<16xf32>
      %mul3A_793 = arith.mulf %get3A_791, %mul3A_792 : vector<16xf32>
      %add3A_794 = arith.addf %mul3A_785, %mul3A_793 : vector<16xf32>
      %mul3A_795 = arith.constant 16 : i32
      %mul3A_796 = arith.muli %scan3A_777, %mul3A_795 : i32
      %swap3A = arith.constant 11 : i32
      %swap3A_797 = arith.index_cast %swap3A : i32 to index
      %swap3A_798 = arith.index_cast %mul3A_796 : i32 to index
      %swap3A_799 = tpu.vector_load %arg10[%swap3A_797, %swap3A_798] {strides = array<i32>} : memref<16x1024xf32, #tpu.memory_space<vmem>>, vector<16xf32>,
      tpu.vector_store %arg10[%swap3A_797, %swap3A_798], %add3A_794 {strides = array<i32>} : memref<16x1024xf32, #tpu.memory_space<vmem>>, vector<16xf32>,
    }
    %scan3A_164 = arith.constant 64 : i32
    %slice3A_165 = vector.extract_strided_slice %get3A_45 {offsets = [12], sizes = [1], strides = [1]} : vector<16xf32> to vector<1xf32>
    %squeeze3A_166 = vector.extract %slice3A_165[0] : f32 from vector<1xf32>
    %slice3A_167 = vector.extract_strided_slice %get3A_47 {offsets = [12], sizes = [1], strides = [1]} : vector<16xf32> to vector<1xf32>
    %squeeze3A_168 = vector.extract %slice3A_167[0] : f32 from vector<1xf32>
    %scan3A_169 = arith.constant 0 : i32
    %scan3A_170 = arith.constant 0 : i32
    %scan3A_171 = arith.constant 64 : i32
    %scan3A_172 = arith.addi %scan3A_170, %scan3A_171 : i32
    %scan3A_173 = arith.constant 1 : i32
    scf.for %scan3A_777 = %scan3A_170 to %scan3A_172 step %scan3A_173  : i32 {
      %mul3A_778 = arith.constant 16 : i32
      %mul3A_779 = arith.muli %scan3A_777, %mul3A_778 : i32
      %get3A_780 = arith.constant 12 : i32
      %get3A_781 = arith.index_cast %get3A_780 : i32 to index
      %get3A_782 = arith.index_cast %mul3A_779 : i32 to index
      %get3A_783 = tpu.vector_load %arg10[%get3A_781, %get3A_782] {strides = array<i32>} : memref<16x1024xf32, #tpu.memory_space<vmem>>, vector<16xf32>,
      %mul3A_784 = vector.broadcast %squeeze3A_166 : f32 to vector<16xf32>
      %mul3A_785 = arith.mulf %get3A_783, %mul3A_784 : vector<16xf32>
      %mul3A_786 = arith.constant 16 : i32
      %mul3A_787 = arith.muli %scan3A_777, %mul3A_786 : i32
      %get3A_788 = arith.constant 12 : i32
      %get3A_789 = arith.index_cast %get3A_788 : i32 to index
      %get3A_790 = arith.index_cast %mul3A_787 : i32 to index
      %get3A_791 = tpu.vector_load %arg11[%get3A_789, %get3A_790] {strides = array<i32>} : memref<16x1024xf32, #tpu.memory_space<vmem>>, vector<16xf32>,
      %mul3A_792 = vector.broadcast %squeeze3A_168 : f32 to vector<16xf32>
      %mul3A_793 = arith.mulf %get3A_791, %mul3A_792 : vector<16xf32>
      %add3A_794 = arith.addf %mul3A_785, %mul3A_793 : vector<16xf32>
      %mul3A_795 = arith.constant 16 : i32
      %mul3A_796 = arith.muli %scan3A_777, %mul3A_795 : i32
      %swap3A = arith.constant 12 : i32
      %swap3A_797 = arith.index_cast %swap3A : i32 to index
      %swap3A_798 = arith.index_cast %mul3A_796 : i32 to index
      %swap3A_799 = tpu.vector_load %arg10[%swap3A_797, %swap3A_798] {strides = array<i32>} : memref<16x1024xf32, #tpu.memory_space<vmem>>, vector<16xf32>,
      tpu.vector_store %arg10[%swap3A_797, %swap3A_798], %add3A_794 {strides = array<i32>} : memref<16x1024xf32, #tpu.memory_space<vmem>>, vector<16xf32>,
    }
    %scan3A_174 = arith.constant 64 : i32
    %slice3A_175 = vector.extract_strided_slice %get3A_45 {offsets = [13], sizes = [1], strides = [1]} : vector<16xf32> to vector<1xf32>
    %squeeze3A_176 = vector.extract %slice3A_175[0] : f32 from vector<1xf32>
    %slice3A_177 = vector.extract_strided_slice %get3A_47 {offsets = [13], sizes = [1], strides = [1]} : vector<16xf32> to vector<1xf32>
    %squeeze3A_178 = vector.extract %slice3A_177[0] : f32 from vector<1xf32>
    %scan3A_179 = arith.constant 0 : i32
    %scan3A_180 = arith.constant 0 : i32
    %scan3A_181 = arith.constant 64 : i32
    %scan3A_182 = arith.addi %scan3A_180, %scan3A_181 : i32
    %scan3A_183 = arith.constant 1 : i32
    scf.for %scan3A_777 = %scan3A_180 to %scan3A_182 step %scan3A_183  : i32 {
      %mul3A_778 = arith.constant 16 : i32
      %mul3A_779 = arith.muli %scan3A_777, %mul3A_778 : i32
      %get3A_780 = arith.constant 13 : i32
      %get3A_781 = arith.index_cast %get3A_780 : i32 to index
      %get3A_782 = arith.index_cast %mul3A_779 : i32 to index
      %get3A_783 = tpu.vector_load %arg10[%get3A_781, %get3A_782] {strides = array<i32>} : memref<16x1024xf32, #tpu.memory_space<vmem>>, vector<16xf32>,
      %mul3A_784 = vector.broadcast %squeeze3A_176 : f32 to vector<16xf32>
      %mul3A_785 = arith.mulf %get3A_783, %mul3A_784 : vector<16xf32>
      %mul3A_786 = arith.constant 16 : i32
      %mul3A_787 = arith.muli %scan3A_777, %mul3A_786 : i32
      %get3A_788 = arith.constant 13 : i32
      %get3A_789 = arith.index_cast %get3A_788 : i32 to index
      %get3A_790 = arith.index_cast %mul3A_787 : i32 to index
      %get3A_791 = tpu.vector_load %arg11[%get3A_789, %get3A_790] {strides = array<i32>} : memref<16x1024xf32, #tpu.memory_space<vmem>>, vector<16xf32>,
      %mul3A_792 = vector.broadcast %squeeze3A_178 : f32 to vector<16xf32>
      %mul3A_793 = arith.mulf %get3A_791, %mul3A_792 : vector<16xf32>
      %add3A_794 = arith.addf %mul3A_785, %mul3A_793 : vector<16xf32>
      %mul3A_795 = arith.constant 16 : i32
      %mul3A_796 = arith.muli %scan3A_777, %mul3A_795 : i32
      %swap3A = arith.constant 13 : i32
      %swap3A_797 = arith.index_cast %swap3A : i32 to index
      %swap3A_798 = arith.index_cast %mul3A_796 : i32 to index
      %swap3A_799 = tpu.vector_load %arg10[%swap3A_797, %swap3A_798] {strides = array<i32>} : memref<16x1024xf32, #tpu.memory_space<vmem>>, vector<16xf32>,
      tpu.vector_store %arg10[%swap3A_797, %swap3A_798], %add3A_794 {strides = array<i32>} : memref<16x1024xf32, #tpu.memory_space<vmem>>, vector<16xf32>,
    }
    %scan3A_184 = arith.constant 64 : i32
    %slice3A_185 = vector.extract_strided_slice %get3A_45 {offsets = [14], sizes = [1], strides = [1]} : vector<16xf32> to vector<1xf32>
    %squeeze3A_186 = vector.extract %slice3A_185[0] : f32 from vector<1xf32>
    %slice3A_187 = vector.extract_strided_slice %get3A_47 {offsets = [14], sizes = [1], strides = [1]} : vector<16xf32> to vector<1xf32>
    %squeeze3A_188 = vector.extract %slice3A_187[0] : f32 from vector<1xf32>
    %scan3A_189 = arith.constant 0 : i32
    %scan3A_190 = arith.constant 0 : i32
    %scan3A_191 = arith.constant 64 : i32
    %scan3A_192 = arith.addi %scan3A_190, %scan3A_191 : i32
    %scan3A_193 = arith.constant 1 : i32
    scf.for %scan3A_777 = %scan3A_190 to %scan3A_192 step %scan3A_193  : i32 {
      %mul3A_778 = arith.constant 16 : i32
      %mul3A_779 = arith.muli %scan3A_777, %mul3A_778 : i32
      %get3A_780 = arith.constant 14 : i32
      %get3A_781 = arith.index_cast %get3A_780 : i32 to index
      %get3A_782 = arith.index_cast %mul3A_779 : i32 to index
      %get3A_783 = tpu.vector_load %arg10[%get3A_781, %get3A_782] {strides = array<i32>} : memref<16x1024xf32, #tpu.memory_space<vmem>>, vector<16xf32>,
      %mul3A_784 = vector.broadcast %squeeze3A_186 : f32 to vector<16xf32>
      %mul3A_785 = arith.mulf %get3A_783, %mul3A_784 : vector<16xf32>
      %mul3A_786 = arith.constant 16 : i32
      %mul3A_787 = arith.muli %scan3A_777, %mul3A_786 : i32
      %get3A_788 = arith.constant 14 : i32
      %get3A_789 = arith.index_cast %get3A_788 : i32 to index
      %get3A_790 = arith.index_cast %mul3A_787 : i32 to index
      %get3A_791 = tpu.vector_load %arg11[%get3A_789, %get3A_790] {strides = array<i32>} : memref<16x1024xf32, #tpu.memory_space<vmem>>, vector<16xf32>,
      %mul3A_792 = vector.broadcast %squeeze3A_188 : f32 to vector<16xf32>
      %mul3A_793 = arith.mulf %get3A_791, %mul3A_792 : vector<16xf32>
      %add3A_794 = arith.addf %mul3A_785, %mul3A_793 : vector<16xf32>
      %mul3A_795 = arith.constant 16 : i32
      %mul3A_796 = arith.muli %scan3A_777, %mul3A_795 : i32
      %swap3A = arith.constant 14 : i32
      %swap3A_797 = arith.index_cast %swap3A : i32 to index
      %swap3A_798 = arith.index_cast %mul3A_796 : i32 to index
      %swap3A_799 = tpu.vector_load %arg10[%swap3A_797, %swap3A_798] {strides = array<i32>} : memref<16x1024xf32, #tpu.memory_space<vmem>>, vector<16xf32>,
      tpu.vector_store %arg10[%swap3A_797, %swap3A_798], %add3A_794 {strides = array<i32>} : memref<16x1024xf32, #tpu.memory_space<vmem>>, vector<16xf32>,
    }
    %scan3A_194 = arith.constant 64 : i32
    %slice3A_195 = vector.extract_strided_slice %get3A_45 {offsets = [15], sizes = [1], strides = [1]} : vector<16xf32> to vector<1xf32>
    %squeeze3A_196 = vector.extract %slice3A_195[0] : f32 from vector<1xf32>
    %slice3A_197 = vector.extract_strided_slice %get3A_47 {offsets = [15], sizes = [1], strides = [1]} : vector<16xf32> to vector<1xf32>
    %squeeze3A_198 = vector.extract %slice3A_197[0] : f32 from vector<1xf32>
    %scan3A_199 = arith.constant 0 : i32
    %scan3A_200 = arith.constant 0 : i32
    %scan3A_201 = arith.constant 64 : i32
    %scan3A_202 = arith.addi %scan3A_200, %scan3A_201 : i32
    %scan3A_203 = arith.constant 1 : i32
    scf.for %scan3A_777 = %scan3A_200 to %scan3A_202 step %scan3A_203  : i32 {
      %mul3A_778 = arith.constant 16 : i32
      %mul3A_779 = arith.muli %scan3A_777, %mul3A_778 : i32
      %get3A_780 = arith.constant 15 : i32
      %get3A_781 = arith.index_cast %get3A_780 : i32 to index
      %get3A_782 = arith.index_cast %mul3A_779 : i32 to index
      %get3A_783 = tpu.vector_load %arg10[%get3A_781, %get3A_782] {strides = array<i32>} : memref<16x1024xf32, #tpu.memory_space<vmem>>, vector<16xf32>,
      %mul3A_784 = vector.broadcast %squeeze3A_196 : f32 to vector<16xf32>
      %mul3A_785 = arith.mulf %get3A_783, %mul3A_784 : vector<16xf32>
      %mul3A_786 = arith.constant 16 : i32
      %mul3A_787 = arith.muli %scan3A_777, %mul3A_786 : i32
      %get3A_788 = arith.constant 15 : i32
      %get3A_789 = arith.index_cast %get3A_788 : i32 to index
      %get3A_790 = arith.index_cast %mul3A_787 : i32 to index
      %get3A_791 = tpu.vector_load %arg11[%get3A_789, %get3A_790] {strides = array<i32>} : memref<16x1024xf32, #tpu.memory_space<vmem>>, vector<16xf32>,
      %mul3A_792 = vector.broadcast %squeeze3A_198 : f32 to vector<16xf32>
      %mul3A_793 = arith.mulf %get3A_791, %mul3A_792 : vector<16xf32>
      %add3A_794 = arith.addf %mul3A_785, %mul3A_793 : vector<16xf32>
      %mul3A_795 = arith.constant 16 : i32
      %mul3A_796 = arith.muli %scan3A_777, %mul3A_795 : i32
      %swap3A = arith.constant 15 : i32
      %swap3A_797 = arith.index_cast %swap3A : i32 to index
      %swap3A_798 = arith.index_cast %mul3A_796 : i32 to index
      %swap3A_799 = tpu.vector_load %arg10[%swap3A_797, %swap3A_798] {strides = array<i32>} : memref<16x1024xf32, #tpu.memory_space<vmem>>, vector<16xf32>,
      tpu.vector_store %arg10[%swap3A_797, %swap3A_798], %add3A_794 {strides = array<i32>} : memref<16x1024xf32, #tpu.memory_space<vmem>>, vector<16xf32>,
    }
    %scan3A_204 = arith.constant 64 : i32
    %add3A_205 = arith.constant 0 : i32
    %add3A_206 = arith.addi %mul3A_2, %add3A_205 : i32
    %dma_start3A_207 = arith.constant 0 : i32
    %dma_start3A_208 = tpu.memref_slice %arg5[%add3A_206, %dma_start3A_207] : memref<2048x1024xf32, #tpu.memory_space<hbm>> -> memref<16x1024xf32, #tpu.memory_space<hbm>>
    %dma_start3A_209 = arith.constant 0 : i32
    %dma_start3A_210 = tpu.memref_slice %arg5[%add3A_206, %dma_start3A_209] : memref<2048x1024xf32, #tpu.memory_space<hbm>> -> memref<16x1024xf32, #tpu.memory_space<hbm>>
    tpu.enqueue_dma source(%arg10 : memref<16x1024xf32, #tpu.memory_space<vmem>>) target(%dma_start3A_210 : memref<16x1024xf32, #tpu.memory_space<hbm>>) target_semaphore(%arg16 : memref<!tpu.dma_semaphore, #tpu.memory_space<semaphore_mem>>)
    %dma_wait3A_211 = arith.constant 0 : i32
    %dma_wait3A_212 = tpu.memref_slice %arg5[%add3A_206, %dma_wait3A_211] : memref<2048x1024xf32, #tpu.memory_space<hbm>> -> memref<16x1024xf32, #tpu.memory_space<hbm>>
    %dma_wait3A_213 = arith.constant 0 : i32
    %dma_wait3A_214 = tpu.memref_slice %arg5[%add3A_206, %dma_wait3A_213] : memref<2048x1024xf32, #tpu.memory_space<hbm>> -> memref<16x1024xf32, #tpu.memory_space<hbm>>
    tpu.wait_dma2 semaphore(%arg16 : memref<!tpu.dma_semaphore, #tpu.memory_space<semaphore_mem>>) src(%arg10 : memref<16x1024xf32, #tpu.memory_space<vmem>>) dst(%dma_wait3A_214 : memref<16x1024xf32, #tpu.memory_space<hbm>>)
    %dma_start3A_215 = arith.constant 48 : i32
    %dma_start3A_216 = tpu.memref_slice %arg6[%dma_start3A_215] : memref<64xi32, #tpu.memory_space<vmem>> -> memref<16xi32, #tpu.memory_space<vmem>>
    %dma_start3A_217 = arith.constant 0 : i32
    %dma_start3A_218 = arith.constant 0 : i32
    %dma_start3A_219 = tpu.memref_slice %arg2[%dma_start3A_217, %dma_start3A_218] : memref<6144x1024xf32, #tpu.memory_space<hbm>> -> memref<6144x1024xf32, #tpu.memory_space<hbm>>
    tpu.enqueue_indirect_dma source(%dma_start3A_219 : memref<6144x1024xf32, #tpu.memory_space<hbm>>) target(%arg10 : memref<16x1024xf32, #tpu.memory_space<vmem>>) offsets(%dma_start3A_216 : memref<16xi32, #tpu.memory_space<vmem>>) semaphore(%arg16 : memref<!tpu.dma_semaphore, #tpu.memory_space<semaphore_mem>>)
    %dma_start3A_220 = arith.constant 48 : i32
    %dma_start3A_221 = tpu.memref_slice %arg7[%dma_start3A_220] : memref<64xi32, #tpu.memory_space<vmem>> -> memref<16xi32, #tpu.memory_space<vmem>>
    %dma_start3A_222 = arith.constant 0 : i32
    %dma_start3A_223 = arith.constant 0 : i32
    %dma_start3A_224 = tpu.memref_slice %arg2[%dma_start3A_222, %dma_start3A_223] : memref<6144x1024xf32, #tpu.memory_space<hbm>> -> memref<6144x1024xf32, #tpu.memory_space<hbm>>
    tpu.enqueue_indirect_dma source(%dma_start3A_224 : memref<6144x1024xf32, #tpu.memory_space<hbm>>) target(%arg11 : memref<16x1024xf32, #tpu.memory_space<vmem>>) offsets(%dma_start3A_221 : memref<16xi32, #tpu.memory_space<vmem>>) semaphore(%arg16 : memref<!tpu.dma_semaphore, #tpu.memory_space<semaphore_mem>>)
    %dma_wait3A_225 = arith.constant 16 : i32
    %dma_wait3A_226 = tpu.memref_slice %arg6[%dma_wait3A_225] : memref<64xi32, #tpu.memory_space<vmem>> -> memref<16xi32, #tpu.memory_space<vmem>>
    %dma_wait3A_227 = arith.constant 0 : i32
    %dma_wait3A_228 = arith.constant 0 : i32
    %dma_wait3A_229 = tpu.memref_slice %arg2[%dma_wait3A_227, %dma_wait3A_228] : memref<6144x1024xf32, #tpu.memory_space<hbm>> -> memref<6144x1024xf32, #tpu.memory_space<hbm>>
    tpu.wait_indirect_dma semaphore(%arg17 : memref<!tpu.dma_semaphore, #tpu.memory_space<semaphore_mem>>) src(%dma_wait3A_229 : memref<6144x1024xf32, #tpu.memory_space<hbm>>) dst(%arg12 : memref<16x1024xf32, #tpu.memory_space<vmem>>)
    %dma_wait3A_230 = arith.constant 16 : i32
    %dma_wait3A_231 = tpu.memref_slice %arg7[%dma_wait3A_230] : memref<64xi32, #tpu.memory_space<vmem>> -> memref<16xi32, #tpu.memory_space<vmem>>
    %dma_wait3A_232 = arith.constant 0 : i32
    %dma_wait3A_233 = arith.constant 0 : i32
    %dma_wait3A_234 = tpu.memref_slice %arg2[%dma_wait3A_232, %dma_wait3A_233] : memref<6144x1024xf32, #tpu.memory_space<hbm>> -> memref<6144x1024xf32, #tpu.memory_space<hbm>>
    tpu.wait_indirect_dma semaphore(%arg17 : memref<!tpu.dma_semaphore, #tpu.memory_space<semaphore_mem>>) src(%dma_wait3A_234 : memref<6144x1024xf32, #tpu.memory_space<hbm>>) dst(%arg13 : memref<16x1024xf32, #tpu.memory_space<vmem>>)
    %get3A_235 = arith.constant 16 : index
    %get3A_236 = tpu.vector_load %arg8[%get3A_235] {strides = array<i32>} : memref<64xf32, #tpu.memory_space<vmem>>, vector<16xf32>,
    %get3A_237 = arith.constant 16 : index
    %get3A_238 = tpu.vector_load %arg9[%get3A_237] {strides = array<i32>} : memref<64xf32, #tpu.memory_space<vmem>>, vector<16xf32>,
    %slice3A_239 = vector.extract_strided_slice %get3A_236 {offsets = [0], sizes = [1], strides = [1]} : vector<16xf32> to vector<1xf32>
    %squeeze3A_240 = vector.extract %slice3A_239[0] : f32 from vector<1xf32>
    %slice3A_241 = vector.extract_strided_slice %get3A_238 {offsets = [0], sizes = [1], strides = [1]} : vector<16xf32> to vector<1xf32>
    %squeeze3A_242 = vector.extract %slice3A_241[0] : f32 from vector<1xf32>
    %scan3A_243 = arith.constant 0 : i32
    %scan3A_244 = arith.constant 0 : i32
    %scan3A_245 = arith.constant 64 : i32
    %scan3A_246 = arith.addi %scan3A_244, %scan3A_245 : i32
    %scan3A_247 = arith.constant 1 : i32
    scf.for %scan3A_777 = %scan3A_244 to %scan3A_246 step %scan3A_247  : i32 {
      %mul3A_778 = arith.constant 16 : i32
      %mul3A_779 = arith.muli %scan3A_777, %mul3A_778 : i32
      %get3A_780 = arith.constant 0 : i32
      %get3A_781 = arith.index_cast %get3A_780 : i32 to index
      %get3A_782 = arith.index_cast %mul3A_779 : i32 to index
      %get3A_783 = tpu.vector_load %arg12[%get3A_781, %get3A_782] {strides = array<i32>} : memref<16x1024xf32, #tpu.memory_space<vmem>>, vector<16xf32>,
      %mul3A_784 = vector.broadcast %squeeze3A_240 : f32 to vector<16xf32>
      %mul3A_785 = arith.mulf %get3A_783, %mul3A_784 : vector<16xf32>
      %mul3A_786 = arith.constant 16 : i32
      %mul3A_787 = arith.muli %scan3A_777, %mul3A_786 : i32
      %get3A_788 = arith.constant 0 : i32
      %get3A_789 = arith.index_cast %get3A_788 : i32 to index
      %get3A_790 = arith.index_cast %mul3A_787 : i32 to index
      %get3A_791 = tpu.vector_load %arg13[%get3A_789, %get3A_790] {strides = array<i32>} : memref<16x1024xf32, #tpu.memory_space<vmem>>, vector<16xf32>,
      %mul3A_792 = vector.broadcast %squeeze3A_242 : f32 to vector<16xf32>
      %mul3A_793 = arith.mulf %get3A_791, %mul3A_792 : vector<16xf32>
      %add3A_794 = arith.addf %mul3A_785, %mul3A_793 : vector<16xf32>
      %mul3A_795 = arith.constant 16 : i32
      %mul3A_796 = arith.muli %scan3A_777, %mul3A_795 : i32
      %swap3A = arith.constant 0 : i32
      %swap3A_797 = arith.index_cast %swap3A : i32 to index
      %swap3A_798 = arith.index_cast %mul3A_796 : i32 to index
      %swap3A_799 = tpu.vector_load %arg12[%swap3A_797, %swap3A_798] {strides = array<i32>} : memref<16x1024xf32, #tpu.memory_space<vmem>>, vector<16xf32>,
      tpu.vector_store %arg12[%swap3A_797, %swap3A_798], %add3A_794 {strides = array<i32>} : memref<16x1024xf32, #tpu.memory_space<vmem>>, vector<16xf32>,
    }
    %scan3A_248 = arith.constant 64 : i32
    %slice3A_249 = vector.extract_strided_slice %get3A_236 {offsets = [1], sizes = [1], strides = [1]} : vector<16xf32> to vector<1xf32>
    %squeeze3A_250 = vector.extract %slice3A_249[0] : f32 from vector<1xf32>
    %slice3A_251 = vector.extract_strided_slice %get3A_238 {offsets = [1], sizes = [1], strides = [1]} : vector<16xf32> to vector<1xf32>
    %squeeze3A_252 = vector.extract %slice3A_251[0] : f32 from vector<1xf32>
    %scan3A_253 = arith.constant 0 : i32
    %scan3A_254 = arith.constant 0 : i32
    %scan3A_255 = arith.constant 64 : i32
    %scan3A_256 = arith.addi %scan3A_254, %scan3A_255 : i32
    %scan3A_257 = arith.constant 1 : i32
    scf.for %scan3A_777 = %scan3A_254 to %scan3A_256 step %scan3A_257  : i32 {
      %mul3A_778 = arith.constant 16 : i32
      %mul3A_779 = arith.muli %scan3A_777, %mul3A_778 : i32
      %get3A_780 = arith.constant 1 : i32
      %get3A_781 = arith.index_cast %get3A_780 : i32 to index
      %get3A_782 = arith.index_cast %mul3A_779 : i32 to index
      %get3A_783 = tpu.vector_load %arg12[%get3A_781, %get3A_782] {strides = array<i32>} : memref<16x1024xf32, #tpu.memory_space<vmem>>, vector<16xf32>,
      %mul3A_784 = vector.broadcast %squeeze3A_250 : f32 to vector<16xf32>
      %mul3A_785 = arith.mulf %get3A_783, %mul3A_784 : vector<16xf32>
      %mul3A_786 = arith.constant 16 : i32
      %mul3A_787 = arith.muli %scan3A_777, %mul3A_786 : i32
      %get3A_788 = arith.constant 1 : i32
      %get3A_789 = arith.index_cast %get3A_788 : i32 to index
      %get3A_790 = arith.index_cast %mul3A_787 : i32 to index
      %get3A_791 = tpu.vector_load %arg13[%get3A_789, %get3A_790] {strides = array<i32>} : memref<16x1024xf32, #tpu.memory_space<vmem>>, vector<16xf32>,
      %mul3A_792 = vector.broadcast %squeeze3A_252 : f32 to vector<16xf32>
      %mul3A_793 = arith.mulf %get3A_791, %mul3A_792 : vector<16xf32>
      %add3A_794 = arith.addf %mul3A_785, %mul3A_793 : vector<16xf32>
      %mul3A_795 = arith.constant 16 : i32
      %mul3A_796 = arith.muli %scan3A_777, %mul3A_795 : i32
      %swap3A = arith.constant 1 : i32
      %swap3A_797 = arith.index_cast %swap3A : i32 to index
      %swap3A_798 = arith.index_cast %mul3A_796 : i32 to index
      %swap3A_799 = tpu.vector_load %arg12[%swap3A_797, %swap3A_798] {strides = array<i32>} : memref<16x1024xf32, #tpu.memory_space<vmem>>, vector<16xf32>,
      tpu.vector_store %arg12[%swap3A_797, %swap3A_798], %add3A_794 {strides = array<i32>} : memref<16x1024xf32, #tpu.memory_space<vmem>>, vector<16xf32>,
    }
    %scan3A_258 = arith.constant 64 : i32
    %slice3A_259 = vector.extract_strided_slice %get3A_236 {offsets = [2], sizes = [1], strides = [1]} : vector<16xf32> to vector<1xf32>
    %squeeze3A_260 = vector.extract %slice3A_259[0] : f32 from vector<1xf32>
    %slice3A_261 = vector.extract_strided_slice %get3A_238 {offsets = [2], sizes = [1], strides = [1]} : vector<16xf32> to vector<1xf32>
    %squeeze3A_262 = vector.extract %slice3A_261[0] : f32 from vector<1xf32>
    %scan3A_263 = arith.constant 0 : i32
    %scan3A_264 = arith.constant 0 : i32
    %scan3A_265 = arith.constant 64 : i32
    %scan3A_266 = arith.addi %scan3A_264, %scan3A_265 : i32
    %scan3A_267 = arith.constant 1 : i32
    scf.for %scan3A_777 = %scan3A_264 to %scan3A_266 step %scan3A_267  : i32 {
      %mul3A_778 = arith.constant 16 : i32
      %mul3A_779 = arith.muli %scan3A_777, %mul3A_778 : i32
      %get3A_780 = arith.constant 2 : i32
      %get3A_781 = arith.index_cast %get3A_780 : i32 to index
      %get3A_782 = arith.index_cast %mul3A_779 : i32 to index
      %get3A_783 = tpu.vector_load %arg12[%get3A_781, %get3A_782] {strides = array<i32>} : memref<16x1024xf32, #tpu.memory_space<vmem>>, vector<16xf32>,
      %mul3A_784 = vector.broadcast %squeeze3A_260 : f32 to vector<16xf32>
      %mul3A_785 = arith.mulf %get3A_783, %mul3A_784 : vector<16xf32>
      %mul3A_786 = arith.constant 16 : i32
      %mul3A_787 = arith.muli %scan3A_777, %mul3A_786 : i32
      %get3A_788 = arith.constant 2 : i32
      %get3A_789 = arith.index_cast %get3A_788 : i32 to index
      %get3A_790 = arith.index_cast %mul3A_787 : i32 to index
      %get3A_791 = tpu.vector_load %arg13[%get3A_789, %get3A_790] {strides = array<i32>} : memref<16x1024xf32, #tpu.memory_space<vmem>>, vector<16xf32>,
      %mul3A_792 = vector.broadcast %squeeze3A_262 : f32 to vector<16xf32>
      %mul3A_793 = arith.mulf %get3A_791, %mul3A_792 : vector<16xf32>
      %add3A_794 = arith.addf %mul3A_785, %mul3A_793 : vector<16xf32>
      %mul3A_795 = arith.constant 16 : i32
      %mul3A_796 = arith.muli %scan3A_777, %mul3A_795 : i32
      %swap3A = arith.constant 2 : i32
      %swap3A_797 = arith.index_cast %swap3A : i32 to index
      %swap3A_798 = arith.index_cast %mul3A_796 : i32 to index
      %swap3A_799 = tpu.vector_load %arg12[%swap3A_797, %swap3A_798] {strides = array<i32>} : memref<16x1024xf32, #tpu.memory_space<vmem>>, vector<16xf32>,
      tpu.vector_store %arg12[%swap3A_797, %swap3A_798], %add3A_794 {strides = array<i32>} : memref<16x1024xf32, #tpu.memory_space<vmem>>, vector<16xf32>,
    }
    %scan3A_268 = arith.constant 64 : i32
    %slice3A_269 = vector.extract_strided_slice %get3A_236 {offsets = [3], sizes = [1], strides = [1]} : vector<16xf32> to vector<1xf32>
    %squeeze3A_270 = vector.extract %slice3A_269[0] : f32 from vector<1xf32>
    %slice3A_271 = vector.extract_strided_slice %get3A_238 {offsets = [3], sizes = [1], strides = [1]} : vector<16xf32> to vector<1xf32>
    %squeeze3A_272 = vector.extract %slice3A_271[0] : f32 from vector<1xf32>
    %scan3A_273 = arith.constant 0 : i32
    %scan3A_274 = arith.constant 0 : i32
    %scan3A_275 = arith.constant 64 : i32
    %scan3A_276 = arith.addi %scan3A_274, %scan3A_275 : i32
    %scan3A_277 = arith.constant 1 : i32
    scf.for %scan3A_777 = %scan3A_274 to %scan3A_276 step %scan3A_277  : i32 {
      %mul3A_778 = arith.constant 16 : i32
      %mul3A_779 = arith.muli %scan3A_777, %mul3A_778 : i32
      %get3A_780 = arith.constant 3 : i32
      %get3A_781 = arith.index_cast %get3A_780 : i32 to index
      %get3A_782 = arith.index_cast %mul3A_779 : i32 to index
      %get3A_783 = tpu.vector_load %arg12[%get3A_781, %get3A_782] {strides = array<i32>} : memref<16x1024xf32, #tpu.memory_space<vmem>>, vector<16xf32>,
      %mul3A_784 = vector.broadcast %squeeze3A_270 : f32 to vector<16xf32>
      %mul3A_785 = arith.mulf %get3A_783, %mul3A_784 : vector<16xf32>
      %mul3A_786 = arith.constant 16 : i32
      %mul3A_787 = arith.muli %scan3A_777, %mul3A_786 : i32
      %get3A_788 = arith.constant 3 : i32
      %get3A_789 = arith.index_cast %get3A_788 : i32 to index
      %get3A_790 = arith.index_cast %mul3A_787 : i32 to index
      %get3A_791 = tpu.vector_load %arg13[%get3A_789, %get3A_790] {strides = array<i32>} : memref<16x1024xf32, #tpu.memory_space<vmem>>, vector<16xf32>,
      %mul3A_792 = vector.broadcast %squeeze3A_272 : f32 to vector<16xf32>
      %mul3A_793 = arith.mulf %get3A_791, %mul3A_792 : vector<16xf32>
      %add3A_794 = arith.addf %mul3A_785, %mul3A_793 : vector<16xf32>
      %mul3A_795 = arith.constant 16 : i32
      %mul3A_796 = arith.muli %scan3A_777, %mul3A_795 : i32
      %swap3A = arith.constant 3 : i32
      %swap3A_797 = arith.index_cast %swap3A : i32 to index
      %swap3A_798 = arith.index_cast %mul3A_796 : i32 to index
      %swap3A_799 = tpu.vector_load %arg12[%swap3A_797, %swap3A_798] {strides = array<i32>} : memref<16x1024xf32, #tpu.memory_space<vmem>>, vector<16xf32>,
      tpu.vector_store %arg12[%swap3A_797, %swap3A_798], %add3A_794 {strides = array<i32>} : memref<16x1024xf32, #tpu.memory_space<vmem>>, vector<16xf32>,
    }
    %scan3A_278 = arith.constant 64 : i32
    %slice3A_279 = vector.extract_strided_slice %get3A_236 {offsets = [4], sizes = [1], strides = [1]} : vector<16xf32> to vector<1xf32>
    %squeeze3A_280 = vector.extract %slice3A_279[0] : f32 from vector<1xf32>
    %slice3A_281 = vector.extract_strided_slice %get3A_238 {offsets = [4], sizes = [1], strides = [1]} : vector<16xf32> to vector<1xf32>
    %squeeze3A_282 = vector.extract %slice3A_281[0] : f32 from vector<1xf32>
    %scan3A_283 = arith.constant 0 : i32
    %scan3A_284 = arith.constant 0 : i32
    %scan3A_285 = arith.constant 64 : i32
    %scan3A_286 = arith.addi %scan3A_284, %scan3A_285 : i32
    %scan3A_287 = arith.constant 1 : i32
    scf.for %scan3A_777 = %scan3A_284 to %scan3A_286 step %scan3A_287  : i32 {
      %mul3A_778 = arith.constant 16 : i32
      %mul3A_779 = arith.muli %scan3A_777, %mul3A_778 : i32
      %get3A_780 = arith.constant 4 : i32
      %get3A_781 = arith.index_cast %get3A_780 : i32 to index
      %get3A_782 = arith.index_cast %mul3A_779 : i32 to index
      %get3A_783 = tpu.vector_load %arg12[%get3A_781, %get3A_782] {strides = array<i32>} : memref<16x1024xf32, #tpu.memory_space<vmem>>, vector<16xf32>,
      %mul3A_784 = vector.broadcast %squeeze3A_280 : f32 to vector<16xf32>
      %mul3A_785 = arith.mulf %get3A_783, %mul3A_784 : vector<16xf32>
      %mul3A_786 = arith.constant 16 : i32
      %mul3A_787 = arith.muli %scan3A_777, %mul3A_786 : i32
      %get3A_788 = arith.constant 4 : i32
      %get3A_789 = arith.index_cast %get3A_788 : i32 to index
      %get3A_790 = arith.index_cast %mul3A_787 : i32 to index
      %get3A_791 = tpu.vector_load %arg13[%get3A_789, %get3A_790] {strides = array<i32>} : memref<16x1024xf32, #tpu.memory_space<vmem>>, vector<16xf32>,
      %mul3A_792 = vector.broadcast %squeeze3A_282 : f32 to vector<16xf32>
      %mul3A_793 = arith.mulf %get3A_791, %mul3A_792 : vector<16xf32>
      %add3A_794 = arith.addf %mul3A_785, %mul3A_793 : vector<16xf32>
      %mul3A_795 = arith.constant 16 : i32
      %mul3A_796 = arith.muli %scan3A_777, %mul3A_795 : i32
      %swap3A = arith.constant 4 : i32
      %swap3A_797 = arith.index_cast %swap3A : i32 to index
      %swap3A_798 = arith.index_cast %mul3A_796 : i32 to index
      %swap3A_799 = tpu.vector_load %arg12[%swap3A_797, %swap3A_798] {strides = array<i32>} : memref<16x1024xf32, #tpu.memory_space<vmem>>, vector<16xf32>,
      tpu.vector_store %arg12[%swap3A_797, %swap3A_798], %add3A_794 {strides = array<i32>} : memref<16x1024xf32, #tpu.memory_space<vmem>>, vector<16xf32>,
    }
    %scan3A_288 = arith.constant 64 : i32
    %slice3A_289 = vector.extract_strided_slice %get3A_236 {offsets = [5], sizes = [1], strides = [1]} : vector<16xf32> to vector<1xf32>
    %squeeze3A_290 = vector.extract %slice3A_289[0] : f32 from vector<1xf32>
    %slice3A_291 = vector.extract_strided_slice %get3A_238 {offsets = [5], sizes = [1], strides = [1]} : vector<16xf32> to vector<1xf32>
    %squeeze3A_292 = vector.extract %slice3A_291[0] : f32 from vector<1xf32>
    %scan3A_293 = arith.constant 0 : i32
    %scan3A_294 = arith.constant 0 : i32
    %scan3A_295 = arith.constant 64 : i32
    %scan3A_296 = arith.addi %scan3A_294, %scan3A_295 : i32
    %scan3A_297 = arith.constant 1 : i32
    scf.for %scan3A_777 = %scan3A_294 to %scan3A_296 step %scan3A_297  : i32 {
      %mul3A_778 = arith.constant 16 : i32
      %mul3A_779 = arith.muli %scan3A_777, %mul3A_778 : i32
      %get3A_780 = arith.constant 5 : i32
      %get3A_781 = arith.index_cast %get3A_780 : i32 to index
      %get3A_782 = arith.index_cast %mul3A_779 : i32 to index
      %get3A_783 = tpu.vector_load %arg12[%get3A_781, %get3A_782] {strides = array<i32>} : memref<16x1024xf32, #tpu.memory_space<vmem>>, vector<16xf32>,
      %mul3A_784 = vector.broadcast %squeeze3A_290 : f32 to vector<16xf32>
      %mul3A_785 = arith.mulf %get3A_783, %mul3A_784 : vector<16xf32>
      %mul3A_786 = arith.constant 16 : i32
      %mul3A_787 = arith.muli %scan3A_777, %mul3A_786 : i32
      %get3A_788 = arith.constant 5 : i32
      %get3A_789 = arith.index_cast %get3A_788 : i32 to index
      %get3A_790 = arith.index_cast %mul3A_787 : i32 to index
      %get3A_791 = tpu.vector_load %arg13[%get3A_789, %get3A_790] {strides = array<i32>} : memref<16x1024xf32, #tpu.memory_space<vmem>>, vector<16xf32>,
      %mul3A_792 = vector.broadcast %squeeze3A_292 : f32 to vector<16xf32>
      %mul3A_793 = arith.mulf %get3A_791, %mul3A_792 : vector<16xf32>
      %add3A_794 = arith.addf %mul3A_785, %mul3A_793 : vector<16xf32>
      %mul3A_795 = arith.constant 16 : i32
      %mul3A_796 = arith.muli %scan3A_777, %mul3A_795 : i32
      %swap3A = arith.constant 5 : i32
      %swap3A_797 = arith.index_cast %swap3A : i32 to index
      %swap3A_798 = arith.index_cast %mul3A_796 : i32 to index
      %swap3A_799 = tpu.vector_load %arg12[%swap3A_797, %swap3A_798] {strides = array<i32>} : memref<16x1024xf32, #tpu.memory_space<vmem>>, vector<16xf32>,
      tpu.vector_store %arg12[%swap3A_797, %swap3A_798], %add3A_794 {strides = array<i32>} : memref<16x1024xf32, #tpu.memory_space<vmem>>, vector<16xf32>,
    }
    %scan3A_298 = arith.constant 64 : i32
    %slice3A_299 = vector.extract_strided_slice %get3A_236 {offsets = [6], sizes = [1], strides = [1]} : vector<16xf32> to vector<1xf32>
    %squeeze3A_300 = vector.extract %slice3A_299[0] : f32 from vector<1xf32>
    %slice3A_301 = vector.extract_strided_slice %get3A_238 {offsets = [6], sizes = [1], strides = [1]} : vector<16xf32> to vector<1xf32>
    %squeeze3A_302 = vector.extract %slice3A_301[0] : f32 from vector<1xf32>
    %scan3A_303 = arith.constant 0 : i32
    %scan3A_304 = arith.constant 0 : i32
    %scan3A_305 = arith.constant 64 : i32
    %scan3A_306 = arith.addi %scan3A_304, %scan3A_305 : i32
    %scan3A_307 = arith.constant 1 : i32
    scf.for %scan3A_777 = %scan3A_304 to %scan3A_306 step %scan3A_307  : i32 {
      %mul3A_778 = arith.constant 16 : i32
      %mul3A_779 = arith.muli %scan3A_777, %mul3A_778 : i32
      %get3A_780 = arith.constant 6 : i32
      %get3A_781 = arith.index_cast %get3A_780 : i32 to index
      %get3A_782 = arith.index_cast %mul3A_779 : i32 to index
      %get3A_783 = tpu.vector_load %arg12[%get3A_781, %get3A_782] {strides = array<i32>} : memref<16x1024xf32, #tpu.memory_space<vmem>>, vector<16xf32>,
      %mul3A_784 = vector.broadcast %squeeze3A_300 : f32 to vector<16xf32>
      %mul3A_785 = arith.mulf %get3A_783, %mul3A_784 : vector<16xf32>
      %mul3A_786 = arith.constant 16 : i32
      %mul3A_787 = arith.muli %scan3A_777, %mul3A_786 : i32
      %get3A_788 = arith.constant 6 : i32
      %get3A_789 = arith.index_cast %get3A_788 : i32 to index
      %get3A_790 = arith.index_cast %mul3A_787 : i32 to index
      %get3A_791 = tpu.vector_load %arg13[%get3A_789, %get3A_790] {strides = array<i32>} : memref<16x1024xf32, #tpu.memory_space<vmem>>, vector<16xf32>,
      %mul3A_792 = vector.broadcast %squeeze3A_302 : f32 to vector<16xf32>
      %mul3A_793 = arith.mulf %get3A_791, %mul3A_792 : vector<16xf32>
      %add3A_794 = arith.addf %mul3A_785, %mul3A_793 : vector<16xf32>
      %mul3A_795 = arith.constant 16 : i32
      %mul3A_796 = arith.muli %scan3A_777, %mul3A_795 : i32
      %swap3A = arith.constant 6 : i32
      %swap3A_797 = arith.index_cast %swap3A : i32 to index
      %swap3A_798 = arith.index_cast %mul3A_796 : i32 to index
      %swap3A_799 = tpu.vector_load %arg12[%swap3A_797, %swap3A_798] {strides = array<i32>} : memref<16x1024xf32, #tpu.memory_space<vmem>>, vector<16xf32>,
      tpu.vector_store %arg12[%swap3A_797, %swap3A_798], %add3A_794 {strides = array<i32>} : memref<16x1024xf32, #tpu.memory_space<vmem>>, vector<16xf32>,
    }
    %scan3A_308 = arith.constant 64 : i32
    %slice3A_309 = vector.extract_strided_slice %get3A_236 {offsets = [7], sizes = [1], strides = [1]} : vector<16xf32> to vector<1xf32>
    %squeeze3A_310 = vector.extract %slice3A_309[0] : f32 from vector<1xf32>
    %slice3A_311 = vector.extract_strided_slice %get3A_238 {offsets = [7], sizes = [1], strides = [1]} : vector<16xf32> to vector<1xf32>
    %squeeze3A_312 = vector.extract %slice3A_311[0] : f32 from vector<1xf32>
    %scan3A_313 = arith.constant 0 : i32
    %scan3A_314 = arith.constant 0 : i32
    %scan3A_315 = arith.constant 64 : i32
    %scan3A_316 = arith.addi %scan3A_314, %scan3A_315 : i32
    %scan3A_317 = arith.constant 1 : i32
    scf.for %scan3A_777 = %scan3A_314 to %scan3A_316 step %scan3A_317  : i32 {
      %mul3A_778 = arith.constant 16 : i32
      %mul3A_779 = arith.muli %scan3A_777, %mul3A_778 : i32
      %get3A_780 = arith.constant 7 : i32
      %get3A_781 = arith.index_cast %get3A_780 : i32 to index
      %get3A_782 = arith.index_cast %mul3A_779 : i32 to index
      %get3A_783 = tpu.vector_load %arg12[%get3A_781, %get3A_782] {strides = array<i32>} : memref<16x1024xf32, #tpu.memory_space<vmem>>, vector<16xf32>,
      %mul3A_784 = vector.broadcast %squeeze3A_310 : f32 to vector<16xf32>
      %mul3A_785 = arith.mulf %get3A_783, %mul3A_784 : vector<16xf32>
      %mul3A_786 = arith.constant 16 : i32
      %mul3A_787 = arith.muli %scan3A_777, %mul3A_786 : i32
      %get3A_788 = arith.constant 7 : i32
      %get3A_789 = arith.index_cast %get3A_788 : i32 to index
      %get3A_790 = arith.index_cast %mul3A_787 : i32 to index
      %get3A_791 = tpu.vector_load %arg13[%get3A_789, %get3A_790] {strides = array<i32>} : memref<16x1024xf32, #tpu.memory_space<vmem>>, vector<16xf32>,
      %mul3A_792 = vector.broadcast %squeeze3A_312 : f32 to vector<16xf32>
      %mul3A_793 = arith.mulf %get3A_791, %mul3A_792 : vector<16xf32>
      %add3A_794 = arith.addf %mul3A_785, %mul3A_793 : vector<16xf32>
      %mul3A_795 = arith.constant 16 : i32
      %mul3A_796 = arith.muli %scan3A_777, %mul3A_795 : i32
      %swap3A = arith.constant 7 : i32
      %swap3A_797 = arith.index_cast %swap3A : i32 to index
      %swap3A_798 = arith.index_cast %mul3A_796 : i32 to index
      %swap3A_799 = tpu.vector_load %arg12[%swap3A_797, %swap3A_798] {strides = array<i32>} : memref<16x1024xf32, #tpu.memory_space<vmem>>, vector<16xf32>,
      tpu.vector_store %arg12[%swap3A_797, %swap3A_798], %add3A_794 {strides = array<i32>} : memref<16x1024xf32, #tpu.memory_space<vmem>>, vector<16xf32>,
    }
    %scan3A_318 = arith.constant 64 : i32
    %slice3A_319 = vector.extract_strided_slice %get3A_236 {offsets = [8], sizes = [1], strides = [1]} : vector<16xf32> to vector<1xf32>
    %squeeze3A_320 = vector.extract %slice3A_319[0] : f32 from vector<1xf32>
    %slice3A_321 = vector.extract_strided_slice %get3A_238 {offsets = [8], sizes = [1], strides = [1]} : vector<16xf32> to vector<1xf32>
    %squeeze3A_322 = vector.extract %slice3A_321[0] : f32 from vector<1xf32>
    %scan3A_323 = arith.constant 0 : i32
    %scan3A_324 = arith.constant 0 : i32
    %scan3A_325 = arith.constant 64 : i32
    %scan3A_326 = arith.addi %scan3A_324, %scan3A_325 : i32
    %scan3A_327 = arith.constant 1 : i32
    scf.for %scan3A_777 = %scan3A_324 to %scan3A_326 step %scan3A_327  : i32 {
      %mul3A_778 = arith.constant 16 : i32
      %mul3A_779 = arith.muli %scan3A_777, %mul3A_778 : i32
      %get3A_780 = arith.constant 8 : i32
      %get3A_781 = arith.index_cast %get3A_780 : i32 to index
      %get3A_782 = arith.index_cast %mul3A_779 : i32 to index
      %get3A_783 = tpu.vector_load %arg12[%get3A_781, %get3A_782] {strides = array<i32>} : memref<16x1024xf32, #tpu.memory_space<vmem>>, vector<16xf32>,
      %mul3A_784 = vector.broadcast %squeeze3A_320 : f32 to vector<16xf32>
      %mul3A_785 = arith.mulf %get3A_783, %mul3A_784 : vector<16xf32>
      %mul3A_786 = arith.constant 16 : i32
      %mul3A_787 = arith.muli %scan3A_777, %mul3A_786 : i32
      %get3A_788 = arith.constant 8 : i32
      %get3A_789 = arith.index_cast %get3A_788 : i32 to index
      %get3A_790 = arith.index_cast %mul3A_787 : i32 to index
      %get3A_791 = tpu.vector_load %arg13[%get3A_789, %get3A_790] {strides = array<i32>} : memref<16x1024xf32, #tpu.memory_space<vmem>>, vector<16xf32>,
      %mul3A_792 = vector.broadcast %squeeze3A_322 : f32 to vector<16xf32>
      %mul3A_793 = arith.mulf %get3A_791, %mul3A_792 : vector<16xf32>
      %add3A_794 = arith.addf %mul3A_785, %mul3A_793 : vector<16xf32>
      %mul3A_795 = arith.constant 16 : i32
      %mul3A_796 = arith.muli %scan3A_777, %mul3A_795 : i32
      %swap3A = arith.constant 8 : i32
      %swap3A_797 = arith.index_cast %swap3A : i32 to index
      %swap3A_798 = arith.index_cast %mul3A_796 : i32 to index
      %swap3A_799 = tpu.vector_load %arg12[%swap3A_797, %swap3A_798] {strides = array<i32>} : memref<16x1024xf32, #tpu.memory_space<vmem>>, vector<16xf32>,
      tpu.vector_store %arg12[%swap3A_797, %swap3A_798], %add3A_794 {strides = array<i32>} : memref<16x1024xf32, #tpu.memory_space<vmem>>, vector<16xf32>,
    }
    %scan3A_328 = arith.constant 64 : i32
    %slice3A_329 = vector.extract_strided_slice %get3A_236 {offsets = [9], sizes = [1], strides = [1]} : vector<16xf32> to vector<1xf32>
    %squeeze3A_330 = vector.extract %slice3A_329[0] : f32 from vector<1xf32>
    %slice3A_331 = vector.extract_strided_slice %get3A_238 {offsets = [9], sizes = [1], strides = [1]} : vector<16xf32> to vector<1xf32>
    %squeeze3A_332 = vector.extract %slice3A_331[0] : f32 from vector<1xf32>
    %scan3A_333 = arith.constant 0 : i32
    %scan3A_334 = arith.constant 0 : i32
    %scan3A_335 = arith.constant 64 : i32
    %scan3A_336 = arith.addi %scan3A_334, %scan3A_335 : i32
    %scan3A_337 = arith.constant 1 : i32
    scf.for %scan3A_777 = %scan3A_334 to %scan3A_336 step %scan3A_337  : i32 {
      %mul3A_778 = arith.constant 16 : i32
      %mul3A_779 = arith.muli %scan3A_777, %mul3A_778 : i32
      %get3A_780 = arith.constant 9 : i32
      %get3A_781 = arith.index_cast %get3A_780 : i32 to index
      %get3A_782 = arith.index_cast %mul3A_779 : i32 to index
      %get3A_783 = tpu.vector_load %arg12[%get3A_781, %get3A_782] {strides = array<i32>} : memref<16x1024xf32, #tpu.memory_space<vmem>>, vector<16xf32>,
      %mul3A_784 = vector.broadcast %squeeze3A_330 : f32 to vector<16xf32>
      %mul3A_785 = arith.mulf %get3A_783, %mul3A_784 : vector<16xf32>
      %mul3A_786 = arith.constant 16 : i32
      %mul3A_787 = arith.muli %scan3A_777, %mul3A_786 : i32
      %get3A_788 = arith.constant 9 : i32
      %get3A_789 = arith.index_cast %get3A_788 : i32 to index
      %get3A_790 = arith.index_cast %mul3A_787 : i32 to index
      %get3A_791 = tpu.vector_load %arg13[%get3A_789, %get3A_790] {strides = array<i32>} : memref<16x1024xf32, #tpu.memory_space<vmem>>, vector<16xf32>,
      %mul3A_792 = vector.broadcast %squeeze3A_332 : f32 to vector<16xf32>
      %mul3A_793 = arith.mulf %get3A_791, %mul3A_792 : vector<16xf32>
      %add3A_794 = arith.addf %mul3A_785, %mul3A_793 : vector<16xf32>
      %mul3A_795 = arith.constant 16 : i32
      %mul3A_796 = arith.muli %scan3A_777, %mul3A_795 : i32
      %swap3A = arith.constant 9 : i32
      %swap3A_797 = arith.index_cast %swap3A : i32 to index
      %swap3A_798 = arith.index_cast %mul3A_796 : i32 to index
      %swap3A_799 = tpu.vector_load %arg12[%swap3A_797, %swap3A_798] {strides = array<i32>} : memref<16x1024xf32, #tpu.memory_space<vmem>>, vector<16xf32>,
      tpu.vector_store %arg12[%swap3A_797, %swap3A_798], %add3A_794 {strides = array<i32>} : memref<16x1024xf32, #tpu.memory_space<vmem>>, vector<16xf32>,
    }
    %scan3A_338 = arith.constant 64 : i32
    %slice3A_339 = vector.extract_strided_slice %get3A_236 {offsets = [10], sizes = [1], strides = [1]} : vector<16xf32> to vector<1xf32>
    %squeeze3A_340 = vector.extract %slice3A_339[0] : f32 from vector<1xf32>
    %slice3A_341 = vector.extract_strided_slice %get3A_238 {offsets = [10], sizes = [1], strides = [1]} : vector<16xf32> to vector<1xf32>
    %squeeze3A_342 = vector.extract %slice3A_341[0] : f32 from vector<1xf32>
    %scan3A_343 = arith.constant 0 : i32
    %scan3A_344 = arith.constant 0 : i32
    %scan3A_345 = arith.constant 64 : i32
    %scan3A_346 = arith.addi %scan3A_344, %scan3A_345 : i32
    %scan3A_347 = arith.constant 1 : i32
    scf.for %scan3A_777 = %scan3A_344 to %scan3A_346 step %scan3A_347  : i32 {
      %mul3A_778 = arith.constant 16 : i32
      %mul3A_779 = arith.muli %scan3A_777, %mul3A_778 : i32
      %get3A_780 = arith.constant 10 : i32
      %get3A_781 = arith.index_cast %get3A_780 : i32 to index
      %get3A_782 = arith.index_cast %mul3A_779 : i32 to index
      %get3A_783 = tpu.vector_load %arg12[%get3A_781, %get3A_782] {strides = array<i32>} : memref<16x1024xf32, #tpu.memory_space<vmem>>, vector<16xf32>,
      %mul3A_784 = vector.broadcast %squeeze3A_340 : f32 to vector<16xf32>
      %mul3A_785 = arith.mulf %get3A_783, %mul3A_784 : vector<16xf32>
      %mul3A_786 = arith.constant 16 : i32
      %mul3A_787 = arith.muli %scan3A_777, %mul3A_786 : i32
      %get3A_788 = arith.constant 10 : i32
      %get3A_789 = arith.index_cast %get3A_788 : i32 to index
      %get3A_790 = arith.index_cast %mul3A_787 : i32 to index
      %get3A_791 = tpu.vector_load %arg13[%get3A_789, %get3A_790] {strides = array<i32>} : memref<16x1024xf32, #tpu.memory_space<vmem>>, vector<16xf32>,
      %mul3A_792 = vector.broadcast %squeeze3A_342 : f32 to vector<16xf32>
      %mul3A_793 = arith.mulf %get3A_791, %mul3A_792 : vector<16xf32>
      %add3A_794 = arith.addf %mul3A_785, %mul3A_793 : vector<16xf32>
      %mul3A_795 = arith.constant 16 : i32
      %mul3A_796 = arith.muli %scan3A_777, %mul3A_795 : i32
      %swap3A = arith.constant 10 : i32
      %swap3A_797 = arith.index_cast %swap3A : i32 to index
      %swap3A_798 = arith.index_cast %mul3A_796 : i32 to index
      %swap3A_799 = tpu.vector_load %arg12[%swap3A_797, %swap3A_798] {strides = array<i32>} : memref<16x1024xf32, #tpu.memory_space<vmem>>, vector<16xf32>,
      tpu.vector_store %arg12[%swap3A_797, %swap3A_798], %add3A_794 {strides = array<i32>} : memref<16x1024xf32, #tpu.memory_space<vmem>>, vector<16xf32>,
    }
    %scan3A_348 = arith.constant 64 : i32
    %slice3A_349 = vector.extract_strided_slice %get3A_236 {offsets = [11], sizes = [1], strides = [1]} : vector<16xf32> to vector<1xf32>
    %squeeze3A_350 = vector.extract %slice3A_349[0] : f32 from vector<1xf32>
    %slice3A_351 = vector.extract_strided_slice %get3A_238 {offsets = [11], sizes = [1], strides = [1]} : vector<16xf32> to vector<1xf32>
    %squeeze3A_352 = vector.extract %slice3A_351[0] : f32 from vector<1xf32>
    %scan3A_353 = arith.constant 0 : i32
    %scan3A_354 = arith.constant 0 : i32
    %scan3A_355 = arith.constant 64 : i32
    %scan3A_356 = arith.addi %scan3A_354, %scan3A_355 : i32
    %scan3A_357 = arith.constant 1 : i32
    scf.for %scan3A_777 = %scan3A_354 to %scan3A_356 step %scan3A_357  : i32 {
      %mul3A_778 = arith.constant 16 : i32
      %mul3A_779 = arith.muli %scan3A_777, %mul3A_778 : i32
      %get3A_780 = arith.constant 11 : i32
      %get3A_781 = arith.index_cast %get3A_780 : i32 to index
      %get3A_782 = arith.index_cast %mul3A_779 : i32 to index
      %get3A_783 = tpu.vector_load %arg12[%get3A_781, %get3A_782] {strides = array<i32>} : memref<16x1024xf32, #tpu.memory_space<vmem>>, vector<16xf32>,
      %mul3A_784 = vector.broadcast %squeeze3A_350 : f32 to vector<16xf32>
      %mul3A_785 = arith.mulf %get3A_783, %mul3A_784 : vector<16xf32>
      %mul3A_786 = arith.constant 16 : i32
      %mul3A_787 = arith.muli %scan3A_777, %mul3A_786 : i32
      %get3A_788 = arith.constant 11 : i32
      %get3A_789 = arith.index_cast %get3A_788 : i32 to index
      %get3A_790 = arith.index_cast %mul3A_787 : i32 to index
      %get3A_791 = tpu.vector_load %arg13[%get3A_789, %get3A_790] {strides = array<i32>} : memref<16x1024xf32, #tpu.memory_space<vmem>>, vector<16xf32>,
      %mul3A_792 = vector.broadcast %squeeze3A_352 : f32 to vector<16xf32>
      %mul3A_793 = arith.mulf %get3A_791, %mul3A_792 : vector<16xf32>
      %add3A_794 = arith.addf %mul3A_785, %mul3A_793 : vector<16xf32>
      %mul3A_795 = arith.constant 16 : i32
      %mul3A_796 = arith.muli %scan3A_777, %mul3A_795 : i32
      %swap3A = arith.constant 11 : i32
      %swap3A_797 = arith.index_cast %swap3A : i32 to index
      %swap3A_798 = arith.index_cast %mul3A_796 : i32 to index
      %swap3A_799 = tpu.vector_load %arg12[%swap3A_797, %swap3A_798] {strides = array<i32>} : memref<16x1024xf32, #tpu.memory_space<vmem>>, vector<16xf32>,
      tpu.vector_store %arg12[%swap3A_797, %swap3A_798], %add3A_794 {strides = array<i32>} : memref<16x1024xf32, #tpu.memory_space<vmem>>, vector<16xf32>,
    }
    %scan3A_358 = arith.constant 64 : i32
    %slice3A_359 = vector.extract_strided_slice %get3A_236 {offsets = [12], sizes = [1], strides = [1]} : vector<16xf32> to vector<1xf32>
    %squeeze3A_360 = vector.extract %slice3A_359[0] : f32 from vector<1xf32>
    %slice3A_361 = vector.extract_strided_slice %get3A_238 {offsets = [12], sizes = [1], strides = [1]} : vector<16xf32> to vector<1xf32>
    %squeeze3A_362 = vector.extract %slice3A_361[0] : f32 from vector<1xf32>
    %scan3A_363 = arith.constant 0 : i32
    %scan3A_364 = arith.constant 0 : i32
    %scan3A_365 = arith.constant 64 : i32
    %scan3A_366 = arith.addi %scan3A_364, %scan3A_365 : i32
    %scan3A_367 = arith.constant 1 : i32
    scf.for %scan3A_777 = %scan3A_364 to %scan3A_366 step %scan3A_367  : i32 {
      %mul3A_778 = arith.constant 16 : i32
      %mul3A_779 = arith.muli %scan3A_777, %mul3A_778 : i32
      %get3A_780 = arith.constant 12 : i32
      %get3A_781 = arith.index_cast %get3A_780 : i32 to index
      %get3A_782 = arith.index_cast %mul3A_779 : i32 to index
      %get3A_783 = tpu.vector_load %arg12[%get3A_781, %get3A_782] {strides = array<i32>} : memref<16x1024xf32, #tpu.memory_space<vmem>>, vector<16xf32>,
      %mul3A_784 = vector.broadcast %squeeze3A_360 : f32 to vector<16xf32>
      %mul3A_785 = arith.mulf %get3A_783, %mul3A_784 : vector<16xf32>
      %mul3A_786 = arith.constant 16 : i32
      %mul3A_787 = arith.muli %scan3A_777, %mul3A_786 : i32
      %get3A_788 = arith.constant 12 : i32
      %get3A_789 = arith.index_cast %get3A_788 : i32 to index
      %get3A_790 = arith.index_cast %mul3A_787 : i32 to index
      %get3A_791 = tpu.vector_load %arg13[%get3A_789, %get3A_790] {strides = array<i32>} : memref<16x1024xf32, #tpu.memory_space<vmem>>, vector<16xf32>,
      %mul3A_792 = vector.broadcast %squeeze3A_362 : f32 to vector<16xf32>
      %mul3A_793 = arith.mulf %get3A_791, %mul3A_792 : vector<16xf32>
      %add3A_794 = arith.addf %mul3A_785, %mul3A_793 : vector<16xf32>
      %mul3A_795 = arith.constant 16 : i32
      %mul3A_796 = arith.muli %scan3A_777, %mul3A_795 : i32
      %swap3A = arith.constant 12 : i32
      %swap3A_797 = arith.index_cast %swap3A : i32 to index
      %swap3A_798 = arith.index_cast %mul3A_796 : i32 to index
      %swap3A_799 = tpu.vector_load %arg12[%swap3A_797, %swap3A_798] {strides = array<i32>} : memref<16x1024xf32, #tpu.memory_space<vmem>>, vector<16xf32>,
      tpu.vector_store %arg12[%swap3A_797, %swap3A_798], %add3A_794 {strides = array<i32>} : memref<16x1024xf32, #tpu.memory_space<vmem>>, vector<16xf32>,
    }
    %scan3A_368 = arith.constant 64 : i32
    %slice3A_369 = vector.extract_strided_slice %get3A_236 {offsets = [13], sizes = [1], strides = [1]} : vector<16xf32> to vector<1xf32>
    %squeeze3A_370 = vector.extract %slice3A_369[0] : f32 from vector<1xf32>
    %slice3A_371 = vector.extract_strided_slice %get3A_238 {offsets = [13], sizes = [1], strides = [1]} : vector<16xf32> to vector<1xf32>
    %squeeze3A_372 = vector.extract %slice3A_371[0] : f32 from vector<1xf32>
    %scan3A_373 = arith.constant 0 : i32
    %scan3A_374 = arith.constant 0 : i32
    %scan3A_375 = arith.constant 64 : i32
    %scan3A_376 = arith.addi %scan3A_374, %scan3A_375 : i32
    %scan3A_377 = arith.constant 1 : i32
    scf.for %scan3A_777 = %scan3A_374 to %scan3A_376 step %scan3A_377  : i32 {
      %mul3A_778 = arith.constant 16 : i32
      %mul3A_779 = arith.muli %scan3A_777, %mul3A_778 : i32
      %get3A_780 = arith.constant 13 : i32
      %get3A_781 = arith.index_cast %get3A_780 : i32 to index
      %get3A_782 = arith.index_cast %mul3A_779 : i32 to index
      %get3A_783 = tpu.vector_load %arg12[%get3A_781, %get3A_782] {strides = array<i32>} : memref<16x1024xf32, #tpu.memory_space<vmem>>, vector<16xf32>,
      %mul3A_784 = vector.broadcast %squeeze3A_370 : f32 to vector<16xf32>
      %mul3A_785 = arith.mulf %get3A_783, %mul3A_784 : vector<16xf32>
      %mul3A_786 = arith.constant 16 : i32
      %mul3A_787 = arith.muli %scan3A_777, %mul3A_786 : i32
      %get3A_788 = arith.constant 13 : i32
      %get3A_789 = arith.index_cast %get3A_788 : i32 to index
      %get3A_790 = arith.index_cast %mul3A_787 : i32 to index
      %get3A_791 = tpu.vector_load %arg13[%get3A_789, %get3A_790] {strides = array<i32>} : memref<16x1024xf32, #tpu.memory_space<vmem>>, vector<16xf32>,
      %mul3A_792 = vector.broadcast %squeeze3A_372 : f32 to vector<16xf32>
      %mul3A_793 = arith.mulf %get3A_791, %mul3A_792 : vector<16xf32>
      %add3A_794 = arith.addf %mul3A_785, %mul3A_793 : vector<16xf32>
      %mul3A_795 = arith.constant 16 : i32
      %mul3A_796 = arith.muli %scan3A_777, %mul3A_795 : i32
      %swap3A = arith.constant 13 : i32
      %swap3A_797 = arith.index_cast %swap3A : i32 to index
      %swap3A_798 = arith.index_cast %mul3A_796 : i32 to index
      %swap3A_799 = tpu.vector_load %arg12[%swap3A_797, %swap3A_798] {strides = array<i32>} : memref<16x1024xf32, #tpu.memory_space<vmem>>, vector<16xf32>,
      tpu.vector_store %arg12[%swap3A_797, %swap3A_798], %add3A_794 {strides = array<i32>} : memref<16x1024xf32, #tpu.memory_space<vmem>>, vector<16xf32>,
    }
    %scan3A_378 = arith.constant 64 : i32
    %slice3A_379 = vector.extract_strided_slice %get3A_236 {offsets = [14], sizes = [1], strides = [1]} : vector<16xf32> to vector<1xf32>
    %squeeze3A_380 = vector.extract %slice3A_379[0] : f32 from vector<1xf32>
    %slice3A_381 = vector.extract_strided_slice %get3A_238 {offsets = [14], sizes = [1], strides = [1]} : vector<16xf32> to vector<1xf32>
    %squeeze3A_382 = vector.extract %slice3A_381[0] : f32 from vector<1xf32>
    %scan3A_383 = arith.constant 0 : i32
    %scan3A_384 = arith.constant 0 : i32
    %scan3A_385 = arith.constant 64 : i32
    %scan3A_386 = arith.addi %scan3A_384, %scan3A_385 : i32
    %scan3A_387 = arith.constant 1 : i32
    scf.for %scan3A_777 = %scan3A_384 to %scan3A_386 step %scan3A_387  : i32 {
      %mul3A_778 = arith.constant 16 : i32
      %mul3A_779 = arith.muli %scan3A_777, %mul3A_778 : i32
      %get3A_780 = arith.constant 14 : i32
      %get3A_781 = arith.index_cast %get3A_780 : i32 to index
      %get3A_782 = arith.index_cast %mul3A_779 : i32 to index
      %get3A_783 = tpu.vector_load %arg12[%get3A_781, %get3A_782] {strides = array<i32>} : memref<16x1024xf32, #tpu.memory_space<vmem>>, vector<16xf32>,
      %mul3A_784 = vector.broadcast %squeeze3A_380 : f32 to vector<16xf32>
      %mul3A_785 = arith.mulf %get3A_783, %mul3A_784 : vector<16xf32>
      %mul3A_786 = arith.constant 16 : i32
      %mul3A_787 = arith.muli %scan3A_777, %mul3A_786 : i32
      %get3A_788 = arith.constant 14 : i32
      %get3A_789 = arith.index_cast %get3A_788 : i32 to index
      %get3A_790 = arith.index_cast %mul3A_787 : i32 to index
      %get3A_791 = tpu.vector_load %arg13[%get3A_789, %get3A_790] {strides = array<i32>} : memref<16x1024xf32, #tpu.memory_space<vmem>>, vector<16xf32>,
      %mul3A_792 = vector.broadcast %squeeze3A_382 : f32 to vector<16xf32>
      %mul3A_793 = arith.mulf %get3A_791, %mul3A_792 : vector<16xf32>
      %add3A_794 = arith.addf %mul3A_785, %mul3A_793 : vector<16xf32>
      %mul3A_795 = arith.constant 16 : i32
      %mul3A_796 = arith.muli %scan3A_777, %mul3A_795 : i32
      %swap3A = arith.constant 14 : i32
      %swap3A_797 = arith.index_cast %swap3A : i32 to index
      %swap3A_798 = arith.index_cast %mul3A_796 : i32 to index
      %swap3A_799 = tpu.vector_load %arg12[%swap3A_797, %swap3A_798] {strides = array<i32>} : memref<16x1024xf32, #tpu.memory_space<vmem>>, vector<16xf32>,
      tpu.vector_store %arg12[%swap3A_797, %swap3A_798], %add3A_794 {strides = array<i32>} : memref<16x1024xf32, #tpu.memory_space<vmem>>, vector<16xf32>,
    }
    %scan3A_388 = arith.constant 64 : i32
    %slice3A_389 = vector.extract_strided_slice %get3A_236 {offsets = [15], sizes = [1], strides = [1]} : vector<16xf32> to vector<1xf32>
    %squeeze3A_390 = vector.extract %slice3A_389[0] : f32 from vector<1xf32>
    %slice3A_391 = vector.extract_strided_slice %get3A_238 {offsets = [15], sizes = [1], strides = [1]} : vector<16xf32> to vector<1xf32>
    %squeeze3A_392 = vector.extract %slice3A_391[0] : f32 from vector<1xf32>
    %scan3A_393 = arith.constant 0 : i32
    %scan3A_394 = arith.constant 0 : i32
    %scan3A_395 = arith.constant 64 : i32
    %scan3A_396 = arith.addi %scan3A_394, %scan3A_395 : i32
    %scan3A_397 = arith.constant 1 : i32
    scf.for %scan3A_777 = %scan3A_394 to %scan3A_396 step %scan3A_397  : i32 {
      %mul3A_778 = arith.constant 16 : i32
      %mul3A_779 = arith.muli %scan3A_777, %mul3A_778 : i32
      %get3A_780 = arith.constant 15 : i32
      %get3A_781 = arith.index_cast %get3A_780 : i32 to index
      %get3A_782 = arith.index_cast %mul3A_779 : i32 to index
      %get3A_783 = tpu.vector_load %arg12[%get3A_781, %get3A_782] {strides = array<i32>} : memref<16x1024xf32, #tpu.memory_space<vmem>>, vector<16xf32>,
      %mul3A_784 = vector.broadcast %squeeze3A_390 : f32 to vector<16xf32>
      %mul3A_785 = arith.mulf %get3A_783, %mul3A_784 : vector<16xf32>
      %mul3A_786 = arith.constant 16 : i32
      %mul3A_787 = arith.muli %scan3A_777, %mul3A_786 : i32
      %get3A_788 = arith.constant 15 : i32
      %get3A_789 = arith.index_cast %get3A_788 : i32 to index
      %get3A_790 = arith.index_cast %mul3A_787 : i32 to index
      %get3A_791 = tpu.vector_load %arg13[%get3A_789, %get3A_790] {strides = array<i32>} : memref<16x1024xf32, #tpu.memory_space<vmem>>, vector<16xf32>,
      %mul3A_792 = vector.broadcast %squeeze3A_392 : f32 to vector<16xf32>
      %mul3A_793 = arith.mulf %get3A_791, %mul3A_792 : vector<16xf32>
      %add3A_794 = arith.addf %mul3A_785, %mul3A_793 : vector<16xf32>
      %mul3A_795 = arith.constant 16 : i32
      %mul3A_796 = arith.muli %scan3A_777, %mul3A_795 : i32
      %swap3A = arith.constant 15 : i32
      %swap3A_797 = arith.index_cast %swap3A : i32 to index
      %swap3A_798 = arith.index_cast %mul3A_796 : i32 to index
      %swap3A_799 = tpu.vector_load %arg12[%swap3A_797, %swap3A_798] {strides = array<i32>} : memref<16x1024xf32, #tpu.memory_space<vmem>>, vector<16xf32>,
      tpu.vector_store %arg12[%swap3A_797, %swap3A_798], %add3A_794 {strides = array<i32>} : memref<16x1024xf32, #tpu.memory_space<vmem>>, vector<16xf32>,
    }
    %scan3A_398 = arith.constant 64 : i32
    %add3A_399 = arith.constant 16 : i32
    %add3A_400 = arith.addi %mul3A_2, %add3A_399 : i32
    %dma_start3A_401 = arith.constant 0 : i32
    %dma_start3A_402 = tpu.memref_slice %arg5[%add3A_400, %dma_start3A_401] : memref<2048x1024xf32, #tpu.memory_space<hbm>> -> memref<16x1024xf32, #tpu.memory_space<hbm>>
    %dma_start3A_403 = arith.constant 0 : i32
    %dma_start3A_404 = tpu.memref_slice %arg5[%add3A_400, %dma_start3A_403] : memref<2048x1024xf32, #tpu.memory_space<hbm>> -> memref<16x1024xf32, #tpu.memory_space<hbm>>
    tpu.enqueue_dma source(%arg12 : memref<16x1024xf32, #tpu.memory_space<vmem>>) target(%dma_start3A_404 : memref<16x1024xf32, #tpu.memory_space<hbm>>) target_semaphore(%arg17 : memref<!tpu.dma_semaphore, #tpu.memory_space<semaphore_mem>>)
    %dma_wait3A_405 = arith.constant 32 : i32
    %dma_wait3A_406 = tpu.memref_slice %arg6[%dma_wait3A_405] : memref<64xi32, #tpu.memory_space<vmem>> -> memref<16xi32, #tpu.memory_space<vmem>>
    %dma_wait3A_407 = arith.constant 0 : i32
    %dma_wait3A_408 = arith.constant 0 : i32
    %dma_wait3A_409 = tpu.memref_slice %arg2[%dma_wait3A_407, %dma_wait3A_408] : memref<6144x1024xf32, #tpu.memory_space<hbm>> -> memref<6144x1024xf32, #tpu.memory_space<hbm>>
    tpu.wait_indirect_dma semaphore(%arg18 : memref<!tpu.dma_semaphore, #tpu.memory_space<semaphore_mem>>) src(%dma_wait3A_409 : memref<6144x1024xf32, #tpu.memory_space<hbm>>) dst(%arg14 : memref<16x1024xf32, #tpu.memory_space<vmem>>)
    %dma_wait3A_410 = arith.constant 32 : i32
    %dma_wait3A_411 = tpu.memref_slice %arg7[%dma_wait3A_410] : memref<64xi32, #tpu.memory_space<vmem>> -> memref<16xi32, #tpu.memory_space<vmem>>
    %dma_wait3A_412 = arith.constant 0 : i32
    %dma_wait3A_413 = arith.constant 0 : i32
    %dma_wait3A_414 = tpu.memref_slice %arg2[%dma_wait3A_412, %dma_wait3A_413] : memref<6144x1024xf32, #tpu.memory_space<hbm>> -> memref<6144x1024xf32, #tpu.memory_space<hbm>>
    tpu.wait_indirect_dma semaphore(%arg18 : memref<!tpu.dma_semaphore, #tpu.memory_space<semaphore_mem>>) src(%dma_wait3A_414 : memref<6144x1024xf32, #tpu.memory_space<hbm>>) dst(%arg15 : memref<16x1024xf32, #tpu.memory_space<vmem>>)
    %get3A_415 = arith.constant 32 : index
    %get3A_416 = tpu.vector_load %arg8[%get3A_415] {strides = array<i32>} : memref<64xf32, #tpu.memory_space<vmem>>, vector<16xf32>,
    %get3A_417 = arith.constant 32 : index
    %get3A_418 = tpu.vector_load %arg9[%get3A_417] {strides = array<i32>} : memref<64xf32, #tpu.memory_space<vmem>>, vector<16xf32>,
    %slice3A_419 = vector.extract_strided_slice %get3A_416 {offsets = [0], sizes = [1], strides = [1]} : vector<16xf32> to vector<1xf32>
    %squeeze3A_420 = vector.extract %slice3A_419[0] : f32 from vector<1xf32>
    %slice3A_421 = vector.extract_strided_slice %get3A_418 {offsets = [0], sizes = [1], strides = [1]} : vector<16xf32> to vector<1xf32>
    %squeeze3A_422 = vector.extract %slice3A_421[0] : f32 from vector<1xf32>
    %scan3A_423 = arith.constant 0 : i32
    %scan3A_424 = arith.constant 0 : i32
    %scan3A_425 = arith.constant 64 : i32
    %scan3A_426 = arith.addi %scan3A_424, %scan3A_425 : i32
    %scan3A_427 = arith.constant 1 : i32
    scf.for %scan3A_777 = %scan3A_424 to %scan3A_426 step %scan3A_427  : i32 {
      %mul3A_778 = arith.constant 16 : i32
      %mul3A_779 = arith.muli %scan3A_777, %mul3A_778 : i32
      %get3A_780 = arith.constant 0 : i32
      %get3A_781 = arith.index_cast %get3A_780 : i32 to index
      %get3A_782 = arith.index_cast %mul3A_779 : i32 to index
      %get3A_783 = tpu.vector_load %arg14[%get3A_781, %get3A_782] {strides = array<i32>} : memref<16x1024xf32, #tpu.memory_space<vmem>>, vector<16xf32>,
      %mul3A_784 = vector.broadcast %squeeze3A_420 : f32 to vector<16xf32>
      %mul3A_785 = arith.mulf %get3A_783, %mul3A_784 : vector<16xf32>
      %mul3A_786 = arith.constant 16 : i32
      %mul3A_787 = arith.muli %scan3A_777, %mul3A_786 : i32
      %get3A_788 = arith.constant 0 : i32
      %get3A_789 = arith.index_cast %get3A_788 : i32 to index
      %get3A_790 = arith.index_cast %mul3A_787 : i32 to index
      %get3A_791 = tpu.vector_load %arg15[%get3A_789, %get3A_790] {strides = array<i32>} : memref<16x1024xf32, #tpu.memory_space<vmem>>, vector<16xf32>,
      %mul3A_792 = vector.broadcast %squeeze3A_422 : f32 to vector<16xf32>
      %mul3A_793 = arith.mulf %get3A_791, %mul3A_792 : vector<16xf32>
      %add3A_794 = arith.addf %mul3A_785, %mul3A_793 : vector<16xf32>
      %mul3A_795 = arith.constant 16 : i32
      %mul3A_796 = arith.muli %scan3A_777, %mul3A_795 : i32
      %swap3A = arith.constant 0 : i32
      %swap3A_797 = arith.index_cast %swap3A : i32 to index
      %swap3A_798 = arith.index_cast %mul3A_796 : i32 to index
      %swap3A_799 = tpu.vector_load %arg14[%swap3A_797, %swap3A_798] {strides = array<i32>} : memref<16x1024xf32, #tpu.memory_space<vmem>>, vector<16xf32>,
      tpu.vector_store %arg14[%swap3A_797, %swap3A_798], %add3A_794 {strides = array<i32>} : memref<16x1024xf32, #tpu.memory_space<vmem>>, vector<16xf32>,
    }
    %scan3A_428 = arith.constant 64 : i32
    %slice3A_429 = vector.extract_strided_slice %get3A_416 {offsets = [1], sizes = [1], strides = [1]} : vector<16xf32> to vector<1xf32>
    %squeeze3A_430 = vector.extract %slice3A_429[0] : f32 from vector<1xf32>
    %slice3A_431 = vector.extract_strided_slice %get3A_418 {offsets = [1], sizes = [1], strides = [1]} : vector<16xf32> to vector<1xf32>
    %squeeze3A_432 = vector.extract %slice3A_431[0] : f32 from vector<1xf32>
    %scan3A_433 = arith.constant 0 : i32
    %scan3A_434 = arith.constant 0 : i32
    %scan3A_435 = arith.constant 64 : i32
    %scan3A_436 = arith.addi %scan3A_434, %scan3A_435 : i32
    %scan3A_437 = arith.constant 1 : i32
    scf.for %scan3A_777 = %scan3A_434 to %scan3A_436 step %scan3A_437  : i32 {
      %mul3A_778 = arith.constant 16 : i32
      %mul3A_779 = arith.muli %scan3A_777, %mul3A_778 : i32
      %get3A_780 = arith.constant 1 : i32
      %get3A_781 = arith.index_cast %get3A_780 : i32 to index
      %get3A_782 = arith.index_cast %mul3A_779 : i32 to index
      %get3A_783 = tpu.vector_load %arg14[%get3A_781, %get3A_782] {strides = array<i32>} : memref<16x1024xf32, #tpu.memory_space<vmem>>, vector<16xf32>,
      %mul3A_784 = vector.broadcast %squeeze3A_430 : f32 to vector<16xf32>
      %mul3A_785 = arith.mulf %get3A_783, %mul3A_784 : vector<16xf32>
      %mul3A_786 = arith.constant 16 : i32
      %mul3A_787 = arith.muli %scan3A_777, %mul3A_786 : i32
      %get3A_788 = arith.constant 1 : i32
      %get3A_789 = arith.index_cast %get3A_788 : i32 to index
      %get3A_790 = arith.index_cast %mul3A_787 : i32 to index
      %get3A_791 = tpu.vector_load %arg15[%get3A_789, %get3A_790] {strides = array<i32>} : memref<16x1024xf32, #tpu.memory_space<vmem>>, vector<16xf32>,
      %mul3A_792 = vector.broadcast %squeeze3A_432 : f32 to vector<16xf32>
      %mul3A_793 = arith.mulf %get3A_791, %mul3A_792 : vector<16xf32>
      %add3A_794 = arith.addf %mul3A_785, %mul3A_793 : vector<16xf32>
      %mul3A_795 = arith.constant 16 : i32
      %mul3A_796 = arith.muli %scan3A_777, %mul3A_795 : i32
      %swap3A = arith.constant 1 : i32
      %swap3A_797 = arith.index_cast %swap3A : i32 to index
      %swap3A_798 = arith.index_cast %mul3A_796 : i32 to index
      %swap3A_799 = tpu.vector_load %arg14[%swap3A_797, %swap3A_798] {strides = array<i32>} : memref<16x1024xf32, #tpu.memory_space<vmem>>, vector<16xf32>,
      tpu.vector_store %arg14[%swap3A_797, %swap3A_798], %add3A_794 {strides = array<i32>} : memref<16x1024xf32, #tpu.memory_space<vmem>>, vector<16xf32>,
    }
    %scan3A_438 = arith.constant 64 : i32
    %slice3A_439 = vector.extract_strided_slice %get3A_416 {offsets = [2], sizes = [1], strides = [1]} : vector<16xf32> to vector<1xf32>
    %squeeze3A_440 = vector.extract %slice3A_439[0] : f32 from vector<1xf32>
    %slice3A_441 = vector.extract_strided_slice %get3A_418 {offsets = [2], sizes = [1], strides = [1]} : vector<16xf32> to vector<1xf32>
    %squeeze3A_442 = vector.extract %slice3A_441[0] : f32 from vector<1xf32>
    %scan3A_443 = arith.constant 0 : i32
    %scan3A_444 = arith.constant 0 : i32
    %scan3A_445 = arith.constant 64 : i32
    %scan3A_446 = arith.addi %scan3A_444, %scan3A_445 : i32
    %scan3A_447 = arith.constant 1 : i32
    scf.for %scan3A_777 = %scan3A_444 to %scan3A_446 step %scan3A_447  : i32 {
      %mul3A_778 = arith.constant 16 : i32
      %mul3A_779 = arith.muli %scan3A_777, %mul3A_778 : i32
      %get3A_780 = arith.constant 2 : i32
      %get3A_781 = arith.index_cast %get3A_780 : i32 to index
      %get3A_782 = arith.index_cast %mul3A_779 : i32 to index
      %get3A_783 = tpu.vector_load %arg14[%get3A_781, %get3A_782] {strides = array<i32>} : memref<16x1024xf32, #tpu.memory_space<vmem>>, vector<16xf32>,
      %mul3A_784 = vector.broadcast %squeeze3A_440 : f32 to vector<16xf32>
      %mul3A_785 = arith.mulf %get3A_783, %mul3A_784 : vector<16xf32>
      %mul3A_786 = arith.constant 16 : i32
      %mul3A_787 = arith.muli %scan3A_777, %mul3A_786 : i32
      %get3A_788 = arith.constant 2 : i32
      %get3A_789 = arith.index_cast %get3A_788 : i32 to index
      %get3A_790 = arith.index_cast %mul3A_787 : i32 to index
      %get3A_791 = tpu.vector_load %arg15[%get3A_789, %get3A_790] {strides = array<i32>} : memref<16x1024xf32, #tpu.memory_space<vmem>>, vector<16xf32>,
      %mul3A_792 = vector.broadcast %squeeze3A_442 : f32 to vector<16xf32>
      %mul3A_793 = arith.mulf %get3A_791, %mul3A_792 : vector<16xf32>
      %add3A_794 = arith.addf %mul3A_785, %mul3A_793 : vector<16xf32>
      %mul3A_795 = arith.constant 16 : i32
      %mul3A_796 = arith.muli %scan3A_777, %mul3A_795 : i32
      %swap3A = arith.constant 2 : i32
      %swap3A_797 = arith.index_cast %swap3A : i32 to index
      %swap3A_798 = arith.index_cast %mul3A_796 : i32 to index
      %swap3A_799 = tpu.vector_load %arg14[%swap3A_797, %swap3A_798] {strides = array<i32>} : memref<16x1024xf32, #tpu.memory_space<vmem>>, vector<16xf32>,
      tpu.vector_store %arg14[%swap3A_797, %swap3A_798], %add3A_794 {strides = array<i32>} : memref<16x1024xf32, #tpu.memory_space<vmem>>, vector<16xf32>,
    }
    %scan3A_448 = arith.constant 64 : i32
    %slice3A_449 = vector.extract_strided_slice %get3A_416 {offsets = [3], sizes = [1], strides = [1]} : vector<16xf32> to vector<1xf32>
    %squeeze3A_450 = vector.extract %slice3A_449[0] : f32 from vector<1xf32>
    %slice3A_451 = vector.extract_strided_slice %get3A_418 {offsets = [3], sizes = [1], strides = [1]} : vector<16xf32> to vector<1xf32>
    %squeeze3A_452 = vector.extract %slice3A_451[0] : f32 from vector<1xf32>
    %scan3A_453 = arith.constant 0 : i32
    %scan3A_454 = arith.constant 0 : i32
    %scan3A_455 = arith.constant 64 : i32
    %scan3A_456 = arith.addi %scan3A_454, %scan3A_455 : i32
    %scan3A_457 = arith.constant 1 : i32
    scf.for %scan3A_777 = %scan3A_454 to %scan3A_456 step %scan3A_457  : i32 {
      %mul3A_778 = arith.constant 16 : i32
      %mul3A_779 = arith.muli %scan3A_777, %mul3A_778 : i32
      %get3A_780 = arith.constant 3 : i32
      %get3A_781 = arith.index_cast %get3A_780 : i32 to index
      %get3A_782 = arith.index_cast %mul3A_779 : i32 to index
      %get3A_783 = tpu.vector_load %arg14[%get3A_781, %get3A_782] {strides = array<i32>} : memref<16x1024xf32, #tpu.memory_space<vmem>>, vector<16xf32>,
      %mul3A_784 = vector.broadcast %squeeze3A_450 : f32 to vector<16xf32>
      %mul3A_785 = arith.mulf %get3A_783, %mul3A_784 : vector<16xf32>
      %mul3A_786 = arith.constant 16 : i32
      %mul3A_787 = arith.muli %scan3A_777, %mul3A_786 : i32
      %get3A_788 = arith.constant 3 : i32
      %get3A_789 = arith.index_cast %get3A_788 : i32 to index
      %get3A_790 = arith.index_cast %mul3A_787 : i32 to index
      %get3A_791 = tpu.vector_load %arg15[%get3A_789, %get3A_790] {strides = array<i32>} : memref<16x1024xf32, #tpu.memory_space<vmem>>, vector<16xf32>,
      %mul3A_792 = vector.broadcast %squeeze3A_452 : f32 to vector<16xf32>
      %mul3A_793 = arith.mulf %get3A_791, %mul3A_792 : vector<16xf32>
      %add3A_794 = arith.addf %mul3A_785, %mul3A_793 : vector<16xf32>
      %mul3A_795 = arith.constant 16 : i32
      %mul3A_796 = arith.muli %scan3A_777, %mul3A_795 : i32
      %swap3A = arith.constant 3 : i32
      %swap3A_797 = arith.index_cast %swap3A : i32 to index
      %swap3A_798 = arith.index_cast %mul3A_796 : i32 to index
      %swap3A_799 = tpu.vector_load %arg14[%swap3A_797, %swap3A_798] {strides = array<i32>} : memref<16x1024xf32, #tpu.memory_space<vmem>>, vector<16xf32>,
      tpu.vector_store %arg14[%swap3A_797, %swap3A_798], %add3A_794 {strides = array<i32>} : memref<16x1024xf32, #tpu.memory_space<vmem>>, vector<16xf32>,
    }
    %scan3A_458 = arith.constant 64 : i32
    %slice3A_459 = vector.extract_strided_slice %get3A_416 {offsets = [4], sizes = [1], strides = [1]} : vector<16xf32> to vector<1xf32>
    %squeeze3A_460 = vector.extract %slice3A_459[0] : f32 from vector<1xf32>
    %slice3A_461 = vector.extract_strided_slice %get3A_418 {offsets = [4], sizes = [1], strides = [1]} : vector<16xf32> to vector<1xf32>
    %squeeze3A_462 = vector.extract %slice3A_461[0] : f32 from vector<1xf32>
    %scan3A_463 = arith.constant 0 : i32
    %scan3A_464 = arith.constant 0 : i32
    %scan3A_465 = arith.constant 64 : i32
    %scan3A_466 = arith.addi %scan3A_464, %scan3A_465 : i32
    %scan3A_467 = arith.constant 1 : i32
    scf.for %scan3A_777 = %scan3A_464 to %scan3A_466 step %scan3A_467  : i32 {
      %mul3A_778 = arith.constant 16 : i32
      %mul3A_779 = arith.muli %scan3A_777, %mul3A_778 : i32
      %get3A_780 = arith.constant 4 : i32
      %get3A_781 = arith.index_cast %get3A_780 : i32 to index
      %get3A_782 = arith.index_cast %mul3A_779 : i32 to index
      %get3A_783 = tpu.vector_load %arg14[%get3A_781, %get3A_782] {strides = array<i32>} : memref<16x1024xf32, #tpu.memory_space<vmem>>, vector<16xf32>,
      %mul3A_784 = vector.broadcast %squeeze3A_460 : f32 to vector<16xf32>
      %mul3A_785 = arith.mulf %get3A_783, %mul3A_784 : vector<16xf32>
      %mul3A_786 = arith.constant 16 : i32
      %mul3A_787 = arith.muli %scan3A_777, %mul3A_786 : i32
      %get3A_788 = arith.constant 4 : i32
      %get3A_789 = arith.index_cast %get3A_788 : i32 to index
      %get3A_790 = arith.index_cast %mul3A_787 : i32 to index
      %get3A_791 = tpu.vector_load %arg15[%get3A_789, %get3A_790] {strides = array<i32>} : memref<16x1024xf32, #tpu.memory_space<vmem>>, vector<16xf32>,
      %mul3A_792 = vector.broadcast %squeeze3A_462 : f32 to vector<16xf32>
      %mul3A_793 = arith.mulf %get3A_791, %mul3A_792 : vector<16xf32>
      %add3A_794 = arith.addf %mul3A_785, %mul3A_793 : vector<16xf32>
      %mul3A_795 = arith.constant 16 : i32
      %mul3A_796 = arith.muli %scan3A_777, %mul3A_795 : i32
      %swap3A = arith.constant 4 : i32
      %swap3A_797 = arith.index_cast %swap3A : i32 to index
      %swap3A_798 = arith.index_cast %mul3A_796 : i32 to index
      %swap3A_799 = tpu.vector_load %arg14[%swap3A_797, %swap3A_798] {strides = array<i32>} : memref<16x1024xf32, #tpu.memory_space<vmem>>, vector<16xf32>,
      tpu.vector_store %arg14[%swap3A_797, %swap3A_798], %add3A_794 {strides = array<i32>} : memref<16x1024xf32, #tpu.memory_space<vmem>>, vector<16xf32>,
    }
    %scan3A_468 = arith.constant 64 : i32
    %slice3A_469 = vector.extract_strided_slice %get3A_416 {offsets = [5], sizes = [1], strides = [1]} : vector<16xf32> to vector<1xf32>
    %squeeze3A_470 = vector.extract %slice3A_469[0] : f32 from vector<1xf32>
    %slice3A_471 = vector.extract_strided_slice %get3A_418 {offsets = [5], sizes = [1], strides = [1]} : vector<16xf32> to vector<1xf32>
    %squeeze3A_472 = vector.extract %slice3A_471[0] : f32 from vector<1xf32>
    %scan3A_473 = arith.constant 0 : i32
    %scan3A_474 = arith.constant 0 : i32
    %scan3A_475 = arith.constant 64 : i32
    %scan3A_476 = arith.addi %scan3A_474, %scan3A_475 : i32
    %scan3A_477 = arith.constant 1 : i32
    scf.for %scan3A_777 = %scan3A_474 to %scan3A_476 step %scan3A_477  : i32 {
      %mul3A_778 = arith.constant 16 : i32
      %mul3A_779 = arith.muli %scan3A_777, %mul3A_778 : i32
      %get3A_780 = arith.constant 5 : i32
      %get3A_781 = arith.index_cast %get3A_780 : i32 to index
      %get3A_782 = arith.index_cast %mul3A_779 : i32 to index
      %get3A_783 = tpu.vector_load %arg14[%get3A_781, %get3A_782] {strides = array<i32>} : memref<16x1024xf32, #tpu.memory_space<vmem>>, vector<16xf32>,
      %mul3A_784 = vector.broadcast %squeeze3A_470 : f32 to vector<16xf32>
      %mul3A_785 = arith.mulf %get3A_783, %mul3A_784 : vector<16xf32>
      %mul3A_786 = arith.constant 16 : i32
      %mul3A_787 = arith.muli %scan3A_777, %mul3A_786 : i32
      %get3A_788 = arith.constant 5 : i32
      %get3A_789 = arith.index_cast %get3A_788 : i32 to index
      %get3A_790 = arith.index_cast %mul3A_787 : i32 to index
      %get3A_791 = tpu.vector_load %arg15[%get3A_789, %get3A_790] {strides = array<i32>} : memref<16x1024xf32, #tpu.memory_space<vmem>>, vector<16xf32>,
      %mul3A_792 = vector.broadcast %squeeze3A_472 : f32 to vector<16xf32>
      %mul3A_793 = arith.mulf %get3A_791, %mul3A_792 : vector<16xf32>
      %add3A_794 = arith.addf %mul3A_785, %mul3A_793 : vector<16xf32>
      %mul3A_795 = arith.constant 16 : i32
      %mul3A_796 = arith.muli %scan3A_777, %mul3A_795 : i32
      %swap3A = arith.constant 5 : i32
      %swap3A_797 = arith.index_cast %swap3A : i32 to index
      %swap3A_798 = arith.index_cast %mul3A_796 : i32 to index
      %swap3A_799 = tpu.vector_load %arg14[%swap3A_797, %swap3A_798] {strides = array<i32>} : memref<16x1024xf32, #tpu.memory_space<vmem>>, vector<16xf32>,
      tpu.vector_store %arg14[%swap3A_797, %swap3A_798], %add3A_794 {strides = array<i32>} : memref<16x1024xf32, #tpu.memory_space<vmem>>, vector<16xf32>,
    }
    %scan3A_478 = arith.constant 64 : i32
    %slice3A_479 = vector.extract_strided_slice %get3A_416 {offsets = [6], sizes = [1], strides = [1]} : vector<16xf32> to vector<1xf32>
    %squeeze3A_480 = vector.extract %slice3A_479[0] : f32 from vector<1xf32>
    %slice3A_481 = vector.extract_strided_slice %get3A_418 {offsets = [6], sizes = [1], strides = [1]} : vector<16xf32> to vector<1xf32>
    %squeeze3A_482 = vector.extract %slice3A_481[0] : f32 from vector<1xf32>
    %scan3A_483 = arith.constant 0 : i32
    %scan3A_484 = arith.constant 0 : i32
    %scan3A_485 = arith.constant 64 : i32
    %scan3A_486 = arith.addi %scan3A_484, %scan3A_485 : i32
    %scan3A_487 = arith.constant 1 : i32
    scf.for %scan3A_777 = %scan3A_484 to %scan3A_486 step %scan3A_487  : i32 {
      %mul3A_778 = arith.constant 16 : i32
      %mul3A_779 = arith.muli %scan3A_777, %mul3A_778 : i32
      %get3A_780 = arith.constant 6 : i32
      %get3A_781 = arith.index_cast %get3A_780 : i32 to index
      %get3A_782 = arith.index_cast %mul3A_779 : i32 to index
      %get3A_783 = tpu.vector_load %arg14[%get3A_781, %get3A_782] {strides = array<i32>} : memref<16x1024xf32, #tpu.memory_space<vmem>>, vector<16xf32>,
      %mul3A_784 = vector.broadcast %squeeze3A_480 : f32 to vector<16xf32>
      %mul3A_785 = arith.mulf %get3A_783, %mul3A_784 : vector<16xf32>
      %mul3A_786 = arith.constant 16 : i32
      %mul3A_787 = arith.muli %scan3A_777, %mul3A_786 : i32
      %get3A_788 = arith.constant 6 : i32
      %get3A_789 = arith.index_cast %get3A_788 : i32 to index
      %get3A_790 = arith.index_cast %mul3A_787 : i32 to index
      %get3A_791 = tpu.vector_load %arg15[%get3A_789, %get3A_790] {strides = array<i32>} : memref<16x1024xf32, #tpu.memory_space<vmem>>, vector<16xf32>,
      %mul3A_792 = vector.broadcast %squeeze3A_482 : f32 to vector<16xf32>
      %mul3A_793 = arith.mulf %get3A_791, %mul3A_792 : vector<16xf32>
      %add3A_794 = arith.addf %mul3A_785, %mul3A_793 : vector<16xf32>
      %mul3A_795 = arith.constant 16 : i32
      %mul3A_796 = arith.muli %scan3A_777, %mul3A_795 : i32
      %swap3A = arith.constant 6 : i32
      %swap3A_797 = arith.index_cast %swap3A : i32 to index
      %swap3A_798 = arith.index_cast %mul3A_796 : i32 to index
      %swap3A_799 = tpu.vector_load %arg14[%swap3A_797, %swap3A_798] {strides = array<i32>} : memref<16x1024xf32, #tpu.memory_space<vmem>>, vector<16xf32>,
      tpu.vector_store %arg14[%swap3A_797, %swap3A_798], %add3A_794 {strides = array<i32>} : memref<16x1024xf32, #tpu.memory_space<vmem>>, vector<16xf32>,
    }
    %scan3A_488 = arith.constant 64 : i32
    %slice3A_489 = vector.extract_strided_slice %get3A_416 {offsets = [7], sizes = [1], strides = [1]} : vector<16xf32> to vector<1xf32>
    %squeeze3A_490 = vector.extract %slice3A_489[0] : f32 from vector<1xf32>
    %slice3A_491 = vector.extract_strided_slice %get3A_418 {offsets = [7], sizes = [1], strides = [1]} : vector<16xf32> to vector<1xf32>
    %squeeze3A_492 = vector.extract %slice3A_491[0] : f32 from vector<1xf32>
    %scan3A_493 = arith.constant 0 : i32
    %scan3A_494 = arith.constant 0 : i32
    %scan3A_495 = arith.constant 64 : i32
    %scan3A_496 = arith.addi %scan3A_494, %scan3A_495 : i32
    %scan3A_497 = arith.constant 1 : i32
    scf.for %scan3A_777 = %scan3A_494 to %scan3A_496 step %scan3A_497  : i32 {
      %mul3A_778 = arith.constant 16 : i32
      %mul3A_779 = arith.muli %scan3A_777, %mul3A_778 : i32
      %get3A_780 = arith.constant 7 : i32
      %get3A_781 = arith.index_cast %get3A_780 : i32 to index
      %get3A_782 = arith.index_cast %mul3A_779 : i32 to index
      %get3A_783 = tpu.vector_load %arg14[%get3A_781, %get3A_782] {strides = array<i32>} : memref<16x1024xf32, #tpu.memory_space<vmem>>, vector<16xf32>,
      %mul3A_784 = vector.broadcast %squeeze3A_490 : f32 to vector<16xf32>
      %mul3A_785 = arith.mulf %get3A_783, %mul3A_784 : vector<16xf32>
      %mul3A_786 = arith.constant 16 : i32
      %mul3A_787 = arith.muli %scan3A_777, %mul3A_786 : i32
      %get3A_788 = arith.constant 7 : i32
      %get3A_789 = arith.index_cast %get3A_788 : i32 to index
      %get3A_790 = arith.index_cast %mul3A_787 : i32 to index
      %get3A_791 = tpu.vector_load %arg15[%get3A_789, %get3A_790] {strides = array<i32>} : memref<16x1024xf32, #tpu.memory_space<vmem>>, vector<16xf32>,
      %mul3A_792 = vector.broadcast %squeeze3A_492 : f32 to vector<16xf32>
      %mul3A_793 = arith.mulf %get3A_791, %mul3A_792 : vector<16xf32>
      %add3A_794 = arith.addf %mul3A_785, %mul3A_793 : vector<16xf32>
      %mul3A_795 = arith.constant 16 : i32
      %mul3A_796 = arith.muli %scan3A_777, %mul3A_795 : i32
      %swap3A = arith.constant 7 : i32
      %swap3A_797 = arith.index_cast %swap3A : i32 to index
      %swap3A_798 = arith.index_cast %mul3A_796 : i32 to index
      %swap3A_799 = tpu.vector_load %arg14[%swap3A_797, %swap3A_798] {strides = array<i32>} : memref<16x1024xf32, #tpu.memory_space<vmem>>, vector<16xf32>,
      tpu.vector_store %arg14[%swap3A_797, %swap3A_798], %add3A_794 {strides = array<i32>} : memref<16x1024xf32, #tpu.memory_space<vmem>>, vector<16xf32>,
    }
    %scan3A_498 = arith.constant 64 : i32
    %slice3A_499 = vector.extract_strided_slice %get3A_416 {offsets = [8], sizes = [1], strides = [1]} : vector<16xf32> to vector<1xf32>
    %squeeze3A_500 = vector.extract %slice3A_499[0] : f32 from vector<1xf32>
    %slice3A_501 = vector.extract_strided_slice %get3A_418 {offsets = [8], sizes = [1], strides = [1]} : vector<16xf32> to vector<1xf32>
    %squeeze3A_502 = vector.extract %slice3A_501[0] : f32 from vector<1xf32>
    %scan3A_503 = arith.constant 0 : i32
    %scan3A_504 = arith.constant 0 : i32
    %scan3A_505 = arith.constant 64 : i32
    %scan3A_506 = arith.addi %scan3A_504, %scan3A_505 : i32
    %scan3A_507 = arith.constant 1 : i32
    scf.for %scan3A_777 = %scan3A_504 to %scan3A_506 step %scan3A_507  : i32 {
      %mul3A_778 = arith.constant 16 : i32
      %mul3A_779 = arith.muli %scan3A_777, %mul3A_778 : i32
      %get3A_780 = arith.constant 8 : i32
      %get3A_781 = arith.index_cast %get3A_780 : i32 to index
      %get3A_782 = arith.index_cast %mul3A_779 : i32 to index
      %get3A_783 = tpu.vector_load %arg14[%get3A_781, %get3A_782] {strides = array<i32>} : memref<16x1024xf32, #tpu.memory_space<vmem>>, vector<16xf32>,
      %mul3A_784 = vector.broadcast %squeeze3A_500 : f32 to vector<16xf32>
      %mul3A_785 = arith.mulf %get3A_783, %mul3A_784 : vector<16xf32>
      %mul3A_786 = arith.constant 16 : i32
      %mul3A_787 = arith.muli %scan3A_777, %mul3A_786 : i32
      %get3A_788 = arith.constant 8 : i32
      %get3A_789 = arith.index_cast %get3A_788 : i32 to index
      %get3A_790 = arith.index_cast %mul3A_787 : i32 to index
      %get3A_791 = tpu.vector_load %arg15[%get3A_789, %get3A_790] {strides = array<i32>} : memref<16x1024xf32, #tpu.memory_space<vmem>>, vector<16xf32>,
      %mul3A_792 = vector.broadcast %squeeze3A_502 : f32 to vector<16xf32>
      %mul3A_793 = arith.mulf %get3A_791, %mul3A_792 : vector<16xf32>
      %add3A_794 = arith.addf %mul3A_785, %mul3A_793 : vector<16xf32>
      %mul3A_795 = arith.constant 16 : i32
      %mul3A_796 = arith.muli %scan3A_777, %mul3A_795 : i32
      %swap3A = arith.constant 8 : i32
      %swap3A_797 = arith.index_cast %swap3A : i32 to index
      %swap3A_798 = arith.index_cast %mul3A_796 : i32 to index
      %swap3A_799 = tpu.vector_load %arg14[%swap3A_797, %swap3A_798] {strides = array<i32>} : memref<16x1024xf32, #tpu.memory_space<vmem>>, vector<16xf32>,
      tpu.vector_store %arg14[%swap3A_797, %swap3A_798], %add3A_794 {strides = array<i32>} : memref<16x1024xf32, #tpu.memory_space<vmem>>, vector<16xf32>,
    }
    %scan3A_508 = arith.constant 64 : i32
    %slice3A_509 = vector.extract_strided_slice %get3A_416 {offsets = [9], sizes = [1], strides = [1]} : vector<16xf32> to vector<1xf32>
    %squeeze3A_510 = vector.extract %slice3A_509[0] : f32 from vector<1xf32>
    %slice3A_511 = vector.extract_strided_slice %get3A_418 {offsets = [9], sizes = [1], strides = [1]} : vector<16xf32> to vector<1xf32>
    %squeeze3A_512 = vector.extract %slice3A_511[0] : f32 from vector<1xf32>
    %scan3A_513 = arith.constant 0 : i32
    %scan3A_514 = arith.constant 0 : i32
    %scan3A_515 = arith.constant 64 : i32
    %scan3A_516 = arith.addi %scan3A_514, %scan3A_515 : i32
    %scan3A_517 = arith.constant 1 : i32
    scf.for %scan3A_777 = %scan3A_514 to %scan3A_516 step %scan3A_517  : i32 {
      %mul3A_778 = arith.constant 16 : i32
      %mul3A_779 = arith.muli %scan3A_777, %mul3A_778 : i32
      %get3A_780 = arith.constant 9 : i32
      %get3A_781 = arith.index_cast %get3A_780 : i32 to index
      %get3A_782 = arith.index_cast %mul3A_779 : i32 to index
      %get3A_783 = tpu.vector_load %arg14[%get3A_781, %get3A_782] {strides = array<i32>} : memref<16x1024xf32, #tpu.memory_space<vmem>>, vector<16xf32>,
      %mul3A_784 = vector.broadcast %squeeze3A_510 : f32 to vector<16xf32>
      %mul3A_785 = arith.mulf %get3A_783, %mul3A_784 : vector<16xf32>
      %mul3A_786 = arith.constant 16 : i32
      %mul3A_787 = arith.muli %scan3A_777, %mul3A_786 : i32
      %get3A_788 = arith.constant 9 : i32
      %get3A_789 = arith.index_cast %get3A_788 : i32 to index
      %get3A_790 = arith.index_cast %mul3A_787 : i32 to index
      %get3A_791 = tpu.vector_load %arg15[%get3A_789, %get3A_790] {strides = array<i32>} : memref<16x1024xf32, #tpu.memory_space<vmem>>, vector<16xf32>,
      %mul3A_792 = vector.broadcast %squeeze3A_512 : f32 to vector<16xf32>
      %mul3A_793 = arith.mulf %get3A_791, %mul3A_792 : vector<16xf32>
      %add3A_794 = arith.addf %mul3A_785, %mul3A_793 : vector<16xf32>
      %mul3A_795 = arith.constant 16 : i32
      %mul3A_796 = arith.muli %scan3A_777, %mul3A_795 : i32
      %swap3A = arith.constant 9 : i32
      %swap3A_797 = arith.index_cast %swap3A : i32 to index
      %swap3A_798 = arith.index_cast %mul3A_796 : i32 to index
      %swap3A_799 = tpu.vector_load %arg14[%swap3A_797, %swap3A_798] {strides = array<i32>} : memref<16x1024xf32, #tpu.memory_space<vmem>>, vector<16xf32>,
      tpu.vector_store %arg14[%swap3A_797, %swap3A_798], %add3A_794 {strides = array<i32>} : memref<16x1024xf32, #tpu.memory_space<vmem>>, vector<16xf32>,
    }
    %scan3A_518 = arith.constant 64 : i32
    %slice3A_519 = vector.extract_strided_slice %get3A_416 {offsets = [10], sizes = [1], strides = [1]} : vector<16xf32> to vector<1xf32>
    %squeeze3A_520 = vector.extract %slice3A_519[0] : f32 from vector<1xf32>
    %slice3A_521 = vector.extract_strided_slice %get3A_418 {offsets = [10], sizes = [1], strides = [1]} : vector<16xf32> to vector<1xf32>
    %squeeze3A_522 = vector.extract %slice3A_521[0] : f32 from vector<1xf32>
    %scan3A_523 = arith.constant 0 : i32
    %scan3A_524 = arith.constant 0 : i32
    %scan3A_525 = arith.constant 64 : i32
    %scan3A_526 = arith.addi %scan3A_524, %scan3A_525 : i32
    %scan3A_527 = arith.constant 1 : i32
    scf.for %scan3A_777 = %scan3A_524 to %scan3A_526 step %scan3A_527  : i32 {
      %mul3A_778 = arith.constant 16 : i32
      %mul3A_779 = arith.muli %scan3A_777, %mul3A_778 : i32
      %get3A_780 = arith.constant 10 : i32
      %get3A_781 = arith.index_cast %get3A_780 : i32 to index
      %get3A_782 = arith.index_cast %mul3A_779 : i32 to index
      %get3A_783 = tpu.vector_load %arg14[%get3A_781, %get3A_782] {strides = array<i32>} : memref<16x1024xf32, #tpu.memory_space<vmem>>, vector<16xf32>,
      %mul3A_784 = vector.broadcast %squeeze3A_520 : f32 to vector<16xf32>
      %mul3A_785 = arith.mulf %get3A_783, %mul3A_784 : vector<16xf32>
      %mul3A_786 = arith.constant 16 : i32
      %mul3A_787 = arith.muli %scan3A_777, %mul3A_786 : i32
      %get3A_788 = arith.constant 10 : i32
      %get3A_789 = arith.index_cast %get3A_788 : i32 to index
      %get3A_790 = arith.index_cast %mul3A_787 : i32 to index
      %get3A_791 = tpu.vector_load %arg15[%get3A_789, %get3A_790] {strides = array<i32>} : memref<16x1024xf32, #tpu.memory_space<vmem>>, vector<16xf32>,
      %mul3A_792 = vector.broadcast %squeeze3A_522 : f32 to vector<16xf32>
      %mul3A_793 = arith.mulf %get3A_791, %mul3A_792 : vector<16xf32>
      %add3A_794 = arith.addf %mul3A_785, %mul3A_793 : vector<16xf32>
      %mul3A_795 = arith.constant 16 : i32
      %mul3A_796 = arith.muli %scan3A_777, %mul3A_795 : i32
      %swap3A = arith.constant 10 : i32
      %swap3A_797 = arith.index_cast %swap3A : i32 to index
      %swap3A_798 = arith.index_cast %mul3A_796 : i32 to index
      %swap3A_799 = tpu.vector_load %arg14[%swap3A_797, %swap3A_798] {strides = array<i32>} : memref<16x1024xf32, #tpu.memory_space<vmem>>, vector<16xf32>,
      tpu.vector_store %arg14[%swap3A_797, %swap3A_798], %add3A_794 {strides = array<i32>} : memref<16x1024xf32, #tpu.memory_space<vmem>>, vector<16xf32>,
    }
    %scan3A_528 = arith.constant 64 : i32
    %slice3A_529 = vector.extract_strided_slice %get3A_416 {offsets = [11], sizes = [1], strides = [1]} : vector<16xf32> to vector<1xf32>
    %squeeze3A_530 = vector.extract %slice3A_529[0] : f32 from vector<1xf32>
    %slice3A_531 = vector.extract_strided_slice %get3A_418 {offsets = [11], sizes = [1], strides = [1]} : vector<16xf32> to vector<1xf32>
    %squeeze3A_532 = vector.extract %slice3A_531[0] : f32 from vector<1xf32>
    %scan3A_533 = arith.constant 0 : i32
    %scan3A_534 = arith.constant 0 : i32
    %scan3A_535 = arith.constant 64 : i32
    %scan3A_536 = arith.addi %scan3A_534, %scan3A_535 : i32
    %scan3A_537 = arith.constant 1 : i32
    scf.for %scan3A_777 = %scan3A_534 to %scan3A_536 step %scan3A_537  : i32 {
      %mul3A_778 = arith.constant 16 : i32
      %mul3A_779 = arith.muli %scan3A_777, %mul3A_778 : i32
      %get3A_780 = arith.constant 11 : i32
      %get3A_781 = arith.index_cast %get3A_780 : i32 to index
      %get3A_782 = arith.index_cast %mul3A_779 : i32 to index
      %get3A_783 = tpu.vector_load %arg14[%get3A_781, %get3A_782] {strides = array<i32>} : memref<16x1024xf32, #tpu.memory_space<vmem>>, vector<16xf32>,
      %mul3A_784 = vector.broadcast %squeeze3A_530 : f32 to vector<16xf32>
      %mul3A_785 = arith.mulf %get3A_783, %mul3A_784 : vector<16xf32>
      %mul3A_786 = arith.constant 16 : i32
      %mul3A_787 = arith.muli %scan3A_777, %mul3A_786 : i32
      %get3A_788 = arith.constant 11 : i32
      %get3A_789 = arith.index_cast %get3A_788 : i32 to index
      %get3A_790 = arith.index_cast %mul3A_787 : i32 to index
      %get3A_791 = tpu.vector_load %arg15[%get3A_789, %get3A_790] {strides = array<i32>} : memref<16x1024xf32, #tpu.memory_space<vmem>>, vector<16xf32>,
      %mul3A_792 = vector.broadcast %squeeze3A_532 : f32 to vector<16xf32>
      %mul3A_793 = arith.mulf %get3A_791, %mul3A_792 : vector<16xf32>
      %add3A_794 = arith.addf %mul3A_785, %mul3A_793 : vector<16xf32>
      %mul3A_795 = arith.constant 16 : i32
      %mul3A_796 = arith.muli %scan3A_777, %mul3A_795 : i32
      %swap3A = arith.constant 11 : i32
      %swap3A_797 = arith.index_cast %swap3A : i32 to index
      %swap3A_798 = arith.index_cast %mul3A_796 : i32 to index
      %swap3A_799 = tpu.vector_load %arg14[%swap3A_797, %swap3A_798] {strides = array<i32>} : memref<16x1024xf32, #tpu.memory_space<vmem>>, vector<16xf32>,
      tpu.vector_store %arg14[%swap3A_797, %swap3A_798], %add3A_794 {strides = array<i32>} : memref<16x1024xf32, #tpu.memory_space<vmem>>, vector<16xf32>,
    }
    %scan3A_538 = arith.constant 64 : i32
    %slice3A_539 = vector.extract_strided_slice %get3A_416 {offsets = [12], sizes = [1], strides = [1]} : vector<16xf32> to vector<1xf32>
    %squeeze3A_540 = vector.extract %slice3A_539[0] : f32 from vector<1xf32>
    %slice3A_541 = vector.extract_strided_slice %get3A_418 {offsets = [12], sizes = [1], strides = [1]} : vector<16xf32> to vector<1xf32>
    %squeeze3A_542 = vector.extract %slice3A_541[0] : f32 from vector<1xf32>
    %scan3A_543 = arith.constant 0 : i32
    %scan3A_544 = arith.constant 0 : i32
    %scan3A_545 = arith.constant 64 : i32
    %scan3A_546 = arith.addi %scan3A_544, %scan3A_545 : i32
    %scan3A_547 = arith.constant 1 : i32
    scf.for %scan3A_777 = %scan3A_544 to %scan3A_546 step %scan3A_547  : i32 {
      %mul3A_778 = arith.constant 16 : i32
      %mul3A_779 = arith.muli %scan3A_777, %mul3A_778 : i32
      %get3A_780 = arith.constant 12 : i32
      %get3A_781 = arith.index_cast %get3A_780 : i32 to index
      %get3A_782 = arith.index_cast %mul3A_779 : i32 to index
      %get3A_783 = tpu.vector_load %arg14[%get3A_781, %get3A_782] {strides = array<i32>} : memref<16x1024xf32, #tpu.memory_space<vmem>>, vector<16xf32>,
      %mul3A_784 = vector.broadcast %squeeze3A_540 : f32 to vector<16xf32>
      %mul3A_785 = arith.mulf %get3A_783, %mul3A_784 : vector<16xf32>
      %mul3A_786 = arith.constant 16 : i32
      %mul3A_787 = arith.muli %scan3A_777, %mul3A_786 : i32
      %get3A_788 = arith.constant 12 : i32
      %get3A_789 = arith.index_cast %get3A_788 : i32 to index
      %get3A_790 = arith.index_cast %mul3A_787 : i32 to index
      %get3A_791 = tpu.vector_load %arg15[%get3A_789, %get3A_790] {strides = array<i32>} : memref<16x1024xf32, #tpu.memory_space<vmem>>, vector<16xf32>,
      %mul3A_792 = vector.broadcast %squeeze3A_542 : f32 to vector<16xf32>
      %mul3A_793 = arith.mulf %get3A_791, %mul3A_792 : vector<16xf32>
      %add3A_794 = arith.addf %mul3A_785, %mul3A_793 : vector<16xf32>
      %mul3A_795 = arith.constant 16 : i32
      %mul3A_796 = arith.muli %scan3A_777, %mul3A_795 : i32
      %swap3A = arith.constant 12 : i32
      %swap3A_797 = arith.index_cast %swap3A : i32 to index
      %swap3A_798 = arith.index_cast %mul3A_796 : i32 to index
      %swap3A_799 = tpu.vector_load %arg14[%swap3A_797, %swap3A_798] {strides = array<i32>} : memref<16x1024xf32, #tpu.memory_space<vmem>>, vector<16xf32>,
      tpu.vector_store %arg14[%swap3A_797, %swap3A_798], %add3A_794 {strides = array<i32>} : memref<16x1024xf32, #tpu.memory_space<vmem>>, vector<16xf32>,
    }
    %scan3A_548 = arith.constant 64 : i32
    %slice3A_549 = vector.extract_strided_slice %get3A_416 {offsets = [13], sizes = [1], strides = [1]} : vector<16xf32> to vector<1xf32>
    %squeeze3A_550 = vector.extract %slice3A_549[0] : f32 from vector<1xf32>
    %slice3A_551 = vector.extract_strided_slice %get3A_418 {offsets = [13], sizes = [1], strides = [1]} : vector<16xf32> to vector<1xf32>
    %squeeze3A_552 = vector.extract %slice3A_551[0] : f32 from vector<1xf32>
    %scan3A_553 = arith.constant 0 : i32
    %scan3A_554 = arith.constant 0 : i32
    %scan3A_555 = arith.constant 64 : i32
    %scan3A_556 = arith.addi %scan3A_554, %scan3A_555 : i32
    %scan3A_557 = arith.constant 1 : i32
    scf.for %scan3A_777 = %scan3A_554 to %scan3A_556 step %scan3A_557  : i32 {
      %mul3A_778 = arith.constant 16 : i32
      %mul3A_779 = arith.muli %scan3A_777, %mul3A_778 : i32
      %get3A_780 = arith.constant 13 : i32
      %get3A_781 = arith.index_cast %get3A_780 : i32 to index
      %get3A_782 = arith.index_cast %mul3A_779 : i32 to index
      %get3A_783 = tpu.vector_load %arg14[%get3A_781, %get3A_782] {strides = array<i32>} : memref<16x1024xf32, #tpu.memory_space<vmem>>, vector<16xf32>,
      %mul3A_784 = vector.broadcast %squeeze3A_550 : f32 to vector<16xf32>
      %mul3A_785 = arith.mulf %get3A_783, %mul3A_784 : vector<16xf32>
      %mul3A_786 = arith.constant 16 : i32
      %mul3A_787 = arith.muli %scan3A_777, %mul3A_786 : i32
      %get3A_788 = arith.constant 13 : i32
      %get3A_789 = arith.index_cast %get3A_788 : i32 to index
      %get3A_790 = arith.index_cast %mul3A_787 : i32 to index
      %get3A_791 = tpu.vector_load %arg15[%get3A_789, %get3A_790] {strides = array<i32>} : memref<16x1024xf32, #tpu.memory_space<vmem>>, vector<16xf32>,
      %mul3A_792 = vector.broadcast %squeeze3A_552 : f32 to vector<16xf32>
      %mul3A_793 = arith.mulf %get3A_791, %mul3A_792 : vector<16xf32>
      %add3A_794 = arith.addf %mul3A_785, %mul3A_793 : vector<16xf32>
      %mul3A_795 = arith.constant 16 : i32
      %mul3A_796 = arith.muli %scan3A_777, %mul3A_795 : i32
      %swap3A = arith.constant 13 : i32
      %swap3A_797 = arith.index_cast %swap3A : i32 to index
      %swap3A_798 = arith.index_cast %mul3A_796 : i32 to index
      %swap3A_799 = tpu.vector_load %arg14[%swap3A_797, %swap3A_798] {strides = array<i32>} : memref<16x1024xf32, #tpu.memory_space<vmem>>, vector<16xf32>,
      tpu.vector_store %arg14[%swap3A_797, %swap3A_798], %add3A_794 {strides = array<i32>} : memref<16x1024xf32, #tpu.memory_space<vmem>>, vector<16xf32>,
    }
    %scan3A_558 = arith.constant 64 : i32
    %slice3A_559 = vector.extract_strided_slice %get3A_416 {offsets = [14], sizes = [1], strides = [1]} : vector<16xf32> to vector<1xf32>
    %squeeze3A_560 = vector.extract %slice3A_559[0] : f32 from vector<1xf32>
    %slice3A_561 = vector.extract_strided_slice %get3A_418 {offsets = [14], sizes = [1], strides = [1]} : vector<16xf32> to vector<1xf32>
    %squeeze3A_562 = vector.extract %slice3A_561[0] : f32 from vector<1xf32>
    %scan3A_563 = arith.constant 0 : i32
    %scan3A_564 = arith.constant 0 : i32
    %scan3A_565 = arith.constant 64 : i32
    %scan3A_566 = arith.addi %scan3A_564, %scan3A_565 : i32
    %scan3A_567 = arith.constant 1 : i32
    scf.for %scan3A_777 = %scan3A_564 to %scan3A_566 step %scan3A_567  : i32 {
      %mul3A_778 = arith.constant 16 : i32
      %mul3A_779 = arith.muli %scan3A_777, %mul3A_778 : i32
      %get3A_780 = arith.constant 14 : i32
      %get3A_781 = arith.index_cast %get3A_780 : i32 to index
      %get3A_782 = arith.index_cast %mul3A_779 : i32 to index
      %get3A_783 = tpu.vector_load %arg14[%get3A_781, %get3A_782] {strides = array<i32>} : memref<16x1024xf32, #tpu.memory_space<vmem>>, vector<16xf32>,
      %mul3A_784 = vector.broadcast %squeeze3A_560 : f32 to vector<16xf32>
      %mul3A_785 = arith.mulf %get3A_783, %mul3A_784 : vector<16xf32>
      %mul3A_786 = arith.constant 16 : i32
      %mul3A_787 = arith.muli %scan3A_777, %mul3A_786 : i32
      %get3A_788 = arith.constant 14 : i32
      %get3A_789 = arith.index_cast %get3A_788 : i32 to index
      %get3A_790 = arith.index_cast %mul3A_787 : i32 to index
      %get3A_791 = tpu.vector_load %arg15[%get3A_789, %get3A_790] {strides = array<i32>} : memref<16x1024xf32, #tpu.memory_space<vmem>>, vector<16xf32>,
      %mul3A_792 = vector.broadcast %squeeze3A_562 : f32 to vector<16xf32>
      %mul3A_793 = arith.mulf %get3A_791, %mul3A_792 : vector<16xf32>
      %add3A_794 = arith.addf %mul3A_785, %mul3A_793 : vector<16xf32>
      %mul3A_795 = arith.constant 16 : i32
      %mul3A_796 = arith.muli %scan3A_777, %mul3A_795 : i32
      %swap3A = arith.constant 14 : i32
      %swap3A_797 = arith.index_cast %swap3A : i32 to index
      %swap3A_798 = arith.index_cast %mul3A_796 : i32 to index
      %swap3A_799 = tpu.vector_load %arg14[%swap3A_797, %swap3A_798] {strides = array<i32>} : memref<16x1024xf32, #tpu.memory_space<vmem>>, vector<16xf32>,
      tpu.vector_store %arg14[%swap3A_797, %swap3A_798], %add3A_794 {strides = array<i32>} : memref<16x1024xf32, #tpu.memory_space<vmem>>, vector<16xf32>,
    }
    %scan3A_568 = arith.constant 64 : i32
    %slice3A_569 = vector.extract_strided_slice %get3A_416 {offsets = [15], sizes = [1], strides = [1]} : vector<16xf32> to vector<1xf32>
    %squeeze3A_570 = vector.extract %slice3A_569[0] : f32 from vector<1xf32>
    %slice3A_571 = vector.extract_strided_slice %get3A_418 {offsets = [15], sizes = [1], strides = [1]} : vector<16xf32> to vector<1xf32>
    %squeeze3A_572 = vector.extract %slice3A_571[0] : f32 from vector<1xf32>
    %scan3A_573 = arith.constant 0 : i32
    %scan3A_574 = arith.constant 0 : i32
    %scan3A_575 = arith.constant 64 : i32
    %scan3A_576 = arith.addi %scan3A_574, %scan3A_575 : i32
    %scan3A_577 = arith.constant 1 : i32
    scf.for %scan3A_777 = %scan3A_574 to %scan3A_576 step %scan3A_577  : i32 {
      %mul3A_778 = arith.constant 16 : i32
      %mul3A_779 = arith.muli %scan3A_777, %mul3A_778 : i32
      %get3A_780 = arith.constant 15 : i32
      %get3A_781 = arith.index_cast %get3A_780 : i32 to index
      %get3A_782 = arith.index_cast %mul3A_779 : i32 to index
      %get3A_783 = tpu.vector_load %arg14[%get3A_781, %get3A_782] {strides = array<i32>} : memref<16x1024xf32, #tpu.memory_space<vmem>>, vector<16xf32>,
      %mul3A_784 = vector.broadcast %squeeze3A_570 : f32 to vector<16xf32>
      %mul3A_785 = arith.mulf %get3A_783, %mul3A_784 : vector<16xf32>
      %mul3A_786 = arith.constant 16 : i32
      %mul3A_787 = arith.muli %scan3A_777, %mul3A_786 : i32
      %get3A_788 = arith.constant 15 : i32
      %get3A_789 = arith.index_cast %get3A_788 : i32 to index
      %get3A_790 = arith.index_cast %mul3A_787 : i32 to index
      %get3A_791 = tpu.vector_load %arg15[%get3A_789, %get3A_790] {strides = array<i32>} : memref<16x1024xf32, #tpu.memory_space<vmem>>, vector<16xf32>,
      %mul3A_792 = vector.broadcast %squeeze3A_572 : f32 to vector<16xf32>
      %mul3A_793 = arith.mulf %get3A_791, %mul3A_792 : vector<16xf32>
      %add3A_794 = arith.addf %mul3A_785, %mul3A_793 : vector<16xf32>
      %mul3A_795 = arith.constant 16 : i32
      %mul3A_796 = arith.muli %scan3A_777, %mul3A_795 : i32
      %swap3A = arith.constant 15 : i32
      %swap3A_797 = arith.index_cast %swap3A : i32 to index
      %swap3A_798 = arith.index_cast %mul3A_796 : i32 to index
      %swap3A_799 = tpu.vector_load %arg14[%swap3A_797, %swap3A_798] {strides = array<i32>} : memref<16x1024xf32, #tpu.memory_space<vmem>>, vector<16xf32>,
      tpu.vector_store %arg14[%swap3A_797, %swap3A_798], %add3A_794 {strides = array<i32>} : memref<16x1024xf32, #tpu.memory_space<vmem>>, vector<16xf32>,
    }
    %scan3A_578 = arith.constant 64 : i32
    %add3A_579 = arith.constant 32 : i32
    %add3A_580 = arith.addi %mul3A_2, %add3A_579 : i32
    %dma_start3A_581 = arith.constant 0 : i32
    %dma_start3A_582 = tpu.memref_slice %arg5[%add3A_580, %dma_start3A_581] : memref<2048x1024xf32, #tpu.memory_space<hbm>> -> memref<16x1024xf32, #tpu.memory_space<hbm>>
    %dma_start3A_583 = arith.constant 0 : i32
    %dma_start3A_584 = tpu.memref_slice %arg5[%add3A_580, %dma_start3A_583] : memref<2048x1024xf32, #tpu.memory_space<hbm>> -> memref<16x1024xf32, #tpu.memory_space<hbm>>
    tpu.enqueue_dma source(%arg14 : memref<16x1024xf32, #tpu.memory_space<vmem>>) target(%dma_start3A_584 : memref<16x1024xf32, #tpu.memory_space<hbm>>) target_semaphore(%arg18 : memref<!tpu.dma_semaphore, #tpu.memory_space<semaphore_mem>>)
    %dma_wait3A_585 = arith.constant 48 : i32
    %dma_wait3A_586 = tpu.memref_slice %arg6[%dma_wait3A_585] : memref<64xi32, #tpu.memory_space<vmem>> -> memref<16xi32, #tpu.memory_space<vmem>>
    %dma_wait3A_587 = arith.constant 0 : i32
    %dma_wait3A_588 = arith.constant 0 : i32
    %dma_wait3A_589 = tpu.memref_slice %arg2[%dma_wait3A_587, %dma_wait3A_588] : memref<6144x1024xf32, #tpu.memory_space<hbm>> -> memref<6144x1024xf32, #tpu.memory_space<hbm>>
    tpu.wait_indirect_dma semaphore(%arg16 : memref<!tpu.dma_semaphore, #tpu.memory_space<semaphore_mem>>) src(%dma_wait3A_589 : memref<6144x1024xf32, #tpu.memory_space<hbm>>) dst(%arg10 : memref<16x1024xf32, #tpu.memory_space<vmem>>)
    %dma_wait3A_590 = arith.constant 48 : i32
    %dma_wait3A_591 = tpu.memref_slice %arg7[%dma_wait3A_590] : memref<64xi32, #tpu.memory_space<vmem>> -> memref<16xi32, #tpu.memory_space<vmem>>
    %dma_wait3A_592 = arith.constant 0 : i32
    %dma_wait3A_593 = arith.constant 0 : i32
    %dma_wait3A_594 = tpu.memref_slice %arg2[%dma_wait3A_592, %dma_wait3A_593] : memref<6144x1024xf32, #tpu.memory_space<hbm>> -> memref<6144x1024xf32, #tpu.memory_space<hbm>>
    tpu.wait_indirect_dma semaphore(%arg16 : memref<!tpu.dma_semaphore, #tpu.memory_space<semaphore_mem>>) src(%dma_wait3A_594 : memref<6144x1024xf32, #tpu.memory_space<hbm>>) dst(%arg11 : memref<16x1024xf32, #tpu.memory_space<vmem>>)
    %get3A_595 = arith.constant 48 : index
    %get3A_596 = tpu.vector_load %arg8[%get3A_595] {strides = array<i32>} : memref<64xf32, #tpu.memory_space<vmem>>, vector<16xf32>,
    %get3A_597 = arith.constant 48 : index
    %get3A_598 = tpu.vector_load %arg9[%get3A_597] {strides = array<i32>} : memref<64xf32, #tpu.memory_space<vmem>>, vector<16xf32>,
    %slice3A_599 = vector.extract_strided_slice %get3A_596 {offsets = [0], sizes = [1], strides = [1]} : vector<16xf32> to vector<1xf32>
    %squeeze3A_600 = vector.extract %slice3A_599[0] : f32 from vector<1xf32>
    %slice3A_601 = vector.extract_strided_slice %get3A_598 {offsets = [0], sizes = [1], strides = [1]} : vector<16xf32> to vector<1xf32>
    %squeeze3A_602 = vector.extract %slice3A_601[0] : f32 from vector<1xf32>
    %scan3A_603 = arith.constant 0 : i32
    %scan3A_604 = arith.constant 0 : i32
    %scan3A_605 = arith.constant 64 : i32
    %scan3A_606 = arith.addi %scan3A_604, %scan3A_605 : i32
    %scan3A_607 = arith.constant 1 : i32
    scf.for %scan3A_777 = %scan3A_604 to %scan3A_606 step %scan3A_607  : i32 {
      %mul3A_778 = arith.constant 16 : i32
      %mul3A_779 = arith.muli %scan3A_777, %mul3A_778 : i32
      %get3A_780 = arith.constant 0 : i32
      %get3A_781 = arith.index_cast %get3A_780 : i32 to index
      %get3A_782 = arith.index_cast %mul3A_779 : i32 to index
      %get3A_783 = tpu.vector_load %arg10[%get3A_781, %get3A_782] {strides = array<i32>} : memref<16x1024xf32, #tpu.memory_space<vmem>>, vector<16xf32>,
      %mul3A_784 = vector.broadcast %squeeze3A_600 : f32 to vector<16xf32>
      %mul3A_785 = arith.mulf %get3A_783, %mul3A_784 : vector<16xf32>
      %mul3A_786 = arith.constant 16 : i32
      %mul3A_787 = arith.muli %scan3A_777, %mul3A_786 : i32
      %get3A_788 = arith.constant 0 : i32
      %get3A_789 = arith.index_cast %get3A_788 : i32 to index
      %get3A_790 = arith.index_cast %mul3A_787 : i32 to index
      %get3A_791 = tpu.vector_load %arg11[%get3A_789, %get3A_790] {strides = array<i32>} : memref<16x1024xf32, #tpu.memory_space<vmem>>, vector<16xf32>,
      %mul3A_792 = vector.broadcast %squeeze3A_602 : f32 to vector<16xf32>
      %mul3A_793 = arith.mulf %get3A_791, %mul3A_792 : vector<16xf32>
      %add3A_794 = arith.addf %mul3A_785, %mul3A_793 : vector<16xf32>
      %mul3A_795 = arith.constant 16 : i32
      %mul3A_796 = arith.muli %scan3A_777, %mul3A_795 : i32
      %swap3A = arith.constant 0 : i32
      %swap3A_797 = arith.index_cast %swap3A : i32 to index
      %swap3A_798 = arith.index_cast %mul3A_796 : i32 to index
      %swap3A_799 = tpu.vector_load %arg10[%swap3A_797, %swap3A_798] {strides = array<i32>} : memref<16x1024xf32, #tpu.memory_space<vmem>>, vector<16xf32>,
      tpu.vector_store %arg10[%swap3A_797, %swap3A_798], %add3A_794 {strides = array<i32>} : memref<16x1024xf32, #tpu.memory_space<vmem>>, vector<16xf32>,
    }
    %scan3A_608 = arith.constant 64 : i32
    %slice3A_609 = vector.extract_strided_slice %get3A_596 {offsets = [1], sizes = [1], strides = [1]} : vector<16xf32> to vector<1xf32>
    %squeeze3A_610 = vector.extract %slice3A_609[0] : f32 from vector<1xf32>
    %slice3A_611 = vector.extract_strided_slice %get3A_598 {offsets = [1], sizes = [1], strides = [1]} : vector<16xf32> to vector<1xf32>
    %squeeze3A_612 = vector.extract %slice3A_611[0] : f32 from vector<1xf32>
    %scan3A_613 = arith.constant 0 : i32
    %scan3A_614 = arith.constant 0 : i32
    %scan3A_615 = arith.constant 64 : i32
    %scan3A_616 = arith.addi %scan3A_614, %scan3A_615 : i32
    %scan3A_617 = arith.constant 1 : i32
    scf.for %scan3A_777 = %scan3A_614 to %scan3A_616 step %scan3A_617  : i32 {
      %mul3A_778 = arith.constant 16 : i32
      %mul3A_779 = arith.muli %scan3A_777, %mul3A_778 : i32
      %get3A_780 = arith.constant 1 : i32
      %get3A_781 = arith.index_cast %get3A_780 : i32 to index
      %get3A_782 = arith.index_cast %mul3A_779 : i32 to index
      %get3A_783 = tpu.vector_load %arg10[%get3A_781, %get3A_782] {strides = array<i32>} : memref<16x1024xf32, #tpu.memory_space<vmem>>, vector<16xf32>,
      %mul3A_784 = vector.broadcast %squeeze3A_610 : f32 to vector<16xf32>
      %mul3A_785 = arith.mulf %get3A_783, %mul3A_784 : vector<16xf32>
      %mul3A_786 = arith.constant 16 : i32
      %mul3A_787 = arith.muli %scan3A_777, %mul3A_786 : i32
      %get3A_788 = arith.constant 1 : i32
      %get3A_789 = arith.index_cast %get3A_788 : i32 to index
      %get3A_790 = arith.index_cast %mul3A_787 : i32 to index
      %get3A_791 = tpu.vector_load %arg11[%get3A_789, %get3A_790] {strides = array<i32>} : memref<16x1024xf32, #tpu.memory_space<vmem>>, vector<16xf32>,
      %mul3A_792 = vector.broadcast %squeeze3A_612 : f32 to vector<16xf32>
      %mul3A_793 = arith.mulf %get3A_791, %mul3A_792 : vector<16xf32>
      %add3A_794 = arith.addf %mul3A_785, %mul3A_793 : vector<16xf32>
      %mul3A_795 = arith.constant 16 : i32
      %mul3A_796 = arith.muli %scan3A_777, %mul3A_795 : i32
      %swap3A = arith.constant 1 : i32
      %swap3A_797 = arith.index_cast %swap3A : i32 to index
      %swap3A_798 = arith.index_cast %mul3A_796 : i32 to index
      %swap3A_799 = tpu.vector_load %arg10[%swap3A_797, %swap3A_798] {strides = array<i32>} : memref<16x1024xf32, #tpu.memory_space<vmem>>, vector<16xf32>,
      tpu.vector_store %arg10[%swap3A_797, %swap3A_798], %add3A_794 {strides = array<i32>} : memref<16x1024xf32, #tpu.memory_space<vmem>>, vector<16xf32>,
    }
    %scan3A_618 = arith.constant 64 : i32
    %slice3A_619 = vector.extract_strided_slice %get3A_596 {offsets = [2], sizes = [1], strides = [1]} : vector<16xf32> to vector<1xf32>
    %squeeze3A_620 = vector.extract %slice3A_619[0] : f32 from vector<1xf32>
    %slice3A_621 = vector.extract_strided_slice %get3A_598 {offsets = [2], sizes = [1], strides = [1]} : vector<16xf32> to vector<1xf32>
    %squeeze3A_622 = vector.extract %slice3A_621[0] : f32 from vector<1xf32>
    %scan3A_623 = arith.constant 0 : i32
    %scan3A_624 = arith.constant 0 : i32
    %scan3A_625 = arith.constant 64 : i32
    %scan3A_626 = arith.addi %scan3A_624, %scan3A_625 : i32
    %scan3A_627 = arith.constant 1 : i32
    scf.for %scan3A_777 = %scan3A_624 to %scan3A_626 step %scan3A_627  : i32 {
      %mul3A_778 = arith.constant 16 : i32
      %mul3A_779 = arith.muli %scan3A_777, %mul3A_778 : i32
      %get3A_780 = arith.constant 2 : i32
      %get3A_781 = arith.index_cast %get3A_780 : i32 to index
      %get3A_782 = arith.index_cast %mul3A_779 : i32 to index
      %get3A_783 = tpu.vector_load %arg10[%get3A_781, %get3A_782] {strides = array<i32>} : memref<16x1024xf32, #tpu.memory_space<vmem>>, vector<16xf32>,
      %mul3A_784 = vector.broadcast %squeeze3A_620 : f32 to vector<16xf32>
      %mul3A_785 = arith.mulf %get3A_783, %mul3A_784 : vector<16xf32>
      %mul3A_786 = arith.constant 16 : i32
      %mul3A_787 = arith.muli %scan3A_777, %mul3A_786 : i32
      %get3A_788 = arith.constant 2 : i32
      %get3A_789 = arith.index_cast %get3A_788 : i32 to index
      %get3A_790 = arith.index_cast %mul3A_787 : i32 to index
      %get3A_791 = tpu.vector_load %arg11[%get3A_789, %get3A_790] {strides = array<i32>} : memref<16x1024xf32, #tpu.memory_space<vmem>>, vector<16xf32>,
      %mul3A_792 = vector.broadcast %squeeze3A_622 : f32 to vector<16xf32>
      %mul3A_793 = arith.mulf %get3A_791, %mul3A_792 : vector<16xf32>
      %add3A_794 = arith.addf %mul3A_785, %mul3A_793 : vector<16xf32>
      %mul3A_795 = arith.constant 16 : i32
      %mul3A_796 = arith.muli %scan3A_777, %mul3A_795 : i32
      %swap3A = arith.constant 2 : i32
      %swap3A_797 = arith.index_cast %swap3A : i32 to index
      %swap3A_798 = arith.index_cast %mul3A_796 : i32 to index
      %swap3A_799 = tpu.vector_load %arg10[%swap3A_797, %swap3A_798] {strides = array<i32>} : memref<16x1024xf32, #tpu.memory_space<vmem>>, vector<16xf32>,
      tpu.vector_store %arg10[%swap3A_797, %swap3A_798], %add3A_794 {strides = array<i32>} : memref<16x1024xf32, #tpu.memory_space<vmem>>, vector<16xf32>,
    }
    %scan3A_628 = arith.constant 64 : i32
    %slice3A_629 = vector.extract_strided_slice %get3A_596 {offsets = [3], sizes = [1], strides = [1]} : vector<16xf32> to vector<1xf32>
    %squeeze3A_630 = vector.extract %slice3A_629[0] : f32 from vector<1xf32>
    %slice3A_631 = vector.extract_strided_slice %get3A_598 {offsets = [3], sizes = [1], strides = [1]} : vector<16xf32> to vector<1xf32>
    %squeeze3A_632 = vector.extract %slice3A_631[0] : f32 from vector<1xf32>
    %scan3A_633 = arith.constant 0 : i32
    %scan3A_634 = arith.constant 0 : i32
    %scan3A_635 = arith.constant 64 : i32
    %scan3A_636 = arith.addi %scan3A_634, %scan3A_635 : i32
    %scan3A_637 = arith.constant 1 : i32
    scf.for %scan3A_777 = %scan3A_634 to %scan3A_636 step %scan3A_637  : i32 {
      %mul3A_778 = arith.constant 16 : i32
      %mul3A_779 = arith.muli %scan3A_777, %mul3A_778 : i32
      %get3A_780 = arith.constant 3 : i32
      %get3A_781 = arith.index_cast %get3A_780 : i32 to index
      %get3A_782 = arith.index_cast %mul3A_779 : i32 to index
      %get3A_783 = tpu.vector_load %arg10[%get3A_781, %get3A_782] {strides = array<i32>} : memref<16x1024xf32, #tpu.memory_space<vmem>>, vector<16xf32>,
      %mul3A_784 = vector.broadcast %squeeze3A_630 : f32 to vector<16xf32>
      %mul3A_785 = arith.mulf %get3A_783, %mul3A_784 : vector<16xf32>
      %mul3A_786 = arith.constant 16 : i32
      %mul3A_787 = arith.muli %scan3A_777, %mul3A_786 : i32
      %get3A_788 = arith.constant 3 : i32
      %get3A_789 = arith.index_cast %get3A_788 : i32 to index
      %get3A_790 = arith.index_cast %mul3A_787 : i32 to index
      %get3A_791 = tpu.vector_load %arg11[%get3A_789, %get3A_790] {strides = array<i32>} : memref<16x1024xf32, #tpu.memory_space<vmem>>, vector<16xf32>,
      %mul3A_792 = vector.broadcast %squeeze3A_632 : f32 to vector<16xf32>
      %mul3A_793 = arith.mulf %get3A_791, %mul3A_792 : vector<16xf32>
      %add3A_794 = arith.addf %mul3A_785, %mul3A_793 : vector<16xf32>
      %mul3A_795 = arith.constant 16 : i32
      %mul3A_796 = arith.muli %scan3A_777, %mul3A_795 : i32
      %swap3A = arith.constant 3 : i32
      %swap3A_797 = arith.index_cast %swap3A : i32 to index
      %swap3A_798 = arith.index_cast %mul3A_796 : i32 to index
      %swap3A_799 = tpu.vector_load %arg10[%swap3A_797, %swap3A_798] {strides = array<i32>} : memref<16x1024xf32, #tpu.memory_space<vmem>>, vector<16xf32>,
      tpu.vector_store %arg10[%swap3A_797, %swap3A_798], %add3A_794 {strides = array<i32>} : memref<16x1024xf32, #tpu.memory_space<vmem>>, vector<16xf32>,
    }
    %scan3A_638 = arith.constant 64 : i32
    %slice3A_639 = vector.extract_strided_slice %get3A_596 {offsets = [4], sizes = [1], strides = [1]} : vector<16xf32> to vector<1xf32>
    %squeeze3A_640 = vector.extract %slice3A_639[0] : f32 from vector<1xf32>
    %slice3A_641 = vector.extract_strided_slice %get3A_598 {offsets = [4], sizes = [1], strides = [1]} : vector<16xf32> to vector<1xf32>
    %squeeze3A_642 = vector.extract %slice3A_641[0] : f32 from vector<1xf32>
    %scan3A_643 = arith.constant 0 : i32
    %scan3A_644 = arith.constant 0 : i32
    %scan3A_645 = arith.constant 64 : i32
    %scan3A_646 = arith.addi %scan3A_644, %scan3A_645 : i32
    %scan3A_647 = arith.constant 1 : i32
    scf.for %scan3A_777 = %scan3A_644 to %scan3A_646 step %scan3A_647  : i32 {
      %mul3A_778 = arith.constant 16 : i32
      %mul3A_779 = arith.muli %scan3A_777, %mul3A_778 : i32
      %get3A_780 = arith.constant 4 : i32
      %get3A_781 = arith.index_cast %get3A_780 : i32 to index
      %get3A_782 = arith.index_cast %mul3A_779 : i32 to index
      %get3A_783 = tpu.vector_load %arg10[%get3A_781, %get3A_782] {strides = array<i32>} : memref<16x1024xf32, #tpu.memory_space<vmem>>, vector<16xf32>,
      %mul3A_784 = vector.broadcast %squeeze3A_640 : f32 to vector<16xf32>
      %mul3A_785 = arith.mulf %get3A_783, %mul3A_784 : vector<16xf32>
      %mul3A_786 = arith.constant 16 : i32
      %mul3A_787 = arith.muli %scan3A_777, %mul3A_786 : i32
      %get3A_788 = arith.constant 4 : i32
      %get3A_789 = arith.index_cast %get3A_788 : i32 to index
      %get3A_790 = arith.index_cast %mul3A_787 : i32 to index
      %get3A_791 = tpu.vector_load %arg11[%get3A_789, %get3A_790] {strides = array<i32>} : memref<16x1024xf32, #tpu.memory_space<vmem>>, vector<16xf32>,
      %mul3A_792 = vector.broadcast %squeeze3A_642 : f32 to vector<16xf32>
      %mul3A_793 = arith.mulf %get3A_791, %mul3A_792 : vector<16xf32>
      %add3A_794 = arith.addf %mul3A_785, %mul3A_793 : vector<16xf32>
      %mul3A_795 = arith.constant 16 : i32
      %mul3A_796 = arith.muli %scan3A_777, %mul3A_795 : i32
      %swap3A = arith.constant 4 : i32
      %swap3A_797 = arith.index_cast %swap3A : i32 to index
      %swap3A_798 = arith.index_cast %mul3A_796 : i32 to index
      %swap3A_799 = tpu.vector_load %arg10[%swap3A_797, %swap3A_798] {strides = array<i32>} : memref<16x1024xf32, #tpu.memory_space<vmem>>, vector<16xf32>,
      tpu.vector_store %arg10[%swap3A_797, %swap3A_798], %add3A_794 {strides = array<i32>} : memref<16x1024xf32, #tpu.memory_space<vmem>>, vector<16xf32>,
    }
    %scan3A_648 = arith.constant 64 : i32
    %slice3A_649 = vector.extract_strided_slice %get3A_596 {offsets = [5], sizes = [1], strides = [1]} : vector<16xf32> to vector<1xf32>
    %squeeze3A_650 = vector.extract %slice3A_649[0] : f32 from vector<1xf32>
    %slice3A_651 = vector.extract_strided_slice %get3A_598 {offsets = [5], sizes = [1], strides = [1]} : vector<16xf32> to vector<1xf32>
    %squeeze3A_652 = vector.extract %slice3A_651[0] : f32 from vector<1xf32>
    %scan3A_653 = arith.constant 0 : i32
    %scan3A_654 = arith.constant 0 : i32
    %scan3A_655 = arith.constant 64 : i32
    %scan3A_656 = arith.addi %scan3A_654, %scan3A_655 : i32
    %scan3A_657 = arith.constant 1 : i32
    scf.for %scan3A_777 = %scan3A_654 to %scan3A_656 step %scan3A_657  : i32 {
      %mul3A_778 = arith.constant 16 : i32
      %mul3A_779 = arith.muli %scan3A_777, %mul3A_778 : i32
      %get3A_780 = arith.constant 5 : i32
      %get3A_781 = arith.index_cast %get3A_780 : i32 to index
      %get3A_782 = arith.index_cast %mul3A_779 : i32 to index
      %get3A_783 = tpu.vector_load %arg10[%get3A_781, %get3A_782] {strides = array<i32>} : memref<16x1024xf32, #tpu.memory_space<vmem>>, vector<16xf32>,
      %mul3A_784 = vector.broadcast %squeeze3A_650 : f32 to vector<16xf32>
      %mul3A_785 = arith.mulf %get3A_783, %mul3A_784 : vector<16xf32>
      %mul3A_786 = arith.constant 16 : i32
      %mul3A_787 = arith.muli %scan3A_777, %mul3A_786 : i32
      %get3A_788 = arith.constant 5 : i32
      %get3A_789 = arith.index_cast %get3A_788 : i32 to index
      %get3A_790 = arith.index_cast %mul3A_787 : i32 to index
      %get3A_791 = tpu.vector_load %arg11[%get3A_789, %get3A_790] {strides = array<i32>} : memref<16x1024xf32, #tpu.memory_space<vmem>>, vector<16xf32>,
      %mul3A_792 = vector.broadcast %squeeze3A_652 : f32 to vector<16xf32>
      %mul3A_793 = arith.mulf %get3A_791, %mul3A_792 : vector<16xf32>
      %add3A_794 = arith.addf %mul3A_785, %mul3A_793 : vector<16xf32>
      %mul3A_795 = arith.constant 16 : i32
      %mul3A_796 = arith.muli %scan3A_777, %mul3A_795 : i32
      %swap3A = arith.constant 5 : i32
      %swap3A_797 = arith.index_cast %swap3A : i32 to index
      %swap3A_798 = arith.index_cast %mul3A_796 : i32 to index
      %swap3A_799 = tpu.vector_load %arg10[%swap3A_797, %swap3A_798] {strides = array<i32>} : memref<16x1024xf32, #tpu.memory_space<vmem>>, vector<16xf32>,
      tpu.vector_store %arg10[%swap3A_797, %swap3A_798], %add3A_794 {strides = array<i32>} : memref<16x1024xf32, #tpu.memory_space<vmem>>, vector<16xf32>,
    }
    %scan3A_658 = arith.constant 64 : i32
    %slice3A_659 = vector.extract_strided_slice %get3A_596 {offsets = [6], sizes = [1], strides = [1]} : vector<16xf32> to vector<1xf32>
    %squeeze3A_660 = vector.extract %slice3A_659[0] : f32 from vector<1xf32>
    %slice3A_661 = vector.extract_strided_slice %get3A_598 {offsets = [6], sizes = [1], strides = [1]} : vector<16xf32> to vector<1xf32>
    %squeeze3A_662 = vector.extract %slice3A_661[0] : f32 from vector<1xf32>
    %scan3A_663 = arith.constant 0 : i32
    %scan3A_664 = arith.constant 0 : i32
    %scan3A_665 = arith.constant 64 : i32
    %scan3A_666 = arith.addi %scan3A_664, %scan3A_665 : i32
    %scan3A_667 = arith.constant 1 : i32
    scf.for %scan3A_777 = %scan3A_664 to %scan3A_666 step %scan3A_667  : i32 {
      %mul3A_778 = arith.constant 16 : i32
      %mul3A_779 = arith.muli %scan3A_777, %mul3A_778 : i32
      %get3A_780 = arith.constant 6 : i32
      %get3A_781 = arith.index_cast %get3A_780 : i32 to index
      %get3A_782 = arith.index_cast %mul3A_779 : i32 to index
      %get3A_783 = tpu.vector_load %arg10[%get3A_781, %get3A_782] {strides = array<i32>} : memref<16x1024xf32, #tpu.memory_space<vmem>>, vector<16xf32>,
      %mul3A_784 = vector.broadcast %squeeze3A_660 : f32 to vector<16xf32>
      %mul3A_785 = arith.mulf %get3A_783, %mul3A_784 : vector<16xf32>
      %mul3A_786 = arith.constant 16 : i32
      %mul3A_787 = arith.muli %scan3A_777, %mul3A_786 : i32
      %get3A_788 = arith.constant 6 : i32
      %get3A_789 = arith.index_cast %get3A_788 : i32 to index
      %get3A_790 = arith.index_cast %mul3A_787 : i32 to index
      %get3A_791 = tpu.vector_load %arg11[%get3A_789, %get3A_790] {strides = array<i32>} : memref<16x1024xf32, #tpu.memory_space<vmem>>, vector<16xf32>,
      %mul3A_792 = vector.broadcast %squeeze3A_662 : f32 to vector<16xf32>
      %mul3A_793 = arith.mulf %get3A_791, %mul3A_792 : vector<16xf32>
      %add3A_794 = arith.addf %mul3A_785, %mul3A_793 : vector<16xf32>
      %mul3A_795 = arith.constant 16 : i32
      %mul3A_796 = arith.muli %scan3A_777, %mul3A_795 : i32
      %swap3A = arith.constant 6 : i32
      %swap3A_797 = arith.index_cast %swap3A : i32 to index
      %swap3A_798 = arith.index_cast %mul3A_796 : i32 to index
      %swap3A_799 = tpu.vector_load %arg10[%swap3A_797, %swap3A_798] {strides = array<i32>} : memref<16x1024xf32, #tpu.memory_space<vmem>>, vector<16xf32>,
      tpu.vector_store %arg10[%swap3A_797, %swap3A_798], %add3A_794 {strides = array<i32>} : memref<16x1024xf32, #tpu.memory_space<vmem>>, vector<16xf32>,
    }
    %scan3A_668 = arith.constant 64 : i32
    %slice3A_669 = vector.extract_strided_slice %get3A_596 {offsets = [7], sizes = [1], strides = [1]} : vector<16xf32> to vector<1xf32>
    %squeeze3A_670 = vector.extract %slice3A_669[0] : f32 from vector<1xf32>
    %slice3A_671 = vector.extract_strided_slice %get3A_598 {offsets = [7], sizes = [1], strides = [1]} : vector<16xf32> to vector<1xf32>
    %squeeze3A_672 = vector.extract %slice3A_671[0] : f32 from vector<1xf32>
    %scan3A_673 = arith.constant 0 : i32
    %scan3A_674 = arith.constant 0 : i32
    %scan3A_675 = arith.constant 64 : i32
    %scan3A_676 = arith.addi %scan3A_674, %scan3A_675 : i32
    %scan3A_677 = arith.constant 1 : i32
    scf.for %scan3A_777 = %scan3A_674 to %scan3A_676 step %scan3A_677  : i32 {
      %mul3A_778 = arith.constant 16 : i32
      %mul3A_779 = arith.muli %scan3A_777, %mul3A_778 : i32
      %get3A_780 = arith.constant 7 : i32
      %get3A_781 = arith.index_cast %get3A_780 : i32 to index
      %get3A_782 = arith.index_cast %mul3A_779 : i32 to index
      %get3A_783 = tpu.vector_load %arg10[%get3A_781, %get3A_782] {strides = array<i32>} : memref<16x1024xf32, #tpu.memory_space<vmem>>, vector<16xf32>,
      %mul3A_784 = vector.broadcast %squeeze3A_670 : f32 to vector<16xf32>
      %mul3A_785 = arith.mulf %get3A_783, %mul3A_784 : vector<16xf32>
      %mul3A_786 = arith.constant 16 : i32
      %mul3A_787 = arith.muli %scan3A_777, %mul3A_786 : i32
      %get3A_788 = arith.constant 7 : i32
      %get3A_789 = arith.index_cast %get3A_788 : i32 to index
      %get3A_790 = arith.index_cast %mul3A_787 : i32 to index
      %get3A_791 = tpu.vector_load %arg11[%get3A_789, %get3A_790] {strides = array<i32>} : memref<16x1024xf32, #tpu.memory_space<vmem>>, vector<16xf32>,
      %mul3A_792 = vector.broadcast %squeeze3A_672 : f32 to vector<16xf32>
      %mul3A_793 = arith.mulf %get3A_791, %mul3A_792 : vector<16xf32>
      %add3A_794 = arith.addf %mul3A_785, %mul3A_793 : vector<16xf32>
      %mul3A_795 = arith.constant 16 : i32
      %mul3A_796 = arith.muli %scan3A_777, %mul3A_795 : i32
      %swap3A = arith.constant 7 : i32
      %swap3A_797 = arith.index_cast %swap3A : i32 to index
      %swap3A_798 = arith.index_cast %mul3A_796 : i32 to index
      %swap3A_799 = tpu.vector_load %arg10[%swap3A_797, %swap3A_798] {strides = array<i32>} : memref<16x1024xf32, #tpu.memory_space<vmem>>, vector<16xf32>,
      tpu.vector_store %arg10[%swap3A_797, %swap3A_798], %add3A_794 {strides = array<i32>} : memref<16x1024xf32, #tpu.memory_space<vmem>>, vector<16xf32>,
    }
    %scan3A_678 = arith.constant 64 : i32
    %slice3A_679 = vector.extract_strided_slice %get3A_596 {offsets = [8], sizes = [1], strides = [1]} : vector<16xf32> to vector<1xf32>
    %squeeze3A_680 = vector.extract %slice3A_679[0] : f32 from vector<1xf32>
    %slice3A_681 = vector.extract_strided_slice %get3A_598 {offsets = [8], sizes = [1], strides = [1]} : vector<16xf32> to vector<1xf32>
    %squeeze3A_682 = vector.extract %slice3A_681[0] : f32 from vector<1xf32>
    %scan3A_683 = arith.constant 0 : i32
    %scan3A_684 = arith.constant 0 : i32
    %scan3A_685 = arith.constant 64 : i32
    %scan3A_686 = arith.addi %scan3A_684, %scan3A_685 : i32
    %scan3A_687 = arith.constant 1 : i32
    scf.for %scan3A_777 = %scan3A_684 to %scan3A_686 step %scan3A_687  : i32 {
      %mul3A_778 = arith.constant 16 : i32
      %mul3A_779 = arith.muli %scan3A_777, %mul3A_778 : i32
      %get3A_780 = arith.constant 8 : i32
      %get3A_781 = arith.index_cast %get3A_780 : i32 to index
      %get3A_782 = arith.index_cast %mul3A_779 : i32 to index
      %get3A_783 = tpu.vector_load %arg10[%get3A_781, %get3A_782] {strides = array<i32>} : memref<16x1024xf32, #tpu.memory_space<vmem>>, vector<16xf32>,
      %mul3A_784 = vector.broadcast %squeeze3A_680 : f32 to vector<16xf32>
      %mul3A_785 = arith.mulf %get3A_783, %mul3A_784 : vector<16xf32>
      %mul3A_786 = arith.constant 16 : i32
      %mul3A_787 = arith.muli %scan3A_777, %mul3A_786 : i32
      %get3A_788 = arith.constant 8 : i32
      %get3A_789 = arith.index_cast %get3A_788 : i32 to index
      %get3A_790 = arith.index_cast %mul3A_787 : i32 to index
      %get3A_791 = tpu.vector_load %arg11[%get3A_789, %get3A_790] {strides = array<i32>} : memref<16x1024xf32, #tpu.memory_space<vmem>>, vector<16xf32>,
      %mul3A_792 = vector.broadcast %squeeze3A_682 : f32 to vector<16xf32>
      %mul3A_793 = arith.mulf %get3A_791, %mul3A_792 : vector<16xf32>
      %add3A_794 = arith.addf %mul3A_785, %mul3A_793 : vector<16xf32>
      %mul3A_795 = arith.constant 16 : i32
      %mul3A_796 = arith.muli %scan3A_777, %mul3A_795 : i32
      %swap3A = arith.constant 8 : i32
      %swap3A_797 = arith.index_cast %swap3A : i32 to index
      %swap3A_798 = arith.index_cast %mul3A_796 : i32 to index
      %swap3A_799 = tpu.vector_load %arg10[%swap3A_797, %swap3A_798] {strides = array<i32>} : memref<16x1024xf32, #tpu.memory_space<vmem>>, vector<16xf32>,
      tpu.vector_store %arg10[%swap3A_797, %swap3A_798], %add3A_794 {strides = array<i32>} : memref<16x1024xf32, #tpu.memory_space<vmem>>, vector<16xf32>,
    }
    %scan3A_688 = arith.constant 64 : i32
    %slice3A_689 = vector.extract_strided_slice %get3A_596 {offsets = [9], sizes = [1], strides = [1]} : vector<16xf32> to vector<1xf32>
    %squeeze3A_690 = vector.extract %slice3A_689[0] : f32 from vector<1xf32>
    %slice3A_691 = vector.extract_strided_slice %get3A_598 {offsets = [9], sizes = [1], strides = [1]} : vector<16xf32> to vector<1xf32>
    %squeeze3A_692 = vector.extract %slice3A_691[0] : f32 from vector<1xf32>
    %scan3A_693 = arith.constant 0 : i32
    %scan3A_694 = arith.constant 0 : i32
    %scan3A_695 = arith.constant 64 : i32
    %scan3A_696 = arith.addi %scan3A_694, %scan3A_695 : i32
    %scan3A_697 = arith.constant 1 : i32
    scf.for %scan3A_777 = %scan3A_694 to %scan3A_696 step %scan3A_697  : i32 {
      %mul3A_778 = arith.constant 16 : i32
      %mul3A_779 = arith.muli %scan3A_777, %mul3A_778 : i32
      %get3A_780 = arith.constant 9 : i32
      %get3A_781 = arith.index_cast %get3A_780 : i32 to index
      %get3A_782 = arith.index_cast %mul3A_779 : i32 to index
      %get3A_783 = tpu.vector_load %arg10[%get3A_781, %get3A_782] {strides = array<i32>} : memref<16x1024xf32, #tpu.memory_space<vmem>>, vector<16xf32>,
      %mul3A_784 = vector.broadcast %squeeze3A_690 : f32 to vector<16xf32>
      %mul3A_785 = arith.mulf %get3A_783, %mul3A_784 : vector<16xf32>
      %mul3A_786 = arith.constant 16 : i32
      %mul3A_787 = arith.muli %scan3A_777, %mul3A_786 : i32
      %get3A_788 = arith.constant 9 : i32
      %get3A_789 = arith.index_cast %get3A_788 : i32 to index
      %get3A_790 = arith.index_cast %mul3A_787 : i32 to index
      %get3A_791 = tpu.vector_load %arg11[%get3A_789, %get3A_790] {strides = array<i32>} : memref<16x1024xf32, #tpu.memory_space<vmem>>, vector<16xf32>,
      %mul3A_792 = vector.broadcast %squeeze3A_692 : f32 to vector<16xf32>
      %mul3A_793 = arith.mulf %get3A_791, %mul3A_792 : vector<16xf32>
      %add3A_794 = arith.addf %mul3A_785, %mul3A_793 : vector<16xf32>
      %mul3A_795 = arith.constant 16 : i32
      %mul3A_796 = arith.muli %scan3A_777, %mul3A_795 : i32
      %swap3A = arith.constant 9 : i32
      %swap3A_797 = arith.index_cast %swap3A : i32 to index
      %swap3A_798 = arith.index_cast %mul3A_796 : i32 to index
      %swap3A_799 = tpu.vector_load %arg10[%swap3A_797, %swap3A_798] {strides = array<i32>} : memref<16x1024xf32, #tpu.memory_space<vmem>>, vector<16xf32>,
      tpu.vector_store %arg10[%swap3A_797, %swap3A_798], %add3A_794 {strides = array<i32>} : memref<16x1024xf32, #tpu.memory_space<vmem>>, vector<16xf32>,
    }
    %scan3A_698 = arith.constant 64 : i32
    %slice3A_699 = vector.extract_strided_slice %get3A_596 {offsets = [10], sizes = [1], strides = [1]} : vector<16xf32> to vector<1xf32>
    %squeeze3A_700 = vector.extract %slice3A_699[0] : f32 from vector<1xf32>
    %slice3A_701 = vector.extract_strided_slice %get3A_598 {offsets = [10], sizes = [1], strides = [1]} : vector<16xf32> to vector<1xf32>
    %squeeze3A_702 = vector.extract %slice3A_701[0] : f32 from vector<1xf32>
    %scan3A_703 = arith.constant 0 : i32
    %scan3A_704 = arith.constant 0 : i32
    %scan3A_705 = arith.constant 64 : i32
    %scan3A_706 = arith.addi %scan3A_704, %scan3A_705 : i32
    %scan3A_707 = arith.constant 1 : i32
    scf.for %scan3A_777 = %scan3A_704 to %scan3A_706 step %scan3A_707  : i32 {
      %mul3A_778 = arith.constant 16 : i32
      %mul3A_779 = arith.muli %scan3A_777, %mul3A_778 : i32
      %get3A_780 = arith.constant 10 : i32
      %get3A_781 = arith.index_cast %get3A_780 : i32 to index
      %get3A_782 = arith.index_cast %mul3A_779 : i32 to index
      %get3A_783 = tpu.vector_load %arg10[%get3A_781, %get3A_782] {strides = array<i32>} : memref<16x1024xf32, #tpu.memory_space<vmem>>, vector<16xf32>,
      %mul3A_784 = vector.broadcast %squeeze3A_700 : f32 to vector<16xf32>
      %mul3A_785 = arith.mulf %get3A_783, %mul3A_784 : vector<16xf32>
      %mul3A_786 = arith.constant 16 : i32
      %mul3A_787 = arith.muli %scan3A_777, %mul3A_786 : i32
      %get3A_788 = arith.constant 10 : i32
      %get3A_789 = arith.index_cast %get3A_788 : i32 to index
      %get3A_790 = arith.index_cast %mul3A_787 : i32 to index
      %get3A_791 = tpu.vector_load %arg11[%get3A_789, %get3A_790] {strides = array<i32>} : memref<16x1024xf32, #tpu.memory_space<vmem>>, vector<16xf32>,
      %mul3A_792 = vector.broadcast %squeeze3A_702 : f32 to vector<16xf32>
      %mul3A_793 = arith.mulf %get3A_791, %mul3A_792 : vector<16xf32>
      %add3A_794 = arith.addf %mul3A_785, %mul3A_793 : vector<16xf32>
      %mul3A_795 = arith.constant 16 : i32
      %mul3A_796 = arith.muli %scan3A_777, %mul3A_795 : i32
      %swap3A = arith.constant 10 : i32
      %swap3A_797 = arith.index_cast %swap3A : i32 to index
      %swap3A_798 = arith.index_cast %mul3A_796 : i32 to index
      %swap3A_799 = tpu.vector_load %arg10[%swap3A_797, %swap3A_798] {strides = array<i32>} : memref<16x1024xf32, #tpu.memory_space<vmem>>, vector<16xf32>,
      tpu.vector_store %arg10[%swap3A_797, %swap3A_798], %add3A_794 {strides = array<i32>} : memref<16x1024xf32, #tpu.memory_space<vmem>>, vector<16xf32>,
    }
    %scan3A_708 = arith.constant 64 : i32
    %slice3A_709 = vector.extract_strided_slice %get3A_596 {offsets = [11], sizes = [1], strides = [1]} : vector<16xf32> to vector<1xf32>
    %squeeze3A_710 = vector.extract %slice3A_709[0] : f32 from vector<1xf32>
    %slice3A_711 = vector.extract_strided_slice %get3A_598 {offsets = [11], sizes = [1], strides = [1]} : vector<16xf32> to vector<1xf32>
    %squeeze3A_712 = vector.extract %slice3A_711[0] : f32 from vector<1xf32>
    %scan3A_713 = arith.constant 0 : i32
    %scan3A_714 = arith.constant 0 : i32
    %scan3A_715 = arith.constant 64 : i32
    %scan3A_716 = arith.addi %scan3A_714, %scan3A_715 : i32
    %scan3A_717 = arith.constant 1 : i32
    scf.for %scan3A_777 = %scan3A_714 to %scan3A_716 step %scan3A_717  : i32 {
      %mul3A_778 = arith.constant 16 : i32
      %mul3A_779 = arith.muli %scan3A_777, %mul3A_778 : i32
      %get3A_780 = arith.constant 11 : i32
      %get3A_781 = arith.index_cast %get3A_780 : i32 to index
      %get3A_782 = arith.index_cast %mul3A_779 : i32 to index
      %get3A_783 = tpu.vector_load %arg10[%get3A_781, %get3A_782] {strides = array<i32>} : memref<16x1024xf32, #tpu.memory_space<vmem>>, vector<16xf32>,
      %mul3A_784 = vector.broadcast %squeeze3A_710 : f32 to vector<16xf32>
      %mul3A_785 = arith.mulf %get3A_783, %mul3A_784 : vector<16xf32>
      %mul3A_786 = arith.constant 16 : i32
      %mul3A_787 = arith.muli %scan3A_777, %mul3A_786 : i32
      %get3A_788 = arith.constant 11 : i32
      %get3A_789 = arith.index_cast %get3A_788 : i32 to index
      %get3A_790 = arith.index_cast %mul3A_787 : i32 to index
      %get3A_791 = tpu.vector_load %arg11[%get3A_789, %get3A_790] {strides = array<i32>} : memref<16x1024xf32, #tpu.memory_space<vmem>>, vector<16xf32>,
      %mul3A_792 = vector.broadcast %squeeze3A_712 : f32 to vector<16xf32>
      %mul3A_793 = arith.mulf %get3A_791, %mul3A_792 : vector<16xf32>
      %add3A_794 = arith.addf %mul3A_785, %mul3A_793 : vector<16xf32>
      %mul3A_795 = arith.constant 16 : i32
      %mul3A_796 = arith.muli %scan3A_777, %mul3A_795 : i32
      %swap3A = arith.constant 11 : i32
      %swap3A_797 = arith.index_cast %swap3A : i32 to index
      %swap3A_798 = arith.index_cast %mul3A_796 : i32 to index
      %swap3A_799 = tpu.vector_load %arg10[%swap3A_797, %swap3A_798] {strides = array<i32>} : memref<16x1024xf32, #tpu.memory_space<vmem>>, vector<16xf32>,
      tpu.vector_store %arg10[%swap3A_797, %swap3A_798], %add3A_794 {strides = array<i32>} : memref<16x1024xf32, #tpu.memory_space<vmem>>, vector<16xf32>,
    }
    %scan3A_718 = arith.constant 64 : i32
    %slice3A_719 = vector.extract_strided_slice %get3A_596 {offsets = [12], sizes = [1], strides = [1]} : vector<16xf32> to vector<1xf32>
    %squeeze3A_720 = vector.extract %slice3A_719[0] : f32 from vector<1xf32>
    %slice3A_721 = vector.extract_strided_slice %get3A_598 {offsets = [12], sizes = [1], strides = [1]} : vector<16xf32> to vector<1xf32>
    %squeeze3A_722 = vector.extract %slice3A_721[0] : f32 from vector<1xf32>
    %scan3A_723 = arith.constant 0 : i32
    %scan3A_724 = arith.constant 0 : i32
    %scan3A_725 = arith.constant 64 : i32
    %scan3A_726 = arith.addi %scan3A_724, %scan3A_725 : i32
    %scan3A_727 = arith.constant 1 : i32
    scf.for %scan3A_777 = %scan3A_724 to %scan3A_726 step %scan3A_727  : i32 {
      %mul3A_778 = arith.constant 16 : i32
      %mul3A_779 = arith.muli %scan3A_777, %mul3A_778 : i32
      %get3A_780 = arith.constant 12 : i32
      %get3A_781 = arith.index_cast %get3A_780 : i32 to index
      %get3A_782 = arith.index_cast %mul3A_779 : i32 to index
      %get3A_783 = tpu.vector_load %arg10[%get3A_781, %get3A_782] {strides = array<i32>} : memref<16x1024xf32, #tpu.memory_space<vmem>>, vector<16xf32>,
      %mul3A_784 = vector.broadcast %squeeze3A_720 : f32 to vector<16xf32>
      %mul3A_785 = arith.mulf %get3A_783, %mul3A_784 : vector<16xf32>
      %mul3A_786 = arith.constant 16 : i32
      %mul3A_787 = arith.muli %scan3A_777, %mul3A_786 : i32
      %get3A_788 = arith.constant 12 : i32
      %get3A_789 = arith.index_cast %get3A_788 : i32 to index
      %get3A_790 = arith.index_cast %mul3A_787 : i32 to index
      %get3A_791 = tpu.vector_load %arg11[%get3A_789, %get3A_790] {strides = array<i32>} : memref<16x1024xf32, #tpu.memory_space<vmem>>, vector<16xf32>,
      %mul3A_792 = vector.broadcast %squeeze3A_722 : f32 to vector<16xf32>
      %mul3A_793 = arith.mulf %get3A_791, %mul3A_792 : vector<16xf32>
      %add3A_794 = arith.addf %mul3A_785, %mul3A_793 : vector<16xf32>
      %mul3A_795 = arith.constant 16 : i32
      %mul3A_796 = arith.muli %scan3A_777, %mul3A_795 : i32
      %swap3A = arith.constant 12 : i32
      %swap3A_797 = arith.index_cast %swap3A : i32 to index
      %swap3A_798 = arith.index_cast %mul3A_796 : i32 to index
      %swap3A_799 = tpu.vector_load %arg10[%swap3A_797, %swap3A_798] {strides = array<i32>} : memref<16x1024xf32, #tpu.memory_space<vmem>>, vector<16xf32>,
      tpu.vector_store %arg10[%swap3A_797, %swap3A_798], %add3A_794 {strides = array<i32>} : memref<16x1024xf32, #tpu.memory_space<vmem>>, vector<16xf32>,
    }
    %scan3A_728 = arith.constant 64 : i32
    %slice3A_729 = vector.extract_strided_slice %get3A_596 {offsets = [13], sizes = [1], strides = [1]} : vector<16xf32> to vector<1xf32>
    %squeeze3A_730 = vector.extract %slice3A_729[0] : f32 from vector<1xf32>
    %slice3A_731 = vector.extract_strided_slice %get3A_598 {offsets = [13], sizes = [1], strides = [1]} : vector<16xf32> to vector<1xf32>
    %squeeze3A_732 = vector.extract %slice3A_731[0] : f32 from vector<1xf32>
    %scan3A_733 = arith.constant 0 : i32
    %scan3A_734 = arith.constant 0 : i32
    %scan3A_735 = arith.constant 64 : i32
    %scan3A_736 = arith.addi %scan3A_734, %scan3A_735 : i32
    %scan3A_737 = arith.constant 1 : i32
    scf.for %scan3A_777 = %scan3A_734 to %scan3A_736 step %scan3A_737  : i32 {
      %mul3A_778 = arith.constant 16 : i32
      %mul3A_779 = arith.muli %scan3A_777, %mul3A_778 : i32
      %get3A_780 = arith.constant 13 : i32
      %get3A_781 = arith.index_cast %get3A_780 : i32 to index
      %get3A_782 = arith.index_cast %mul3A_779 : i32 to index
      %get3A_783 = tpu.vector_load %arg10[%get3A_781, %get3A_782] {strides = array<i32>} : memref<16x1024xf32, #tpu.memory_space<vmem>>, vector<16xf32>,
      %mul3A_784 = vector.broadcast %squeeze3A_730 : f32 to vector<16xf32>
      %mul3A_785 = arith.mulf %get3A_783, %mul3A_784 : vector<16xf32>
      %mul3A_786 = arith.constant 16 : i32
      %mul3A_787 = arith.muli %scan3A_777, %mul3A_786 : i32
      %get3A_788 = arith.constant 13 : i32
      %get3A_789 = arith.index_cast %get3A_788 : i32 to index
      %get3A_790 = arith.index_cast %mul3A_787 : i32 to index
      %get3A_791 = tpu.vector_load %arg11[%get3A_789, %get3A_790] {strides = array<i32>} : memref<16x1024xf32, #tpu.memory_space<vmem>>, vector<16xf32>,
      %mul3A_792 = vector.broadcast %squeeze3A_732 : f32 to vector<16xf32>
      %mul3A_793 = arith.mulf %get3A_791, %mul3A_792 : vector<16xf32>
      %add3A_794 = arith.addf %mul3A_785, %mul3A_793 : vector<16xf32>
      %mul3A_795 = arith.constant 16 : i32
      %mul3A_796 = arith.muli %scan3A_777, %mul3A_795 : i32
      %swap3A = arith.constant 13 : i32
      %swap3A_797 = arith.index_cast %swap3A : i32 to index
      %swap3A_798 = arith.index_cast %mul3A_796 : i32 to index
      %swap3A_799 = tpu.vector_load %arg10[%swap3A_797, %swap3A_798] {strides = array<i32>} : memref<16x1024xf32, #tpu.memory_space<vmem>>, vector<16xf32>,
      tpu.vector_store %arg10[%swap3A_797, %swap3A_798], %add3A_794 {strides = array<i32>} : memref<16x1024xf32, #tpu.memory_space<vmem>>, vector<16xf32>,
    }
    %scan3A_738 = arith.constant 64 : i32
    %slice3A_739 = vector.extract_strided_slice %get3A_596 {offsets = [14], sizes = [1], strides = [1]} : vector<16xf32> to vector<1xf32>
    %squeeze3A_740 = vector.extract %slice3A_739[0] : f32 from vector<1xf32>
    %slice3A_741 = vector.extract_strided_slice %get3A_598 {offsets = [14], sizes = [1], strides = [1]} : vector<16xf32> to vector<1xf32>
    %squeeze3A_742 = vector.extract %slice3A_741[0] : f32 from vector<1xf32>
    %scan3A_743 = arith.constant 0 : i32
    %scan3A_744 = arith.constant 0 : i32
    %scan3A_745 = arith.constant 64 : i32
    %scan3A_746 = arith.addi %scan3A_744, %scan3A_745 : i32
    %scan3A_747 = arith.constant 1 : i32
    scf.for %scan3A_777 = %scan3A_744 to %scan3A_746 step %scan3A_747  : i32 {
      %mul3A_778 = arith.constant 16 : i32
      %mul3A_779 = arith.muli %scan3A_777, %mul3A_778 : i32
      %get3A_780 = arith.constant 14 : i32
      %get3A_781 = arith.index_cast %get3A_780 : i32 to index
      %get3A_782 = arith.index_cast %mul3A_779 : i32 to index
      %get3A_783 = tpu.vector_load %arg10[%get3A_781, %get3A_782] {strides = array<i32>} : memref<16x1024xf32, #tpu.memory_space<vmem>>, vector<16xf32>,
      %mul3A_784 = vector.broadcast %squeeze3A_740 : f32 to vector<16xf32>
      %mul3A_785 = arith.mulf %get3A_783, %mul3A_784 : vector<16xf32>
      %mul3A_786 = arith.constant 16 : i32
      %mul3A_787 = arith.muli %scan3A_777, %mul3A_786 : i32
      %get3A_788 = arith.constant 14 : i32
      %get3A_789 = arith.index_cast %get3A_788 : i32 to index
      %get3A_790 = arith.index_cast %mul3A_787 : i32 to index
      %get3A_791 = tpu.vector_load %arg11[%get3A_789, %get3A_790] {strides = array<i32>} : memref<16x1024xf32, #tpu.memory_space<vmem>>, vector<16xf32>,
      %mul3A_792 = vector.broadcast %squeeze3A_742 : f32 to vector<16xf32>
      %mul3A_793 = arith.mulf %get3A_791, %mul3A_792 : vector<16xf32>
      %add3A_794 = arith.addf %mul3A_785, %mul3A_793 : vector<16xf32>
      %mul3A_795 = arith.constant 16 : i32
      %mul3A_796 = arith.muli %scan3A_777, %mul3A_795 : i32
      %swap3A = arith.constant 14 : i32
      %swap3A_797 = arith.index_cast %swap3A : i32 to index
      %swap3A_798 = arith.index_cast %mul3A_796 : i32 to index
      %swap3A_799 = tpu.vector_load %arg10[%swap3A_797, %swap3A_798] {strides = array<i32>} : memref<16x1024xf32, #tpu.memory_space<vmem>>, vector<16xf32>,
      tpu.vector_store %arg10[%swap3A_797, %swap3A_798], %add3A_794 {strides = array<i32>} : memref<16x1024xf32, #tpu.memory_space<vmem>>, vector<16xf32>,
    }
    %scan3A_748 = arith.constant 64 : i32
    %slice3A_749 = vector.extract_strided_slice %get3A_596 {offsets = [15], sizes = [1], strides = [1]} : vector<16xf32> to vector<1xf32>
    %squeeze3A_750 = vector.extract %slice3A_749[0] : f32 from vector<1xf32>
    %slice3A_751 = vector.extract_strided_slice %get3A_598 {offsets = [15], sizes = [1], strides = [1]} : vector<16xf32> to vector<1xf32>
    %squeeze3A_752 = vector.extract %slice3A_751[0] : f32 from vector<1xf32>
    %scan3A_753 = arith.constant 0 : i32
    %scan3A_754 = arith.constant 0 : i32
    %scan3A_755 = arith.constant 64 : i32
    %scan3A_756 = arith.addi %scan3A_754, %scan3A_755 : i32
    %scan3A_757 = arith.constant 1 : i32
    scf.for %scan3A_777 = %scan3A_754 to %scan3A_756 step %scan3A_757  : i32 {
      %mul3A_778 = arith.constant 16 : i32
      %mul3A_779 = arith.muli %scan3A_777, %mul3A_778 : i32
      %get3A_780 = arith.constant 15 : i32
      %get3A_781 = arith.index_cast %get3A_780 : i32 to index
      %get3A_782 = arith.index_cast %mul3A_779 : i32 to index
      %get3A_783 = tpu.vector_load %arg10[%get3A_781, %get3A_782] {strides = array<i32>} : memref<16x1024xf32, #tpu.memory_space<vmem>>, vector<16xf32>,
      %mul3A_784 = vector.broadcast %squeeze3A_750 : f32 to vector<16xf32>
      %mul3A_785 = arith.mulf %get3A_783, %mul3A_784 : vector<16xf32>
      %mul3A_786 = arith.constant 16 : i32
      %mul3A_787 = arith.muli %scan3A_777, %mul3A_786 : i32
      %get3A_788 = arith.constant 15 : i32
      %get3A_789 = arith.index_cast %get3A_788 : i32 to index
      %get3A_790 = arith.index_cast %mul3A_787 : i32 to index
      %get3A_791 = tpu.vector_load %arg11[%get3A_789, %get3A_790] {strides = array<i32>} : memref<16x1024xf32, #tpu.memory_space<vmem>>, vector<16xf32>,
      %mul3A_792 = vector.broadcast %squeeze3A_752 : f32 to vector<16xf32>
      %mul3A_793 = arith.mulf %get3A_791, %mul3A_792 : vector<16xf32>
      %add3A_794 = arith.addf %mul3A_785, %mul3A_793 : vector<16xf32>
      %mul3A_795 = arith.constant 16 : i32
      %mul3A_796 = arith.muli %scan3A_777, %mul3A_795 : i32
      %swap3A = arith.constant 15 : i32
      %swap3A_797 = arith.index_cast %swap3A : i32 to index
      %swap3A_798 = arith.index_cast %mul3A_796 : i32 to index
      %swap3A_799 = tpu.vector_load %arg10[%swap3A_797, %swap3A_798] {strides = array<i32>} : memref<16x1024xf32, #tpu.memory_space<vmem>>, vector<16xf32>,
      tpu.vector_store %arg10[%swap3A_797, %swap3A_798], %add3A_794 {strides = array<i32>} : memref<16x1024xf32, #tpu.memory_space<vmem>>, vector<16xf32>,
    }
    %scan3A_758 = arith.constant 64 : i32
    %add3A_759 = arith.constant 48 : i32
    %add3A_760 = arith.addi %mul3A_2, %add3A_759 : i32
    %dma_start3A_761 = arith.constant 0 : i32
    %dma_start3A_762 = tpu.memref_slice %arg5[%add3A_760, %dma_start3A_761] : memref<2048x1024xf32, #tpu.memory_space<hbm>> -> memref<16x1024xf32, #tpu.memory_space<hbm>>
    %dma_start3A_763 = arith.constant 0 : i32
    %dma_start3A_764 = tpu.memref_slice %arg5[%add3A_760, %dma_start3A_763] : memref<2048x1024xf32, #tpu.memory_space<hbm>> -> memref<16x1024xf32, #tpu.memory_space<hbm>>
    tpu.enqueue_dma source(%arg10 : memref<16x1024xf32, #tpu.memory_space<vmem>>) target(%dma_start3A_764 : memref<16x1024xf32, #tpu.memory_space<hbm>>) target_semaphore(%arg16 : memref<!tpu.dma_semaphore, #tpu.memory_space<semaphore_mem>>)
    %dma_wait3A_765 = arith.constant 0 : i32
    %dma_wait3A_766 = tpu.memref_slice %arg5[%add3A_400, %dma_wait3A_765] : memref<2048x1024xf32, #tpu.memory_space<hbm>> -> memref<16x1024xf32, #tpu.memory_space<hbm>>
    %dma_wait3A_767 = arith.constant 0 : i32
    %dma_wait3A_768 = tpu.memref_slice %arg5[%add3A_400, %dma_wait3A_767] : memref<2048x1024xf32, #tpu.memory_space<hbm>> -> memref<16x1024xf32, #tpu.memory_space<hbm>>
    tpu.wait_dma2 semaphore(%arg17 : memref<!tpu.dma_semaphore, #tpu.memory_space<semaphore_mem>>) src(%arg12 : memref<16x1024xf32, #tpu.memory_space<vmem>>) dst(%dma_wait3A_768 : memref<16x1024xf32, #tpu.memory_space<hbm>>)
    %dma_wait3A_769 = arith.constant 0 : i32
    %dma_wait3A_770 = tpu.memref_slice %arg5[%add3A_580, %dma_wait3A_769] : memref<2048x1024xf32, #tpu.memory_space<hbm>> -> memref<16x1024xf32, #tpu.memory_space<hbm>>
    %dma_wait3A_771 = arith.constant 0 : i32
    %dma_wait3A_772 = tpu.memref_slice %arg5[%add3A_580, %dma_wait3A_771] : memref<2048x1024xf32, #tpu.memory_space<hbm>> -> memref<16x1024xf32, #tpu.memory_space<hbm>>
    tpu.wait_dma2 semaphore(%arg18 : memref<!tpu.dma_semaphore, #tpu.memory_space<semaphore_mem>>) src(%arg14 : memref<16x1024xf32, #tpu.memory_space<vmem>>) dst(%dma_wait3A_772 : memref<16x1024xf32, #tpu.memory_space<hbm>>)
    %dma_wait3A_773 = arith.constant 0 : i32
    %dma_wait3A_774 = tpu.memref_slice %arg5[%add3A_760, %dma_wait3A_773] : memref<2048x1024xf32, #tpu.memory_space<hbm>> -> memref<16x1024xf32, #tpu.memory_space<hbm>>
    %dma_wait3A_775 = arith.constant 0 : i32
    %dma_wait3A_776 = tpu.memref_slice %arg5[%add3A_760, %dma_wait3A_775] : memref<2048x1024xf32, #tpu.memory_space<hbm>> -> memref<16x1024xf32, #tpu.memory_space<hbm>>
    tpu.wait_dma2 semaphore(%arg16 : memref<!tpu.dma_semaphore, #tpu.memory_space<semaphore_mem>>) src(%arg10 : memref<16x1024xf32, #tpu.memory_space<vmem>>) dst(%dma_wait3A_776 : memref<16x1024xf32, #tpu.memory_space<hbm>>)
    return
  }
}

module attributes {stable_mosaic.version = 14 : i64} {
  func.func @_gate_body(%arg0: memref<2048x1024xf32, #tpu.memory_space<vmem>>, %arg1: memref<1024x16xf32, #tpu.memory_space<vmem>>, %arg2: memref<4096x1xf32, #tpu.memory_space<vmem>>, %arg3: memref<4096x1xi32, #tpu.memory_space<vmem>>, %arg4: memref<1x48xi32, #tpu.memory_space<vmem>>) attributes {dimension_semantics = [], scalar_prefetch = 0 : i64, scratch_operands = 0 : i64, tpu.core_type = #tpu.core_type<tc>} {
    %get3A = arith.constant 0 : index
    %get3A_0 = arith.constant 0 : index
    %get3A_1 = vector.load %arg0[%get3A, %get3A_0] : memref<2048x1024xf32, #tpu.memory_space<vmem>>, vector<2048x1024xf32>
    %get3A_2 = arith.constant 0 : index
    %get3A_3 = arith.constant 0 : index
    %get3A_4 = vector.load %arg1[%get3A_2, %get3A_3] : memref<1024x16xf32, #tpu.memory_space<vmem>>, vector<1024x16xf32>
    %dot_general3A = arith.constant dense<0.000000e+00> : vector<2048x16xf32>
    %dot_general3A_5 = tpu.matmul %get3A_1, %get3A_4, %dot_general3A {dimension_numbers = #tpu.dot_dimension_numbers<[1], [0], [0], [1], [0, 0, 1, 1], [], []>, transpose_lhs_hint = false} : vector<2048x1024xf32>, vector<1024x16xf32>, vector<2048x16xf32> -> vector<2048x16xf32>
    %reduce_max3A = arith.constant dense<0xFF800000> : vector<2048xf32>
    %reduce_max3A_6 = vector.multi_reduction <maximumf>, %dot_general3A_5, %reduce_max3A [1] : vector<2048x16xf32> to vector<2048xf32>
    %broadcast_in_dim3A = vector.shape_cast %reduce_max3A_6 : vector<2048xf32> to vector<2048x1xf32>
    %sub3A = vector.broadcast %broadcast_in_dim3A : vector<2048x1xf32> to vector<2048x16xf32>
    %sub3A_7 = arith.subf %dot_general3A_5, %sub3A : vector<2048x16xf32>
    %exp3A = math.exp %sub3A_7 : vector<2048x16xf32>
    %reduce_sum3A = arith.constant dense<0.000000e+00> : vector<2048xf32>
    %reduce_sum3A_8 = vector.multi_reduction <add>, %exp3A, %reduce_sum3A [1] : vector<2048x16xf32> to vector<2048xf32>
    %broadcast_in_dim3A_9 = vector.shape_cast %reduce_sum3A_8 : vector<2048xf32> to vector<2048x1xf32>
    %div3A = vector.broadcast %broadcast_in_dim3A_9 : vector<2048x1xf32> to vector<2048x16xf32>
    %div3A_10 = arith.divf %exp3A, %div3A : vector<2048x16xf32>
    %iota3A = tpu.iota {dimensions = array<i32: 1>} : vector<2048x16xi32>
    %reduce_max3A_11 = arith.constant dense<0xFF800000> : vector<2048xf32>
    %reduce_max3A_12 = vector.multi_reduction <maximumf>, %div3A_10, %reduce_max3A_11 [1] : vector<2048x16xf32> to vector<2048xf32>
    %broadcast_in_dim3A_13 = vector.shape_cast %reduce_max3A_12 : vector<2048xf32> to vector<2048x1xf32>
    %eq3A = vector.broadcast %broadcast_in_dim3A_13 : vector<2048x1xf32> to vector<2048x16xf32>
    %eq3A_14 = arith.cmpf oeq, %div3A_10, %eq3A : vector<2048x16xf32>
    %jit3A = arith.constant 16 : i32
    %broadcast_in_dim3A_15 = vector.broadcast %jit3A : i32 to vector<2048x16xi32>
    %select_n3A = arith.select %eq3A_14, %iota3A, %broadcast_in_dim3A_15 : vector<2048x16xi1>, vector<2048x16xi32>
    %reduce_min3A = arith.constant dense<2147483647> : vector<2048xi32>
    %reduce_min3A_16 = vector.multi_reduction <minsi>, %select_n3A, %reduce_min3A [1] : vector<2048x16xi32> to vector<2048xi32>
    %broadcast_in_dim3A_17 = vector.shape_cast %reduce_min3A_16 : vector<2048xi32> to vector<2048x1xi32>
    %eq3A_18 = vector.broadcast %broadcast_in_dim3A_17 : vector<2048x1xi32> to vector<2048x16xi32>
    %eq3A_19 = arith.cmpi eq, %iota3A, %eq3A_18 : vector<2048x16xi32>
    %neg3A = arith.constant 0.000000e+00 : f32
    %neg3A_20 = arith.constant 0x7F800000 : f32
    %neg3A_21 = arith.subf %neg3A, %neg3A_20 : f32
    %broadcast_in_dim3A_22 = vector.broadcast %neg3A_21 : f32 to vector<2048x16xf32>
    %select_n3A_23 = arith.select %eq3A_19, %broadcast_in_dim3A_22, %div3A_10 : vector<2048x16xi1>, vector<2048x16xf32>
    %reduce_max3A_24 = arith.constant dense<0xFF800000> : vector<2048xf32>
    %reduce_max3A_25 = vector.multi_reduction <maximumf>, %select_n3A_23, %reduce_max3A_24 [1] : vector<2048x16xf32> to vector<2048xf32>
    %broadcast_in_dim3A_26 = vector.shape_cast %reduce_max3A_25 : vector<2048xf32> to vector<2048x1xf32>
    %eq3A_27 = vector.broadcast %broadcast_in_dim3A_26 : vector<2048x1xf32> to vector<2048x16xf32>
    %eq3A_28 = arith.cmpf oeq, %select_n3A_23, %eq3A_27 : vector<2048x16xf32>
    %jit3A_29 = arith.constant 16 : i32
    %broadcast_in_dim3A_30 = vector.broadcast %jit3A_29 : i32 to vector<2048x16xi32>
    %select_n3A_31 = arith.select %eq3A_28, %iota3A, %broadcast_in_dim3A_30 : vector<2048x16xi1>, vector<2048x16xi32>
    %reduce_min3A_32 = arith.constant dense<2147483647> : vector<2048xi32>
    %reduce_min3A_33 = vector.multi_reduction <minsi>, %select_n3A_31, %reduce_min3A_32 [1] : vector<2048x16xi32> to vector<2048xi32>
    %broadcast_in_dim3A_34 = vector.shape_cast %reduce_min3A_33 : vector<2048xi32> to vector<2048x1xi32>
    %add3A = arith.addf %broadcast_in_dim3A_13, %broadcast_in_dim3A_26 : vector<2048x1xf32>
    %div3A_35 = arith.divf %broadcast_in_dim3A_13, %add3A : vector<2048x1xf32>
    %div3A_36 = arith.divf %broadcast_in_dim3A_26, %add3A : vector<2048x1xf32>
    %eq3A_37 = vector.broadcast %broadcast_in_dim3A_17 : vector<2048x1xi32> to vector<2048x16xi32>
    %eq3A_38 = arith.cmpi eq, %iota3A, %eq3A_37 : vector<2048x16xi32>
    %convert_element_type3A = arith.extui %eq3A_38 : vector<2048x16xi1> to vector<2048x16xi32>
    %convert_element_type3A_39 = arith.sitofp %convert_element_type3A : vector<2048x16xi32> to vector<2048x16xf32>
    %eq3A_40 = vector.broadcast %broadcast_in_dim3A_34 : vector<2048x1xi32> to vector<2048x16xi32>
    %eq3A_41 = arith.cmpi eq, %iota3A, %eq3A_40 : vector<2048x16xi32>
    %convert_element_type3A_42 = arith.extui %eq3A_41 : vector<2048x16xi1> to vector<2048x16xi32>
    %convert_element_type3A_43 = arith.sitofp %convert_element_type3A_42 : vector<2048x16xi32> to vector<2048x16xf32>
    %reduce_sum3A_44 = arith.constant dense<0.000000e+00> : vector<16xf32>
    %reduce_sum3A_45 = vector.multi_reduction <add>, %convert_element_type3A_39, %reduce_sum3A_44 [0] : vector<2048x16xf32> to vector<16xf32>
    %broadcast_in_dim3A_46 = vector.shape_cast %reduce_sum3A_45 : vector<16xf32> to vector<1x16xf32>
    %reduce_sum3A_47 = arith.constant dense<0.000000e+00> : vector<16xf32>
    %reduce_sum3A_48 = vector.multi_reduction <add>, %convert_element_type3A_43, %reduce_sum3A_47 [0] : vector<2048x16xf32> to vector<16xf32>
    %broadcast_in_dim3A_49 = vector.shape_cast %reduce_sum3A_48 : vector<16xf32> to vector<1x16xf32>
    %add3A_50 = arith.addf %broadcast_in_dim3A_46, %broadcast_in_dim3A_49 : vector<1x16xf32>
    %add3A_51 = arith.constant 1.270000e+02 : f32
    %add3A_52 = vector.broadcast %add3A_51 : f32 to vector<1x16xf32>
    %add3A_53 = arith.addf %add3A_50, %add3A_52 : vector<1x16xf32>
    %mul3A = arith.constant 7.812500e-03 : f32
    %mul3A_54 = vector.broadcast %mul3A : f32 to vector<1x16xf32>
    %mul3A_55 = arith.mulf %add3A_53, %mul3A_54 : vector<1x16xf32>
    %floor3A = math.floor %mul3A_55 : vector<1x16xf32>
    %mul3A_56 = arith.constant 1.280000e+02 : f32
    %mul3A_57 = vector.broadcast %mul3A_56 : f32 to vector<1x16xf32>
    %mul3A_58 = arith.mulf %floor3A, %mul3A_57 : vector<1x16xf32>
    %iota3A_59 = tpu.iota {dimensions = array<i32: 0>} : vector<16x16xi32>
    %iota3A_60 = tpu.iota {dimensions = array<i32: 1>} : vector<16x16xi32>
    %lt3A = arith.cmpi slt, %iota3A_59, %iota3A_60 : vector<16x16xi32>
    %convert_element_type3A_61 = arith.extui %lt3A : vector<16x16xi1> to vector<16x16xi32>
    %convert_element_type3A_62 = arith.sitofp %convert_element_type3A_61 : vector<16x16xi32> to vector<16x16xf32>
    %dot_general3A_63 = arith.constant dense<0.000000e+00> : vector<1x16xf32>
    %dot_general3A_64 = tpu.matmul %mul3A_58, %convert_element_type3A_62, %dot_general3A_63 {dimension_numbers = #tpu.dot_dimension_numbers<[1], [0], [0], [1], [0, 0, 1, 1], [], []>, transpose_lhs_hint = false} : vector<1x16xf32>, vector<16x16xf32>, vector<1x16xf32> -> vector<1x16xf32>
    %add3A_65 = arith.addf %dot_general3A_64, %mul3A_58 : vector<1x16xf32>
    %reduce_sum3A_66 = vector.shape_cast %mul3A_58 : vector<1x16xf32> to vector<1x1x16xf32>
    %reduce_sum3A_67 = arith.constant dense<0.000000e+00> : vector<1xf32>
    %reduce_sum3A_68 = vector.multi_reduction <add>, %reduce_sum3A_66, %reduce_sum3A_67 [1, 2] : vector<1x1x16xf32> to vector<1xf32>
    %reduce_sum3A_69 = vector.shape_cast %reduce_sum3A_68 : vector<1xf32> to vector<1x1x1xf32>
    %reduce_sum3A_70 = vector.extract %reduce_sum3A_69[0, 0, 0] : f32 from vector<1x1x1xf32>
    %iota3A_71 = tpu.iota {dimensions = array<i32: 1>} : vector<256x256xi32>
    %iota3A_72 = tpu.iota {dimensions = array<i32: 0>} : vector<256x256xi32>
    %lt3A_73 = arith.cmpi slt, %iota3A_71, %iota3A_72 : vector<256x256xi32>
    %convert_element_type3A_74 = arith.extui %lt3A_73 : vector<256x256xi1> to vector<256x256xi32>
    %convert_element_type3A_75 = arith.sitofp %convert_element_type3A_74 : vector<256x256xi32> to vector<256x256xf32>
    %broadcast_in_dim3A_76 = arith.constant 0.000000e+00 : f32
    %broadcast_in_dim3A_77 = vector.broadcast %broadcast_in_dim3A_76 : f32 to vector<1x16xf32>
    %slice3A = vector.extract_strided_slice %convert_element_type3A_39 {offsets = [0, 0], sizes = [256, 16], strides = [1, 1]} : vector<2048x16xf32> to vector<256x16xf32>
    %slice3A_78 = vector.extract_strided_slice %convert_element_type3A_43 {offsets = [0, 0], sizes = [256, 16], strides = [1, 1]} : vector<2048x16xf32> to vector<256x16xf32>
    %dot_general3A_79 = arith.constant dense<0.000000e+00> : vector<256x16xf32>
    %dot_general3A_80 = tpu.matmul %convert_element_type3A_75, %slice3A, %dot_general3A_79 {dimension_numbers = #tpu.dot_dimension_numbers<[1], [0], [0], [1], [0, 0, 1, 1], [], []>, transpose_lhs_hint = false} : vector<256x256xf32>, vector<256x16xf32>, vector<256x16xf32> -> vector<256x16xf32>
    %add3A_81 = vector.broadcast %broadcast_in_dim3A_77 : vector<1x16xf32> to vector<256x16xf32>
    %add3A_82 = arith.addf %dot_general3A_80, %add3A_81 : vector<256x16xf32>
    %dot_general3A_83 = arith.constant dense<0.000000e+00> : vector<256x16xf32>
    %dot_general3A_84 = tpu.matmul %convert_element_type3A_75, %slice3A_78, %dot_general3A_83 {dimension_numbers = #tpu.dot_dimension_numbers<[1], [0], [0], [1], [0, 0, 1, 1], [], []>, transpose_lhs_hint = false} : vector<256x256xf32>, vector<256x16xf32>, vector<256x16xf32> -> vector<256x16xf32>
    %add3A_85 = vector.broadcast %broadcast_in_dim3A_46 : vector<1x16xf32> to vector<256x16xf32>
    %add3A_86 = arith.addf %dot_general3A_84, %add3A_85 : vector<256x16xf32>
    %add3A_87 = vector.broadcast %dot_general3A_64 : vector<1x16xf32> to vector<256x16xf32>
    %add3A_88 = arith.addf %add3A_82, %add3A_87 : vector<256x16xf32>
    %mul3A_89 = arith.mulf %slice3A, %add3A_88 : vector<256x16xf32>
    %reduce_sum3A_90 = arith.constant dense<0.000000e+00> : vector<256xf32>
    %reduce_sum3A_91 = vector.multi_reduction <add>, %mul3A_89, %reduce_sum3A_90 [1] : vector<256x16xf32> to vector<256xf32>
    %broadcast_in_dim3A_92 = vector.shape_cast %reduce_sum3A_91 : vector<256xf32> to vector<256x1xf32>
    %add3A_93 = vector.broadcast %dot_general3A_64 : vector<1x16xf32> to vector<256x16xf32>
    %add3A_94 = arith.addf %add3A_86, %add3A_93 : vector<256x16xf32>
    %mul3A_95 = arith.mulf %slice3A_78, %add3A_94 : vector<256x16xf32>
    %reduce_sum3A_96 = arith.constant dense<0.000000e+00> : vector<256xf32>
    %reduce_sum3A_97 = vector.multi_reduction <add>, %mul3A_95, %reduce_sum3A_96 [1] : vector<256x16xf32> to vector<256xf32>
    %broadcast_in_dim3A_98 = vector.shape_cast %reduce_sum3A_97 : vector<256xf32> to vector<256x1xf32>
    %convert_element_type3A_99 = arith.fptosi %broadcast_in_dim3A_92 : vector<256x1xf32> to vector<256x1xi32>
    %swap3A = arith.constant 0 : index
    %swap3A_100 = arith.constant 0 : index
    %swap3A_101 = vector.load %arg3[%swap3A, %swap3A_100] : memref<4096x1xi32, #tpu.memory_space<vmem>>, vector<256x1xi32>
    tpu.vector_store %arg3[%swap3A, %swap3A_100], %convert_element_type3A_99 {strides = array<i32>} : memref<4096x1xi32, #tpu.memory_space<vmem>>, vector<256x1xi32>,
    %convert_element_type3A_102 = arith.fptosi %broadcast_in_dim3A_98 : vector<256x1xf32> to vector<256x1xi32>
    %swap3A_103 = arith.constant 2048 : index
    %swap3A_104 = arith.constant 0 : index
    %swap3A_105 = vector.load %arg3[%swap3A_103, %swap3A_104] : memref<4096x1xi32, #tpu.memory_space<vmem>>, vector<256x1xi32>
    tpu.vector_store %arg3[%swap3A_103, %swap3A_104], %convert_element_type3A_102 {strides = array<i32>} : memref<4096x1xi32, #tpu.memory_space<vmem>>, vector<256x1xi32>,
    %slice3A_106 = vector.extract_strided_slice %div3A_35 {offsets = [0, 0], sizes = [256, 1], strides = [1, 1]} : vector<2048x1xf32> to vector<256x1xf32>
    %swap3A_107 = arith.constant 0 : index
    %swap3A_108 = arith.constant 0 : index
    %swap3A_109 = vector.load %arg2[%swap3A_107, %swap3A_108] : memref<4096x1xf32, #tpu.memory_space<vmem>>, vector<256x1xf32>
    tpu.vector_store %arg2[%swap3A_107, %swap3A_108], %slice3A_106 {strides = array<i32>} : memref<4096x1xf32, #tpu.memory_space<vmem>>, vector<256x1xf32>,
    %slice3A_110 = vector.extract_strided_slice %div3A_36 {offsets = [0, 0], sizes = [256, 1], strides = [1, 1]} : vector<2048x1xf32> to vector<256x1xf32>
    %swap3A_111 = arith.constant 2048 : index
    %swap3A_112 = arith.constant 0 : index
    %swap3A_113 = vector.load %arg2[%swap3A_111, %swap3A_112] : memref<4096x1xf32, #tpu.memory_space<vmem>>, vector<256x1xf32>
    tpu.vector_store %arg2[%swap3A_111, %swap3A_112], %slice3A_110 {strides = array<i32>} : memref<4096x1xf32, #tpu.memory_space<vmem>>, vector<256x1xf32>,
    %reduce_sum3A_114 = arith.constant dense<0.000000e+00> : vector<16xf32>
    %reduce_sum3A_115 = vector.multi_reduction <add>, %slice3A, %reduce_sum3A_114 [0] : vector<256x16xf32> to vector<16xf32>
    %broadcast_in_dim3A_116 = vector.shape_cast %reduce_sum3A_115 : vector<16xf32> to vector<1x16xf32>
    %add3A_117 = arith.addf %broadcast_in_dim3A_77, %broadcast_in_dim3A_116 : vector<1x16xf32>
    %reduce_sum3A_118 = arith.constant dense<0.000000e+00> : vector<16xf32>
    %reduce_sum3A_119 = vector.multi_reduction <add>, %slice3A_78, %reduce_sum3A_118 [0] : vector<256x16xf32> to vector<16xf32>
    %broadcast_in_dim3A_120 = vector.shape_cast %reduce_sum3A_119 : vector<16xf32> to vector<1x16xf32>
    %add3A_121 = arith.addf %broadcast_in_dim3A_46, %broadcast_in_dim3A_120 : vector<1x16xf32>
    %slice3A_122 = vector.extract_strided_slice %convert_element_type3A_39 {offsets = [256, 0], sizes = [256, 16], strides = [1, 1]} : vector<2048x16xf32> to vector<256x16xf32>
    %slice3A_123 = vector.extract_strided_slice %convert_element_type3A_43 {offsets = [256, 0], sizes = [256, 16], strides = [1, 1]} : vector<2048x16xf32> to vector<256x16xf32>
    %dot_general3A_124 = arith.constant dense<0.000000e+00> : vector<256x16xf32>
    %dot_general3A_125 = tpu.matmul %convert_element_type3A_75, %slice3A_122, %dot_general3A_124 {dimension_numbers = #tpu.dot_dimension_numbers<[1], [0], [0], [1], [0, 0, 1, 1], [], []>, transpose_lhs_hint = false} : vector<256x256xf32>, vector<256x16xf32>, vector<256x16xf32> -> vector<256x16xf32>
    %add3A_126 = vector.broadcast %add3A_117 : vector<1x16xf32> to vector<256x16xf32>
    %add3A_127 = arith.addf %dot_general3A_125, %add3A_126 : vector<256x16xf32>
    %dot_general3A_128 = arith.constant dense<0.000000e+00> : vector<256x16xf32>
    %dot_general3A_129 = tpu.matmul %convert_element_type3A_75, %slice3A_123, %dot_general3A_128 {dimension_numbers = #tpu.dot_dimension_numbers<[1], [0], [0], [1], [0, 0, 1, 1], [], []>, transpose_lhs_hint = false} : vector<256x256xf32>, vector<256x16xf32>, vector<256x16xf32> -> vector<256x16xf32>
    %add3A_130 = vector.broadcast %add3A_121 : vector<1x16xf32> to vector<256x16xf32>
    %add3A_131 = arith.addf %dot_general3A_129, %add3A_130 : vector<256x16xf32>
    %add3A_132 = vector.broadcast %dot_general3A_64 : vector<1x16xf32> to vector<256x16xf32>
    %add3A_133 = arith.addf %add3A_127, %add3A_132 : vector<256x16xf32>
    %mul3A_134 = arith.mulf %slice3A_122, %add3A_133 : vector<256x16xf32>
    %reduce_sum3A_135 = arith.constant dense<0.000000e+00> : vector<256xf32>
    %reduce_sum3A_136 = vector.multi_reduction <add>, %mul3A_134, %reduce_sum3A_135 [1] : vector<256x16xf32> to vector<256xf32>
    %broadcast_in_dim3A_137 = vector.shape_cast %reduce_sum3A_136 : vector<256xf32> to vector<256x1xf32>
    %add3A_138 = vector.broadcast %dot_general3A_64 : vector<1x16xf32> to vector<256x16xf32>
    %add3A_139 = arith.addf %add3A_131, %add3A_138 : vector<256x16xf32>
    %mul3A_140 = arith.mulf %slice3A_123, %add3A_139 : vector<256x16xf32>
    %reduce_sum3A_141 = arith.constant dense<0.000000e+00> : vector<256xf32>
    %reduce_sum3A_142 = vector.multi_reduction <add>, %mul3A_140, %reduce_sum3A_141 [1] : vector<256x16xf32> to vector<256xf32>
    %broadcast_in_dim3A_143 = vector.shape_cast %reduce_sum3A_142 : vector<256xf32> to vector<256x1xf32>
    %convert_element_type3A_144 = arith.fptosi %broadcast_in_dim3A_137 : vector<256x1xf32> to vector<256x1xi32>
    %swap3A_145 = arith.constant 256 : index
    %swap3A_146 = arith.constant 0 : index
    %swap3A_147 = vector.load %arg3[%swap3A_145, %swap3A_146] : memref<4096x1xi32, #tpu.memory_space<vmem>>, vector<256x1xi32>
    tpu.vector_store %arg3[%swap3A_145, %swap3A_146], %convert_element_type3A_144 {strides = array<i32>} : memref<4096x1xi32, #tpu.memory_space<vmem>>, vector<256x1xi32>,
    %convert_element_type3A_148 = arith.fptosi %broadcast_in_dim3A_143 : vector<256x1xf32> to vector<256x1xi32>
    %swap3A_149 = arith.constant 2304 : index
    %swap3A_150 = arith.constant 0 : index
    %swap3A_151 = vector.load %arg3[%swap3A_149, %swap3A_150] : memref<4096x1xi32, #tpu.memory_space<vmem>>, vector<256x1xi32>
    tpu.vector_store %arg3[%swap3A_149, %swap3A_150], %convert_element_type3A_148 {strides = array<i32>} : memref<4096x1xi32, #tpu.memory_space<vmem>>, vector<256x1xi32>,
    %slice3A_152 = vector.extract_strided_slice %div3A_35 {offsets = [256, 0], sizes = [256, 1], strides = [1, 1]} : vector<2048x1xf32> to vector<256x1xf32>
    %swap3A_153 = arith.constant 256 : index
    %swap3A_154 = arith.constant 0 : index
    %swap3A_155 = vector.load %arg2[%swap3A_153, %swap3A_154] : memref<4096x1xf32, #tpu.memory_space<vmem>>, vector<256x1xf32>
    tpu.vector_store %arg2[%swap3A_153, %swap3A_154], %slice3A_152 {strides = array<i32>} : memref<4096x1xf32, #tpu.memory_space<vmem>>, vector<256x1xf32>,
    %slice3A_156 = vector.extract_strided_slice %div3A_36 {offsets = [256, 0], sizes = [256, 1], strides = [1, 1]} : vector<2048x1xf32> to vector<256x1xf32>
    %swap3A_157 = arith.constant 2304 : index
    %swap3A_158 = arith.constant 0 : index
    %swap3A_159 = vector.load %arg2[%swap3A_157, %swap3A_158] : memref<4096x1xf32, #tpu.memory_space<vmem>>, vector<256x1xf32>
    tpu.vector_store %arg2[%swap3A_157, %swap3A_158], %slice3A_156 {strides = array<i32>} : memref<4096x1xf32, #tpu.memory_space<vmem>>, vector<256x1xf32>,
    %reduce_sum3A_160 = arith.constant dense<0.000000e+00> : vector<16xf32>
    %reduce_sum3A_161 = vector.multi_reduction <add>, %slice3A_122, %reduce_sum3A_160 [0] : vector<256x16xf32> to vector<16xf32>
    %broadcast_in_dim3A_162 = vector.shape_cast %reduce_sum3A_161 : vector<16xf32> to vector<1x16xf32>
    %add3A_163 = arith.addf %add3A_117, %broadcast_in_dim3A_162 : vector<1x16xf32>
    %reduce_sum3A_164 = arith.constant dense<0.000000e+00> : vector<16xf32>
    %reduce_sum3A_165 = vector.multi_reduction <add>, %slice3A_123, %reduce_sum3A_164 [0] : vector<256x16xf32> to vector<16xf32>
    %broadcast_in_dim3A_166 = vector.shape_cast %reduce_sum3A_165 : vector<16xf32> to vector<1x16xf32>
    %add3A_167 = arith.addf %add3A_121, %broadcast_in_dim3A_166 : vector<1x16xf32>
    %slice3A_168 = vector.extract_strided_slice %convert_element_type3A_39 {offsets = [512, 0], sizes = [256, 16], strides = [1, 1]} : vector<2048x16xf32> to vector<256x16xf32>
    %slice3A_169 = vector.extract_strided_slice %convert_element_type3A_43 {offsets = [512, 0], sizes = [256, 16], strides = [1, 1]} : vector<2048x16xf32> to vector<256x16xf32>
    %dot_general3A_170 = arith.constant dense<0.000000e+00> : vector<256x16xf32>
    %dot_general3A_171 = tpu.matmul %convert_element_type3A_75, %slice3A_168, %dot_general3A_170 {dimension_numbers = #tpu.dot_dimension_numbers<[1], [0], [0], [1], [0, 0, 1, 1], [], []>, transpose_lhs_hint = false} : vector<256x256xf32>, vector<256x16xf32>, vector<256x16xf32> -> vector<256x16xf32>
    %add3A_172 = vector.broadcast %add3A_163 : vector<1x16xf32> to vector<256x16xf32>
    %add3A_173 = arith.addf %dot_general3A_171, %add3A_172 : vector<256x16xf32>
    %dot_general3A_174 = arith.constant dense<0.000000e+00> : vector<256x16xf32>
    %dot_general3A_175 = tpu.matmul %convert_element_type3A_75, %slice3A_169, %dot_general3A_174 {dimension_numbers = #tpu.dot_dimension_numbers<[1], [0], [0], [1], [0, 0, 1, 1], [], []>, transpose_lhs_hint = false} : vector<256x256xf32>, vector<256x16xf32>, vector<256x16xf32> -> vector<256x16xf32>
    %add3A_176 = vector.broadcast %add3A_167 : vector<1x16xf32> to vector<256x16xf32>
    %add3A_177 = arith.addf %dot_general3A_175, %add3A_176 : vector<256x16xf32>
    %add3A_178 = vector.broadcast %dot_general3A_64 : vector<1x16xf32> to vector<256x16xf32>
    %add3A_179 = arith.addf %add3A_173, %add3A_178 : vector<256x16xf32>
    %mul3A_180 = arith.mulf %slice3A_168, %add3A_179 : vector<256x16xf32>
    %reduce_sum3A_181 = arith.constant dense<0.000000e+00> : vector<256xf32>
    %reduce_sum3A_182 = vector.multi_reduction <add>, %mul3A_180, %reduce_sum3A_181 [1] : vector<256x16xf32> to vector<256xf32>
    %broadcast_in_dim3A_183 = vector.shape_cast %reduce_sum3A_182 : vector<256xf32> to vector<256x1xf32>
    %add3A_184 = vector.broadcast %dot_general3A_64 : vector<1x16xf32> to vector<256x16xf32>
    %add3A_185 = arith.addf %add3A_177, %add3A_184 : vector<256x16xf32>
    %mul3A_186 = arith.mulf %slice3A_169, %add3A_185 : vector<256x16xf32>
    %reduce_sum3A_187 = arith.constant dense<0.000000e+00> : vector<256xf32>
    %reduce_sum3A_188 = vector.multi_reduction <add>, %mul3A_186, %reduce_sum3A_187 [1] : vector<256x16xf32> to vector<256xf32>
    %broadcast_in_dim3A_189 = vector.shape_cast %reduce_sum3A_188 : vector<256xf32> to vector<256x1xf32>
    %convert_element_type3A_190 = arith.fptosi %broadcast_in_dim3A_183 : vector<256x1xf32> to vector<256x1xi32>
    %swap3A_191 = arith.constant 512 : index
    %swap3A_192 = arith.constant 0 : index
    %swap3A_193 = vector.load %arg3[%swap3A_191, %swap3A_192] : memref<4096x1xi32, #tpu.memory_space<vmem>>, vector<256x1xi32>
    tpu.vector_store %arg3[%swap3A_191, %swap3A_192], %convert_element_type3A_190 {strides = array<i32>} : memref<4096x1xi32, #tpu.memory_space<vmem>>, vector<256x1xi32>,
    %convert_element_type3A_194 = arith.fptosi %broadcast_in_dim3A_189 : vector<256x1xf32> to vector<256x1xi32>
    %swap3A_195 = arith.constant 2560 : index
    %swap3A_196 = arith.constant 0 : index
    %swap3A_197 = vector.load %arg3[%swap3A_195, %swap3A_196] : memref<4096x1xi32, #tpu.memory_space<vmem>>, vector<256x1xi32>
    tpu.vector_store %arg3[%swap3A_195, %swap3A_196], %convert_element_type3A_194 {strides = array<i32>} : memref<4096x1xi32, #tpu.memory_space<vmem>>, vector<256x1xi32>,
    %slice3A_198 = vector.extract_strided_slice %div3A_35 {offsets = [512, 0], sizes = [256, 1], strides = [1, 1]} : vector<2048x1xf32> to vector<256x1xf32>
    %swap3A_199 = arith.constant 512 : index
    %swap3A_200 = arith.constant 0 : index
    %swap3A_201 = vector.load %arg2[%swap3A_199, %swap3A_200] : memref<4096x1xf32, #tpu.memory_space<vmem>>, vector<256x1xf32>
    tpu.vector_store %arg2[%swap3A_199, %swap3A_200], %slice3A_198 {strides = array<i32>} : memref<4096x1xf32, #tpu.memory_space<vmem>>, vector<256x1xf32>,
    %slice3A_202 = vector.extract_strided_slice %div3A_36 {offsets = [512, 0], sizes = [256, 1], strides = [1, 1]} : vector<2048x1xf32> to vector<256x1xf32>
    %swap3A_203 = arith.constant 2560 : index
    %swap3A_204 = arith.constant 0 : index
    %swap3A_205 = vector.load %arg2[%swap3A_203, %swap3A_204] : memref<4096x1xf32, #tpu.memory_space<vmem>>, vector<256x1xf32>
    tpu.vector_store %arg2[%swap3A_203, %swap3A_204], %slice3A_202 {strides = array<i32>} : memref<4096x1xf32, #tpu.memory_space<vmem>>, vector<256x1xf32>,
    %reduce_sum3A_206 = arith.constant dense<0.000000e+00> : vector<16xf32>
    %reduce_sum3A_207 = vector.multi_reduction <add>, %slice3A_168, %reduce_sum3A_206 [0] : vector<256x16xf32> to vector<16xf32>
    %broadcast_in_dim3A_208 = vector.shape_cast %reduce_sum3A_207 : vector<16xf32> to vector<1x16xf32>
    %add3A_209 = arith.addf %add3A_163, %broadcast_in_dim3A_208 : vector<1x16xf32>
    %reduce_sum3A_210 = arith.constant dense<0.000000e+00> : vector<16xf32>
    %reduce_sum3A_211 = vector.multi_reduction <add>, %slice3A_169, %reduce_sum3A_210 [0] : vector<256x16xf32> to vector<16xf32>
    %broadcast_in_dim3A_212 = vector.shape_cast %reduce_sum3A_211 : vector<16xf32> to vector<1x16xf32>
    %add3A_213 = arith.addf %add3A_167, %broadcast_in_dim3A_212 : vector<1x16xf32>
    %slice3A_214 = vector.extract_strided_slice %convert_element_type3A_39 {offsets = [768, 0], sizes = [256, 16], strides = [1, 1]} : vector<2048x16xf32> to vector<256x16xf32>
    %slice3A_215 = vector.extract_strided_slice %convert_element_type3A_43 {offsets = [768, 0], sizes = [256, 16], strides = [1, 1]} : vector<2048x16xf32> to vector<256x16xf32>
    %dot_general3A_216 = arith.constant dense<0.000000e+00> : vector<256x16xf32>
    %dot_general3A_217 = tpu.matmul %convert_element_type3A_75, %slice3A_214, %dot_general3A_216 {dimension_numbers = #tpu.dot_dimension_numbers<[1], [0], [0], [1], [0, 0, 1, 1], [], []>, transpose_lhs_hint = false} : vector<256x256xf32>, vector<256x16xf32>, vector<256x16xf32> -> vector<256x16xf32>
    %add3A_218 = vector.broadcast %add3A_209 : vector<1x16xf32> to vector<256x16xf32>
    %add3A_219 = arith.addf %dot_general3A_217, %add3A_218 : vector<256x16xf32>
    %dot_general3A_220 = arith.constant dense<0.000000e+00> : vector<256x16xf32>
    %dot_general3A_221 = tpu.matmul %convert_element_type3A_75, %slice3A_215, %dot_general3A_220 {dimension_numbers = #tpu.dot_dimension_numbers<[1], [0], [0], [1], [0, 0, 1, 1], [], []>, transpose_lhs_hint = false} : vector<256x256xf32>, vector<256x16xf32>, vector<256x16xf32> -> vector<256x16xf32>
    %add3A_222 = vector.broadcast %add3A_213 : vector<1x16xf32> to vector<256x16xf32>
    %add3A_223 = arith.addf %dot_general3A_221, %add3A_222 : vector<256x16xf32>
    %add3A_224 = vector.broadcast %dot_general3A_64 : vector<1x16xf32> to vector<256x16xf32>
    %add3A_225 = arith.addf %add3A_219, %add3A_224 : vector<256x16xf32>
    %mul3A_226 = arith.mulf %slice3A_214, %add3A_225 : vector<256x16xf32>
    %reduce_sum3A_227 = arith.constant dense<0.000000e+00> : vector<256xf32>
    %reduce_sum3A_228 = vector.multi_reduction <add>, %mul3A_226, %reduce_sum3A_227 [1] : vector<256x16xf32> to vector<256xf32>
    %broadcast_in_dim3A_229 = vector.shape_cast %reduce_sum3A_228 : vector<256xf32> to vector<256x1xf32>
    %add3A_230 = vector.broadcast %dot_general3A_64 : vector<1x16xf32> to vector<256x16xf32>
    %add3A_231 = arith.addf %add3A_223, %add3A_230 : vector<256x16xf32>
    %mul3A_232 = arith.mulf %slice3A_215, %add3A_231 : vector<256x16xf32>
    %reduce_sum3A_233 = arith.constant dense<0.000000e+00> : vector<256xf32>
    %reduce_sum3A_234 = vector.multi_reduction <add>, %mul3A_232, %reduce_sum3A_233 [1] : vector<256x16xf32> to vector<256xf32>
    %broadcast_in_dim3A_235 = vector.shape_cast %reduce_sum3A_234 : vector<256xf32> to vector<256x1xf32>
    %convert_element_type3A_236 = arith.fptosi %broadcast_in_dim3A_229 : vector<256x1xf32> to vector<256x1xi32>
    %swap3A_237 = arith.constant 768 : index
    %swap3A_238 = arith.constant 0 : index
    %swap3A_239 = vector.load %arg3[%swap3A_237, %swap3A_238] : memref<4096x1xi32, #tpu.memory_space<vmem>>, vector<256x1xi32>
    tpu.vector_store %arg3[%swap3A_237, %swap3A_238], %convert_element_type3A_236 {strides = array<i32>} : memref<4096x1xi32, #tpu.memory_space<vmem>>, vector<256x1xi32>,
    %convert_element_type3A_240 = arith.fptosi %broadcast_in_dim3A_235 : vector<256x1xf32> to vector<256x1xi32>
    %swap3A_241 = arith.constant 2816 : index
    %swap3A_242 = arith.constant 0 : index
    %swap3A_243 = vector.load %arg3[%swap3A_241, %swap3A_242] : memref<4096x1xi32, #tpu.memory_space<vmem>>, vector<256x1xi32>
    tpu.vector_store %arg3[%swap3A_241, %swap3A_242], %convert_element_type3A_240 {strides = array<i32>} : memref<4096x1xi32, #tpu.memory_space<vmem>>, vector<256x1xi32>,
    %slice3A_244 = vector.extract_strided_slice %div3A_35 {offsets = [768, 0], sizes = [256, 1], strides = [1, 1]} : vector<2048x1xf32> to vector<256x1xf32>
    %swap3A_245 = arith.constant 768 : index
    %swap3A_246 = arith.constant 0 : index
    %swap3A_247 = vector.load %arg2[%swap3A_245, %swap3A_246] : memref<4096x1xf32, #tpu.memory_space<vmem>>, vector<256x1xf32>
    tpu.vector_store %arg2[%swap3A_245, %swap3A_246], %slice3A_244 {strides = array<i32>} : memref<4096x1xf32, #tpu.memory_space<vmem>>, vector<256x1xf32>,
    %slice3A_248 = vector.extract_strided_slice %div3A_36 {offsets = [768, 0], sizes = [256, 1], strides = [1, 1]} : vector<2048x1xf32> to vector<256x1xf32>
    %swap3A_249 = arith.constant 2816 : index
    %swap3A_250 = arith.constant 0 : index
    %swap3A_251 = vector.load %arg2[%swap3A_249, %swap3A_250] : memref<4096x1xf32, #tpu.memory_space<vmem>>, vector<256x1xf32>
    tpu.vector_store %arg2[%swap3A_249, %swap3A_250], %slice3A_248 {strides = array<i32>} : memref<4096x1xf32, #tpu.memory_space<vmem>>, vector<256x1xf32>,
    %reduce_sum3A_252 = arith.constant dense<0.000000e+00> : vector<16xf32>
    %reduce_sum3A_253 = vector.multi_reduction <add>, %slice3A_214, %reduce_sum3A_252 [0] : vector<256x16xf32> to vector<16xf32>
    %broadcast_in_dim3A_254 = vector.shape_cast %reduce_sum3A_253 : vector<16xf32> to vector<1x16xf32>
    %add3A_255 = arith.addf %add3A_209, %broadcast_in_dim3A_254 : vector<1x16xf32>
    %reduce_sum3A_256 = arith.constant dense<0.000000e+00> : vector<16xf32>
    %reduce_sum3A_257 = vector.multi_reduction <add>, %slice3A_215, %reduce_sum3A_256 [0] : vector<256x16xf32> to vector<16xf32>
    %broadcast_in_dim3A_258 = vector.shape_cast %reduce_sum3A_257 : vector<16xf32> to vector<1x16xf32>
    %add3A_259 = arith.addf %add3A_213, %broadcast_in_dim3A_258 : vector<1x16xf32>
    %slice3A_260 = vector.extract_strided_slice %convert_element_type3A_39 {offsets = [1024, 0], sizes = [256, 16], strides = [1, 1]} : vector<2048x16xf32> to vector<256x16xf32>
    %slice3A_261 = vector.extract_strided_slice %convert_element_type3A_43 {offsets = [1024, 0], sizes = [256, 16], strides = [1, 1]} : vector<2048x16xf32> to vector<256x16xf32>
    %dot_general3A_262 = arith.constant dense<0.000000e+00> : vector<256x16xf32>
    %dot_general3A_263 = tpu.matmul %convert_element_type3A_75, %slice3A_260, %dot_general3A_262 {dimension_numbers = #tpu.dot_dimension_numbers<[1], [0], [0], [1], [0, 0, 1, 1], [], []>, transpose_lhs_hint = false} : vector<256x256xf32>, vector<256x16xf32>, vector<256x16xf32> -> vector<256x16xf32>
    %add3A_264 = vector.broadcast %add3A_255 : vector<1x16xf32> to vector<256x16xf32>
    %add3A_265 = arith.addf %dot_general3A_263, %add3A_264 : vector<256x16xf32>
    %dot_general3A_266 = arith.constant dense<0.000000e+00> : vector<256x16xf32>
    %dot_general3A_267 = tpu.matmul %convert_element_type3A_75, %slice3A_261, %dot_general3A_266 {dimension_numbers = #tpu.dot_dimension_numbers<[1], [0], [0], [1], [0, 0, 1, 1], [], []>, transpose_lhs_hint = false} : vector<256x256xf32>, vector<256x16xf32>, vector<256x16xf32> -> vector<256x16xf32>
    %add3A_268 = vector.broadcast %add3A_259 : vector<1x16xf32> to vector<256x16xf32>
    %add3A_269 = arith.addf %dot_general3A_267, %add3A_268 : vector<256x16xf32>
    %add3A_270 = vector.broadcast %dot_general3A_64 : vector<1x16xf32> to vector<256x16xf32>
    %add3A_271 = arith.addf %add3A_265, %add3A_270 : vector<256x16xf32>
    %mul3A_272 = arith.mulf %slice3A_260, %add3A_271 : vector<256x16xf32>
    %reduce_sum3A_273 = arith.constant dense<0.000000e+00> : vector<256xf32>
    %reduce_sum3A_274 = vector.multi_reduction <add>, %mul3A_272, %reduce_sum3A_273 [1] : vector<256x16xf32> to vector<256xf32>
    %broadcast_in_dim3A_275 = vector.shape_cast %reduce_sum3A_274 : vector<256xf32> to vector<256x1xf32>
    %add3A_276 = vector.broadcast %dot_general3A_64 : vector<1x16xf32> to vector<256x16xf32>
    %add3A_277 = arith.addf %add3A_269, %add3A_276 : vector<256x16xf32>
    %mul3A_278 = arith.mulf %slice3A_261, %add3A_277 : vector<256x16xf32>
    %reduce_sum3A_279 = arith.constant dense<0.000000e+00> : vector<256xf32>
    %reduce_sum3A_280 = vector.multi_reduction <add>, %mul3A_278, %reduce_sum3A_279 [1] : vector<256x16xf32> to vector<256xf32>
    %broadcast_in_dim3A_281 = vector.shape_cast %reduce_sum3A_280 : vector<256xf32> to vector<256x1xf32>
    %convert_element_type3A_282 = arith.fptosi %broadcast_in_dim3A_275 : vector<256x1xf32> to vector<256x1xi32>
    %swap3A_283 = arith.constant 1024 : index
    %swap3A_284 = arith.constant 0 : index
    %swap3A_285 = vector.load %arg3[%swap3A_283, %swap3A_284] : memref<4096x1xi32, #tpu.memory_space<vmem>>, vector<256x1xi32>
    tpu.vector_store %arg3[%swap3A_283, %swap3A_284], %convert_element_type3A_282 {strides = array<i32>} : memref<4096x1xi32, #tpu.memory_space<vmem>>, vector<256x1xi32>,
    %convert_element_type3A_286 = arith.fptosi %broadcast_in_dim3A_281 : vector<256x1xf32> to vector<256x1xi32>
    %swap3A_287 = arith.constant 3072 : index
    %swap3A_288 = arith.constant 0 : index
    %swap3A_289 = vector.load %arg3[%swap3A_287, %swap3A_288] : memref<4096x1xi32, #tpu.memory_space<vmem>>, vector<256x1xi32>
    tpu.vector_store %arg3[%swap3A_287, %swap3A_288], %convert_element_type3A_286 {strides = array<i32>} : memref<4096x1xi32, #tpu.memory_space<vmem>>, vector<256x1xi32>,
    %slice3A_290 = vector.extract_strided_slice %div3A_35 {offsets = [1024, 0], sizes = [256, 1], strides = [1, 1]} : vector<2048x1xf32> to vector<256x1xf32>
    %swap3A_291 = arith.constant 1024 : index
    %swap3A_292 = arith.constant 0 : index
    %swap3A_293 = vector.load %arg2[%swap3A_291, %swap3A_292] : memref<4096x1xf32, #tpu.memory_space<vmem>>, vector<256x1xf32>
    tpu.vector_store %arg2[%swap3A_291, %swap3A_292], %slice3A_290 {strides = array<i32>} : memref<4096x1xf32, #tpu.memory_space<vmem>>, vector<256x1xf32>,
    %slice3A_294 = vector.extract_strided_slice %div3A_36 {offsets = [1024, 0], sizes = [256, 1], strides = [1, 1]} : vector<2048x1xf32> to vector<256x1xf32>
    %swap3A_295 = arith.constant 3072 : index
    %swap3A_296 = arith.constant 0 : index
    %swap3A_297 = vector.load %arg2[%swap3A_295, %swap3A_296] : memref<4096x1xf32, #tpu.memory_space<vmem>>, vector<256x1xf32>
    tpu.vector_store %arg2[%swap3A_295, %swap3A_296], %slice3A_294 {strides = array<i32>} : memref<4096x1xf32, #tpu.memory_space<vmem>>, vector<256x1xf32>,
    %reduce_sum3A_298 = arith.constant dense<0.000000e+00> : vector<16xf32>
    %reduce_sum3A_299 = vector.multi_reduction <add>, %slice3A_260, %reduce_sum3A_298 [0] : vector<256x16xf32> to vector<16xf32>
    %broadcast_in_dim3A_300 = vector.shape_cast %reduce_sum3A_299 : vector<16xf32> to vector<1x16xf32>
    %add3A_301 = arith.addf %add3A_255, %broadcast_in_dim3A_300 : vector<1x16xf32>
    %reduce_sum3A_302 = arith.constant dense<0.000000e+00> : vector<16xf32>
    %reduce_sum3A_303 = vector.multi_reduction <add>, %slice3A_261, %reduce_sum3A_302 [0] : vector<256x16xf32> to vector<16xf32>
    %broadcast_in_dim3A_304 = vector.shape_cast %reduce_sum3A_303 : vector<16xf32> to vector<1x16xf32>
    %add3A_305 = arith.addf %add3A_259, %broadcast_in_dim3A_304 : vector<1x16xf32>
    %slice3A_306 = vector.extract_strided_slice %convert_element_type3A_39 {offsets = [1280, 0], sizes = [256, 16], strides = [1, 1]} : vector<2048x16xf32> to vector<256x16xf32>
    %slice3A_307 = vector.extract_strided_slice %convert_element_type3A_43 {offsets = [1280, 0], sizes = [256, 16], strides = [1, 1]} : vector<2048x16xf32> to vector<256x16xf32>
    %dot_general3A_308 = arith.constant dense<0.000000e+00> : vector<256x16xf32>
    %dot_general3A_309 = tpu.matmul %convert_element_type3A_75, %slice3A_306, %dot_general3A_308 {dimension_numbers = #tpu.dot_dimension_numbers<[1], [0], [0], [1], [0, 0, 1, 1], [], []>, transpose_lhs_hint = false} : vector<256x256xf32>, vector<256x16xf32>, vector<256x16xf32> -> vector<256x16xf32>
    %add3A_310 = vector.broadcast %add3A_301 : vector<1x16xf32> to vector<256x16xf32>
    %add3A_311 = arith.addf %dot_general3A_309, %add3A_310 : vector<256x16xf32>
    %dot_general3A_312 = arith.constant dense<0.000000e+00> : vector<256x16xf32>
    %dot_general3A_313 = tpu.matmul %convert_element_type3A_75, %slice3A_307, %dot_general3A_312 {dimension_numbers = #tpu.dot_dimension_numbers<[1], [0], [0], [1], [0, 0, 1, 1], [], []>, transpose_lhs_hint = false} : vector<256x256xf32>, vector<256x16xf32>, vector<256x16xf32> -> vector<256x16xf32>
    %add3A_314 = vector.broadcast %add3A_305 : vector<1x16xf32> to vector<256x16xf32>
    %add3A_315 = arith.addf %dot_general3A_313, %add3A_314 : vector<256x16xf32>
    %add3A_316 = vector.broadcast %dot_general3A_64 : vector<1x16xf32> to vector<256x16xf32>
    %add3A_317 = arith.addf %add3A_311, %add3A_316 : vector<256x16xf32>
    %mul3A_318 = arith.mulf %slice3A_306, %add3A_317 : vector<256x16xf32>
    %reduce_sum3A_319 = arith.constant dense<0.000000e+00> : vector<256xf32>
    %reduce_sum3A_320 = vector.multi_reduction <add>, %mul3A_318, %reduce_sum3A_319 [1] : vector<256x16xf32> to vector<256xf32>
    %broadcast_in_dim3A_321 = vector.shape_cast %reduce_sum3A_320 : vector<256xf32> to vector<256x1xf32>
    %add3A_322 = vector.broadcast %dot_general3A_64 : vector<1x16xf32> to vector<256x16xf32>
    %add3A_323 = arith.addf %add3A_315, %add3A_322 : vector<256x16xf32>
    %mul3A_324 = arith.mulf %slice3A_307, %add3A_323 : vector<256x16xf32>
    %reduce_sum3A_325 = arith.constant dense<0.000000e+00> : vector<256xf32>
    %reduce_sum3A_326 = vector.multi_reduction <add>, %mul3A_324, %reduce_sum3A_325 [1] : vector<256x16xf32> to vector<256xf32>
    %broadcast_in_dim3A_327 = vector.shape_cast %reduce_sum3A_326 : vector<256xf32> to vector<256x1xf32>
    %convert_element_type3A_328 = arith.fptosi %broadcast_in_dim3A_321 : vector<256x1xf32> to vector<256x1xi32>
    %swap3A_329 = arith.constant 1280 : index
    %swap3A_330 = arith.constant 0 : index
    %swap3A_331 = vector.load %arg3[%swap3A_329, %swap3A_330] : memref<4096x1xi32, #tpu.memory_space<vmem>>, vector<256x1xi32>
    tpu.vector_store %arg3[%swap3A_329, %swap3A_330], %convert_element_type3A_328 {strides = array<i32>} : memref<4096x1xi32, #tpu.memory_space<vmem>>, vector<256x1xi32>,
    %convert_element_type3A_332 = arith.fptosi %broadcast_in_dim3A_327 : vector<256x1xf32> to vector<256x1xi32>
    %swap3A_333 = arith.constant 3328 : index
    %swap3A_334 = arith.constant 0 : index
    %swap3A_335 = vector.load %arg3[%swap3A_333, %swap3A_334] : memref<4096x1xi32, #tpu.memory_space<vmem>>, vector<256x1xi32>
    tpu.vector_store %arg3[%swap3A_333, %swap3A_334], %convert_element_type3A_332 {strides = array<i32>} : memref<4096x1xi32, #tpu.memory_space<vmem>>, vector<256x1xi32>,
    %slice3A_336 = vector.extract_strided_slice %div3A_35 {offsets = [1280, 0], sizes = [256, 1], strides = [1, 1]} : vector<2048x1xf32> to vector<256x1xf32>
    %swap3A_337 = arith.constant 1280 : index
    %swap3A_338 = arith.constant 0 : index
    %swap3A_339 = vector.load %arg2[%swap3A_337, %swap3A_338] : memref<4096x1xf32, #tpu.memory_space<vmem>>, vector<256x1xf32>
    tpu.vector_store %arg2[%swap3A_337, %swap3A_338], %slice3A_336 {strides = array<i32>} : memref<4096x1xf32, #tpu.memory_space<vmem>>, vector<256x1xf32>,
    %slice3A_340 = vector.extract_strided_slice %div3A_36 {offsets = [1280, 0], sizes = [256, 1], strides = [1, 1]} : vector<2048x1xf32> to vector<256x1xf32>
    %swap3A_341 = arith.constant 3328 : index
    %swap3A_342 = arith.constant 0 : index
    %swap3A_343 = vector.load %arg2[%swap3A_341, %swap3A_342] : memref<4096x1xf32, #tpu.memory_space<vmem>>, vector<256x1xf32>
    tpu.vector_store %arg2[%swap3A_341, %swap3A_342], %slice3A_340 {strides = array<i32>} : memref<4096x1xf32, #tpu.memory_space<vmem>>, vector<256x1xf32>,
    %reduce_sum3A_344 = arith.constant dense<0.000000e+00> : vector<16xf32>
    %reduce_sum3A_345 = vector.multi_reduction <add>, %slice3A_306, %reduce_sum3A_344 [0] : vector<256x16xf32> to vector<16xf32>
    %broadcast_in_dim3A_346 = vector.shape_cast %reduce_sum3A_345 : vector<16xf32> to vector<1x16xf32>
    %add3A_347 = arith.addf %add3A_301, %broadcast_in_dim3A_346 : vector<1x16xf32>
    %reduce_sum3A_348 = arith.constant dense<0.000000e+00> : vector<16xf32>
    %reduce_sum3A_349 = vector.multi_reduction <add>, %slice3A_307, %reduce_sum3A_348 [0] : vector<256x16xf32> to vector<16xf32>
    %broadcast_in_dim3A_350 = vector.shape_cast %reduce_sum3A_349 : vector<16xf32> to vector<1x16xf32>
    %add3A_351 = arith.addf %add3A_305, %broadcast_in_dim3A_350 : vector<1x16xf32>
    %slice3A_352 = vector.extract_strided_slice %convert_element_type3A_39 {offsets = [1536, 0], sizes = [256, 16], strides = [1, 1]} : vector<2048x16xf32> to vector<256x16xf32>
    %slice3A_353 = vector.extract_strided_slice %convert_element_type3A_43 {offsets = [1536, 0], sizes = [256, 16], strides = [1, 1]} : vector<2048x16xf32> to vector<256x16xf32>
    %dot_general3A_354 = arith.constant dense<0.000000e+00> : vector<256x16xf32>
    %dot_general3A_355 = tpu.matmul %convert_element_type3A_75, %slice3A_352, %dot_general3A_354 {dimension_numbers = #tpu.dot_dimension_numbers<[1], [0], [0], [1], [0, 0, 1, 1], [], []>, transpose_lhs_hint = false} : vector<256x256xf32>, vector<256x16xf32>, vector<256x16xf32> -> vector<256x16xf32>
    %add3A_356 = vector.broadcast %add3A_347 : vector<1x16xf32> to vector<256x16xf32>
    %add3A_357 = arith.addf %dot_general3A_355, %add3A_356 : vector<256x16xf32>
    %dot_general3A_358 = arith.constant dense<0.000000e+00> : vector<256x16xf32>
    %dot_general3A_359 = tpu.matmul %convert_element_type3A_75, %slice3A_353, %dot_general3A_358 {dimension_numbers = #tpu.dot_dimension_numbers<[1], [0], [0], [1], [0, 0, 1, 1], [], []>, transpose_lhs_hint = false} : vector<256x256xf32>, vector<256x16xf32>, vector<256x16xf32> -> vector<256x16xf32>
    %add3A_360 = vector.broadcast %add3A_351 : vector<1x16xf32> to vector<256x16xf32>
    %add3A_361 = arith.addf %dot_general3A_359, %add3A_360 : vector<256x16xf32>
    %add3A_362 = vector.broadcast %dot_general3A_64 : vector<1x16xf32> to vector<256x16xf32>
    %add3A_363 = arith.addf %add3A_357, %add3A_362 : vector<256x16xf32>
    %mul3A_364 = arith.mulf %slice3A_352, %add3A_363 : vector<256x16xf32>
    %reduce_sum3A_365 = arith.constant dense<0.000000e+00> : vector<256xf32>
    %reduce_sum3A_366 = vector.multi_reduction <add>, %mul3A_364, %reduce_sum3A_365 [1] : vector<256x16xf32> to vector<256xf32>
    %broadcast_in_dim3A_367 = vector.shape_cast %reduce_sum3A_366 : vector<256xf32> to vector<256x1xf32>
    %add3A_368 = vector.broadcast %dot_general3A_64 : vector<1x16xf32> to vector<256x16xf32>
    %add3A_369 = arith.addf %add3A_361, %add3A_368 : vector<256x16xf32>
    %mul3A_370 = arith.mulf %slice3A_353, %add3A_369 : vector<256x16xf32>
    %reduce_sum3A_371 = arith.constant dense<0.000000e+00> : vector<256xf32>
    %reduce_sum3A_372 = vector.multi_reduction <add>, %mul3A_370, %reduce_sum3A_371 [1] : vector<256x16xf32> to vector<256xf32>
    %broadcast_in_dim3A_373 = vector.shape_cast %reduce_sum3A_372 : vector<256xf32> to vector<256x1xf32>
    %convert_element_type3A_374 = arith.fptosi %broadcast_in_dim3A_367 : vector<256x1xf32> to vector<256x1xi32>
    %swap3A_375 = arith.constant 1536 : index
    %swap3A_376 = arith.constant 0 : index
    %swap3A_377 = vector.load %arg3[%swap3A_375, %swap3A_376] : memref<4096x1xi32, #tpu.memory_space<vmem>>, vector<256x1xi32>
    tpu.vector_store %arg3[%swap3A_375, %swap3A_376], %convert_element_type3A_374 {strides = array<i32>} : memref<4096x1xi32, #tpu.memory_space<vmem>>, vector<256x1xi32>,
    %convert_element_type3A_378 = arith.fptosi %broadcast_in_dim3A_373 : vector<256x1xf32> to vector<256x1xi32>
    %swap3A_379 = arith.constant 3584 : index
    %swap3A_380 = arith.constant 0 : index
    %swap3A_381 = vector.load %arg3[%swap3A_379, %swap3A_380] : memref<4096x1xi32, #tpu.memory_space<vmem>>, vector<256x1xi32>
    tpu.vector_store %arg3[%swap3A_379, %swap3A_380], %convert_element_type3A_378 {strides = array<i32>} : memref<4096x1xi32, #tpu.memory_space<vmem>>, vector<256x1xi32>,
    %slice3A_382 = vector.extract_strided_slice %div3A_35 {offsets = [1536, 0], sizes = [256, 1], strides = [1, 1]} : vector<2048x1xf32> to vector<256x1xf32>
    %swap3A_383 = arith.constant 1536 : index
    %swap3A_384 = arith.constant 0 : index
    %swap3A_385 = vector.load %arg2[%swap3A_383, %swap3A_384] : memref<4096x1xf32, #tpu.memory_space<vmem>>, vector<256x1xf32>
    tpu.vector_store %arg2[%swap3A_383, %swap3A_384], %slice3A_382 {strides = array<i32>} : memref<4096x1xf32, #tpu.memory_space<vmem>>, vector<256x1xf32>,
    %slice3A_386 = vector.extract_strided_slice %div3A_36 {offsets = [1536, 0], sizes = [256, 1], strides = [1, 1]} : vector<2048x1xf32> to vector<256x1xf32>
    %swap3A_387 = arith.constant 3584 : index
    %swap3A_388 = arith.constant 0 : index
    %swap3A_389 = vector.load %arg2[%swap3A_387, %swap3A_388] : memref<4096x1xf32, #tpu.memory_space<vmem>>, vector<256x1xf32>
    tpu.vector_store %arg2[%swap3A_387, %swap3A_388], %slice3A_386 {strides = array<i32>} : memref<4096x1xf32, #tpu.memory_space<vmem>>, vector<256x1xf32>,
    %reduce_sum3A_390 = arith.constant dense<0.000000e+00> : vector<16xf32>
    %reduce_sum3A_391 = vector.multi_reduction <add>, %slice3A_352, %reduce_sum3A_390 [0] : vector<256x16xf32> to vector<16xf32>
    %broadcast_in_dim3A_392 = vector.shape_cast %reduce_sum3A_391 : vector<16xf32> to vector<1x16xf32>
    %add3A_393 = arith.addf %add3A_347, %broadcast_in_dim3A_392 : vector<1x16xf32>
    %reduce_sum3A_394 = arith.constant dense<0.000000e+00> : vector<16xf32>
    %reduce_sum3A_395 = vector.multi_reduction <add>, %slice3A_353, %reduce_sum3A_394 [0] : vector<256x16xf32> to vector<16xf32>
    %broadcast_in_dim3A_396 = vector.shape_cast %reduce_sum3A_395 : vector<16xf32> to vector<1x16xf32>
    %add3A_397 = arith.addf %add3A_351, %broadcast_in_dim3A_396 : vector<1x16xf32>
    %slice3A_398 = vector.extract_strided_slice %convert_element_type3A_39 {offsets = [1792, 0], sizes = [256, 16], strides = [1, 1]} : vector<2048x16xf32> to vector<256x16xf32>
    %slice3A_399 = vector.extract_strided_slice %convert_element_type3A_43 {offsets = [1792, 0], sizes = [256, 16], strides = [1, 1]} : vector<2048x16xf32> to vector<256x16xf32>
    %dot_general3A_400 = arith.constant dense<0.000000e+00> : vector<256x16xf32>
    %dot_general3A_401 = tpu.matmul %convert_element_type3A_75, %slice3A_398, %dot_general3A_400 {dimension_numbers = #tpu.dot_dimension_numbers<[1], [0], [0], [1], [0, 0, 1, 1], [], []>, transpose_lhs_hint = false} : vector<256x256xf32>, vector<256x16xf32>, vector<256x16xf32> -> vector<256x16xf32>
    %add3A_402 = vector.broadcast %add3A_393 : vector<1x16xf32> to vector<256x16xf32>
    %add3A_403 = arith.addf %dot_general3A_401, %add3A_402 : vector<256x16xf32>
    %dot_general3A_404 = arith.constant dense<0.000000e+00> : vector<256x16xf32>
    %dot_general3A_405 = tpu.matmul %convert_element_type3A_75, %slice3A_399, %dot_general3A_404 {dimension_numbers = #tpu.dot_dimension_numbers<[1], [0], [0], [1], [0, 0, 1, 1], [], []>, transpose_lhs_hint = false} : vector<256x256xf32>, vector<256x16xf32>, vector<256x16xf32> -> vector<256x16xf32>
    %add3A_406 = vector.broadcast %add3A_397 : vector<1x16xf32> to vector<256x16xf32>
    %add3A_407 = arith.addf %dot_general3A_405, %add3A_406 : vector<256x16xf32>
    %add3A_408 = vector.broadcast %dot_general3A_64 : vector<1x16xf32> to vector<256x16xf32>
    %add3A_409 = arith.addf %add3A_403, %add3A_408 : vector<256x16xf32>
    %mul3A_410 = arith.mulf %slice3A_398, %add3A_409 : vector<256x16xf32>
    %reduce_sum3A_411 = arith.constant dense<0.000000e+00> : vector<256xf32>
    %reduce_sum3A_412 = vector.multi_reduction <add>, %mul3A_410, %reduce_sum3A_411 [1] : vector<256x16xf32> to vector<256xf32>
    %broadcast_in_dim3A_413 = vector.shape_cast %reduce_sum3A_412 : vector<256xf32> to vector<256x1xf32>
    %add3A_414 = vector.broadcast %dot_general3A_64 : vector<1x16xf32> to vector<256x16xf32>
    %add3A_415 = arith.addf %add3A_407, %add3A_414 : vector<256x16xf32>
    %mul3A_416 = arith.mulf %slice3A_399, %add3A_415 : vector<256x16xf32>
    %reduce_sum3A_417 = arith.constant dense<0.000000e+00> : vector<256xf32>
    %reduce_sum3A_418 = vector.multi_reduction <add>, %mul3A_416, %reduce_sum3A_417 [1] : vector<256x16xf32> to vector<256xf32>
    %broadcast_in_dim3A_419 = vector.shape_cast %reduce_sum3A_418 : vector<256xf32> to vector<256x1xf32>
    %convert_element_type3A_420 = arith.fptosi %broadcast_in_dim3A_413 : vector<256x1xf32> to vector<256x1xi32>
    %swap3A_421 = arith.constant 1792 : index
    %swap3A_422 = arith.constant 0 : index
    %swap3A_423 = vector.load %arg3[%swap3A_421, %swap3A_422] : memref<4096x1xi32, #tpu.memory_space<vmem>>, vector<256x1xi32>
    tpu.vector_store %arg3[%swap3A_421, %swap3A_422], %convert_element_type3A_420 {strides = array<i32>} : memref<4096x1xi32, #tpu.memory_space<vmem>>, vector<256x1xi32>,
    %convert_element_type3A_424 = arith.fptosi %broadcast_in_dim3A_419 : vector<256x1xf32> to vector<256x1xi32>
    %swap3A_425 = arith.constant 3840 : index
    %swap3A_426 = arith.constant 0 : index
    %swap3A_427 = vector.load %arg3[%swap3A_425, %swap3A_426] : memref<4096x1xi32, #tpu.memory_space<vmem>>, vector<256x1xi32>
    tpu.vector_store %arg3[%swap3A_425, %swap3A_426], %convert_element_type3A_424 {strides = array<i32>} : memref<4096x1xi32, #tpu.memory_space<vmem>>, vector<256x1xi32>,
    %slice3A_428 = vector.extract_strided_slice %div3A_35 {offsets = [1792, 0], sizes = [256, 1], strides = [1, 1]} : vector<2048x1xf32> to vector<256x1xf32>
    %swap3A_429 = arith.constant 1792 : index
    %swap3A_430 = arith.constant 0 : index
    %swap3A_431 = vector.load %arg2[%swap3A_429, %swap3A_430] : memref<4096x1xf32, #tpu.memory_space<vmem>>, vector<256x1xf32>
    tpu.vector_store %arg2[%swap3A_429, %swap3A_430], %slice3A_428 {strides = array<i32>} : memref<4096x1xf32, #tpu.memory_space<vmem>>, vector<256x1xf32>,
    %slice3A_432 = vector.extract_strided_slice %div3A_36 {offsets = [1792, 0], sizes = [256, 1], strides = [1, 1]} : vector<2048x1xf32> to vector<256x1xf32>
    %swap3A_433 = arith.constant 3840 : index
    %swap3A_434 = arith.constant 0 : index
    %swap3A_435 = vector.load %arg2[%swap3A_433, %swap3A_434] : memref<4096x1xf32, #tpu.memory_space<vmem>>, vector<256x1xf32>
    tpu.vector_store %arg2[%swap3A_433, %swap3A_434], %slice3A_432 {strides = array<i32>} : memref<4096x1xf32, #tpu.memory_space<vmem>>, vector<256x1xf32>,
    %iota3A_436 = tpu.iota {dimensions = array<i32: 1>} : vector<1x48xi32>
    %mul3A_437 = arith.constant 128 : i32
    %mul3A_438 = vector.broadcast %mul3A_437 : i32 to vector<1x48xi32>
    %mul3A_439 = arith.muli %iota3A_436, %mul3A_438 : vector<1x48xi32>
    %convert_element_type3A_440 = arith.sitofp %mul3A_439 : vector<1x48xi32> to vector<1x48xf32>
    %sub3A_441 = arith.constant 1.280000e+02 : f32
    %sub3A_442 = arith.subf %reduce_sum3A_70, %sub3A_441 : f32
    %min3A = vector.broadcast %sub3A_442 : f32 to vector<1x48xf32>
    %min3A_443 = arith.minimumf %convert_element_type3A_440, %min3A : vector<1x48xf32>
    %broadcast_in_dim3A_444 = arith.constant 0.000000e+00 : f32
    %broadcast_in_dim3A_445 = vector.broadcast %broadcast_in_dim3A_444 : f32 to vector<1x48xf32>
    %slice3A_446 = vector.extract_strided_slice %add3A_65 {offsets = [0, 0], sizes = [1, 1], strides = [1, 1]} : vector<1x16xf32> to vector<1x1xf32>
    %ge3A = vector.broadcast %slice3A_446 : vector<1x1xf32> to vector<1x48xf32>
    %ge3A_447 = arith.cmpf oge, %min3A_443, %ge3A : vector<1x48xf32>
    %convert_element_type3A_448 = arith.extui %ge3A_447 : vector<1x48xi1> to vector<1x48xi32>
    %convert_element_type3A_449 = arith.sitofp %convert_element_type3A_448 : vector<1x48xi32> to vector<1x48xf32>
    %add3A_450 = arith.addf %broadcast_in_dim3A_445, %convert_element_type3A_449 : vector<1x48xf32>
    %slice3A_451 = vector.extract_strided_slice %add3A_65 {offsets = [0, 1], sizes = [1, 1], strides = [1, 1]} : vector<1x16xf32> to vector<1x1xf32>
    %ge3A_452 = vector.broadcast %slice3A_451 : vector<1x1xf32> to vector<1x48xf32>
    %ge3A_453 = arith.cmpf oge, %min3A_443, %ge3A_452 : vector<1x48xf32>
    %convert_element_type3A_454 = arith.extui %ge3A_453 : vector<1x48xi1> to vector<1x48xi32>
    %convert_element_type3A_455 = arith.sitofp %convert_element_type3A_454 : vector<1x48xi32> to vector<1x48xf32>
    %add3A_456 = arith.addf %add3A_450, %convert_element_type3A_455 : vector<1x48xf32>
    %slice3A_457 = vector.extract_strided_slice %add3A_65 {offsets = [0, 2], sizes = [1, 1], strides = [1, 1]} : vector<1x16xf32> to vector<1x1xf32>
    %ge3A_458 = vector.broadcast %slice3A_457 : vector<1x1xf32> to vector<1x48xf32>
    %ge3A_459 = arith.cmpf oge, %min3A_443, %ge3A_458 : vector<1x48xf32>
    %convert_element_type3A_460 = arith.extui %ge3A_459 : vector<1x48xi1> to vector<1x48xi32>
    %convert_element_type3A_461 = arith.sitofp %convert_element_type3A_460 : vector<1x48xi32> to vector<1x48xf32>
    %add3A_462 = arith.addf %add3A_456, %convert_element_type3A_461 : vector<1x48xf32>
    %slice3A_463 = vector.extract_strided_slice %add3A_65 {offsets = [0, 3], sizes = [1, 1], strides = [1, 1]} : vector<1x16xf32> to vector<1x1xf32>
    %ge3A_464 = vector.broadcast %slice3A_463 : vector<1x1xf32> to vector<1x48xf32>
    %ge3A_465 = arith.cmpf oge, %min3A_443, %ge3A_464 : vector<1x48xf32>
    %convert_element_type3A_466 = arith.extui %ge3A_465 : vector<1x48xi1> to vector<1x48xi32>
    %convert_element_type3A_467 = arith.sitofp %convert_element_type3A_466 : vector<1x48xi32> to vector<1x48xf32>
    %add3A_468 = arith.addf %add3A_462, %convert_element_type3A_467 : vector<1x48xf32>
    %slice3A_469 = vector.extract_strided_slice %add3A_65 {offsets = [0, 4], sizes = [1, 1], strides = [1, 1]} : vector<1x16xf32> to vector<1x1xf32>
    %ge3A_470 = vector.broadcast %slice3A_469 : vector<1x1xf32> to vector<1x48xf32>
    %ge3A_471 = arith.cmpf oge, %min3A_443, %ge3A_470 : vector<1x48xf32>
    %convert_element_type3A_472 = arith.extui %ge3A_471 : vector<1x48xi1> to vector<1x48xi32>
    %convert_element_type3A_473 = arith.sitofp %convert_element_type3A_472 : vector<1x48xi32> to vector<1x48xf32>
    %add3A_474 = arith.addf %add3A_468, %convert_element_type3A_473 : vector<1x48xf32>
    %slice3A_475 = vector.extract_strided_slice %add3A_65 {offsets = [0, 5], sizes = [1, 1], strides = [1, 1]} : vector<1x16xf32> to vector<1x1xf32>
    %ge3A_476 = vector.broadcast %slice3A_475 : vector<1x1xf32> to vector<1x48xf32>
    %ge3A_477 = arith.cmpf oge, %min3A_443, %ge3A_476 : vector<1x48xf32>
    %convert_element_type3A_478 = arith.extui %ge3A_477 : vector<1x48xi1> to vector<1x48xi32>
    %convert_element_type3A_479 = arith.sitofp %convert_element_type3A_478 : vector<1x48xi32> to vector<1x48xf32>
    %add3A_480 = arith.addf %add3A_474, %convert_element_type3A_479 : vector<1x48xf32>
    %slice3A_481 = vector.extract_strided_slice %add3A_65 {offsets = [0, 6], sizes = [1, 1], strides = [1, 1]} : vector<1x16xf32> to vector<1x1xf32>
    %ge3A_482 = vector.broadcast %slice3A_481 : vector<1x1xf32> to vector<1x48xf32>
    %ge3A_483 = arith.cmpf oge, %min3A_443, %ge3A_482 : vector<1x48xf32>
    %convert_element_type3A_484 = arith.extui %ge3A_483 : vector<1x48xi1> to vector<1x48xi32>
    %convert_element_type3A_485 = arith.sitofp %convert_element_type3A_484 : vector<1x48xi32> to vector<1x48xf32>
    %add3A_486 = arith.addf %add3A_480, %convert_element_type3A_485 : vector<1x48xf32>
    %slice3A_487 = vector.extract_strided_slice %add3A_65 {offsets = [0, 7], sizes = [1, 1], strides = [1, 1]} : vector<1x16xf32> to vector<1x1xf32>
    %ge3A_488 = vector.broadcast %slice3A_487 : vector<1x1xf32> to vector<1x48xf32>
    %ge3A_489 = arith.cmpf oge, %min3A_443, %ge3A_488 : vector<1x48xf32>
    %convert_element_type3A_490 = arith.extui %ge3A_489 : vector<1x48xi1> to vector<1x48xi32>
    %convert_element_type3A_491 = arith.sitofp %convert_element_type3A_490 : vector<1x48xi32> to vector<1x48xf32>
    %add3A_492 = arith.addf %add3A_486, %convert_element_type3A_491 : vector<1x48xf32>
    %slice3A_493 = vector.extract_strided_slice %add3A_65 {offsets = [0, 8], sizes = [1, 1], strides = [1, 1]} : vector<1x16xf32> to vector<1x1xf32>
    %ge3A_494 = vector.broadcast %slice3A_493 : vector<1x1xf32> to vector<1x48xf32>
    %ge3A_495 = arith.cmpf oge, %min3A_443, %ge3A_494 : vector<1x48xf32>
    %convert_element_type3A_496 = arith.extui %ge3A_495 : vector<1x48xi1> to vector<1x48xi32>
    %convert_element_type3A_497 = arith.sitofp %convert_element_type3A_496 : vector<1x48xi32> to vector<1x48xf32>
    %add3A_498 = arith.addf %add3A_492, %convert_element_type3A_497 : vector<1x48xf32>
    %slice3A_499 = vector.extract_strided_slice %add3A_65 {offsets = [0, 9], sizes = [1, 1], strides = [1, 1]} : vector<1x16xf32> to vector<1x1xf32>
    %ge3A_500 = vector.broadcast %slice3A_499 : vector<1x1xf32> to vector<1x48xf32>
    %ge3A_501 = arith.cmpf oge, %min3A_443, %ge3A_500 : vector<1x48xf32>
    %convert_element_type3A_502 = arith.extui %ge3A_501 : vector<1x48xi1> to vector<1x48xi32>
    %convert_element_type3A_503 = arith.sitofp %convert_element_type3A_502 : vector<1x48xi32> to vector<1x48xf32>
    %add3A_504 = arith.addf %add3A_498, %convert_element_type3A_503 : vector<1x48xf32>
    %slice3A_505 = vector.extract_strided_slice %add3A_65 {offsets = [0, 10], sizes = [1, 1], strides = [1, 1]} : vector<1x16xf32> to vector<1x1xf32>
    %ge3A_506 = vector.broadcast %slice3A_505 : vector<1x1xf32> to vector<1x48xf32>
    %ge3A_507 = arith.cmpf oge, %min3A_443, %ge3A_506 : vector<1x48xf32>
    %convert_element_type3A_508 = arith.extui %ge3A_507 : vector<1x48xi1> to vector<1x48xi32>
    %convert_element_type3A_509 = arith.sitofp %convert_element_type3A_508 : vector<1x48xi32> to vector<1x48xf32>
    %add3A_510 = arith.addf %add3A_504, %convert_element_type3A_509 : vector<1x48xf32>
    %slice3A_511 = vector.extract_strided_slice %add3A_65 {offsets = [0, 11], sizes = [1, 1], strides = [1, 1]} : vector<1x16xf32> to vector<1x1xf32>
    %ge3A_512 = vector.broadcast %slice3A_511 : vector<1x1xf32> to vector<1x48xf32>
    %ge3A_513 = arith.cmpf oge, %min3A_443, %ge3A_512 : vector<1x48xf32>
    %convert_element_type3A_514 = arith.extui %ge3A_513 : vector<1x48xi1> to vector<1x48xi32>
    %convert_element_type3A_515 = arith.sitofp %convert_element_type3A_514 : vector<1x48xi32> to vector<1x48xf32>
    %add3A_516 = arith.addf %add3A_510, %convert_element_type3A_515 : vector<1x48xf32>
    %slice3A_517 = vector.extract_strided_slice %add3A_65 {offsets = [0, 12], sizes = [1, 1], strides = [1, 1]} : vector<1x16xf32> to vector<1x1xf32>
    %ge3A_518 = vector.broadcast %slice3A_517 : vector<1x1xf32> to vector<1x48xf32>
    %ge3A_519 = arith.cmpf oge, %min3A_443, %ge3A_518 : vector<1x48xf32>
    %convert_element_type3A_520 = arith.extui %ge3A_519 : vector<1x48xi1> to vector<1x48xi32>
    %convert_element_type3A_521 = arith.sitofp %convert_element_type3A_520 : vector<1x48xi32> to vector<1x48xf32>
    %add3A_522 = arith.addf %add3A_516, %convert_element_type3A_521 : vector<1x48xf32>
    %slice3A_523 = vector.extract_strided_slice %add3A_65 {offsets = [0, 13], sizes = [1, 1], strides = [1, 1]} : vector<1x16xf32> to vector<1x1xf32>
    %ge3A_524 = vector.broadcast %slice3A_523 : vector<1x1xf32> to vector<1x48xf32>
    %ge3A_525 = arith.cmpf oge, %min3A_443, %ge3A_524 : vector<1x48xf32>
    %convert_element_type3A_526 = arith.extui %ge3A_525 : vector<1x48xi1> to vector<1x48xi32>
    %convert_element_type3A_527 = arith.sitofp %convert_element_type3A_526 : vector<1x48xi32> to vector<1x48xf32>
    %add3A_528 = arith.addf %add3A_522, %convert_element_type3A_527 : vector<1x48xf32>
    %slice3A_529 = vector.extract_strided_slice %add3A_65 {offsets = [0, 14], sizes = [1, 1], strides = [1, 1]} : vector<1x16xf32> to vector<1x1xf32>
    %ge3A_530 = vector.broadcast %slice3A_529 : vector<1x1xf32> to vector<1x48xf32>
    %ge3A_531 = arith.cmpf oge, %min3A_443, %ge3A_530 : vector<1x48xf32>
    %convert_element_type3A_532 = arith.extui %ge3A_531 : vector<1x48xi1> to vector<1x48xi32>
    %convert_element_type3A_533 = arith.sitofp %convert_element_type3A_532 : vector<1x48xi32> to vector<1x48xf32>
    %add3A_534 = arith.addf %add3A_528, %convert_element_type3A_533 : vector<1x48xf32>
    %slice3A_535 = vector.extract_strided_slice %add3A_65 {offsets = [0, 15], sizes = [1, 1], strides = [1, 1]} : vector<1x16xf32> to vector<1x1xf32>
    %ge3A_536 = vector.broadcast %slice3A_535 : vector<1x1xf32> to vector<1x48xf32>
    %ge3A_537 = arith.cmpf oge, %min3A_443, %ge3A_536 : vector<1x48xf32>
    %convert_element_type3A_538 = arith.extui %ge3A_537 : vector<1x48xi1> to vector<1x48xi32>
    %convert_element_type3A_539 = arith.sitofp %convert_element_type3A_538 : vector<1x48xi32> to vector<1x48xf32>
    %add3A_540 = arith.addf %add3A_534, %convert_element_type3A_539 : vector<1x48xf32>
    %convert_element_type3A_541 = arith.fptosi %add3A_540 : vector<1x48xf32> to vector<1x48xi32>
    %swap3A_542 = arith.constant 0 : index
    %swap3A_543 = arith.constant 0 : index
    %swap3A_544 = vector.load %arg4[%swap3A_542, %swap3A_543] : memref<1x48xi32, #tpu.memory_space<vmem>>, vector<1x48xi32>
    tpu.vector_store %arg4[%swap3A_542, %swap3A_543], %convert_element_type3A_541 {strides = array<i32>} : memref<1x48xi32, #tpu.memory_space<vmem>>, vector<1x48xi32>,
    return
  }
}

module attributes {stable_mosaic.version = 14 : i64} {
  func.func @_ffn_body(%arg0: i32, %arg1: memref<48xi32, #tpu.memory_space<smem>>, %arg2: memref<128x1024xf32, #tpu.memory_space<vmem>>, %arg3: memref<1x1024x2048xf32, #tpu.memory_space<vmem>>, %arg4: memref<1x1x2048xf32, #tpu.memory_space<vmem>>, %arg5: memref<1x2048x1024xf32, #tpu.memory_space<vmem>>, %arg6: memref<1x1x1024xf32, #tpu.memory_space<vmem>>, %arg7: memref<128x1024xf32, #tpu.memory_space<vmem>>) attributes {dimension_semantics = [#tpu.dimension_semantics<arbitrary>], iteration_bounds = array<i64: 48>, scalar_prefetch = 1 : i64, scratch_operands = 0 : i64, tpu.core_type = #tpu.core_type<tc>, window_params = [{transform_indices = @transform_0, window_bounds = array<i64: 128, 1024>}, {transform_indices = @transform_1, window_bounds = array<i64: 1, 1024, 2048>}, {transform_indices = @transform_2, window_bounds = array<i64: 1, 1, 2048>}, {transform_indices = @transform_3, window_bounds = array<i64: 1, 2048, 1024>}, {transform_indices = @transform_4, window_bounds = array<i64: 1, 1, 1024>}, {transform_indices = @transform_5, window_bounds = array<i64: 128, 1024>}]} {
    %get3A = arith.constant 0 : index
    %get3A_0 = arith.constant 0 : index
    %get3A_1 = vector.load %arg2[%get3A, %get3A_0] : memref<128x1024xf32, #tpu.memory_space<vmem>>, vector<128x1024xf32>
    %get3A_2 = arith.constant 0 : index
    %get3A_3 = arith.constant 0 : index
    %get3A_4 = arith.constant 0 : index
    %get3A_5 = vector.load %arg3[%get3A_2, %get3A_3, %get3A_4] : memref<1x1024x2048xf32, #tpu.memory_space<vmem>>, vector<1x1024x2048xf32>
    %get3A_6 = vector.shape_cast %get3A_5 : vector<1x1024x2048xf32> to vector<1024x2048xf32>
    %dot_general3A = arith.constant dense<0.000000e+00> : vector<128x2048xf32>
    %dot_general3A_7 = tpu.matmul %get3A_1, %get3A_6, %dot_general3A {dimension_numbers = #tpu.dot_dimension_numbers<[1], [0], [0], [1], [0, 0, 1, 1], [], []>, transpose_lhs_hint = false} : vector<128x1024xf32>, vector<1024x2048xf32>, vector<128x2048xf32> -> vector<128x2048xf32>
    %get3A_8 = arith.constant 0 : index
    %get3A_9 = arith.constant 0 : index
    %get3A_10 = arith.constant 0 : index
    %get3A_11 = vector.load %arg4[%get3A_8, %get3A_9, %get3A_10] : memref<1x1x2048xf32, #tpu.memory_space<vmem>>, vector<1x1x2048xf32>
    %get3A_12 = vector.shape_cast %get3A_11 : vector<1x1x2048xf32> to vector<1x2048xf32>
    %add3A = vector.broadcast %get3A_12 : vector<1x2048xf32> to vector<128x2048xf32>
    %add3A_13 = arith.addf %dot_general3A_7, %add3A : vector<128x2048xf32>
    %integer_pow3A = arith.mulf %add3A_13, %add3A_13 : vector<128x2048xf32>
    %integer_pow3A_14 = arith.mulf %add3A_13, %integer_pow3A : vector<128x2048xf32>
    %mul3A = arith.constant 4.471500e-02 : f32
    %mul3A_15 = vector.broadcast %mul3A : f32 to vector<128x2048xf32>
    %mul3A_16 = arith.mulf %mul3A_15, %integer_pow3A_14 : vector<128x2048xf32>
    %add3A_17 = arith.addf %add3A_13, %mul3A_16 : vector<128x2048xf32>
    %mul3A_18 = arith.constant 0.797884583 : f32
    %mul3A_19 = vector.broadcast %mul3A_18 : f32 to vector<128x2048xf32>
    %mul3A_20 = arith.mulf %mul3A_19, %add3A_17 : vector<128x2048xf32>
    %tanh3A = math.tanh %mul3A_20 : vector<128x2048xf32>
    %add3A_21 = arith.constant 1.000000e+00 : f32
    %add3A_22 = vector.broadcast %add3A_21 : f32 to vector<128x2048xf32>
    %add3A_23 = arith.addf %add3A_22, %tanh3A : vector<128x2048xf32>
    %mul3A_24 = arith.constant 5.000000e-01 : f32
    %mul3A_25 = vector.broadcast %mul3A_24 : f32 to vector<128x2048xf32>
    %mul3A_26 = arith.mulf %mul3A_25, %add3A_23 : vector<128x2048xf32>
    %mul3A_27 = arith.mulf %add3A_13, %mul3A_26 : vector<128x2048xf32>
    %get3A_28 = arith.constant 0 : index
    %get3A_29 = arith.constant 0 : index
    %get3A_30 = arith.constant 0 : index
    %get3A_31 = vector.load %arg5[%get3A_28, %get3A_29, %get3A_30] : memref<1x2048x1024xf32, #tpu.memory_space<vmem>>, vector<1x2048x1024xf32>
    %get3A_32 = vector.shape_cast %get3A_31 : vector<1x2048x1024xf32> to vector<2048x1024xf32>
    %dot_general3A_33 = arith.constant dense<0.000000e+00> : vector<128x1024xf32>
    %dot_general3A_34 = tpu.matmul %mul3A_27, %get3A_32, %dot_general3A_33 {dimension_numbers = #tpu.dot_dimension_numbers<[1], [0], [0], [1], [0, 0, 1, 1], [], []>, transpose_lhs_hint = false} : vector<128x2048xf32>, vector<2048x1024xf32>, vector<128x1024xf32> -> vector<128x1024xf32>
    %get3A_35 = arith.constant 0 : index
    %get3A_36 = arith.constant 0 : index
    %get3A_37 = arith.constant 0 : index
    %get3A_38 = vector.load %arg6[%get3A_35, %get3A_36, %get3A_37] : memref<1x1x1024xf32, #tpu.memory_space<vmem>>, vector<1x1x1024xf32>
    %get3A_39 = vector.shape_cast %get3A_38 : vector<1x1x1024xf32> to vector<1x1024xf32>
    %add3A_40 = vector.broadcast %get3A_39 : vector<1x1024xf32> to vector<128x1024xf32>
    %add3A_41 = arith.addf %dot_general3A_34, %add3A_40 : vector<128x1024xf32>
    %swap3A = arith.constant 0 : index
    %swap3A_42 = arith.constant 0 : index
    %swap3A_43 = vector.load %arg7[%swap3A, %swap3A_42] : memref<128x1024xf32, #tpu.memory_space<vmem>>, vector<128x1024xf32>
    tpu.vector_store %arg7[%swap3A, %swap3A_42], %add3A_41 {strides = array<i32>} : memref<128x1024xf32, #tpu.memory_space<vmem>>, vector<128x1024xf32>,
    return
  }
  func.func @transform_0(%arg0: i32, %arg1: memref<48xi32, #tpu.memory_space<smem>>) -> (i32, i32) {
    %c0_i32 = arith.constant 0 : i32
    %c0_i32_0 = arith.constant 0 : i32
    return %arg0, %c0_i32 : i32, i32
  }
  func.func @transform_1(%arg0: i32, %arg1: memref<48xi32, #tpu.memory_space<smem>>) -> (i32, i32, i32) {
    %get3A = arith.index_cast %arg0 : i32 to index
    %get3A_0 = memref.load %arg1[%get3A] : memref<48xi32, #tpu.memory_space<smem>>
    %c0_i32 = arith.constant 0 : i32
    %c0_i32_1 = arith.constant 0 : i32
    %c0_i32_2 = arith.constant 0 : i32
    return %get3A_0, %c0_i32, %c0_i32_1 : i32, i32, i32
  }
  func.func @transform_2(%arg0: i32, %arg1: memref<48xi32, #tpu.memory_space<smem>>) -> (i32, i32, i32) {
    %get3A = arith.index_cast %arg0 : i32 to index
    %get3A_0 = memref.load %arg1[%get3A] : memref<48xi32, #tpu.memory_space<smem>>
    %c0_i32 = arith.constant 0 : i32
    %c0_i32_1 = arith.constant 0 : i32
    %c0_i32_2 = arith.constant 0 : i32
    return %get3A_0, %c0_i32, %c0_i32_1 : i32, i32, i32
  }
  func.func @transform_3(%arg0: i32, %arg1: memref<48xi32, #tpu.memory_space<smem>>) -> (i32, i32, i32) {
    %get3A = arith.index_cast %arg0 : i32 to index
    %get3A_0 = memref.load %arg1[%get3A] : memref<48xi32, #tpu.memory_space<smem>>
    %c0_i32 = arith.constant 0 : i32
    %c0_i32_1 = arith.constant 0 : i32
    %c0_i32_2 = arith.constant 0 : i32
    return %get3A_0, %c0_i32, %c0_i32_1 : i32, i32, i32
  }
  func.func @transform_4(%arg0: i32, %arg1: memref<48xi32, #tpu.memory_space<smem>>) -> (i32, i32, i32) {
    %get3A = arith.index_cast %arg0 : i32 to index
    %get3A_0 = memref.load %arg1[%get3A] : memref<48xi32, #tpu.memory_space<smem>>
    %c0_i32 = arith.constant 0 : i32
    %c0_i32_1 = arith.constant 0 : i32
    %c0_i32_2 = arith.constant 0 : i32
    return %get3A_0, %c0_i32, %c0_i32_1 : i32, i32, i32
  }
  func.func @transform_5(%arg0: i32, %arg1: memref<48xi32, #tpu.memory_space<smem>>) -> (i32, i32) {
    %c0_i32 = arith.constant 0 : i32
    %c0_i32_0 = arith.constant 0 : i32
    return %arg0, %c0_i32 : i32, i32
  }
}

</mosaic_0001>

<sc_bundles>
// kernel: kernel.6.cloned.1.call-start
scs
__scs_entry_jumppad:
0x0: {  	(pc) =	sbr.rel $0x88, $3  }
0x1: {  	(tag) =	ssettag $0x0;
	lr =	simm.s32 $0x1  }
0x2: {  	[smem:$0x3F9B] =	sst lr;
	_ =	strace $0xD0000000  }
0x3: {  	_ = 	snop  }
0x4: {  	_ = 	snop  }
0x5: {  	_ = 	snop  }
0x6: {  	_ = 	snop  }
0x7: {  	_ = 	snop  }
__scs_overlays_trampoline_lowered:
0x8: {  	[smem:$0x3FAA] =	sst s0  }
0x9: {  	[smem:$0x3FAB] =	sst s1  }
0xa: {  	[smem:$0x3FAC] =	sst s2  }
0xb: {  	[smem:$0x3FAD] =	sst s3  }
0xc: {  	[smem:$0x3FAE] =	sst s4  }
0xd: {  	[smem:$0x3FAF] =	sst s5  }
0xe: {  	[smem:$0x3FB0] =	sst s6  }
0xf: {  	[smem:$0x3FB1] =	sst s7  }
0x10: {  	[smem:$0x3FB2] =	sst s8  }
0x11: {  	[smem:$0x3FB3] =	sst s9;
	s0 =	simm.s32 @!p0 $0x0  }
0x12: {  	s1 =	sld [smem:$0x3F99];
	s0 =	simm.s32 @p0 $0x1  }
0x13: {  	[smem:$0x3FB4] =	sst s0;
	s0 =	simm.s32 @!p1 $0x0  }
0x14: {  	s2 =	sld [smem:$0x3F98];
	s0 =	simm.s32 @p1 $0x1  }
0x15: {  	[smem:$0x3FB5] =	sst s0;
	s0 =	simm.s32 @!p2 $0x0  }
0x16: {  	s3 =	sld [smem:$0x3FDB];
	s0 =	simm.s32 @p2 $0x1  }
0x17: {  	s4 =	simm.s32 $0x1BF5;
	[smem:$0x3FB7] =	sst s0  }
0x18: {  	s0 =	sld [smem:$0x3F9A];
	_ =	swait.ge [sflag:s4], $0x0  }
0x19: {  	s7 =	sld [smem:$0x3F9B]  }
0x1a: {  	s8 =	sadd.s32 $0xFFFFE003, lr  }
0x1b: {  	s9 =	sadd.s32 $0xFFFFFEF7, lr;
	s5 =	simm.s32 $0xFFFFFFFF;
	p2 =	slt.u32 s8, $0xFFFFF086  }
0x1c: {  	p1 =	slt.u32 s9, $0xF7A;
	s5 =	simm.s32 @!p2 $0x0  }
0x1d: {  	s5 =	simm.s32 @p1 $0x1;
	p0 =	seq.s32 s7, s2  }
0x1e: {  	s7 =	smul.u32 @!p0 $0xF7A, s2;
	p2 =	seq.s32 @!p0 s5, $0x0  }
0x1f: {  	s9 =	smul.u32 $0xF7A, s1;
	s8 =	simm.s32 @!p0 $0x1BF5;
	p2 =	por !p2, p0  }
0x20: {  	[sflag:s8] =	ssyncset.s32 @!p0 $0xFFFFF086;
	s6 =	sadd.s32 @!p0 s3, s7;
	s7 =	simm.s32 @!p0 $0x108  }
0x21: {  	s3 =	sadd.s32 s3, s9;
	s6 =	sadd.s32 @!p0 $0x88, s6;
	s7 =	simm.s32 @p2 $0x1082  }
0x22: {  	[simem:s7], [sflag:s8] =	dma.local @!p0 [hbm:s6], $0xF7A  }
0x23: {  	s9 =	sor.u32 $0xD0000000, s2;
	s6 =	simm.s32 $0x108;
	_ =	swait.ge @!p0 [sflag:s8], $0x0  }
0x24: {  	s3 =	sadd.s32 $0x88, s3;
	s6 =	simm.s32 @!p1 $0x1082;
	[sflag:s4] =	ssyncset.s32 $0xFFFFF086  }
0x25: {  	[simem:s6], [sflag:s4] =	dma.local [hbm:s3], $0xF7A  }
0x26: {  	[smem:$0x3F9B] =	sst s1;
	(tag) =	ssettag s2;
	_ =	strace s9  }
0x27: {  	s1 =	sld [smem:$0x3FAB]  }
0x28: {  	s2 =	sld [smem:$0x3FAC]  }
0x29: {  	s4 =	sld [smem:$0x3FAE]  }
0x2a: {  	p0 =	seq.s32 s5, $0x0;
	s5 =	sld [smem:$0x3FAF]  }
0x2b: {  	s6 =	sld [smem:$0x3FB0]  }
0x2c: {  	s7 =	sld [smem:$0x3FB1]  }
0x2d: {  	s3 =	simm.s32 $0x108;
	s8 =	sld [smem:$0x3FB2]  }
0x2e: {  	s3 =	simm.s32 @!p0 $0x1082;
	s9 =	sld [smem:$0x3FB3]  }
0x2f: {  	lr =	sadd.s32 s0, s3;
	s0 =	sld [smem:$0x3FAA]  }
0x30: {  	s3 =	sld [smem:$0x3FAD]  }
0x31: {  	[smem:$0x3FB6] =	sst s10  }
0x32: {  	s10 =	sld [smem:$0x3FB4];
	_ =	sdelay $0x3  }
0x33: {  	p0 =	seq.s32 s10, $0x1;
	s10 =	sld [smem:$0x3FB6];
	_ =	sdelay $0x3  }
0x34: {  	[smem:$0x3FB6] =	sst s10  }
0x35: {  	s10 =	sld [smem:$0x3FB5];
	_ =	sdelay $0x3  }
0x36: {  	p1 =	seq.s32 s10, $0x1;
	s10 =	sld [smem:$0x3FB6];
	_ =	sdelay $0x3  }
0x37: {  	[smem:$0x3FB6] =	sst s10  }
0x38: {  	s10 =	sld [smem:$0x3FB7]  }
0x39: {  	_ = 	snop;
	(pc) =	sbr.ind lr, $3  }
0x3a: {  	_ = 	snop  }
0x3b: {  	_ = 	snop  }
0x3c: {  	p2 =	seq.s32 s10, $0x1;
	s10 =	sld [smem:$0x3FB6]  }
0x3d: {  	_ =	shalt  }
0x3e: {  	_ =	shalt  }
0x3f: {  	_ =	shalt  }
0x40: {  	_ =	shalt  }
0x41: {  	_ =	shalt  }
0x42: {  	_ =	shalt  }
0x43: {  	_ =	shalt  }
0x44: {  	_ =	shalt  }
0x45: {  	_ =	shalt  }
0x46: {  	_ =	shalt  }
0x47: {  	_ =	shalt  }
0x48: {  	_ =	shalt  }
0x49: {  	_ =	shalt  }
0x4a: {  	_ =	shalt  }
0x4b: {  	_ =	shalt  }
0x4c: {  	_ =	shalt  }
0x4d: {  	_ =	shalt  }
0x4e: {  	_ =	shalt  }
0x4f: {  	_ =	shalt  }
0x50: {  	_ =	shalt  }
0x51: {  	_ =	shalt  }
0x52: {  	_ =	shalt  }
0x53: {  	_ =	shalt  }
0x54: {  	_ =	shalt  }
0x55: {  	_ =	shalt  }
0x56: {  	_ =	shalt  }
0x57: {  	_ =	shalt  }
0x58: {  	_ =	shalt  }
0x59: {  	_ =	shalt  }
0x5a: {  	_ =	shalt  }
0x5b: {  	_ =	shalt  }
0x5c: {  	_ =	shalt  }
0x5d: {  	_ =	shalt  }
0x5e: {  	_ =	shalt  }
0x5f: {  	_ =	shalt  }
0x60: {  	_ =	shalt  }
0x61: {  	_ =	shalt  }
0x62: {  	_ =	shalt  }
0x63: {  	_ =	shalt  }
0x64: {  	_ =	shalt  }
0x65: {  	_ =	shalt  }
0x66: {  	_ =	shalt  }
0x67: {  	_ =	shalt  }
0x68: {  	_ =	shalt  }
0x69: {  	_ =	shalt  }
0x6a: {  	_ =	shalt  }
0x6b: {  	_ =	shalt  }
0x6c: {  	_ =	shalt  }
0x6d: {  	_ =	shalt  }
0x6e: {  	_ =	shalt  }
0x6f: {  	_ =	shalt  }
0x70: {  	_ =	shalt  }
0x71: {  	_ =	shalt  }
0x72: {  	_ =	shalt  }
0x73: {  	_ =	shalt  }
0x74: {  	_ =	shalt  }
0x75: {  	_ =	shalt  }
0x76: {  	_ =	shalt  }
0x77: {  	_ =	shalt  }
0x78: {  	_ =	shalt  }
0x79: {  	_ =	shalt  }
0x7a: {  	_ =	shalt  }
0x7b: {  	_ =	shalt  }
0x7c: {  	_ =	shalt  }
0x7d: {  	_ =	shalt  }
0x7e: {  	_ =	shalt  }
0x7f: {  	_ =	shalt  }
0x80: {  	_ =	shalt  }
0x81: {  	_ =	shalt  }
0x82: {  	_ =	shalt  }
0x83: {  	_ =	shalt  }
0x84: {  	_ =	shalt  }
0x85: {  	_ =	shalt  }
0x86: {  	_ =	shalt  }
0x87: {  	_ =	shalt  }
.Lfunc_end0:
.L_simem_size_0:
called_computation_lowered:
.L_overlay_start_0:
0x88: {  	s2 =	sld [smem:$0x3FD9]  }
0x89: {  	s3 =	sld [smem:$0x3FFE];
	_ =	sdelay $0x1  }
0x8a: {  	s1 =	srdreg.scid  }
0x8b: {  	s0 =	sand.u32 $0x1, s1  }
0x8c: {  	s17 =	sshll.u32 s0, $0xA;
	s2 =	sadd.s32 s3, s2  }
0x8d: {  	s2 =	sadd.s32 s2, s17  }
0x8e: {  	[smem:$0x3FC2] =	sst s2  }
0x8f: {  	_ = 	snop  }
0x90: {  	s2 =	sld [smem:$0x3FC9];
	(tm) =	ssettm $0x1  }
0x91: {  	s18 =	sld [smem:$0x3FFB];
	_ =	sdelay $0x3  }
0x92: {  	_ =	strace s18  }
0x93: {  	s3 =	sld [smem:$0x3FFC];
	_ =	sdelay $0x3  }
0x94: {  	_ =	strace s3  }
0x95: {  	s3 =	sld [smem:$0x3FFD];
	_ =	sdelay $0x3  }
0x96: {  	_ =	strace s3  }
0x97: {  	_ =	strace $0x8FFFFFFF  }
0x98: {  	s19 =	sld [smem:$0x3FDB];
	_ =	sdelay $0x1  }
0x99: {  	s4 =	simm.s32 $_scs_section_size  }
0x9a: {  	s5 =	simm.s32 $_size__tile_overlayer_lowered;
	s6 =	simm.s32 $_tile_overlayer_lowered  }
0x9b: {  	s22 =	simm.s32 $0x1BFF;
	s21 =	sshll.u32 s6, $0x1;
	s3 =	sadd.s32 s4, s19  }
0x9c: {  	s7 =	simm.s32 $0x0;
	s20 =	sshll.u32 s5, $0x1;
	s5 =	sadd.s32 s21, s3  }
0x9d: {  	[timem:s7], [sflag:s22] =	dma.local [hbm:s5], s20  }
0x9e: {  	_ =	swait.ge [sflag:s22], s20  }
0x9f: {  	s4 =	ssub.s32 $0x0, s20;
	[sflag:s22] =	ssyncset.done $0x0  }
0xa0: {  	[sflag:s22] =	ssyncadd.s32 s4;
	_ =	sdelay $0x1  }
0xa1: {  	s23 =	simm.s32 $0x1B8B  }
0xa2: {  	_ =	swait.ge [sflag:s23], $0x1  }
0xa3: {  	[sflag:s23] =	ssyncset.done $0x0  }
0xa4: {  	s25 =	simm.s32 $0x1B8E;
	s24 =	sld [smem:$0x3FFE];
	[sflag:s23] =	ssyncadd.s32 $0xFFFFFFFF  }
0xa5: {  	s26 =	simm.s32 $execute0_lowered;
	[smem:$0x3FD2] =	sst s25  }
0xa6: {  	s5 =	sshll.u32 s26, $0x1;
	_ =	strace $0x80000046;
	[dreg:$0x1] =	wrdreg $0xFFFFFFFF  }
0xa7: {  	s28 =	simm.s32 $_size_execute0_lowered;
	s3 =	sadd.s32 s3, s5;
	[dreg:$0x0] =	wrdreg $0x0  }
0xa8: {  	s5 =	sshll.u32 s28, $0x1;
	[dreg:$0x2] =	wrdreg s3  }
0xa9: {  	[dreg:$0x3] =	wrdreg s5  }
0xaa: {  	[dreg:$0x4] =	wrdreg $0xC0  }
0xab: {  	_ =	task [dreg:s7], $0x5FFFF  }
0xac: {  	[dreg:$0x1] =	wrdreg $0xFFFFFFFF  }
0xad: {  	[dreg:$0x0] =	wrdreg $0x60  }
0xae: {  	[dreg:$0x2] =	wrdreg s24  }
0xaf: {  	[dreg:$0x3] =	wrdreg s2  }
0xb0: {  	[dreg:$0x4] =	wrdreg $0x9  }
0xb1: {  	_ =	task.clear_ibuf [dreg:s7], $0x5FFFF;
	_ =	strace $0x90000046  }
0xb2: {  	s29 =	simm.s32 $0x9;
	_ =	strace $0x80000048  }
0xb3: {  	_ =	swait.ge [sflag:s29], $0x1  }
0xb4: {  	[sflag:s29] =	ssyncadd.s32 $0xFFFFFFFF  }
0xb5: {  	_ =	strace $0x90000048  }
0xb6: {  	_ =	sfence  }
0xb7: {  	s30 =	sld [smem:$0x0];
	_ =	sdelay $0x2  }
0xb8: {  	s31 =	sshll.u32 s1, $0xD;
	s1 =	sshrl.u32 s1, $0x2  }
0xb9: {  	s3 =	sand.u32 $0x4000, s31;
	s1 =	sadd.s32 s1, s30  }
0xba: {  	s0 =	sor.u32 s3, s0;
	s1 =	sshll.u32 s1, $0x11  }
0xbb: {  	s0 =	sor.u32 s1, s0  }
0xbc: {  	s0 =	sadd.s32 $0x8F2B, s0  }
0xbd: {  	[sflag:s0] =	ssyncadd.remote.s32 $0x1  }
0xbe: {  	_ =	sfence.sel $0xFFFF  }
0xbf: {  	[dreg:$0x0] =	wrdreg $0xFFFFFFFF;
	(pc) =	sbr.abs _section_cstart, $3  }
0xc0: {  	[dreg:$0x1] =	wrdreg $0xFFFFFFFF  }
0xc1: {  	_ =	task.clear_ibuf [dreg:s7], $0x2FFFF;
	_ =	strace $0x9FFFFFFF  }
0xc2: {  	(tm) =	ssettm $0x7FFFFFFF  }
0xc3: {  	_ =	shalt  }
tec
execute0_lowered:
.L_overlay_start_1:
0x0: {  	(tag) =	ssettag $0x1  }
0x1: {  	s0 =	srdreg.scid  }
0x2: {  	s1 =	rddreg [dreg:$0x0];
	s2 =	stileid.u32  }
0x3: {  	s4 =	rddreg [dreg:$0x1];
	s26 =	simm.s32 $0x80;
	s18 =	simm.s32 $0x100  }
0x4: {  	s22 =	simm.s32 $0x1900;
	s23 =	simm.s32 $0x2100;
	s24 =	simm.s32 $0x2900  }
0x5: {  	s25 =	simm.s32 $0x3100;
	s28 =	simm.s32 $0x4100;
	s29 =	simm.s32 $0x4900  }
0x6: {  	s30 =	simm.s32 $0x5100;
	s31 =	simm.s32 $0x5900;
	s10 =	simm.s32 $0x7100  }
0x7: {  	s11 =	simm.s32 $0x7900;
	s12 =	simm.s32 $0x8100;
	s13 =	simm.s32 $0x8900  }
0x8: {  	s14 =	simm.s32 $0x9100;
	s15 =	simm.s32 $0x9900;
	s16 =	simm.s32 $0xA100  }
0x9: {  	s17 =	simm.s32 $0xA900;
	s9 =	simm.s32 $0xB100;
	s19 =	simm.s32 $0xB900  }
0xa: {  	s0 =	sand.u32 $0x1, s0;
	s5 =	sshll.u32 s2, $0x6;
	s2 =	simm.s32 $0x0  }
0xb: {  	s3 =	sshll.u32 s0, $0xA;
	[smem:$0x7FF] =	sst s2;
	s0 =	ssub.s32 $0x2, s0  }
0xc: {  	s5 =	sor.u32 s5, s3;
	_ =	strace $0x80000047;
	s7 =	sshrl.u32 s0, $0x1  }
0xd: {  	[dreg:$0x6] =	wrdreg s26;
	s26 =	simm.s32 $0x3900;
	s3 =	sshrl.u32 s5, $0x3  }
0xe: {  	s5 =	sshll.u32 s5, $0x7;
	s0 =	ssub.s32 s0, s7;
	s6 =	sadd.s32 s3, s1  }
0xf: {  	s3 =	sadd.s32 $0x14800, s1;
	s4 =	sadd.s32 s4, s5;
	s5 =	sadd.s32 $0x14A00, s1  }
0x10: {  	v2 =	vlaneseq.u32;
	s7 =	smax.u32 s0, $0x1;
	s8 =	sadd.s32 $0x600, s6;
	[dreg:$0x5] =	wrdreg s4  }
0x11: {  	vm0 =	vmmov $0xffff;
	v1 =	vshrl.u32 v2, $0x3;
	s6 =	sadd.s32 $0x700, s6;
	s4 =	sadd.s32 $0x14900, s1;
	[dreg:$0x3] =	wrdreg s8  }
0x12: {  	v0 =	vand.u32 $0x7, v2;
	v2 =	vor.u32 $0x8, v2;
	v1 =	vmul.u32 $0x8, v1;
	[dreg:$0x4] =	wrdreg s6;
	s6 =	sadd.s32 $0x14B00, s1;
	s8 =	simm.s32 $0x3  }
.LBB2_1:
0x13: {  	s20 =	rddreg [dreg:$0x3]  }
0x14: {  	[tilespmem:s2], [sflag:$0x3] =	stream.linear.gather [hbm4b:s20+s2], $0x40, $0x38;
	[tilespmem:$0x10100] =	vst v63  }
0x15: {  	_ =	swait.ge [sflag:s8], $0x40  }
0x16: {  	s0 =	rddreg [dreg:$0x4];
	[sflag:s8] =	ssyncset.done $0x0  }
0x17: {  	s21 =	rddreg [dreg:$0x6];
	[sflag:s8] =	ssyncadd.s32 $0xFFFFFFC0  }
0x18: {  	[tilespmem:s21], [sflag:$0x3] =	stream.linear.gather [hbm4b:s0+s2], $0x40, $0x38;
	[tilespmem:$0x10100] =	vst v63  }
0x19: {  	_ =	swait.ge [sflag:s8], $0x40  }
0x1a: {  	[sflag:s8] =	ssyncset.done $0x0  }
0x1b: {  	s1 =	rddreg [dreg:$0x5];
	[sflag:s8] =	ssyncadd.s32 $0xFFFFFFC0  }
0x1c: {  	[tilespmem:s18], [sflag:$0x3] =	stream.linear.gather [hbm4b:s1+s2], $0x10000, $0x38;
	[tilespmem:$0x10100] =	vst v63  }
0x1d: {  	_ =	swait.ge [sflag:s8], $0x10000  }
0x1e: {  	[sflag:s8] =	ssyncset.done $0x0  }
0x1f: {  	[sflag:s8] =	ssyncadd.s32 $0xFFFF0000  }
0x20: {  	v3 =	vld [tilespmem:$0x0];
	_ =	sdelay $0x4  }
0x21: {  	v4 =	vshll.u32 v3, $0x3  }
0x22: {  	v3 =	vand.u32 $0x7, v3;
	v4 =	vand.u32 $0xFFFFFFC0, v4  }
0x23: {  	v3 =	vor.u32 v3, v4  }
0x24: {  	v4 =	vperm.xlane v3, v0;
	_ =	sdelay $0x1  }
0x25: {  	v4 =	vadd.s32 v1, v4;
	_ =	sdelay $0x4  }
0x26: {  	[hbm4b:s3+s2] =	stream.indirect_vreg.scatter [tilespmem:s18], [sflag:$0x1], $0x80, v4, vm0, $0xb8;
	[tilespmem:$0x10100] =	vst v63  }
0x27: {  	s20 =	simm.s32 $0x900;
	v3 =	vperm.xlane v3, v2  }
0x28: {  	[hbm4b:s4+s2] =	stream.indirect_vreg.scatter [tilespmem:s20], [sflag:$0x1], $0x80, v4, vm0, $0xb8;
	[tilespmem:$0x10100] =	vst v63  }
0x29: {  	s21 =	simm.s32 $0x1100;
	v3 =	vadd.s32 v1, v3  }
0x2a: {  	[hbm4b:s5+s2] =	stream.indirect_vreg.scatter [tilespmem:s21], [sflag:$0x1], $0x80, v4, vm0, $0xb8;
	[tilespmem:$0x10100] =	vst v63  }
0x2b: {  	_ = 	snop  }
0x2c: {  	[hbm4b:s6+s2] =	stream.indirect_vreg.scatter [tilespmem:s22], [sflag:$0x1], $0x80, v4, vm0, $0xb8;
	[tilespmem:$0x10100] =	vst v63  }
0x2d: {  	_ = 	snop  }
0x2e: {  	[hbm4b:s3+s2] =	stream.indirect_vreg.scatter [tilespmem:s23], [sflag:$0x1], $0x80, v3, vm0, $0xb8;
	[tilespmem:$0x10100] =	vst v63  }
0x2f: {  	_ = 	snop  }
0x30: {  	[hbm4b:s4+s2] =	stream.indirect_vreg.scatter [tilespmem:s24], [sflag:$0x1], $0x80, v3, vm0, $0xb8;
	[tilespmem:$0x10100] =	vst v63  }
0x31: {  	_ = 	snop  }
0x32: {  	[hbm4b:s5+s2] =	stream.indirect_vreg.scatter [tilespmem:s25], [sflag:$0x1], $0x80, v3, vm0, $0xb8;
	[tilespmem:$0x10100] =	vst v63  }
0x33: {  	_ = 	snop  }
0x34: {  	[hbm4b:s6+s2] =	stream.indirect_vreg.scatter [tilespmem:s26], [sflag:$0x1], $0x80, v3, vm0, $0xb8;
	[tilespmem:$0x10100] =	vst v63  }
0x35: {  	v3 =	vld [tilespmem:$0x10];
	_ =	sdelay $0x4  }
0x36: {  	v57 =	vshll.u32 v3, $0x3  }
0x37: {  	v3 =	vand.u32 $0x7, v3;
	v4 =	vand.u32 $0xFFFFFFC0, v57  }
0x38: {  	v3 =	vor.u32 v3, v4  }
0x39: {  	v4 =	vperm.xlane v3, v0;
	_ =	sdelay $0x1  }
0x3a: {  	v4 =	vadd.s32 v1, v4;
	_ =	sdelay $0x4  }
0x3b: {  	[hbm4b:s3+s2] =	stream.indirect_vreg.scatter [tilespmem:s28], [sflag:$0x1], $0x80, v4, vm0, $0xb8;
	[tilespmem:$0x10100] =	vst v63  }
0x3c: {  	v3 =	vperm.xlane v3, v2  }
0x3d: {  	[hbm4b:s4+s2] =	stream.indirect_vreg.scatter [tilespmem:s29], [sflag:$0x1], $0x80, v4, vm0, $0xb8;
	[tilespmem:$0x10100] =	vst v63  }
0x3e: {  	v3 =	vadd.s32 v1, v3  }
0x3f: {  	[hbm4b:s5+s2] =	stream.indirect_vreg.scatter [tilespmem:s30], [sflag:$0x1], $0x80, v4, vm0, $0xb8;
	[tilespmem:$0x10100] =	vst v63  }
0x40: {  	_ = 	snop  }
0x41: {  	[hbm4b:s6+s2] =	stream.indirect_vreg.scatter [tilespmem:s31], [sflag:$0x1], $0x80, v4, vm0, $0xb8;
	[tilespmem:$0x10100] =	vst v63  }
0x42: {  	s1 =	simm.s32 $0x6100  }
0x43: {  	[hbm4b:s3+s2] =	stream.indirect_vreg.scatter [tilespmem:s1], [sflag:$0x1], $0x80, v3, vm0, $0xb8;
	[tilespmem:$0x10100] =	vst v63  }
0x44: {  	s0 =	simm.s32 $0x6900  }
0x45: {  	[hbm4b:s4+s2] =	stream.indirect_vreg.scatter [tilespmem:s0], [sflag:$0x1], $0x80, v3, vm0, $0xb8;
	[tilespmem:$0x10100] =	vst v63  }
0x46: {  	_ = 	snop  }
0x47: {  	[hbm4b:s5+s2] =	stream.indirect_vreg.scatter [tilespmem:s10], [sflag:$0x1], $0x80, v3, vm0, $0xb8;
	[tilespmem:$0x10100] =	vst v63  }
0x48: {  	_ = 	snop  }
0x49: {  	[hbm4b:s6+s2] =	stream.indirect_vreg.scatter [tilespmem:s11], [sflag:$0x1], $0x80, v3, vm0, $0xb8;
	[tilespmem:$0x10100] =	vst v63  }
0x4a: {  	v3 =	vld [tilespmem:$0x20];
	_ =	sdelay $0x4  }
0x4b: {  	v58 =	vshll.u32 v3, $0x3  }
0x4c: {  	v3 =	vand.u32 $0x7, v3;
	v4 =	vand.u32 $0xFFFFFFC0, v58  }
0x4d: {  	v3 =	vor.u32 v3, v4  }
0x4e: {  	v4 =	vperm.xlane v3, v0;
	_ =	sdelay $0x1  }
0x4f: {  	v4 =	vadd.s32 v1, v4;
	_ =	sdelay $0x4  }
0x50: {  	[hbm4b:s3+s2] =	stream.indirect_vreg.scatter [tilespmem:s12], [sflag:$0x1], $0x80, v4, vm0, $0xb8;
	[tilespmem:$0x10100] =	vst v63  }
0x51: {  	v3 =	vperm.xlane v3, v2  }
0x52: {  	[hbm4b:s4+s2] =	stream.indirect_vreg.scatter [tilespmem:s13], [sflag:$0x1], $0x80, v4, vm0, $0xb8;
	[tilespmem:$0x10100] =	vst v63  }
0x53: {  	v3 =	vadd.s32 v1, v3  }
0x54: {  	[hbm4b:s5+s2] =	stream.indirect_vreg.scatter [tilespmem:s14], [sflag:$0x1], $0x80, v4, vm0, $0xb8;
	[tilespmem:$0x10100] =	vst v63  }
0x55: {  	_ = 	snop  }
0x56: {  	[hbm4b:s6+s2] =	stream.indirect_vreg.scatter [tilespmem:s15], [sflag:$0x1], $0x80, v4, vm0, $0xb8;
	[tilespmem:$0x10100] =	vst v63  }
0x57: {  	_ = 	snop  }
0x58: {  	[hbm4b:s3+s2] =	stream.indirect_vreg.scatter [tilespmem:s16], [sflag:$0x1], $0x80, v3, vm0, $0xb8;
	[tilespmem:$0x10100] =	vst v63  }
0x59: {  	_ = 	snop  }
0x5a: {  	[hbm4b:s4+s2] =	stream.indirect_vreg.scatter [tilespmem:s17], [sflag:$0x1], $0x80, v3, vm0, $0xb8;
	[tilespmem:$0x10100] =	vst v63  }
0x5b: {  	_ = 	snop  }
0x5c: {  	[hbm4b:s5+s2] =	stream.indirect_vreg.scatter [tilespmem:s9], [sflag:$0x1], $0x80, v3, vm0, $0xb8;
	[tilespmem:$0x10100] =	vst v63  }
0x5d: {  	_ = 	snop  }
0x5e: {  	[hbm4b:s6+s2] =	stream.indirect_vreg.scatter [tilespmem:s19], [sflag:$0x1], $0x80, v3, vm0, $0xb8;
	[tilespmem:$0x10100] =	vst v63  }
0x5f: {  	v3 =	vld [tilespmem:$0x30];
	_ =	sdelay $0x4  }
0x60: {  	v59 =	vshll.u32 v3, $0x3  }
0x61: {  	v3 =	vand.u32 $0x7, v3;
	v4 =	vand.u32 $0xFFFFFFC0, v59  }
0x62: {  	v3 =	vor.u32 v3, v4  }
0x63: {  	v4 =	vperm.xlane v3, v0;
	_ =	sdelay $0x1  }
0x64: {  	v4 =	vadd.s32 v1, v4;
	_ =	sdelay $0x3  }
0x65: {  	s0 =	simm.s32 $0xC100  }
0x66: {  	[hbm4b:s3+s2] =	stream.indirect_vreg.scatter [tilespmem:s0], [sflag:$0x1], $0x80, v4, vm0, $0xb8;
	[tilespmem:$0x10100] =	vst v63  }
0x67: {  	v3 =	vperm.xlane v3, v2;
	s0 =	simm.s32 $0xC900  }
0x68: {  	[hbm4b:s4+s2] =	stream.indirect_vreg.scatter [tilespmem:s0], [sflag:$0x1], $0x80, v4, vm0, $0xb8;
	[tilespmem:$0x10100] =	vst v63  }
0x69: {  	v3 =	vadd.s32 v1, v3;
	s0 =	simm.s32 $0xD100  }
0x6a: {  	[hbm4b:s5+s2] =	stream.indirect_vreg.scatter [tilespmem:s0], [sflag:$0x1], $0x80, v4, vm0, $0xb8;
	[tilespmem:$0x10100] =	vst v63  }
0x6b: {  	s0 =	simm.s32 $0xD900  }
0x6c: {  	[hbm4b:s6+s2] =	stream.indirect_vreg.scatter [tilespmem:s0], [sflag:$0x1], $0x80, v4, vm0, $0xb8;
	[tilespmem:$0x10100] =	vst v63  }
0x6d: {  	s0 =	simm.s32 $0xE100  }
0x6e: {  	[hbm4b:s3+s2] =	stream.indirect_vreg.scatter [tilespmem:s0], [sflag:$0x1], $0x80, v3, vm0, $0xb8;
	[tilespmem:$0x10100] =	vst v63  }
0x6f: {  	s0 =	simm.s32 $0xE900  }
0x70: {  	[hbm4b:s4+s2] =	stream.indirect_vreg.scatter [tilespmem:s0], [sflag:$0x1], $0x80, v3, vm0, $0xb8;
	[tilespmem:$0x10100] =	vst v63  }
0x71: {  	s0 =	simm.s32 $0xF100  }
0x72: {  	[hbm4b:s5+s2] =	stream.indirect_vreg.scatter [tilespmem:s0], [sflag:$0x1], $0x80, v3, vm0, $0xb8;
	[tilespmem:$0x10100] =	vst v63  }
0x73: {  	s0 =	simm.s32 $0xF900  }
0x74: {  	[hbm4b:s6+s2] =	stream.indirect_vreg.scatter [tilespmem:s0], [sflag:$0x1], $0x80, v3, vm0, $0xb8;
	[tilespmem:$0x10100] =	vst v63  }
0x75: {  	v3 =	vld [tilespmem:$0x80];
	_ =	sdelay $0x4  }
0x76: {  	v60 =	vshll.u32 v3, $0x3  }
0x77: {  	v3 =	vand.u32 $0x7, v3;
	v4 =	vand.u32 $0xFFFFFFC0, v60  }
0x78: {  	v3 =	vor.u32 v3, v4  }
0x79: {  	v4 =	vperm.xlane v3, v0;
	_ =	sdelay $0x1  }
0x7a: {  	v4 =	vadd.s32 v1, v4;
	_ =	sdelay $0x4  }
0x7b: {  	[hbm4b:s3+s2] =	stream.indirect_vreg.scatter [tilespmem:s18], [sflag:$0x2], $0x80, v4, vm0, $0xb8;
	[tilespmem:$0x10100] =	vst v63  }
0x7c: {  	v3 =	vperm.xlane v3, v2  }
0x7d: {  	[hbm4b:s4+s2] =	stream.indirect_vreg.scatter [tilespmem:s20], [sflag:$0x2], $0x80, v4, vm0, $0xb8;
	[tilespmem:$0x10100] =	vst v63  }
0x7e: {  	v3 =	vadd.s32 v1, v3  }
0x7f: {  	[hbm4b:s5+s2] =	stream.indirect_vreg.scatter [tilespmem:s21], [sflag:$0x2], $0x80, v4, vm0, $0xb8;
	[tilespmem:$0x10100] =	vst v63  }
0x80: {  	_ = 	snop  }
0x81: {  	[hbm4b:s6+s2] =	stream.indirect_vreg.scatter [tilespmem:s22], [sflag:$0x2], $0x80, v4, vm0, $0xb8;
	[tilespmem:$0x10100] =	vst v63  }
0x82: {  	_ = 	snop  }
0x83: {  	[hbm4b:s3+s2] =	stream.indirect_vreg.scatter [tilespmem:s23], [sflag:$0x2], $0x80, v3, vm0, $0xb8;
	[tilespmem:$0x10100] =	vst v63  }
0x84: {  	_ = 	snop  }
0x85: {  	[hbm4b:s4+s2] =	stream.indirect_vreg.scatter [tilespmem:s24], [sflag:$0x2], $0x80, v3, vm0, $0xb8;
	[tilespmem:$0x10100] =	vst v63  }
0x86: {  	_ = 	snop  }
0x87: {  	[hbm4b:s5+s2] =	stream.indirect_vreg.scatter [tilespmem:s25], [sflag:$0x2], $0x80, v3, vm0, $0xb8;
	[tilespmem:$0x10100] =	vst v63  }
0x88: {  	_ = 	snop  }
0x89: {  	[hbm4b:s6+s2] =	stream.indirect_vreg.scatter [tilespmem:s26], [sflag:$0x2], $0x80, v3, vm0, $0xb8;
	[tilespmem:$0x10100] =	vst v63  }
0x8a: {  	v3 =	vld [tilespmem:$0x90];
	_ =	sdelay $0x4  }
0x8b: {  	v61 =	vshll.u32 v3, $0x3  }
0x8c: {  	v3 =	vand.u32 $0x7, v3;
	v4 =	vand.u32 $0xFFFFFFC0, v61  }
0x8d: {  	v3 =	vor.u32 v3, v4  }
0x8e: {  	v4 =	vperm.xlane v3, v0;
	_ =	sdelay $0x1  }
0x8f: {  	v4 =	vadd.s32 v1, v4;
	_ =	sdelay $0x4  }
0x90: {  	[hbm4b:s3+s2] =	stream.indirect_vreg.scatter [tilespmem:s28], [sflag:$0x2], $0x80, v4, vm0, $0xb8;
	[tilespmem:$0x10100] =	vst v63  }
0x91: {  	v3 =	vperm.xlane v3, v2  }
0x92: {  	[hbm4b:s4+s2] =	stream.indirect_vreg.scatter [tilespmem:s29], [sflag:$0x2], $0x80, v4, vm0, $0xb8;
	[tilespmem:$0x10100] =	vst v63  }
0x93: {  	v3 =	vadd.s32 v1, v3  }
0x94: {  	[hbm4b:s5+s2] =	stream.indirect_vreg.scatter [tilespmem:s30], [sflag:$0x2], $0x80, v4, vm0, $0xb8;
	[tilespmem:$0x10100] =	vst v63  }
0x95: {  	_ = 	snop  }
0x96: {  	[hbm4b:s6+s2] =	stream.indirect_vreg.scatter [tilespmem:s31], [sflag:$0x2], $0x80, v4, vm0, $0xb8;
	[tilespmem:$0x10100] =	vst v63  }
0x97: {  	_ = 	snop  }
0x98: {  	[hbm4b:s3+s2] =	stream.indirect_vreg.scatter [tilespmem:s1], [sflag:$0x2], $0x80, v3, vm0, $0xb8;
	[tilespmem:$0x10100] =	vst v63  }
0x99: {  	s20 =	simm.s32 $0x6900  }
0x9a: {  	[hbm4b:s4+s2] =	stream.indirect_vreg.scatter [tilespmem:s20], [sflag:$0x2], $0x80, v3, vm0, $0xb8;
	[tilespmem:$0x10100] =	vst v63  }
0x9b: {  	_ = 	snop  }
0x9c: {  	[hbm4b:s5+s2] =	stream.indirect_vreg.scatter [tilespmem:s10], [sflag:$0x2], $0x80, v3, vm0, $0xb8;
	[tilespmem:$0x10100] =	vst v63  }
0x9d: {  	_ = 	snop  }
0x9e: {  	[hbm4b:s6+s2] =	stream.indirect_vreg.scatter [tilespmem:s11], [sflag:$0x2], $0x80, v3, vm0, $0xb8;
	[tilespmem:$0x10100] =	vst v63  }
0x9f: {  	v3 =	vld [tilespmem:$0xA0];
	_ =	sdelay $0x4  }
0xa0: {  	v62 =	vshll.u32 v3, $0x3  }
0xa1: {  	v3 =	vand.u32 $0x7, v3;
	v4 =	vand.u32 $0xFFFFFFC0, v62  }
0xa2: {  	v3 =	vor.u32 v3, v4  }
0xa3: {  	v4 =	vperm.xlane v3, v0;
	_ =	sdelay $0x1  }
0xa4: {  	v4 =	vadd.s32 v1, v4;
	_ =	sdelay $0x4  }
0xa5: {  	[hbm4b:s3+s2] =	stream.indirect_vreg.scatter [tilespmem:s12], [sflag:$0x2], $0x80, v4, vm0, $0xb8;
	[tilespmem:$0x10100] =	vst v63  }
0xa6: {  	v3 =	vperm.xlane v3, v2  }
0xa7: {  	[hbm4b:s4+s2] =	stream.indirect_vreg.scatter [tilespmem:s13], [sflag:$0x2], $0x80, v4, vm0, $0xb8;
	[tilespmem:$0x10100] =	vst v63  }
0xa8: {  	v3 =	vadd.s32 v1, v3  }
0xa9: {  	[hbm4b:s5+s2] =	stream.indirect_vreg.scatter [tilespmem:s14], [sflag:$0x2], $0x80, v4, vm0, $0xb8;
	[tilespmem:$0x10100] =	vst v63  }
0xaa: {  	_ = 	snop  }
0xab: {  	[hbm4b:s6+s2] =	stream.indirect_vreg.scatter [tilespmem:s15], [sflag:$0x2], $0x80, v4, vm0, $0xb8;
	[tilespmem:$0x10100] =	vst v63  }
0xac: {  	_ = 	snop  }
0xad: {  	[hbm4b:s3+s2] =	stream.indirect_vreg.scatter [tilespmem:s16], [sflag:$0x2], $0x80, v3, vm0, $0xb8;
	[tilespmem:$0x10100] =	vst v63  }
0xae: {  	_ = 	snop  }
0xaf: {  	[hbm4b:s4+s2] =	stream.indirect_vreg.scatter [tilespmem:s17], [sflag:$0x2], $0x80, v3, vm0, $0xb8;
	[tilespmem:$0x10100] =	vst v63  }
0xb0: {  	_ = 	snop  }
0xb1: {  	[hbm4b:s5+s2] =	stream.indirect_vreg.scatter [tilespmem:s9], [sflag:$0x2], $0x80, v3, vm0, $0xb8;
	[tilespmem:$0x10100] =	vst v63  }
0xb2: {  	_ = 	snop  }
0xb3: {  	[hbm4b:s6+s2] =	stream.indirect_vreg.scatter [tilespmem:s19], [sflag:$0x2], $0x80, v3, vm0, $0xb8;
	[tilespmem:$0x10100] =	vst v63  }
0xb4: {  	v3 =	vld [tilespmem:$0xB0];
	_ =	sdelay $0x4  }
0xb5: {  	v63 =	vshll.u32 v3, $0x3  }
0xb6: {  	v3 =	vand.u32 $0x7, v3;
	v4 =	vand.u32 $0xFFFFFFC0, v63  }
0xb7: {  	v3 =	vor.u32 v3, v4  }
0xb8: {  	v4 =	vperm.xlane v3, v0;
	_ =	sdelay $0x1  }
0xb9: {  	v4 =	vadd.s32 v1, v4;
	_ =	sdelay $0x3  }
0xba: {  	s21 =	simm.s32 $0xC100  }
0xbb: {  	[hbm4b:s3+s2] =	stream.indirect_vreg.scatter [tilespmem:s21], [sflag:$0x2], $0x80, v4, vm0, $0xb8;
	[tilespmem:$0x10100] =	vst v63  }
0xbc: {  	s20 =	simm.s32 $0xC900;
	v3 =	vperm.xlane v3, v2  }
0xbd: {  	[hbm4b:s4+s2] =	stream.indirect_vreg.scatter [tilespmem:s20], [sflag:$0x2], $0x80, v4, vm0, $0xb8;
	[tilespmem:$0x10100] =	vst v63  }
0xbe: {  	v3 =	vadd.s32 v1, v3;
	s21 =	simm.s32 $0xD100  }
0xbf: {  	[hbm4b:s5+s2] =	stream.indirect_vreg.scatter [tilespmem:s21], [sflag:$0x2], $0x80, v4, vm0, $0xb8;
	[tilespmem:$0x10100] =	vst v63  }
0xc0: {  	s20 =	simm.s32 $0xD900  }
0xc1: {  	[hbm4b:s6+s2] =	stream.indirect_vreg.scatter [tilespmem:s20], [sflag:$0x2], $0x80, v4, vm0, $0xb8;
	[tilespmem:$0x10100] =	vst v63  }
0xc2: {  	s21 =	simm.s32 $0xE100  }
0xc3: {  	[hbm4b:s3+s2] =	stream.indirect_vreg.scatter [tilespmem:s21], [sflag:$0x2], $0x80, v3, vm0, $0xb8;
	[tilespmem:$0x10100] =	vst v63  }
0xc4: {  	s20 =	simm.s32 $0xE900  }
0xc5: {  	[hbm4b:s4+s2] =	stream.indirect_vreg.scatter [tilespmem:s20], [sflag:$0x2], $0x80, v3, vm0, $0xb8;
	[tilespmem:$0x10100] =	vst v63  }
0xc6: {  	s21 =	simm.s32 $0xF100  }
0xc7: {  	[hbm4b:s5+s2] =	stream.indirect_vreg.scatter [tilespmem:s21], [sflag:$0x2], $0x80, v3, vm0, $0xb8;
	[tilespmem:$0x10100] =	vst v63  }
0xc8: {  	s20 =	simm.s32 $0x1  }
0xc9: {  	[hbm4b:s6+s2] =	stream.indirect_vreg.scatter [tilespmem:s0], [sflag:$0x2], $0x80, v3, vm0, $0xb8;
	[tilespmem:$0x10100] =	vst v63  }
0xca: {  	p0 =	sne.s32 s7, $0x1;
	_ =	swait.ge [sflag:s20], $0x10000  }
.Ltmp0:
0xcb: {  	[sflag:s20] =	ssyncset.done $0x0;
	(pc) =	sbr.rel @p0 .LBB2_1-.Ltmp0, $4  }
0xcc: {  	s21 =	simm.s32 $0x2;
	[sflag:s20] =	ssyncadd.s32 $0xFFFF0000  }
0xcd: {  	_ =	swait.ge [sflag:s21], $0x10000  }
0xce: {  	[sflag:s21] =	ssyncset.done $0x0  }
0xcf: {  	s7 =	sadd.s32 $0xFFFFFFFF, s7;
	[sflag:s21] =	ssyncadd.s32 $0xFFFF0000  }
0xd0: {  	_ =	sfence.sel $0x180000  }
0xd1: {  	[bflag:$0x0] =	sbarrier.arrive $0xFFFF  }
0xd2: {  	_ =	strace $0x90000047  }
0xd3: {  	s0 =	stileid.u32;
	[bflag:$0x2] =	sbarrier.arrive $0xFFFF  }
0xd4: {  	p0 =	sne.s32 s0, $0x0;
	s0 =	rddreg [dreg:$0x2]  }
0xd5: {  	s0 =	sadd.s32 @!p0 $0x100000, s0  }
0xd6: {  	[sflag:s0] =	ssyncadd.tile.s32 @!p0 $0x1;
	_ =	shalt  }
.Lfunc_end2:
_tile_overlayer_lowered:
.L_overlay_start_2:
0xd7: {  	(tag) =	ssettag $0x2  }
0xd8: {  	s0 =	rddreg [dreg:$0x0];
	s2 =	stileid.u32  }
0xd9: {  	s1 =	rddreg [dreg:$0x1];
	p0 =	sne.s32 s2, $0x0  }
0xda: {  	s3 =	rddreg [dreg:$0x2];
	[bflag:$0x3] =	sbarrier.arrive $0xFFFF;
	s2 =	simm.s32 @!p0 $0x1C03  }
0xdb: {  	[timem:s3], [sflag:s2] =	dma.local @!p0 [hbm:s0], s1  }
0xdc: {  	s0 =	simm.s32 @!p0 $0x3  }
0xdd: {  	_ =	swait.ge @!p0 [sflag:s0], s1  }
0xde: {  	s1 =	ssub.s32 @!p0 $0x0, s1;
	[sflag:s0] =	ssyncset.done @!p0 $0x0  }
0xdf: {  	[sflag:s0] =	ssyncadd.s32 @!p0 s1  }
0xe0: {  	[bflag:$0x3] =	sbarrier.arrive $0xFFFF  }
0xe1: {  	_ =	shalt  }

// kernel: kernel.9.cloned.1.call-start
scs
__scs_entry_jumppad:
0x0: {  	(pc) =	sbr.rel $0x88, $3  }
0x1: {  	(tag) =	ssettag $0x0;
	lr =	simm.s32 $0x1  }
0x2: {  	[smem:$0x3F9B] =	sst lr;
	_ =	strace $0xD0000000  }
0x3: {  	_ = 	snop  }
0x4: {  	_ = 	snop  }
0x5: {  	_ = 	snop  }
0x6: {  	_ = 	snop  }
0x7: {  	_ = 	snop  }
__scs_overlays_trampoline_lowered:
0x8: {  	[smem:$0x3FAA] =	sst s0  }
0x9: {  	[smem:$0x3FAB] =	sst s1  }
0xa: {  	[smem:$0x3FAC] =	sst s2  }
0xb: {  	[smem:$0x3FAD] =	sst s3  }
0xc: {  	[smem:$0x3FAE] =	sst s4  }
0xd: {  	[smem:$0x3FAF] =	sst s5  }
0xe: {  	[smem:$0x3FB0] =	sst s6  }
0xf: {  	[smem:$0x3FB1] =	sst s7  }
0x10: {  	[smem:$0x3FB2] =	sst s8  }
0x11: {  	[smem:$0x3FB3] =	sst s9;
	s0 =	simm.s32 @!p0 $0x0  }
0x12: {  	s1 =	sld [smem:$0x3F99];
	s0 =	simm.s32 @p0 $0x1  }
0x13: {  	[smem:$0x3FB4] =	sst s0;
	s0 =	simm.s32 @!p1 $0x0  }
0x14: {  	s2 =	sld [smem:$0x3F98];
	s0 =	simm.s32 @p1 $0x1  }
0x15: {  	[smem:$0x3FB5] =	sst s0;
	s0 =	simm.s32 @!p2 $0x0  }
0x16: {  	s3 =	sld [smem:$0x3FDB];
	s0 =	simm.s32 @p2 $0x1  }
0x17: {  	s4 =	simm.s32 $0x1BF5;
	[smem:$0x3FB7] =	sst s0  }
0x18: {  	s0 =	sld [smem:$0x3F9A];
	_ =	swait.ge [sflag:s4], $0x0  }
0x19: {  	s7 =	sld [smem:$0x3F9B]  }
0x1a: {  	s8 =	sadd.s32 $0xFFFFE003, lr  }
0x1b: {  	s9 =	sadd.s32 $0xFFFFFEF7, lr;
	s5 =	simm.s32 $0xFFFFFFFF;
	p2 =	slt.u32 s8, $0xFFFFF086  }
0x1c: {  	p1 =	slt.u32 s9, $0xF7A;
	s5 =	simm.s32 @!p2 $0x0  }
0x1d: {  	s5 =	simm.s32 @p1 $0x1;
	p0 =	seq.s32 s7, s2  }
0x1e: {  	s7 =	smul.u32 @!p0 $0xF7A, s2;
	p2 =	seq.s32 @!p0 s5, $0x0  }
0x1f: {  	s9 =	smul.u32 $0xF7A, s1;
	s8 =	simm.s32 @!p0 $0x1BF5;
	p2 =	por !p2, p0  }
0x20: {  	[sflag:s8] =	ssyncset.s32 @!p0 $0xFFFFF086;
	s6 =	sadd.s32 @!p0 s3, s7;
	s7 =	simm.s32 @!p0 $0x108  }
0x21: {  	s3 =	sadd.s32 s3, s9;
	s6 =	sadd.s32 @!p0 $0x88, s6;
	s7 =	simm.s32 @p2 $0x1082  }
0x22: {  	[simem:s7], [sflag:s8] =	dma.local @!p0 [hbm:s6], $0xF7A  }
0x23: {  	s9 =	sor.u32 $0xD0000000, s2;
	s6 =	simm.s32 $0x108;
	_ =	swait.ge @!p0 [sflag:s8], $0x0  }
0x24: {  	s3 =	sadd.s32 $0x88, s3;
	s6 =	simm.s32 @!p1 $0x1082;
	[sflag:s4] =	ssyncset.s32 $0xFFFFF086  }
0x25: {  	[simem:s6], [sflag:s4] =	dma.local [hbm:s3], $0xF7A  }
0x26: {  	[smem:$0x3F9B] =	sst s1;
	(tag) =	ssettag s2;
	_ =	strace s9  }
0x27: {  	s1 =	sld [smem:$0x3FAB]  }
0x28: {  	s2 =	sld [smem:$0x3FAC]  }
0x29: {  	s4 =	sld [smem:$0x3FAE]  }
0x2a: {  	p0 =	seq.s32 s5, $0x0;
	s5 =	sld [smem:$0x3FAF]  }
0x2b: {  	s6 =	sld [smem:$0x3FB0]  }
0x2c: {  	s7 =	sld [smem:$0x3FB1]  }
0x2d: {  	s3 =	simm.s32 $0x108;
	s8 =	sld [smem:$0x3FB2]  }
0x2e: {  	s3 =	simm.s32 @!p0 $0x1082;
	s9 =	sld [smem:$0x3FB3]  }
0x2f: {  	lr =	sadd.s32 s0, s3;
	s0 =	sld [smem:$0x3FAA]  }
0x30: {  	s3 =	sld [smem:$0x3FAD]  }
0x31: {  	[smem:$0x3FB6] =	sst s10  }
0x32: {  	s10 =	sld [smem:$0x3FB4];
	_ =	sdelay $0x3  }
0x33: {  	p0 =	seq.s32 s10, $0x1;
	s10 =	sld [smem:$0x3FB6];
	_ =	sdelay $0x3  }
0x34: {  	[smem:$0x3FB6] =	sst s10  }
0x35: {  	s10 =	sld [smem:$0x3FB5];
	_ =	sdelay $0x3  }
0x36: {  	p1 =	seq.s32 s10, $0x1;
	s10 =	sld [smem:$0x3FB6];
	_ =	sdelay $0x3  }
0x37: {  	[smem:$0x3FB6] =	sst s10  }
0x38: {  	s10 =	sld [smem:$0x3FB7]  }
0x39: {  	_ = 	snop;
	(pc) =	sbr.ind lr, $3  }
0x3a: {  	_ = 	snop  }
0x3b: {  	_ = 	snop  }
0x3c: {  	p2 =	seq.s32 s10, $0x1;
	s10 =	sld [smem:$0x3FB6]  }
0x3d: {  	_ =	shalt  }
0x3e: {  	_ =	shalt  }
0x3f: {  	_ =	shalt  }
0x40: {  	_ =	shalt  }
0x41: {  	_ =	shalt  }
0x42: {  	_ =	shalt  }
0x43: {  	_ =	shalt  }
0x44: {  	_ =	shalt  }
0x45: {  	_ =	shalt  }
0x46: {  	_ =	shalt  }
0x47: {  	_ =	shalt  }
0x48: {  	_ =	shalt  }
0x49: {  	_ =	shalt  }
0x4a: {  	_ =	shalt  }
0x4b: {  	_ =	shalt  }
0x4c: {  	_ =	shalt  }
0x4d: {  	_ =	shalt  }
0x4e: {  	_ =	shalt  }
0x4f: {  	_ =	shalt  }
0x50: {  	_ =	shalt  }
0x51: {  	_ =	shalt  }
0x52: {  	_ =	shalt  }
0x53: {  	_ =	shalt  }
0x54: {  	_ =	shalt  }
0x55: {  	_ =	shalt  }
0x56: {  	_ =	shalt  }
0x57: {  	_ =	shalt  }
0x58: {  	_ =	shalt  }
0x59: {  	_ =	shalt  }
0x5a: {  	_ =	shalt  }
0x5b: {  	_ =	shalt  }
0x5c: {  	_ =	shalt  }
0x5d: {  	_ =	shalt  }
0x5e: {  	_ =	shalt  }
0x5f: {  	_ =	shalt  }
0x60: {  	_ =	shalt  }
0x61: {  	_ =	shalt  }
0x62: {  	_ =	shalt  }
0x63: {  	_ =	shalt  }
0x64: {  	_ =	shalt  }
0x65: {  	_ =	shalt  }
0x66: {  	_ =	shalt  }
0x67: {  	_ =	shalt  }
0x68: {  	_ =	shalt  }
0x69: {  	_ =	shalt  }
0x6a: {  	_ =	shalt  }
0x6b: {  	_ =	shalt  }
0x6c: {  	_ =	shalt  }
0x6d: {  	_ =	shalt  }
0x6e: {  	_ =	shalt  }
0x6f: {  	_ =	shalt  }
0x70: {  	_ =	shalt  }
0x71: {  	_ =	shalt  }
0x72: {  	_ =	shalt  }
0x73: {  	_ =	shalt  }
0x74: {  	_ =	shalt  }
0x75: {  	_ =	shalt  }
0x76: {  	_ =	shalt  }
0x77: {  	_ =	shalt  }
0x78: {  	_ =	shalt  }
0x79: {  	_ =	shalt  }
0x7a: {  	_ =	shalt  }
0x7b: {  	_ =	shalt  }
0x7c: {  	_ =	shalt  }
0x7d: {  	_ =	shalt  }
0x7e: {  	_ =	shalt  }
0x7f: {  	_ =	shalt  }
0x80: {  	_ =	shalt  }
0x81: {  	_ =	shalt  }
0x82: {  	_ =	shalt  }
0x83: {  	_ =	shalt  }
0x84: {  	_ =	shalt  }
0x85: {  	_ =	shalt  }
0x86: {  	_ =	shalt  }
0x87: {  	_ =	shalt  }
.Lfunc_end0:
.L_simem_size_0:
called_computation.1_lowered:
.L_overlay_start_0:
0x88: {  	s2 =	sld [smem:$0x3FD9]  }
0x89: {  	s3 =	sld [smem:$0x3FFE];
	_ =	sdelay $0x1  }
0x8a: {  	s1 =	srdreg.scid  }
0x8b: {  	s0 =	sand.u32 $0x1, s1  }
0x8c: {  	s17 =	sshll.u32 s0, $0xA;
	s2 =	sadd.s32 s3, s2  }
0x8d: {  	s2 =	sadd.s32 s2, s17  }
0x8e: {  	[smem:$0x3FC2] =	sst s2  }
0x8f: {  	_ = 	snop  }
0x90: {  	s2 =	sld [smem:$0x3FD0];
	(tm) =	ssettm $0x1  }
0x91: {  	s18 =	sld [smem:$0x3FFB];
	_ =	sdelay $0x3  }
0x92: {  	_ =	strace s18  }
0x93: {  	s3 =	sld [smem:$0x3FFC];
	_ =	sdelay $0x3  }
0x94: {  	_ =	strace s3  }
0x95: {  	s3 =	sld [smem:$0x3FFD];
	_ =	sdelay $0x3  }
0x96: {  	_ =	strace s3  }
0x97: {  	_ =	strace $0x8FFFFFFF  }
0x98: {  	s19 =	sld [smem:$0x3FDB];
	_ =	sdelay $0x1  }
0x99: {  	s4 =	simm.s32 $_scs_section_size  }
0x9a: {  	s5 =	simm.s32 $_size__tile_overlayer_lowered;
	s6 =	simm.s32 $_tile_overlayer_lowered  }
0x9b: {  	s22 =	simm.s32 $0x1BFF;
	s21 =	sshll.u32 s6, $0x1;
	s3 =	sadd.s32 s4, s19  }
0x9c: {  	s7 =	simm.s32 $0x0;
	s20 =	sshll.u32 s5, $0x1;
	s5 =	sadd.s32 s21, s3  }
0x9d: {  	[timem:s7], [sflag:s22] =	dma.local [hbm:s5], s20  }
0x9e: {  	_ =	swait.ge [sflag:s22], s20  }
0x9f: {  	s4 =	ssub.s32 $0x0, s20;
	[sflag:s22] =	ssyncset.done $0x0  }
0xa0: {  	[sflag:s22] =	ssyncadd.s32 s4;
	_ =	sdelay $0x1  }
0xa1: {  	s23 =	simm.s32 $0x1B8B  }
0xa2: {  	_ =	swait.ge [sflag:s23], $0x1  }
0xa3: {  	[sflag:s23] =	ssyncset.done $0x0  }
0xa4: {  	s25 =	simm.s32 $0x1B8E;
	s24 =	sld [smem:$0x3FFE];
	[sflag:s23] =	ssyncadd.s32 $0xFFFFFFFF  }
0xa5: {  	s26 =	simm.s32 $execute0_lowered;
	[smem:$0x3FD2] =	sst s25  }
0xa6: {  	s5 =	sshll.u32 s26, $0x1;
	_ =	strace $0x80000049;
	[dreg:$0x1] =	wrdreg $0xFFFFFFFF  }
0xa7: {  	s28 =	simm.s32 $_size_execute0_lowered;
	s3 =	sadd.s32 s3, s5;
	[dreg:$0x0] =	wrdreg $0x0  }
0xa8: {  	s5 =	sshll.u32 s28, $0x1;
	[dreg:$0x2] =	wrdreg s3  }
0xa9: {  	[dreg:$0x3] =	wrdreg s5  }
0xaa: {  	[dreg:$0x4] =	wrdreg $0xC0  }
0xab: {  	_ =	task [dreg:s7], $0x5FFFF  }
0xac: {  	[dreg:$0x1] =	wrdreg $0xFFFFFFFF  }
0xad: {  	[dreg:$0x0] =	wrdreg $0x60  }
0xae: {  	[dreg:$0x2] =	wrdreg s24  }
0xaf: {  	[dreg:$0x3] =	wrdreg s2  }
0xb0: {  	[dreg:$0x4] =	wrdreg $0x9  }
0xb1: {  	_ =	task.clear_ibuf [dreg:s7], $0x5FFFF;
	_ =	strace $0x90000049  }
0xb2: {  	s29 =	simm.s32 $0x9;
	_ =	strace $0x8000004B  }
0xb3: {  	_ =	swait.ge [sflag:s29], $0x1  }
0xb4: {  	[sflag:s29] =	ssyncadd.s32 $0xFFFFFFFF  }
0xb5: {  	_ =	strace $0x9000004B  }
0xb6: {  	_ =	sfence  }
0xb7: {  	s30 =	sld [smem:$0x0];
	_ =	sdelay $0x2  }
0xb8: {  	s31 =	sshll.u32 s1, $0xD;
	s1 =	sshrl.u32 s1, $0x2  }
0xb9: {  	s3 =	sand.u32 $0x4000, s31;
	s1 =	sadd.s32 s1, s30  }
0xba: {  	s0 =	sor.u32 s3, s0;
	s1 =	sshll.u32 s1, $0x11  }
0xbb: {  	s0 =	sor.u32 s1, s0  }
0xbc: {  	s0 =	sadd.s32 $0x8F2B, s0  }
0xbd: {  	[sflag:s0] =	ssyncadd.remote.s32 $0x1  }
0xbe: {  	_ =	sfence.sel $0xFFFF  }
0xbf: {  	[dreg:$0x0] =	wrdreg $0xFFFFFFFF;
	(pc) =	sbr.abs _section_cstart, $3  }
0xc0: {  	[dreg:$0x1] =	wrdreg $0xFFFFFFFF  }
0xc1: {  	_ =	task.clear_ibuf [dreg:s7], $0x2FFFF;
	_ =	strace $0x9FFFFFFF  }
0xc2: {  	(tm) =	ssettm $0x7FFFFFFF  }
0xc3: {  	_ =	shalt  }
tec
execute0_lowered:
.L_overlay_start_1:
0x0: {  	(tag) =	ssettag $0x1  }
0x1: {  	s0 =	rddreg [dreg:$0x0]  }
0x2: {  	s1 =	rddreg [dreg:$0x1]  }
0x3: {  	s2 =	simm.s32 $0x0;
	s3 =	srdreg.scid;
	s6 =	stileid.u32  }
0x4: {  	s16 =	simm.s32 $0x4;
	s20 =	simm.s32 $0x200;
	s17 =	simm.s32 $0x6A00  }
0x5: {  	s18 =	simm.s32 $0x7200;
	s19 =	simm.s32 $0x7A00;
	s21 =	simm.s32 $0x8200  }
0x6: {  	s22 =	simm.s32 $0x10200;
	s23 =	simm.s32 $0x1;
	s24 =	simm.s32 $0x2  }
0x7: {  	s25 =	simm.s32 $0x3;
	s26 =	simm.s32 $0x0;
	[smem:$0x7FF] =	sst s2  }
0x8: {  	s4 =	sand.u32 $0x1, s3;
	s6 =	sshll.u32 s6, $0x6;
	s3 =	sadd.s32 $0xD4800, s0  }
0x9: {  	s30 =	sadd.s32 $0x600, s0;
	s5 =	sshll.u32 s4, $0xA;
	s4 =	ssub.s32 $0x2, s4  }
0xa: {  	s8 =	sadd.s32 $0x2000, s0;
	s9 =	sor.u32 s6, s5;
	s31 =	sshrl.u32 s4, $0x1  }
0xb: {  	_ =	strace $0x8000004A;
	s7 =	sshrl.u32 s9, $0x3;
	s15 =	ssub.s32 s4, s31  }
0xc: {  	s11 =	sshll.u32 s9, $0x7;
	s9 =	sadd.s32 $0xD4A00, s0;
	s10 =	sor.u32 $0x100, s7  }
0xd: {  	s4 =	sadd.s32 s30, s7;
	s6 =	sadd.s32 s8, s7;
	s11 =	sadd.s32 s1, s11  }
0xe: {  	v2 =	vlaneseq.u32;
	s15 =	smax.u32 s15, $0x1;
	s1 =	simm.s32 $0x6200;
	s5 =	sadd.s32 s30, s10  }
0xf: {  	vm0 =	vmmov $0xffff;
	v1 =	vshrl.u32 v2, $0x3;
	s7 =	sadd.s32 s8, s10;
	s8 =	sadd.s32 $0xD4900, s0;
	s10 =	sadd.s32 $0xD4B00, s0  }
0x10: {  	v0 =	vand.u32 $0x7, v2;
	v2 =	vor.u32 $0x8, v2;
	v1 =	vmul.u32 $0x8, v1;
	s12 =	sadd.s32 $0x800, s11;
	s13 =	sadd.s32 $0x1000, s11;
	s14 =	sadd.s32 $0x1800, s11  }
.LBB2_1:
0x11: {  	[tilespmem:s2], [sflag:$0x4] =	stream.linear.gather [hbm4b:s4+s2], $0x40, $0x38;
	[tilespmem:$0x18200] =	vst v63  }
0x12: {  	_ =	swait.ge [sflag:s16], $0x40  }
0x13: {  	[sflag:s16] =	ssyncset.done $0x0  }
0x14: {  	s0 =	simm.s32 $0x80;
	[sflag:s16] =	ssyncadd.s32 $0xFFFFFFC0  }
0x15: {  	[tilespmem:s0], [sflag:$0x4] =	stream.linear.gather [hbm4b:s5+s2], $0x40, $0x38;
	[tilespmem:$0x18200] =	vst v63  }
0x16: {  	_ =	swait.ge [sflag:s16], $0x40  }
0x17: {  	[sflag:s16] =	ssyncset.done $0x0  }
0x18: {  	s0 =	simm.s32 $0x100;
	[sflag:s16] =	ssyncadd.s32 $0xFFFFFFC0  }
0x19: {  	[tilespmem:s0], [sflag:$0x4] =	stream.linear.gather [hbm4b:s6+s2], $0x40, $0x38;
	[tilespmem:$0x18200] =	vst v63  }
0x1a: {  	_ =	swait.ge [sflag:s16], $0x40  }
0x1b: {  	[sflag:s16] =	ssyncset.done $0x0  }
0x1c: {  	s0 =	simm.s32 $0x180;
	[sflag:s16] =	ssyncadd.s32 $0xFFFFFFC0  }
0x1d: {  	[tilespmem:s0], [sflag:$0x4] =	stream.linear.gather [hbm4b:s7+s2], $0x40, $0x38;
	[tilespmem:$0x18200] =	vst v63  }
0x1e: {  	_ =	swait.ge [sflag:s16], $0x40  }
0x1f: {  	[sflag:s16] =	ssyncset.done $0x0  }
0x20: {  	[sflag:s16] =	ssyncadd.s32 $0xFFFFFFC0  }
0x21: {  	v3 =	vld [tilespmem:$0x0];
	_ =	sdelay $0x4  }
0x22: {  	v4 =	vshll.u32 v3, $0x3  }
0x23: {  	v3 =	vand.u32 $0x7, v3;
	v4 =	vand.u32 $0xFFFFFFC0, v4  }
0x24: {  	v3 =	vor.u32 v3, v4  }
0x25: {  	v4 =	vperm.xlane v3, v0;
	_ =	sdelay $0x1  }
0x26: {  	v4 =	vadd.s32 v1, v4;
	_ =	sdelay $0x4  }
0x27: {  	[tilespmem:s20], [sflag:$0x1] =	stream.indirect_vreg.gather [hbm4b:s3+s2], $0x80, v4, vm0, $0xb8;
	[tilespmem:$0x18200] =	vst v63  }
0x28: {  	s0 =	simm.s32 $0xA00;
	v3 =	vperm.xlane v3, v2  }
0x29: {  	[tilespmem:s0], [sflag:$0x1] =	stream.indirect_vreg.gather [hbm4b:s8+s2], $0x80, v4, vm0, $0xb8;
	[tilespmem:$0x18200] =	vst v63  }
0x2a: {  	v3 =	vadd.s32 v1, v3;
	s0 =	simm.s32 $0x1200  }
0x2b: {  	[tilespmem:s0], [sflag:$0x1] =	stream.indirect_vreg.gather [hbm4b:s9+s2], $0x80, v4, vm0, $0xb8;
	[tilespmem:$0x18200] =	vst v63  }
0x2c: {  	s0 =	simm.s32 $0x1A00  }
0x2d: {  	[tilespmem:s0], [sflag:$0x1] =	stream.indirect_vreg.gather [hbm4b:s10+s2], $0x80, v4, vm0, $0xb8;
	[tilespmem:$0x18200] =	vst v63  }
0x2e: {  	s0 =	simm.s32 $0x2200  }
0x2f: {  	[tilespmem:s0], [sflag:$0x1] =	stream.indirect_vreg.gather [hbm4b:s3+s2], $0x80, v3, vm0, $0xb8;
	[tilespmem:$0x18200] =	vst v63  }
0x30: {  	s0 =	simm.s32 $0x2A00  }
0x31: {  	[tilespmem:s0], [sflag:$0x1] =	stream.indirect_vreg.gather [hbm4b:s8+s2], $0x80, v3, vm0, $0xb8;
	[tilespmem:$0x18200] =	vst v63  }
0x32: {  	s0 =	simm.s32 $0x3200  }
0x33: {  	[tilespmem:s0], [sflag:$0x1] =	stream.indirect_vreg.gather [hbm4b:s9+s2], $0x80, v3, vm0, $0xb8;
	[tilespmem:$0x18200] =	vst v63  }
0x34: {  	s0 =	simm.s32 $0x3A00  }
0x35: {  	[tilespmem:s0], [sflag:$0x1] =	stream.indirect_vreg.gather [hbm4b:s10+s2], $0x80, v3, vm0, $0xb8;
	[tilespmem:$0x18200] =	vst v63  }
0x36: {  	v3 =	vld [tilespmem:$0x80];
	_ =	sdelay $0x4  }
0x37: {  	v4 =	vshll.u32 v3, $0x3  }
0x38: {  	v3 =	vand.u32 $0x7, v3;
	v4 =	vand.u32 $0xFFFFFFC0, v4  }
0x39: {  	v3 =	vor.u32 v3, v4  }
0x3a: {  	v4 =	vperm.xlane v3, v0;
	_ =	sdelay $0x1  }
0x3b: {  	v4 =	vadd.s32 v1, v4;
	_ =	sdelay $0x3  }
0x3c: {  	s0 =	simm.s32 $0x4200  }
0x3d: {  	[tilespmem:s0], [sflag:$0x1] =	stream.indirect_vreg.gather [hbm4b:s3+s2], $0x80, v4, vm0, $0xb8;
	[tilespmem:$0x18200] =	vst v63  }
0x3e: {  	v3 =	vperm.xlane v3, v2;
	s0 =	simm.s32 $0x4A00  }
0x3f: {  	[tilespmem:s0], [sflag:$0x1] =	stream.indirect_vreg.gather [hbm4b:s8+s2], $0x80, v4, vm0, $0xb8;
	[tilespmem:$0x18200] =	vst v63  }
0x40: {  	v3 =	vadd.s32 v1, v3;
	s0 =	simm.s32 $0x5200  }
0x41: {  	[tilespmem:s0], [sflag:$0x1] =	stream.indirect_vreg.gather [hbm4b:s9+s2], $0x80, v4, vm0, $0xb8;
	[tilespmem:$0x18200] =	vst v63  }
0x42: {  	s0 =	simm.s32 $0x5A00  }
0x43: {  	[tilespmem:s0], [sflag:$0x1] =	stream.indirect_vreg.gather [hbm4b:s10+s2], $0x80, v4, vm0, $0xb8;
	[tilespmem:$0x18200] =	vst v63  }
0x44: {  	_ = 	snop  }
0x45: {  	[tilespmem:s1], [sflag:$0x1] =	stream.indirect_vreg.gather [hbm4b:s3+s2], $0x80, v3, vm0, $0xb8;
	[tilespmem:$0x18200] =	vst v63  }
0x46: {  	_ = 	snop  }
0x47: {  	[tilespmem:s17], [sflag:$0x1] =	stream.indirect_vreg.gather [hbm4b:s8+s2], $0x80, v3, vm0, $0xb8;
	[tilespmem:$0x18200] =	vst v63  }
0x48: {  	_ = 	snop  }
0x49: {  	[tilespmem:s18], [sflag:$0x1] =	stream.indirect_vreg.gather [hbm4b:s9+s2], $0x80, v3, vm0, $0xb8;
	[tilespmem:$0x18200] =	vst v63  }
0x4a: {  	_ = 	snop  }
0x4b: {  	[tilespmem:s19], [sflag:$0x1] =	stream.indirect_vreg.gather [hbm4b:s10+s2], $0x80, v3, vm0, $0xb8;
	[tilespmem:$0x18200] =	vst v63  }
0x4c: {  	v3 =	vld [tilespmem:$0x10];
	_ =	sdelay $0x4  }
0x4d: {  	v4 =	vshll.u32 v3, $0x3  }
0x4e: {  	v3 =	vand.u32 $0x7, v3;
	v4 =	vand.u32 $0xFFFFFFC0, v4  }
0x4f: {  	v3 =	vor.u32 v3, v4  }
0x50: {  	v4 =	vperm.xlane v3, v0;
	_ =	sdelay $0x1  }
0x51: {  	v4 =	vadd.s32 v1, v4;
	_ =	sdelay $0x4  }
0x52: {  	[tilespmem:s21], [sflag:$0x2] =	stream.indirect_vreg.gather [hbm4b:s3+s2], $0x80, v4, vm0, $0xb8;
	[tilespmem:$0x18200] =	vst v63  }
0x53: {  	s0 =	simm.s32 $0x8A00;
	v3 =	vperm.xlane v3, v2  }
0x54: {  	[tilespmem:s0], [sflag:$0x2] =	stream.indirect_vreg.gather [hbm4b:s8+s2], $0x80, v4, vm0, $0xb8;
	[tilespmem:$0x18200] =	vst v63  }
0x55: {  	v3 =	vadd.s32 v1, v3;
	s0 =	simm.s32 $0x9200  }
0x56: {  	[tilespmem:s0], [sflag:$0x2] =	stream.indirect_vreg.gather [hbm4b:s9+s2], $0x80, v4, vm0, $0xb8;
	[tilespmem:$0x18200] =	vst v63  }
0x57: {  	s0 =	simm.s32 $0x9A00  }
0x58: {  	[tilespmem:s0], [sflag:$0x2] =	stream.indirect_vreg.gather [hbm4b:s10+s2], $0x80, v4, vm0, $0xb8;
	[tilespmem:$0x18200] =	vst v63  }
0x59: {  	s0 =	simm.s32 $0xA200  }
0x5a: {  	[tilespmem:s0], [sflag:$0x2] =	stream.indirect_vreg.gather [hbm4b:s3+s2], $0x80, v3, vm0, $0xb8;
	[tilespmem:$0x18200] =	vst v63  }
0x5b: {  	s0 =	simm.s32 $0xAA00  }
0x5c: {  	[tilespmem:s0], [sflag:$0x2] =	stream.indirect_vreg.gather [hbm4b:s8+s2], $0x80, v3, vm0, $0xb8;
	[tilespmem:$0x18200] =	vst v63  }
0x5d: {  	s0 =	simm.s32 $0xB200  }
0x5e: {  	[tilespmem:s0], [sflag:$0x2] =	stream.indirect_vreg.gather [hbm4b:s9+s2], $0x80, v3, vm0, $0xb8;
	[tilespmem:$0x18200] =	vst v63  }
0x5f: {  	s0 =	simm.s32 $0xBA00  }
0x60: {  	[tilespmem:s0], [sflag:$0x2] =	stream.indirect_vreg.gather [hbm4b:s10+s2], $0x80, v3, vm0, $0xb8;
	[tilespmem:$0x18200] =	vst v63  }
0x61: {  	v3 =	vld [tilespmem:$0x90];
	_ =	sdelay $0x4  }
0x62: {  	v4 =	vshll.u32 v3, $0x3  }
0x63: {  	v3 =	vand.u32 $0x7, v3;
	v4 =	vand.u32 $0xFFFFFFC0, v4  }
0x64: {  	v3 =	vor.u32 v3, v4  }
0x65: {  	v4 =	vperm.xlane v3, v0;
	_ =	sdelay $0x1  }
0x66: {  	v4 =	vadd.s32 v1, v4;
	_ =	sdelay $0x3  }
0x67: {  	s0 =	simm.s32 $0xC200  }
0x68: {  	[tilespmem:s0], [sflag:$0x2] =	stream.indirect_vreg.gather [hbm4b:s3+s2], $0x80, v4, vm0, $0xb8;
	[tilespmem:$0x18200] =	vst v63  }
0x69: {  	v3 =	vperm.xlane v3, v2;
	s0 =	simm.s32 $0xCA00  }
0x6a: {  	[tilespmem:s0], [sflag:$0x2] =	stream.indirect_vreg.gather [hbm4b:s8+s2], $0x80, v4, vm0, $0xb8;
	[tilespmem:$0x18200] =	vst v63  }
0x6b: {  	v3 =	vadd.s32 v1, v3;
	s0 =	simm.s32 $0xD200  }
0x6c: {  	[tilespmem:s0], [sflag:$0x2] =	stream.indirect_vreg.gather [hbm4b:s9+s2], $0x80, v4, vm0, $0xb8;
	[tilespmem:$0x18200] =	vst v63  }
0x6d: {  	s0 =	simm.s32 $0xDA00  }
0x6e: {  	[tilespmem:s0], [sflag:$0x2] =	stream.indirect_vreg.gather [hbm4b:s10+s2], $0x80, v4, vm0, $0xb8;
	[tilespmem:$0x18200] =	vst v63  }
0x6f: {  	s0 =	simm.s32 $0xE200  }
0x70: {  	[tilespmem:s0], [sflag:$0x2] =	stream.indirect_vreg.gather [hbm4b:s3+s2], $0x80, v3, vm0, $0xb8;
	[tilespmem:$0x18200] =	vst v63  }
0x71: {  	s0 =	simm.s32 $0xEA00  }
0x72: {  	[tilespmem:s0], [sflag:$0x2] =	stream.indirect_vreg.gather [hbm4b:s8+s2], $0x80, v3, vm0, $0xb8;
	[tilespmem:$0x18200] =	vst v63  }
0x73: {  	s0 =	simm.s32 $0xF200  }
0x74: {  	[tilespmem:s0], [sflag:$0x2] =	stream.indirect_vreg.gather [hbm4b:s9+s2], $0x80, v3, vm0, $0xb8;
	[tilespmem:$0x18200] =	vst v63  }
0x75: {  	s0 =	simm.s32 $0xFA00  }
0x76: {  	[tilespmem:s0], [sflag:$0x2] =	stream.indirect_vreg.gather [hbm4b:s10+s2], $0x80, v3, vm0, $0xb8;
	[tilespmem:$0x18200] =	vst v63  }
0x77: {  	v3 =	vld [tilespmem:$0x20];
	_ =	sdelay $0x4  }
0x78: {  	v4 =	vshll.u32 v3, $0x3  }
0x79: {  	v3 =	vand.u32 $0x7, v3;
	v4 =	vand.u32 $0xFFFFFFC0, v4  }
0x7a: {  	v3 =	vor.u32 v3, v4  }
0x7b: {  	v4 =	vperm.xlane v3, v0;
	_ =	sdelay $0x1  }
0x7c: {  	v4 =	vadd.s32 v1, v4;
	_ =	sdelay $0x4  }
0x7d: {  	[tilespmem:s22], [sflag:$0x3] =	stream.indirect_vreg.gather [hbm4b:s3+s2], $0x80, v4, vm0, $0xb8;
	[tilespmem:$0x18200] =	vst v63  }
0x7e: {  	s0 =	simm.s32 $0x10A00;
	v3 =	vperm.xlane v3, v2  }
0x7f: {  	[tilespmem:s0], [sflag:$0x3] =	stream.indirect_vreg.gather [hbm4b:s8+s2], $0x80, v4, vm0, $0xb8;
	[tilespmem:$0x18200] =	vst v63  }
0x80: {  	v3 =	vadd.s32 v1, v3;
	s0 =	simm.s32 $0x11200  }
0x81: {  	[tilespmem:s0], [sflag:$0x3] =	stream.indirect_vreg.gather [hbm4b:s9+s2], $0x80, v4, vm0, $0xb8;
	[tilespmem:$0x18200] =	vst v63  }
0x82: {  	s0 =	simm.s32 $0x11A00  }
0x83: {  	[tilespmem:s0], [sflag:$0x3] =	stream.indirect_vreg.gather [hbm4b:s10+s2], $0x80, v4, vm0, $0xb8;
	[tilespmem:$0x18200] =	vst v63  }
0x84: {  	s0 =	simm.s32 $0x12200  }
0x85: {  	[tilespmem:s0], [sflag:$0x3] =	stream.indirect_vreg.gather [hbm4b:s3+s2], $0x80, v3, vm0, $0xb8;
	[tilespmem:$0x18200] =	vst v63  }
0x86: {  	s0 =	simm.s32 $0x12A00  }
0x87: {  	[tilespmem:s0], [sflag:$0x3] =	stream.indirect_vreg.gather [hbm4b:s8+s2], $0x80, v3, vm0, $0xb8;
	[tilespmem:$0x18200] =	vst v63  }
0x88: {  	s0 =	simm.s32 $0x13200  }
0x89: {  	[tilespmem:s0], [sflag:$0x3] =	stream.indirect_vreg.gather [hbm4b:s9+s2], $0x80, v3, vm0, $0xb8;
	[tilespmem:$0x18200] =	vst v63  }
0x8a: {  	s0 =	simm.s32 $0x13A00  }
0x8b: {  	[tilespmem:s0], [sflag:$0x3] =	stream.indirect_vreg.gather [hbm4b:s10+s2], $0x80, v3, vm0, $0xb8;
	[tilespmem:$0x18200] =	vst v63  }
0x8c: {  	v3 =	vld [tilespmem:$0xA0];
	_ =	sdelay $0x4  }
0x8d: {  	v4 =	vshll.u32 v3, $0x3  }
0x8e: {  	v3 =	vand.u32 $0x7, v3;
	v4 =	vand.u32 $0xFFFFFFC0, v4  }
0x8f: {  	v3 =	vor.u32 v3, v4  }
0x90: {  	v4 =	vperm.xlane v3, v0;
	_ =	sdelay $0x1  }
0x91: {  	v4 =	vadd.s32 v1, v4;
	_ =	sdelay $0x3  }
0x92: {  	s0 =	simm.s32 $0x14200  }
0x93: {  	[tilespmem:s0], [sflag:$0x3] =	stream.indirect_vreg.gather [hbm4b:s3+s2], $0x80, v4, vm0, $0xb8;
	[tilespmem:$0x18200] =	vst v63  }
0x94: {  	v3 =	vperm.xlane v3, v2;
	s0 =	simm.s32 $0x14A00  }
0x95: {  	[tilespmem:s0], [sflag:$0x3] =	stream.indirect_vreg.gather [hbm4b:s8+s2], $0x80, v4, vm0, $0xb8;
	[tilespmem:$0x18200] =	vst v63  }
0x96: {  	v3 =	vadd.s32 v1, v3;
	s0 =	simm.s32 $0x15200  }
0x97: {  	[tilespmem:s0], [sflag:$0x3] =	stream.indirect_vreg.gather [hbm4b:s9+s2], $0x80, v4, vm0, $0xb8;
	[tilespmem:$0x18200] =	vst v63  }
0x98: {  	s0 =	simm.s32 $0x15A00  }
0x99: {  	[tilespmem:s0], [sflag:$0x3] =	stream.indirect_vreg.gather [hbm4b:s10+s2], $0x80, v4, vm0, $0xb8;
	[tilespmem:$0x18200] =	vst v63  }
0x9a: {  	s0 =	simm.s32 $0x16200  }
0x9b: {  	[tilespmem:s0], [sflag:$0x3] =	stream.indirect_vreg.gather [hbm4b:s3+s2], $0x80, v3, vm0, $0xb8;
	[tilespmem:$0x18200] =	vst v63  }
0x9c: {  	s0 =	simm.s32 $0x16A00  }
0x9d: {  	[tilespmem:s0], [sflag:$0x3] =	stream.indirect_vreg.gather [hbm4b:s8+s2], $0x80, v3, vm0, $0xb8;
	[tilespmem:$0x18200] =	vst v63  }
0x9e: {  	s0 =	simm.s32 $0x17200  }
0x9f: {  	[tilespmem:s0], [sflag:$0x3] =	stream.indirect_vreg.gather [hbm4b:s9+s2], $0x80, v3, vm0, $0xb8;
	[tilespmem:$0x18200] =	vst v63  }
0xa0: {  	s0 =	simm.s32 $0x17A00  }
0xa1: {  	[tilespmem:s0], [sflag:$0x3] =	stream.indirect_vreg.gather [hbm4b:s10+s2], $0x80, v3, vm0, $0xb8;
	[tilespmem:$0x18200] =	vst v63  }
0xa2: {  	_ =	swait.ge [sflag:s23], $0x4000  }
0xa3: {  	[sflag:s23] =	ssyncset.done $0x0  }
0xa4: {  	[sflag:s23] =	ssyncadd.s32 $0xFFFFC000  }
0xa5: {  	_ =	swait.ge [sflag:s23], $0x4000  }
0xa6: {  	[sflag:s23] =	ssyncset.done $0x0  }
0xa7: {  	[sflag:s23] =	ssyncadd.s32 $0xFFFFC000  }
0xa8: {  	s28 =	sand.u32 $0x70, s2;
	s29 =	sand.u32 $0x1C00, s2;
	v3 =	vld [tilespmem:$0x100]  }
0xa9: {  	s28 =	sor.u32 s28, s29;
	v4 =	vld [tilespmem:$0x180]  }
0xaa: {  	v7 =	vld [tilespmem:s28+$0x4200]  }
0xab: {  	v8 =	vld [tilespmem:s28+$0x200];
	_ =	sdelay $0x2  }
0xac: {  	v5 =	vbroadcast v3, $0x0;
	v6 =	vbroadcast v4, $0x0;
	_ =	sdelay $0x1  }
0xad: {  	v8 =	vmul.f32 v8, v5;
	v7 =	vmul.f32 v7, v6  }
0xae: {  	s30 =	simm.s32 $0x10;
	s29 =	simm.s32 $0x80  }
0xaf: {  	s30 =	sand.u32 $0x70, s30;
	s31 =	sand.u32 $0x1C00, s29;
	v7 =	vadd.f32 v7, v8  }
0xb0: {  	s31 =	sor.u32 s30, s31;
	s30 =	simm.s32 $0x20  }
.LBB2_2:
0xb1: {  	p0 =	seq.s32 s30, $0x3F0;
	v8 =	vld [tilespmem:s31+$0x4200];
	[tilespmem:s28+$0x200] =	vst v7;
	s28 =	smov.u32 s31  }
0xb2: {  	v7 =	vld [tilespmem:s28+$0x200];
	_ =	sdelay $0x3  }
.Ltmp0:
0xb3: {  	(pc) =	sbr.rel @!p0 .LBB2_2-.Ltmp0, $4  }
0xb4: {  	v8 =	vmul.f32 v8, v6;
	v7 =	vmul.f32 v7, v5  }
0xb5: {  	s29 =	sadd.s32 $0x80, s29  }
0xb6: {  	s31 =	sand.u32 $0x70, s30;
	s0 =	sand.u32 $0x1C00, s29;
	v7 =	vadd.f32 v8, v7  }
0xb7: {  	s30 =	sadd.s32 $0x10, s30;
	s31 =	sor.u32 s31, s0  }
0xb8: {  	v8 =	vld [tilespmem:s31+$0x4200];
	[tilespmem:s28+$0x200] =	vst v7  }
0xb9: {  	v7 =	vld [tilespmem:s31+$0x200];
	_ =	sdelay $0x4  }
0xba: {  	v6 =	vmul.f32 v8, v6;
	v5 =	vmul.f32 v7, v5;
	_ =	sdelay $0x1  }
0xbb: {  	s28 =	simm.s32 $0x0;
	v5 =	vadd.f32 v6, v5  }
0xbc: {  	s0 =	sand.u32 $0x70, s28;
	s28 =	sand.u32 $0x1C00, s28  }
0xbd: {  	s28 =	sor.u32 s28, s0;
	[tilespmem:s31+$0x200] =	vst v5  }
0xbe: {  	v7 =	vld [tilespmem:s28+$0x4280]  }
0xbf: {  	v8 =	vld [tilespmem:s28+$0x280];
	_ =	sdelay $0x2  }
0xc0: {  	v6 =	vbroadcast v4, $0x1;
	v5 =	vbroadcast v3, $0x1;
	_ =	sdelay $0x1  }
0xc1: {  	v8 =	vmul.f32 v8, v5;
	v7 =	vmul.f32 v7, v6  }
0xc2: {  	s29 =	simm.s32 $0x80;
	s0 =	simm.s32 $0x10  }
0xc3: {  	s30 =	sand.u32 $0x1C00, s29;
	s0 =	sand.u32 $0x70, s0;
	v7 =	vadd.f32 v7, v8  }
0xc4: {  	s31 =	sor.u32 s30, s0;
	s30 =	simm.s32 $0x20  }
.LBB2_4:
0xc5: {  	p0 =	seq.s32 s30, $0x3F0;
	v8 =	vld [tilespmem:s31+$0x4280];
	[tilespmem:s28+$0x280] =	vst v7;
	s28 =	smov.u32 s31  }
0xc6: {  	v7 =	vld [tilespmem:s28+$0x280];
	_ =	sdelay $0x3  }
.Ltmp1:
0xc7: {  	(pc) =	sbr.rel @!p0 .LBB2_4-.Ltmp1, $4  }
0xc8: {  	v8 =	vmul.f32 v8, v6;
	v7 =	vmul.f32 v7, v5  }
0xc9: {  	s29 =	sadd.s32 $0x80, s29  }
0xca: {  	s0 =	sand.u32 $0x70, s30;
	s31 =	sand.u32 $0x1C00, s29;
	v7 =	vadd.f32 v8, v7  }
0xcb: {  	s30 =	sadd.s32 $0x10, s30;
	s31 =	sor.u32 s31, s0  }
0xcc: {  	v8 =	vld [tilespmem:s31+$0x4280];
	[tilespmem:s28+$0x280] =	vst v7  }
0xcd: {  	v7 =	vld [tilespmem:s31+$0x280];
	_ =	sdelay $0x4  }
0xce: {  	v6 =	vmul.f32 v8, v6;
	v5 =	vmul.f32 v7, v5;
	_ =	sdelay $0x1  }
0xcf: {  	s28 =	simm.s32 $0x0;
	v5 =	vadd.f32 v6, v5  }
0xd0: {  	s0 =	sand.u32 $0x70, s28;
	s28 =	sand.u32 $0x1C00, s28  }
0xd1: {  	s28 =	sor.u32 s28, s0;
	[tilespmem:s31+$0x280] =	vst v5  }
0xd2: {  	v7 =	vld [tilespmem:s28+$0x4300]  }
0xd3: {  	v8 =	vld [tilespmem:s28+$0x300];
	_ =	sdelay $0x2  }
0xd4: {  	v6 =	vbroadcast v4, $0x2;
	v5 =	vbroadcast v3, $0x2;
	_ =	sdelay $0x1  }
0xd5: {  	v8 =	vmul.f32 v8, v5;
	v7 =	vmul.f32 v7, v6  }
0xd6: {  	s29 =	simm.s32 $0x80;
	s0 =	simm.s32 $0x10  }
0xd7: {  	s30 =	sand.u32 $0x1C00, s29;
	s0 =	sand.u32 $0x70, s0;
	v7 =	vadd.f32 v7, v8  }
0xd8: {  	s31 =	sor.u32 s30, s0;
	s30 =	simm.s32 $0x20  }
.LBB2_6:
0xd9: {  	p0 =	seq.s32 s30, $0x3F0;
	v8 =	vld [tilespmem:s31+$0x4300];
	[tilespmem:s28+$0x300] =	vst v7;
	s28 =	smov.u32 s31  }
0xda: {  	v7 =	vld [tilespmem:s28+$0x300];
	_ =	sdelay $0x3  }
.Ltmp2:
0xdb: {  	(pc) =	sbr.rel @!p0 .LBB2_6-.Ltmp2, $4  }
0xdc: {  	v8 =	vmul.f32 v8, v6;
	v7 =	vmul.f32 v7, v5  }
0xdd: {  	s29 =	sadd.s32 $0x80, s29  }
0xde: {  	s0 =	sand.u32 $0x70, s30;
	s31 =	sand.u32 $0x1C00, s29;
	v7 =	vadd.f32 v8, v7  }
0xdf: {  	s30 =	sadd.s32 $0x10, s30;
	s31 =	sor.u32 s31, s0  }
0xe0: {  	v8 =	vld [tilespmem:s31+$0x4300];
	[tilespmem:s28+$0x300] =	vst v7  }
0xe1: {  	v7 =	vld [tilespmem:s31+$0x300];
	_ =	sdelay $0x4  }
0xe2: {  	v6 =	vmul.f32 v8, v6;
	v5 =	vmul.f32 v7, v5;
	_ =	sdelay $0x1  }
0xe3: {  	s28 =	simm.s32 $0x0;
	v5 =	vadd.f32 v6, v5  }
0xe4: {  	s0 =	sand.u32 $0x70, s28;
	s28 =	sand.u32 $0x1C00, s28  }
0xe5: {  	s28 =	sor.u32 s28, s0;
	[tilespmem:s31+$0x300] =	vst v5  }
0xe6: {  	v7 =	vld [tilespmem:s28+$0x4380]  }
0xe7: {  	v8 =	vld [tilespmem:s28+$0x380];
	_ =	sdelay $0x2  }
0xe8: {  	v6 =	vbroadcast v4, $0x3;
	v5 =	vbroadcast v3, $0x3;
	_ =	sdelay $0x1  }
0xe9: {  	v8 =	vmul.f32 v8, v5;
	v7 =	vmul.f32 v7, v6  }
0xea: {  	s29 =	simm.s32 $0x80;
	s0 =	simm.s32 $0x10  }
0xeb: {  	s30 =	sand.u32 $0x1C00, s29;
	s0 =	sand.u32 $0x70, s0;
	v7 =	vadd.f32 v7, v8  }
0xec: {  	s31 =	sor.u32 s30, s0;
	s30 =	simm.s32 $0x20  }
.LBB2_8:
0xed: {  	p0 =	seq.s32 s30, $0x3F0;
	v8 =	vld [tilespmem:s31+$0x4380];
	[tilespmem:s28+$0x380] =	vst v7;
	s28 =	smov.u32 s31  }
0xee: {  	v7 =	vld [tilespmem:s28+$0x380];
	_ =	sdelay $0x3  }
.Ltmp3:
0xef: {  	(pc) =	sbr.rel @!p0 .LBB2_8-.Ltmp3, $4  }
0xf0: {  	v8 =	vmul.f32 v8, v6;
	v7 =	vmul.f32 v7, v5  }
0xf1: {  	s29 =	sadd.s32 $0x80, s29  }
0xf2: {  	s0 =	sand.u32 $0x70, s30;
	s31 =	sand.u32 $0x1C00, s29;
	v7 =	vadd.f32 v8, v7  }
0xf3: {  	s30 =	sadd.s32 $0x10, s30;
	s31 =	sor.u32 s31, s0  }
0xf4: {  	v8 =	vld [tilespmem:s31+$0x4380];
	[tilespmem:s28+$0x380] =	vst v7  }
0xf5: {  	v7 =	vld [tilespmem:s31+$0x380];
	_ =	sdelay $0x4  }
0xf6: {  	v6 =	vmul.f32 v8, v6;
	v5 =	vmul.f32 v7, v5;
	_ =	sdelay $0x1  }
0xf7: {  	s28 =	simm.s32 $0x0;
	v5 =	vadd.f32 v6, v5  }
0xf8: {  	s0 =	sand.u32 $0x70, s28;
	s28 =	sand.u32 $0x1C00, s28  }
0xf9: {  	s28 =	sor.u32 s28, s0;
	[tilespmem:s31+$0x380] =	vst v5  }
0xfa: {  	v7 =	vld [tilespmem:s28+$0x4400]  }
0xfb: {  	v8 =	vld [tilespmem:s28+$0x400];
	_ =	sdelay $0x2  }
0xfc: {  	v6 =	vbroadcast v4, $0x4;
	v5 =	vbroadcast v3, $0x4;
	_ =	sdelay $0x1  }
0xfd: {  	v8 =	vmul.f32 v8, v5;
	v7 =	vmul.f32 v7, v6  }
0xfe: {  	s29 =	simm.s32 $0x80;
	s0 =	simm.s32 $0x10  }
0xff: {  	s30 =	sand.u32 $0x1C00, s29;
	s0 =	sand.u32 $0x70, s0;
	v7 =	vadd.f32 v7, v8  }
0x100: {  	s31 =	sor.u32 s30, s0;
	s30 =	simm.s32 $0x20  }
.LBB2_10:
0x101: {  	p0 =	seq.s32 s30, $0x3F0;
	v8 =	vld [tilespmem:s31+$0x4400];
	[tilespmem:s28+$0x400] =	vst v7;
	s28 =	smov.u32 s31  }
0x102: {  	v7 =	vld [tilespmem:s28+$0x400];
	_ =	sdelay $0x3  }
.Ltmp4:
0x103: {  	(pc) =	sbr.rel @!p0 .LBB2_10-.Ltmp4, $4  }
0x104: {  	v8 =	vmul.f32 v8, v6;
	v7 =	vmul.f32 v7, v5  }
0x105: {  	s29 =	sadd.s32 $0x80, s29  }
0x106: {  	s0 =	sand.u32 $0x70, s30;
	s31 =	sand.u32 $0x1C00, s29;
	v7 =	vadd.f32 v8, v7  }
0x107: {  	s30 =	sadd.s32 $0x10, s30;
	s31 =	sor.u32 s31, s0  }
0x108: {  	v8 =	vld [tilespmem:s31+$0x4400];
	[tilespmem:s28+$0x400] =	vst v7  }
0x109: {  	v7 =	vld [tilespmem:s31+$0x400];
	_ =	sdelay $0x4  }
0x10a: {  	v6 =	vmul.f32 v8, v6;
	v5 =	vmul.f32 v7, v5;
	_ =	sdelay $0x1  }
0x10b: {  	s28 =	simm.s32 $0x0;
	v5 =	vadd.f32 v6, v5  }
0x10c: {  	s0 =	sand.u32 $0x70, s28;
	s28 =	sand.u32 $0x1C00, s28  }
0x10d: {  	s28 =	sor.u32 s28, s0;
	[tilespmem:s31+$0x400] =	vst v5  }
0x10e: {  	v7 =	vld [tilespmem:s28+$0x4480]  }
0x10f: {  	v8 =	vld [tilespmem:s28+$0x480];
	_ =	sdelay $0x2  }
0x110: {  	v6 =	vbroadcast v4, $0x5;
	v5 =	vbroadcast v3, $0x5;
	_ =	sdelay $0x1  }
0x111: {  	v8 =	vmul.f32 v8, v5;
	v7 =	vmul.f32 v7, v6  }
0x112: {  	s29 =	simm.s32 $0x80;
	s0 =	simm.s32 $0x10  }
0x113: {  	s30 =	sand.u32 $0x1C00, s29;
	s0 =	sand.u32 $0x70, s0;
	v7 =	vadd.f32 v7, v8  }
0x114: {  	s31 =	sor.u32 s30, s0;
	s30 =	simm.s32 $0x20  }
.LBB2_12:
0x115: {  	p0 =	seq.s32 s30, $0x3F0;
	v8 =	vld [tilespmem:s31+$0x4480];
	[tilespmem:s28+$0x480] =	vst v7;
	s28 =	smov.u32 s31  }
0x116: {  	v7 =	vld [tilespmem:s28+$0x480];
	_ =	sdelay $0x3  }
.Ltmp5:
0x117: {  	(pc) =	sbr.rel @!p0 .LBB2_12-.Ltmp5, $4  }
0x118: {  	v8 =	vmul.f32 v8, v6;
	v7 =	vmul.f32 v7, v5  }
0x119: {  	s29 =	sadd.s32 $0x80, s29  }
0x11a: {  	s0 =	sand.u32 $0x70, s30;
	s31 =	sand.u32 $0x1C00, s29;
	v7 =	vadd.f32 v8, v7  }
0x11b: {  	s30 =	sadd.s32 $0x10, s30;
	s31 =	sor.u32 s31, s0  }
0x11c: {  	v8 =	vld [tilespmem:s31+$0x4480];
	[tilespmem:s28+$0x480] =	vst v7  }
0x11d: {  	v7 =	vld [tilespmem:s31+$0x480];
	_ =	sdelay $0x4  }
0x11e: {  	v6 =	vmul.f32 v8, v6;
	v5 =	vmul.f32 v7, v5;
	_ =	sdelay $0x1  }
0x11f: {  	s28 =	simm.s32 $0x0;
	v5 =	vadd.f32 v6, v5  }
0x120: {  	s0 =	sand.u32 $0x70, s28;
	s28 =	sand.u32 $0x1C00, s28  }
0x121: {  	s28 =	sor.u32 s28, s0;
	[tilespmem:s31+$0x480] =	vst v5  }
0x122: {  	v7 =	vld [tilespmem:s28+$0x4500]  }
0x123: {  	v8 =	vld [tilespmem:s28+$0x500];
	_ =	sdelay $0x2  }
0x124: {  	v6 =	vbroadcast v4, $0x6;
	v5 =	vbroadcast v3, $0x6;
	_ =	sdelay $0x1  }
0x125: {  	v8 =	vmul.f32 v8, v5;
	v7 =	vmul.f32 v7, v6  }
0x126: {  	s29 =	simm.s32 $0x80;
	s0 =	simm.s32 $0x10  }
0x127: {  	s30 =	sand.u32 $0x1C00, s29;
	s0 =	sand.u32 $0x70, s0;
	v7 =	vadd.f32 v7, v8  }
0x128: {  	s31 =	sor.u32 s30, s0;
	s30 =	simm.s32 $0x20  }
.LBB2_14:
0x129: {  	p0 =	seq.s32 s30, $0x3F0;
	v8 =	vld [tilespmem:s31+$0x4500];
	[tilespmem:s28+$0x500] =	vst v7;
	s28 =	smov.u32 s31  }
0x12a: {  	v7 =	vld [tilespmem:s28+$0x500];
	_ =	sdelay $0x3  }
.Ltmp6:
0x12b: {  	(pc) =	sbr.rel @!p0 .LBB2_14-.Ltmp6, $4  }
0x12c: {  	v8 =	vmul.f32 v8, v6;
	v7 =	vmul.f32 v7, v5  }
0x12d: {  	s29 =	sadd.s32 $0x80, s29  }
0x12e: {  	s0 =	sand.u32 $0x70, s30;
	s31 =	sand.u32 $0x1C00, s29;
	v7 =	vadd.f32 v8, v7  }
0x12f: {  	s30 =	sadd.s32 $0x10, s30;
	s31 =	sor.u32 s31, s0  }
0x130: {  	v8 =	vld [tilespmem:s31+$0x4500];
	[tilespmem:s28+$0x500] =	vst v7  }
0x131: {  	v7 =	vld [tilespmem:s31+$0x500];
	_ =	sdelay $0x4  }
0x132: {  	v6 =	vmul.f32 v8, v6;
	v5 =	vmul.f32 v7, v5;
	_ =	sdelay $0x1  }
0x133: {  	s28 =	simm.s32 $0x0;
	v5 =	vadd.f32 v6, v5  }
0x134: {  	s0 =	sor.u32 s28, s28  }
0x135: {  	s28 =	sor.u32 $0x380, s0;
	[tilespmem:s31+$0x500] =	vst v5  }
0x136: {  	v7 =	vld [tilespmem:s28+$0x4200]  }
0x137: {  	v8 =	vld [tilespmem:s28+$0x200];
	_ =	sdelay $0x2  }
0x138: {  	v6 =	vbroadcast v4, $0x7;
	v5 =	vbroadcast v3, $0x7;
	_ =	sdelay $0x1  }
0x139: {  	v8 =	vmul.f32 v8, v5;
	v7 =	vmul.f32 v7, v6  }
0x13a: {  	s29 =	simm.s32 $0x80;
	s0 =	simm.s32 $0x10  }
0x13b: {  	s0 =	sor.u32 s29, s0;
	v7 =	vadd.f32 v7, v8  }
0x13c: {  	s30 =	simm.s32 $0x20;
	s31 =	sor.u32 $0x380, s0  }
.LBB2_16:
0x13d: {  	p0 =	seq.s32 s30, $0x3F0;
	v8 =	vld [tilespmem:s31+$0x4200];
	[tilespmem:s28+$0x200] =	vst v7;
	s28 =	smov.u32 s31  }
0x13e: {  	v7 =	vld [tilespmem:s28+$0x200];
	_ =	sdelay $0x3  }
.Ltmp7:
0x13f: {  	(pc) =	sbr.rel @!p0 .LBB2_16-.Ltmp7, $4  }
0x140: {  	v8 =	vmul.f32 v8, v6;
	v7 =	vmul.f32 v7, v5  }
0x141: {  	s29 =	sadd.s32 $0x80, s29  }
0x142: {  	s0 =	sor.u32 s29, s30;
	v7 =	vadd.f32 v8, v7  }
0x143: {  	s30 =	sadd.s32 $0x10, s30;
	s31 =	sor.u32 $0x380, s0  }
0x144: {  	v8 =	vld [tilespmem:s31+$0x4200];
	[tilespmem:s28+$0x200] =	vst v7  }
0x145: {  	v7 =	vld [tilespmem:s31+$0x200];
	_ =	sdelay $0x4  }
0x146: {  	v6 =	vmul.f32 v8, v6;
	v5 =	vmul.f32 v7, v5;
	_ =	sdelay $0x1  }
0x147: {  	s28 =	simm.s32 $0x0;
	v5 =	vadd.f32 v6, v5  }
0x148: {  	s0 =	sand.u32 $0x70, s28;
	s28 =	sand.u32 $0x1C00, s28  }
0x149: {  	s28 =	sor.u32 s28, s0;
	[tilespmem:s31+$0x200] =	vst v5  }
0x14a: {  	v7 =	vld [tilespmem:s28+$0x6200]  }
0x14b: {  	v8 =	vld [tilespmem:s28+$0x2200];
	_ =	sdelay $0x2  }
0x14c: {  	v6 =	vbroadcast v4, $0x8;
	v5 =	vbroadcast v3, $0x8;
	_ =	sdelay $0x1  }
0x14d: {  	v8 =	vmul.f32 v8, v5;
	v7 =	vmul.f32 v7, v6  }
0x14e: {  	s29 =	simm.s32 $0x80;
	s0 =	simm.s32 $0x10  }
0x14f: {  	s30 =	sand.u32 $0x1C00, s29;
	s0 =	sand.u32 $0x70, s0;
	v7 =	vadd.f32 v7, v8  }
0x150: {  	s31 =	sor.u32 s30, s0;
	s30 =	simm.s32 $0x20  }
.LBB2_18:
0x151: {  	p0 =	seq.s32 s30, $0x3F0;
	v8 =	vld [tilespmem:s31+$0x6200];
	[tilespmem:s28+$0x2200] =	vst v7;
	s28 =	smov.u32 s31  }
0x152: {  	v7 =	vld [tilespmem:s28+$0x2200];
	_ =	sdelay $0x3  }
.Ltmp8:
0x153: {  	(pc) =	sbr.rel @!p0 .LBB2_18-.Ltmp8, $4  }
0x154: {  	v8 =	vmul.f32 v8, v6;
	v7 =	vmul.f32 v7, v5  }
0x155: {  	s29 =	sadd.s32 $0x80, s29  }
0x156: {  	s0 =	sand.u32 $0x70, s30;
	s31 =	sand.u32 $0x1C00, s29;
	v7 =	vadd.f32 v8, v7  }
0x157: {  	s30 =	sadd.s32 $0x10, s30;
	s31 =	sor.u32 s31, s0  }
0x158: {  	v8 =	vld [tilespmem:s31+$0x6200];
	[tilespmem:s28+$0x2200] =	vst v7  }
0x159: {  	v7 =	vld [tilespmem:s31+$0x2200];
	_ =	sdelay $0x4  }
0x15a: {  	v6 =	vmul.f32 v8, v6;
	v5 =	vmul.f32 v7, v5;
	_ =	sdelay $0x1  }
0x15b: {  	s28 =	simm.s32 $0x0;
	v5 =	vadd.f32 v6, v5  }
0x15c: {  	s0 =	sand.u32 $0x70, s28;
	s28 =	sand.u32 $0x1C00, s28  }
0x15d: {  	s28 =	sor.u32 s28, s0;
	[tilespmem:s31+$0x2200] =	vst v5  }
0x15e: {  	v7 =	vld [tilespmem:s28+$0x6280]  }
0x15f: {  	v8 =	vld [tilespmem:s28+$0x2280];
	_ =	sdelay $0x2  }
0x160: {  	v6 =	vbroadcast v4, $0x9;
	v5 =	vbroadcast v3, $0x9;
	_ =	sdelay $0x1  }
0x161: {  	v8 =	vmul.f32 v8, v5;
	v7 =	vmul.f32 v7, v6  }
0x162: {  	s29 =	simm.s32 $0x80;
	s0 =	simm.s32 $0x10  }
0x163: {  	s30 =	sand.u32 $0x1C00, s29;
	s0 =	sand.u32 $0x70, s0;
	v7 =	vadd.f32 v7, v8  }
0x164: {  	s31 =	sor.u32 s30, s0;
	s30 =	simm.s32 $0x20  }
.LBB2_20:
0x165: {  	p0 =	seq.s32 s30, $0x3F0;
	v8 =	vld [tilespmem:s31+$0x6280];
	[tilespmem:s28+$0x2280] =	vst v7;
	s28 =	smov.u32 s31  }
0x166: {  	v7 =	vld [tilespmem:s28+$0x2280];
	_ =	sdelay $0x3  }
.Ltmp9:
0x167: {  	(pc) =	sbr.rel @!p0 .LBB2_20-.Ltmp9, $4  }
0x168: {  	v8 =	vmul.f32 v8, v6;
	v7 =	vmul.f32 v7, v5  }
0x169: {  	s29 =	sadd.s32 $0x80, s29  }
0x16a: {  	s0 =	sand.u32 $0x70, s30;
	s31 =	sand.u32 $0x1C00, s29;
	v7 =	vadd.f32 v8, v7  }
0x16b: {  	s30 =	sadd.s32 $0x10, s30;
	s31 =	sor.u32 s31, s0  }
0x16c: {  	v8 =	vld [tilespmem:s31+$0x6280];
	[tilespmem:s28+$0x2280] =	vst v7  }
0x16d: {  	v7 =	vld [tilespmem:s31+$0x2280];
	_ =	sdelay $0x4  }
0x16e: {  	v6 =	vmul.f32 v8, v6;
	v5 =	vmul.f32 v7, v5;
	_ =	sdelay $0x1  }
0x16f: {  	s28 =	simm.s32 $0x0;
	v5 =	vadd.f32 v6, v5  }
0x170: {  	s0 =	sand.u32 $0x70, s28;
	s28 =	sand.u32 $0x1C00, s28  }
0x171: {  	s28 =	sor.u32 s28, s0;
	[tilespmem:s31+$0x2280] =	vst v5  }
0x172: {  	v7 =	vld [tilespmem:s28+$0x6300]  }
0x173: {  	v8 =	vld [tilespmem:s28+$0x2300];
	_ =	sdelay $0x2  }
0x174: {  	v6 =	vbroadcast v4, $0xA;
	v5 =	vbroadcast v3, $0xA;
	_ =	sdelay $0x1  }
0x175: {  	v8 =	vmul.f32 v8, v5;
	v7 =	vmul.f32 v7, v6  }
0x176: {  	s29 =	simm.s32 $0x80;
	s0 =	simm.s32 $0x10  }
0x177: {  	s30 =	sand.u32 $0x1C00, s29;
	s0 =	sand.u32 $0x70, s0;
	v7 =	vadd.f32 v7, v8  }
0x178: {  	s31 =	sor.u32 s30, s0;
	s30 =	simm.s32 $0x20  }
.LBB2_22:
0x179: {  	p0 =	seq.s32 s30, $0x3F0;
	v8 =	vld [tilespmem:s31+$0x6300];
	[tilespmem:s28+$0x2300] =	vst v7;
	s28 =	smov.u32 s31  }
0x17a: {  	v7 =	vld [tilespmem:s28+$0x2300];
	_ =	sdelay $0x3  }
.Ltmp10:
0x17b: {  	(pc) =	sbr.rel @!p0 .LBB2_22-.Ltmp10, $4  }
0x17c: {  	v8 =	vmul.f32 v8, v6;
	v7 =	vmul.f32 v7, v5  }
0x17d: {  	s29 =	sadd.s32 $0x80, s29  }
0x17e: {  	s0 =	sand.u32 $0x70, s30;
	s31 =	sand.u32 $0x1C00, s29;
	v7 =	vadd.f32 v8, v7  }
0x17f: {  	s30 =	sadd.s32 $0x10, s30;
	s31 =	sor.u32 s31, s0  }
0x180: {  	v8 =	vld [tilespmem:s31+$0x6300];
	[tilespmem:s28+$0x2300] =	vst v7  }
0x181: {  	v7 =	vld [tilespmem:s31+$0x2300];
	_ =	sdelay $0x4  }
0x182: {  	v6 =	vmul.f32 v8, v6;
	v5 =	vmul.f32 v7, v5;
	_ =	sdelay $0x1  }
0x183: {  	s28 =	simm.s32 $0x0;
	v5 =	vadd.f32 v6, v5  }
0x184: {  	s0 =	sand.u32 $0x70, s28;
	s28 =	sand.u32 $0x1C00, s28  }
0x185: {  	s28 =	sor.u32 s28, s0;
	[tilespmem:s31+$0x2300] =	vst v5  }
0x186: {  	v7 =	vld [tilespmem:s28+$0x6380]  }
0x187: {  	v8 =	vld [tilespmem:s28+$0x2380];
	_ =	sdelay $0x2  }
0x188: {  	v6 =	vbroadcast v4, $0xB;
	v5 =	vbroadcast v3, $0xB;
	_ =	sdelay $0x1  }
0x189: {  	v8 =	vmul.f32 v8, v5;
	v7 =	vmul.f32 v7, v6  }
0x18a: {  	s29 =	simm.s32 $0x80;
	s0 =	simm.s32 $0x10  }
0x18b: {  	s30 =	sand.u32 $0x1C00, s29;
	s0 =	sand.u32 $0x70, s0;
	v7 =	vadd.f32 v7, v8  }
0x18c: {  	s31 =	sor.u32 s30, s0;
	s30 =	simm.s32 $0x20  }
.LBB2_24:
0x18d: {  	p0 =	seq.s32 s30, $0x3F0;
	v8 =	vld [tilespmem:s31+$0x6380];
	[tilespmem:s28+$0x2380] =	vst v7;
	s28 =	smov.u32 s31  }
0x18e: {  	v7 =	vld [tilespmem:s28+$0x2380];
	_ =	sdelay $0x3  }
.Ltmp11:
0x18f: {  	(pc) =	sbr.rel @!p0 .LBB2_24-.Ltmp11, $4  }
0x190: {  	v8 =	vmul.f32 v8, v6;
	v7 =	vmul.f32 v7, v5  }
0x191: {  	s29 =	sadd.s32 $0x80, s29  }
0x192: {  	s0 =	sand.u32 $0x70, s30;
	s31 =	sand.u32 $0x1C00, s29;
	v7 =	vadd.f32 v8, v7  }
0x193: {  	s30 =	sadd.s32 $0x10, s30;
	s31 =	sor.u32 s31, s0  }
0x194: {  	v8 =	vld [tilespmem:s31+$0x6380];
	[tilespmem:s28+$0x2380] =	vst v7  }
0x195: {  	v7 =	vld [tilespmem:s31+$0x2380];
	_ =	sdelay $0x4  }
0x196: {  	v6 =	vmul.f32 v8, v6;
	v5 =	vmul.f32 v7, v5;
	_ =	sdelay $0x1  }
0x197: {  	s28 =	simm.s32 $0x0;
	v5 =	vadd.f32 v6, v5  }
0x198: {  	s0 =	sand.u32 $0x70, s28;
	s28 =	sand.u32 $0x1C00, s28  }
0x199: {  	s28 =	sor.u32 s28, s0;
	[tilespmem:s31+$0x2380] =	vst v5  }
0x19a: {  	v7 =	vld [tilespmem:s28+$0x6400]  }
0x19b: {  	v8 =	vld [tilespmem:s28+$0x2400];
	_ =	sdelay $0x2  }
0x19c: {  	v6 =	vbroadcast v4, $0xC;
	v5 =	vbroadcast v3, $0xC;
	_ =	sdelay $0x1  }
0x19d: {  	v8 =	vmul.f32 v8, v5;
	v7 =	vmul.f32 v7, v6  }
0x19e: {  	s29 =	simm.s32 $0x80;
	s0 =	simm.s32 $0x10  }
0x19f: {  	s30 =	sand.u32 $0x1C00, s29;
	s0 =	sand.u32 $0x70, s0;
	v7 =	vadd.f32 v7, v8  }
0x1a0: {  	s31 =	sor.u32 s30, s0;
	s30 =	simm.s32 $0x20  }
.LBB2_26:
0x1a1: {  	p0 =	seq.s32 s30, $0x3F0;
	v8 =	vld [tilespmem:s31+$0x6400];
	[tilespmem:s28+$0x2400] =	vst v7;
	s28 =	smov.u32 s31  }
0x1a2: {  	v7 =	vld [tilespmem:s28+$0x2400];
	_ =	sdelay $0x3  }
.Ltmp12:
0x1a3: {  	(pc) =	sbr.rel @!p0 .LBB2_26-.Ltmp12, $4  }
0x1a4: {  	v8 =	vmul.f32 v8, v6;
	v7 =	vmul.f32 v7, v5  }
0x1a5: {  	s29 =	sadd.s32 $0x80, s29  }
0x1a6: {  	s0 =	sand.u32 $0x70, s30;
	s31 =	sand.u32 $0x1C00, s29;
	v7 =	vadd.f32 v8, v7  }
0x1a7: {  	s30 =	sadd.s32 $0x10, s30;
	s31 =	sor.u32 s31, s0  }
0x1a8: {  	v8 =	vld [tilespmem:s31+$0x6400];
	[tilespmem:s28+$0x2400] =	vst v7  }
0x1a9: {  	v7 =	vld [tilespmem:s31+$0x2400];
	_ =	sdelay $0x4  }
0x1aa: {  	v6 =	vmul.f32 v8, v6;
	v5 =	vmul.f32 v7, v5;
	_ =	sdelay $0x1  }
0x1ab: {  	s28 =	simm.s32 $0x0;
	v5 =	vadd.f32 v6, v5  }
0x1ac: {  	s0 =	sand.u32 $0x70, s28;
	s28 =	sand.u32 $0x1C00, s28  }
0x1ad: {  	s28 =	sor.u32 s28, s0;
	[tilespmem:s31+$0x2400] =	vst v5  }
0x1ae: {  	v7 =	vld [tilespmem:s28+$0x6480]  }
0x1af: {  	v8 =	vld [tilespmem:s28+$0x2480];
	_ =	sdelay $0x2  }
0x1b0: {  	v6 =	vbroadcast v4, $0xD;
	v5 =	vbroadcast v3, $0xD;
	_ =	sdelay $0x1  }
0x1b1: {  	v8 =	vmul.f32 v8, v5;
	v7 =	vmul.f32 v7, v6  }
0x1b2: {  	s29 =	simm.s32 $0x80;
	s0 =	simm.s32 $0x10  }
0x1b3: {  	s30 =	sand.u32 $0x1C00, s29;
	s0 =	sand.u32 $0x70, s0;
	v7 =	vadd.f32 v7, v8  }
0x1b4: {  	s31 =	sor.u32 s30, s0;
	s30 =	simm.s32 $0x20  }
.LBB2_28:
0x1b5: {  	p0 =	seq.s32 s30, $0x3F0;
	v8 =	vld [tilespmem:s31+$0x6480];
	[tilespmem:s28+$0x2480] =	vst v7;
	s28 =	smov.u32 s31  }
0x1b6: {  	v7 =	vld [tilespmem:s28+$0x2480];
	_ =	sdelay $0x3  }
.Ltmp13:
0x1b7: {  	(pc) =	sbr.rel @!p0 .LBB2_28-.Ltmp13, $4  }
0x1b8: {  	v8 =	vmul.f32 v8, v6;
	v7 =	vmul.f32 v7, v5  }
0x1b9: {  	s29 =	sadd.s32 $0x80, s29  }
0x1ba: {  	s0 =	sand.u32 $0x70, s30;
	s31 =	sand.u32 $0x1C00, s29;
	v7 =	vadd.f32 v8, v7  }
0x1bb: {  	s30 =	sadd.s32 $0x10, s30;
	s31 =	sor.u32 s31, s0  }
0x1bc: {  	v8 =	vld [tilespmem:s31+$0x6480];
	[tilespmem:s28+$0x2480] =	vst v7  }
0x1bd: {  	v7 =	vld [tilespmem:s31+$0x2480];
	_ =	sdelay $0x4  }
0x1be: {  	v6 =	vmul.f32 v8, v6;
	v5 =	vmul.f32 v7, v5;
	_ =	sdelay $0x1  }
0x1bf: {  	s28 =	simm.s32 $0x0;
	v5 =	vadd.f32 v6, v5  }
0x1c0: {  	s0 =	sand.u32 $0x70, s28;
	s28 =	sand.u32 $0x1C00, s28  }
0x1c1: {  	s28 =	sor.u32 s28, s0;
	[tilespmem:s31+$0x2480] =	vst v5  }
0x1c2: {  	v7 =	vld [tilespmem:s28+$0x6500]  }
0x1c3: {  	v8 =	vld [tilespmem:s28+$0x2500];
	_ =	sdelay $0x2  }
0x1c4: {  	v6 =	vbroadcast v4, $0xE;
	v5 =	vbroadcast v3, $0xE;
	_ =	sdelay $0x1  }
0x1c5: {  	v8 =	vmul.f32 v8, v5;
	v7 =	vmul.f32 v7, v6  }
0x1c6: {  	s29 =	simm.s32 $0x80;
	s0 =	simm.s32 $0x10  }
0x1c7: {  	s30 =	sand.u32 $0x1C00, s29;
	s0 =	sand.u32 $0x70, s0;
	v7 =	vadd.f32 v7, v8  }
0x1c8: {  	s31 =	sor.u32 s30, s0;
	s30 =	simm.s32 $0x20  }
.LBB2_30:
0x1c9: {  	p0 =	seq.s32 s30, $0x3F0;
	v8 =	vld [tilespmem:s31+$0x6500];
	[tilespmem:s28+$0x2500] =	vst v7;
	s28 =	smov.u32 s31  }
0x1ca: {  	v7 =	vld [tilespmem:s28+$0x2500];
	_ =	sdelay $0x3  }
.Ltmp14:
0x1cb: {  	(pc) =	sbr.rel @!p0 .LBB2_30-.Ltmp14, $4  }
0x1cc: {  	v8 =	vmul.f32 v8, v6;
	v7 =	vmul.f32 v7, v5  }
0x1cd: {  	s29 =	sadd.s32 $0x80, s29  }
0x1ce: {  	s0 =	sand.u32 $0x70, s30;
	s31 =	sand.u32 $0x1C00, s29;
	v7 =	vadd.f32 v8, v7  }
0x1cf: {  	s30 =	sadd.s32 $0x10, s30;
	s31 =	sor.u32 s31, s0  }
0x1d0: {  	v8 =	vld [tilespmem:s31+$0x6500];
	[tilespmem:s28+$0x2500] =	vst v7  }
0x1d1: {  	v7 =	vld [tilespmem:s31+$0x2500];
	_ =	sdelay $0x4  }
0x1d2: {  	v6 =	vmul.f32 v8, v6;
	v5 =	vmul.f32 v7, v5;
	_ =	sdelay $0x1  }
0x1d3: {  	s28 =	simm.s32 $0x0;
	v5 =	vadd.f32 v6, v5  }
0x1d4: {  	s0 =	sor.u32 s28, s28  }
0x1d5: {  	s28 =	sor.u32 $0x2380, s0;
	[tilespmem:s31+$0x2500] =	vst v5  }
0x1d6: {  	v5 =	vld [tilespmem:s28+$0x4200]  }
0x1d7: {  	v6 =	vld [tilespmem:s28+$0x200];
	_ =	sdelay $0x2  }
0x1d8: {  	v3 =	vbroadcast v3, $0xF;
	v4 =	vbroadcast v4, $0xF;
	_ =	sdelay $0x1  }
0x1d9: {  	v6 =	vmul.f32 v6, v3;
	v5 =	vmul.f32 v5, v4  }
0x1da: {  	s29 =	simm.s32 $0x80;
	s0 =	simm.s32 $0x10  }
0x1db: {  	s0 =	sor.u32 s29, s0;
	v5 =	vadd.f32 v5, v6  }
0x1dc: {  	s30 =	simm.s32 $0x20;
	s31 =	sor.u32 $0x2380, s0  }
.LBB2_32:
0x1dd: {  	p0 =	sne.s32 s30, $0x3F0;
	v6 =	vld [tilespmem:s31+$0x4200];
	[tilespmem:s28+$0x200] =	vst v5;
	s28 =	smov.u32 s31  }
0x1de: {  	v5 =	vld [tilespmem:s28+$0x200];
	_ =	sdelay $0x3  }
.Ltmp15:
0x1df: {  	(pc) =	sbr.rel @p0 .LBB2_32-.Ltmp15, $4  }
0x1e0: {  	v6 =	vmul.f32 v6, v4;
	v5 =	vmul.f32 v5, v3  }
0x1e1: {  	s29 =	sadd.s32 $0x80, s29  }
0x1e2: {  	s0 =	sor.u32 s29, s30;
	v5 =	vadd.f32 v6, v5  }
0x1e3: {  	s30 =	sadd.s32 $0x10, s30;
	s31 =	sor.u32 $0x2380, s0  }
0x1e4: {  	v6 =	vld [tilespmem:s31+$0x4200];
	[tilespmem:s28+$0x200] =	vst v5  }
0x1e5: {  	v5 =	vld [tilespmem:s31+$0x200];
	_ =	sdelay $0x4  }
0x1e6: {  	v4 =	vmul.f32 v6, v4;
	v3 =	vmul.f32 v5, v3;
	_ =	sdelay $0x1  }
0x1e7: {  	v3 =	vadd.f32 v4, v3;
	_ =	sdelay $0x1  }
0x1e8: {  	s28 =	simm.s32 $0x0;
	[tilespmem:s31+$0x200] =	vst v3  }
0x1e9: {  	[hbm4b:s11+s28] =	stream.linear.scatter [tilespmem:s20], [sflag:$0x1], $0x4000, $0x38;
	[tilespmem:$0x18200] =	vst v63  }
0x1ea: {  	_ =	swait.ge [sflag:s23], $0x4000  }
0x1eb: {  	[sflag:s23] =	ssyncset.done $0x0  }
0x1ec: {  	[sflag:s23] =	ssyncadd.s32 $0xFFFFC000  }
0x1ed: {  	v3 =	vld [tilespmem:$0x30];
	_ =	sdelay $0x4  }
0x1ee: {  	v4 =	vshll.u32 v3, $0x3  }
0x1ef: {  	v3 =	vand.u32 $0x7, v3;
	v4 =	vand.u32 $0xFFFFFFC0, v4  }
0x1f0: {  	v3 =	vor.u32 v3, v4  }
0x1f1: {  	v4 =	vperm.xlane v3, v0;
	_ =	sdelay $0x1  }
0x1f2: {  	v4 =	vadd.s32 v1, v4;
	_ =	sdelay $0x4  }
0x1f3: {  	[tilespmem:s20], [sflag:$0x1] =	stream.indirect_vreg.gather [hbm4b:s3+s28], $0x80, v4, vm0, $0xb8;
	[tilespmem:$0x18200] =	vst v63  }
0x1f4: {  	s0 =	simm.s32 $0xA00;
	v3 =	vperm.xlane v3, v2  }
0x1f5: {  	[tilespmem:s0], [sflag:$0x1] =	stream.indirect_vreg.gather [hbm4b:s8+s28], $0x80, v4, vm0, $0xb8;
	[tilespmem:$0x18200] =	vst v63  }
0x1f6: {  	v3 =	vadd.s32 v1, v3;
	s0 =	simm.s32 $0x1200  }
0x1f7: {  	[tilespmem:s0], [sflag:$0x1] =	stream.indirect_vreg.gather [hbm4b:s9+s28], $0x80, v4, vm0, $0xb8;
	[tilespmem:$0x18200] =	vst v63  }
0x1f8: {  	s0 =	simm.s32 $0x1A00  }
0x1f9: {  	[tilespmem:s0], [sflag:$0x1] =	stream.indirect_vreg.gather [hbm4b:s10+s28], $0x80, v4, vm0, $0xb8;
	[tilespmem:$0x18200] =	vst v63  }
0x1fa: {  	s0 =	simm.s32 $0x2200  }
0x1fb: {  	[tilespmem:s0], [sflag:$0x1] =	stream.indirect_vreg.gather [hbm4b:s3+s28], $0x80, v3, vm0, $0xb8;
	[tilespmem:$0x18200] =	vst v63  }
0x1fc: {  	s0 =	simm.s32 $0x2A00  }
0x1fd: {  	[tilespmem:s0], [sflag:$0x1] =	stream.indirect_vreg.gather [hbm4b:s8+s28], $0x80, v3, vm0, $0xb8;
	[tilespmem:$0x18200] =	vst v63  }
0x1fe: {  	s0 =	simm.s32 $0x3200  }
0x1ff: {  	[tilespmem:s0], [sflag:$0x1] =	stream.indirect_vreg.gather [hbm4b:s9+s28], $0x80, v3, vm0, $0xb8;
	[tilespmem:$0x18200] =	vst v63  }
0x200: {  	s0 =	simm.s32 $0x3A00  }
0x201: {  	[tilespmem:s0], [sflag:$0x1] =	stream.indirect_vreg.gather [hbm4b:s10+s28], $0x80, v3, vm0, $0xb8;
	[tilespmem:$0x18200] =	vst v63  }
0x202: {  	v3 =	vld [tilespmem:$0xB0];
	_ =	sdelay $0x4  }
0x203: {  	v4 =	vshll.u32 v3, $0x3  }
0x204: {  	v3 =	vand.u32 $0x7, v3;
	v4 =	vand.u32 $0xFFFFFFC0, v4  }
0x205: {  	v3 =	vor.u32 v3, v4  }
0x206: {  	v4 =	vperm.xlane v3, v0;
	_ =	sdelay $0x1  }
0x207: {  	v4 =	vadd.s32 v1, v4;
	_ =	sdelay $0x3  }
0x208: {  	s0 =	simm.s32 $0x4200  }
0x209: {  	[tilespmem:s0], [sflag:$0x1] =	stream.indirect_vreg.gather [hbm4b:s3+s28], $0x80, v4, vm0, $0xb8;
	[tilespmem:$0x18200] =	vst v63  }
0x20a: {  	v3 =	vperm.xlane v3, v2;
	s0 =	simm.s32 $0x4A00  }
0x20b: {  	[tilespmem:s0], [sflag:$0x1] =	stream.indirect_vreg.gather [hbm4b:s8+s28], $0x80, v4, vm0, $0xb8;
	[tilespmem:$0x18200] =	vst v63  }
0x20c: {  	v3 =	vadd.s32 v1, v3;
	s0 =	simm.s32 $0x5200  }
0x20d: {  	[tilespmem:s0], [sflag:$0x1] =	stream.indirect_vreg.gather [hbm4b:s9+s28], $0x80, v4, vm0, $0xb8;
	[tilespmem:$0x18200] =	vst v63  }
0x20e: {  	s0 =	simm.s32 $0x5A00  }
0x20f: {  	[tilespmem:s0], [sflag:$0x1] =	stream.indirect_vreg.gather [hbm4b:s10+s28], $0x80, v4, vm0, $0xb8;
	[tilespmem:$0x18200] =	vst v63  }
0x210: {  	_ = 	snop  }
0x211: {  	[tilespmem:s1], [sflag:$0x1] =	stream.indirect_vreg.gather [hbm4b:s3+s28], $0x80, v3, vm0, $0xb8;
	[tilespmem:$0x18200] =	vst v63  }
0x212: {  	_ = 	snop  }
0x213: {  	[tilespmem:s17], [sflag:$0x1] =	stream.indirect_vreg.gather [hbm4b:s8+s28], $0x80, v3, vm0, $0xb8;
	[tilespmem:$0x18200] =	vst v63  }
0x214: {  	_ = 	snop  }
0x215: {  	[tilespmem:s18], [sflag:$0x1] =	stream.indirect_vreg.gather [hbm4b:s9+s28], $0x80, v3, vm0, $0xb8;
	[tilespmem:$0x18200] =	vst v63  }
0x216: {  	_ = 	snop  }
0x217: {  	[tilespmem:s19], [sflag:$0x1] =	stream.indirect_vreg.gather [hbm4b:s10+s28], $0x80, v3, vm0, $0xb8;
	[tilespmem:$0x18200] =	vst v63  }
0x218: {  	_ =	swait.ge [sflag:s24], $0x4000  }
0x219: {  	[sflag:s24] =	ssyncset.done $0x0  }
0x21a: {  	[sflag:s24] =	ssyncadd.s32 $0xFFFFC000  }
0x21b: {  	_ =	swait.ge [sflag:s24], $0x4000  }
0x21c: {  	[sflag:s24] =	ssyncset.done $0x0  }
0x21d: {  	[sflag:s24] =	ssyncadd.s32 $0xFFFFC000  }
0x21e: {  	s0 =	sand.u32 $0x70, s28;
	s28 =	sand.u32 $0x1C00, s28;
	v3 =	vld [tilespmem:$0x110]  }
0x21f: {  	s28 =	sor.u32 s0, s28;
	v4 =	vld [tilespmem:$0x190]  }
0x220: {  	v7 =	vld [tilespmem:s28+$0xC200]  }
0x221: {  	v8 =	vld [tilespmem:s28+$0x8200];
	_ =	sdelay $0x2  }
0x222: {  	v5 =	vbroadcast v3, $0x0;
	v6 =	vbroadcast v4, $0x0;
	_ =	sdelay $0x1  }
0x223: {  	v8 =	vmul.f32 v8, v5;
	v7 =	vmul.f32 v7, v6  }
0x224: {  	s29 =	simm.s32 $0x80;
	s0 =	simm.s32 $0x10  }
0x225: {  	s30 =	sand.u32 $0x1C00, s29;
	s0 =	sand.u32 $0x70, s0;
	v7 =	vadd.f32 v7, v8  }
0x226: {  	s31 =	sor.u32 s0, s30;
	s30 =	simm.s32 $0x20  }
.LBB2_34:
0x227: {  	p0 =	seq.s32 s30, $0x3F0;
	v8 =	vld [tilespmem:s31+$0xC200];
	[tilespmem:s28+$0x8200] =	vst v7;
	s28 =	smov.u32 s31  }
0x228: {  	v7 =	vld [tilespmem:s28+$0x8200];
	_ =	sdelay $0x3  }
.Ltmp16:
0x229: {  	(pc) =	sbr.rel @!p0 .LBB2_34-.Ltmp16, $4  }
0x22a: {  	v8 =	vmul.f32 v8, v6;
	v7 =	vmul.f32 v7, v5  }
0x22b: {  	s29 =	sadd.s32 $0x80, s29  }
0x22c: {  	s0 =	sand.u32 $0x70, s30;
	s31 =	sand.u32 $0x1C00, s29;
	v7 =	vadd.f32 v8, v7  }
0x22d: {  	s30 =	sadd.s32 $0x10, s30;
	s31 =	sor.u32 s0, s31  }
0x22e: {  	v8 =	vld [tilespmem:s31+$0xC200];
	[tilespmem:s28+$0x8200] =	vst v7  }
0x22f: {  	v7 =	vld [tilespmem:s31+$0x8200];
	_ =	sdelay $0x4  }
0x230: {  	v6 =	vmul.f32 v8, v6;
	v5 =	vmul.f32 v7, v5;
	_ =	sdelay $0x1  }
0x231: {  	s28 =	simm.s32 $0x0;
	v5 =	vadd.f32 v6, v5  }
0x232: {  	s0 =	sand.u32 $0x70, s28;
	s28 =	sand.u32 $0x1C00, s28  }
0x233: {  	s28 =	sor.u32 s28, s0;
	[tilespmem:s31+$0x8200] =	vst v5  }
0x234: {  	v7 =	vld [tilespmem:s28+$0xC280]  }
0x235: {  	v8 =	vld [tilespmem:s28+$0x8280];
	_ =	sdelay $0x2  }
0x236: {  	v6 =	vbroadcast v4, $0x1;
	v5 =	vbroadcast v3, $0x1;
	_ =	sdelay $0x1  }
0x237: {  	v8 =	vmul.f32 v8, v5;
	v7 =	vmul.f32 v7, v6  }
0x238: {  	s29 =	simm.s32 $0x80;
	s0 =	simm.s32 $0x10  }
0x239: {  	s30 =	sand.u32 $0x1C00, s29;
	s0 =	sand.u32 $0x70, s0;
	v7 =	vadd.f32 v7, v8  }
0x23a: {  	s31 =	sor.u32 s30, s0;
	s30 =	simm.s32 $0x20  }
.LBB2_36:
0x23b: {  	p0 =	seq.s32 s30, $0x3F0;
	v8 =	vld [tilespmem:s31+$0xC280];
	[tilespmem:s28+$0x8280] =	vst v7;
	s28 =	smov.u32 s31  }
0x23c: {  	v7 =	vld [tilespmem:s28+$0x8280];
	_ =	sdelay $0x3  }
.Ltmp17:
0x23d: {  	(pc) =	sbr.rel @!p0 .LBB2_36-.Ltmp17, $4  }
0x23e: {  	v8 =	vmul.f32 v8, v6;
	v7 =	vmul.f32 v7, v5  }
0x23f: {  	s29 =	sadd.s32 $0x80, s29  }
0x240: {  	s0 =	sand.u32 $0x70, s30;
	s31 =	sand.u32 $0x1C00, s29;
	v7 =	vadd.f32 v8, v7  }
0x241: {  	s30 =	sadd.s32 $0x10, s30;
	s31 =	sor.u32 s31, s0  }
0x242: {  	v8 =	vld [tilespmem:s31+$0xC280];
	[tilespmem:s28+$0x8280] =	vst v7  }
0x243: {  	v7 =	vld [tilespmem:s31+$0x8280];
	_ =	sdelay $0x4  }
0x244: {  	v6 =	vmul.f32 v8, v6;
	v5 =	vmul.f32 v7, v5;
	_ =	sdelay $0x1  }
0x245: {  	s28 =	simm.s32 $0x0;
	v5 =	vadd.f32 v6, v5  }
0x246: {  	s0 =	sand.u32 $0x70, s28;
	s28 =	sand.u32 $0x1C00, s28  }
0x247: {  	s28 =	sor.u32 s28, s0;
	[tilespmem:s31+$0x8280] =	vst v5  }
0x248: {  	v7 =	vld [tilespmem:s28+$0xC300]  }
0x249: {  	v8 =	vld [tilespmem:s28+$0x8300];
	_ =	sdelay $0x2  }
0x24a: {  	v6 =	vbroadcast v4, $0x2;
	v5 =	vbroadcast v3, $0x2;
	_ =	sdelay $0x1  }
0x24b: {  	v8 =	vmul.f32 v8, v5;
	v7 =	vmul.f32 v7, v6  }
0x24c: {  	s29 =	simm.s32 $0x80;
	s0 =	simm.s32 $0x10  }
0x24d: {  	s30 =	sand.u32 $0x1C00, s29;
	s0 =	sand.u32 $0x70, s0;
	v7 =	vadd.f32 v7, v8  }
0x24e: {  	s31 =	sor.u32 s30, s0;
	s30 =	simm.s32 $0x20  }
.LBB2_38:
0x24f: {  	p0 =	seq.s32 s30, $0x3F0;
	v8 =	vld [tilespmem:s31+$0xC300];
	[tilespmem:s28+$0x8300] =	vst v7;
	s28 =	smov.u32 s31  }
0x250: {  	v7 =	vld [tilespmem:s28+$0x8300];
	_ =	sdelay $0x3  }
.Ltmp18:
0x251: {  	(pc) =	sbr.rel @!p0 .LBB2_38-.Ltmp18, $4  }
0x252: {  	v8 =	vmul.f32 v8, v6;
	v7 =	vmul.f32 v7, v5  }
0x253: {  	s29 =	sadd.s32 $0x80, s29  }
0x254: {  	s0 =	sand.u32 $0x70, s30;
	s31 =	sand.u32 $0x1C00, s29;
	v7 =	vadd.f32 v8, v7  }
0x255: {  	s30 =	sadd.s32 $0x10, s30;
	s31 =	sor.u32 s31, s0  }
0x256: {  	v8 =	vld [tilespmem:s31+$0xC300];
	[tilespmem:s28+$0x8300] =	vst v7  }
0x257: {  	v7 =	vld [tilespmem:s31+$0x8300];
	_ =	sdelay $0x4  }
0x258: {  	v6 =	vmul.f32 v8, v6;
	v5 =	vmul.f32 v7, v5;
	_ =	sdelay $0x1  }
0x259: {  	s28 =	simm.s32 $0x0;
	v5 =	vadd.f32 v6, v5  }
0x25a: {  	s0 =	sand.u32 $0x70, s28;
	s28 =	sand.u32 $0x1C00, s28  }
0x25b: {  	s28 =	sor.u32 s28, s0;
	[tilespmem:s31+$0x8300] =	vst v5  }
0x25c: {  	v7 =	vld [tilespmem:s28+$0xC380]  }
0x25d: {  	v8 =	vld [tilespmem:s28+$0x8380];
	_ =	sdelay $0x2  }
0x25e: {  	v6 =	vbroadcast v4, $0x3;
	v5 =	vbroadcast v3, $0x3;
	_ =	sdelay $0x1  }
0x25f: {  	v8 =	vmul.f32 v8, v5;
	v7 =	vmul.f32 v7, v6  }
0x260: {  	s29 =	simm.s32 $0x80;
	s0 =	simm.s32 $0x10  }
0x261: {  	s30 =	sand.u32 $0x1C00, s29;
	s0 =	sand.u32 $0x70, s0;
	v7 =	vadd.f32 v7, v8  }
0x262: {  	s31 =	sor.u32 s30, s0;
	s30 =	simm.s32 $0x20  }
.LBB2_40:
0x263: {  	p0 =	seq.s32 s30, $0x3F0;
	v8 =	vld [tilespmem:s31+$0xC380];
	[tilespmem:s28+$0x8380] =	vst v7;
	s28 =	smov.u32 s31  }
0x264: {  	v7 =	vld [tilespmem:s28+$0x8380];
	_ =	sdelay $0x3  }
.Ltmp19:
0x265: {  	(pc) =	sbr.rel @!p0 .LBB2_40-.Ltmp19, $4  }
0x266: {  	v8 =	vmul.f32 v8, v6;
	v7 =	vmul.f32 v7, v5  }
0x267: {  	s29 =	sadd.s32 $0x80, s29  }
0x268: {  	s0 =	sand.u32 $0x70, s30;
	s31 =	sand.u32 $0x1C00, s29;
	v7 =	vadd.f32 v8, v7  }
0x269: {  	s30 =	sadd.s32 $0x10, s30;
	s31 =	sor.u32 s31, s0  }
0x26a: {  	v8 =	vld [tilespmem:s31+$0xC380];
	[tilespmem:s28+$0x8380] =	vst v7  }
0x26b: {  	v7 =	vld [tilespmem:s31+$0x8380];
	_ =	sdelay $0x4  }
0x26c: {  	v6 =	vmul.f32 v8, v6;
	v5 =	vmul.f32 v7, v5;
	_ =	sdelay $0x1  }
0x26d: {  	s28 =	simm.s32 $0x0;
	v5 =	vadd.f32 v6, v5  }
0x26e: {  	s0 =	sand.u32 $0x70, s28;
	s28 =	sand.u32 $0x1C00, s28  }
0x26f: {  	s28 =	sor.u32 s28, s0;
	[tilespmem:s31+$0x8380] =	vst v5  }
0x270: {  	v7 =	vld [tilespmem:s28+$0xC400]  }
0x271: {  	v8 =	vld [tilespmem:s28+$0x8400];
	_ =	sdelay $0x2  }
0x272: {  	v6 =	vbroadcast v4, $0x4;
	v5 =	vbroadcast v3, $0x4;
	_ =	sdelay $0x1  }
0x273: {  	v8 =	vmul.f32 v8, v5;
	v7 =	vmul.f32 v7, v6  }
0x274: {  	s29 =	simm.s32 $0x80;
	s0 =	simm.s32 $0x10  }
0x275: {  	s30 =	sand.u32 $0x1C00, s29;
	s0 =	sand.u32 $0x70, s0;
	v7 =	vadd.f32 v7, v8  }
0x276: {  	s31 =	sor.u32 s30, s0;
	s30 =	simm.s32 $0x20  }
.LBB2_42:
0x277: {  	p0 =	seq.s32 s30, $0x3F0;
	v8 =	vld [tilespmem:s31+$0xC400];
	[tilespmem:s28+$0x8400] =	vst v7;
	s28 =	smov.u32 s31  }
0x278: {  	v7 =	vld [tilespmem:s28+$0x8400];
	_ =	sdelay $0x3  }
.Ltmp20:
0x279: {  	(pc) =	sbr.rel @!p0 .LBB2_42-.Ltmp20, $4  }
0x27a: {  	v8 =	vmul.f32 v8, v6;
	v7 =	vmul.f32 v7, v5  }
0x27b: {  	s29 =	sadd.s32 $0x80, s29  }
0x27c: {  	s0 =	sand.u32 $0x70, s30;
	s31 =	sand.u32 $0x1C00, s29;
	v7 =	vadd.f32 v8, v7  }
0x27d: {  	s30 =	sadd.s32 $0x10, s30;
	s31 =	sor.u32 s31, s0  }
0x27e: {  	v8 =	vld [tilespmem:s31+$0xC400];
	[tilespmem:s28+$0x8400] =	vst v7  }
0x27f: {  	v7 =	vld [tilespmem:s31+$0x8400];
	_ =	sdelay $0x4  }
0x280: {  	v6 =	vmul.f32 v8, v6;
	v5 =	vmul.f32 v7, v5;
	_ =	sdelay $0x1  }
0x281: {  	s28 =	simm.s32 $0x0;
	v5 =	vadd.f32 v6, v5  }
0x282: {  	s0 =	sand.u32 $0x70, s28;
	s28 =	sand.u32 $0x1C00, s28  }
0x283: {  	s28 =	sor.u32 s28, s0;
	[tilespmem:s31+$0x8400] =	vst v5  }
0x284: {  	v7 =	vld [tilespmem:s28+$0xC480]  }
0x285: {  	v8 =	vld [tilespmem:s28+$0x8480];
	_ =	sdelay $0x2  }
0x286: {  	v6 =	vbroadcast v4, $0x5;
	v5 =	vbroadcast v3, $0x5;
	_ =	sdelay $0x1  }
0x287: {  	v8 =	vmul.f32 v8, v5;
	v7 =	vmul.f32 v7, v6  }
0x288: {  	s29 =	simm.s32 $0x80;
	s0 =	simm.s32 $0x10  }
0x289: {  	s30 =	sand.u32 $0x1C00, s29;
	s0 =	sand.u32 $0x70, s0;
	v7 =	vadd.f32 v7, v8  }
0x28a: {  	s31 =	sor.u32 s30, s0;
	s30 =	simm.s32 $0x20  }
.LBB2_44:
0x28b: {  	p0 =	seq.s32 s30, $0x3F0;
	v8 =	vld [tilespmem:s31+$0xC480];
	[tilespmem:s28+$0x8480] =	vst v7;
	s28 =	smov.u32 s31  }
0x28c: {  	v7 =	vld [tilespmem:s28+$0x8480];
	_ =	sdelay $0x3  }
.Ltmp21:
0x28d: {  	(pc) =	sbr.rel @!p0 .LBB2_44-.Ltmp21, $4  }
0x28e: {  	v8 =	vmul.f32 v8, v6;
	v7 =	vmul.f32 v7, v5  }
0x28f: {  	s29 =	sadd.s32 $0x80, s29  }
0x290: {  	s0 =	sand.u32 $0x70, s30;
	s31 =	sand.u32 $0x1C00, s29;
	v7 =	vadd.f32 v8, v7  }
0x291: {  	s30 =	sadd.s32 $0x10, s30;
	s31 =	sor.u32 s31, s0  }
0x292: {  	v8 =	vld [tilespmem:s31+$0xC480];
	[tilespmem:s28+$0x8480] =	vst v7  }
0x293: {  	v7 =	vld [tilespmem:s31+$0x8480];
	_ =	sdelay $0x4  }
0x294: {  	v6 =	vmul.f32 v8, v6;
	v5 =	vmul.f32 v7, v5;
	_ =	sdelay $0x1  }
0x295: {  	s28 =	simm.s32 $0x0;
	v5 =	vadd.f32 v6, v5  }
0x296: {  	s0 =	sand.u32 $0x70, s28;
	s28 =	sand.u32 $0x1C00, s28  }
0x297: {  	s28 =	sor.u32 s28, s0;
	[tilespmem:s31+$0x8480] =	vst v5  }
0x298: {  	v7 =	vld [tilespmem:s28+$0xC500]  }
0x299: {  	v8 =	vld [tilespmem:s28+$0x8500];
	_ =	sdelay $0x2  }
0x29a: {  	v6 =	vbroadcast v4, $0x6;
	v5 =	vbroadcast v3, $0x6;
	_ =	sdelay $0x1  }
0x29b: {  	v8 =	vmul.f32 v8, v5;
	v7 =	vmul.f32 v7, v6  }
0x29c: {  	s29 =	simm.s32 $0x80;
	s0 =	simm.s32 $0x10  }
0x29d: {  	s30 =	sand.u32 $0x1C00, s29;
	s0 =	sand.u32 $0x70, s0;
	v7 =	vadd.f32 v7, v8  }
0x29e: {  	s31 =	sor.u32 s30, s0;
	s30 =	simm.s32 $0x20  }
.LBB2_46:
0x29f: {  	p0 =	seq.s32 s30, $0x3F0;
	v8 =	vld [tilespmem:s31+$0xC500];
	[tilespmem:s28+$0x8500] =	vst v7;
	s28 =	smov.u32 s31  }
0x2a0: {  	v7 =	vld [tilespmem:s28+$0x8500];
	_ =	sdelay $0x3  }
.Ltmp22:
0x2a1: {  	(pc) =	sbr.rel @!p0 .LBB2_46-.Ltmp22, $4  }
0x2a2: {  	v8 =	vmul.f32 v8, v6;
	v7 =	vmul.f32 v7, v5  }
0x2a3: {  	s29 =	sadd.s32 $0x80, s29  }
0x2a4: {  	s0 =	sand.u32 $0x70, s30;
	s31 =	sand.u32 $0x1C00, s29;
	v7 =	vadd.f32 v8, v7  }
0x2a5: {  	s30 =	sadd.s32 $0x10, s30;
	s31 =	sor.u32 s31, s0  }
0x2a6: {  	v8 =	vld [tilespmem:s31+$0xC500];
	[tilespmem:s28+$0x8500] =	vst v7  }
0x2a7: {  	v7 =	vld [tilespmem:s31+$0x8500];
	_ =	sdelay $0x4  }
0x2a8: {  	v6 =	vmul.f32 v8, v6;
	v5 =	vmul.f32 v7, v5;
	_ =	sdelay $0x1  }
0x2a9: {  	s28 =	simm.s32 $0x0;
	v5 =	vadd.f32 v6, v5  }
0x2aa: {  	s0 =	sor.u32 s28, s28  }
0x2ab: {  	s28 =	sor.u32 $0x380, s0;
	[tilespmem:s31+$0x8500] =	vst v5  }
0x2ac: {  	v7 =	vld [tilespmem:s28+$0xC200]  }
0x2ad: {  	v8 =	vld [tilespmem:s28+$0x8200];
	_ =	sdelay $0x2  }
0x2ae: {  	v6 =	vbroadcast v4, $0x7;
	v5 =	vbroadcast v3, $0x7;
	_ =	sdelay $0x1  }
0x2af: {  	v8 =	vmul.f32 v8, v5;
	v7 =	vmul.f32 v7, v6  }
0x2b0: {  	s29 =	simm.s32 $0x80;
	s0 =	simm.s32 $0x10  }
0x2b1: {  	s0 =	sor.u32 s29, s0;
	v7 =	vadd.f32 v7, v8  }
0x2b2: {  	s30 =	simm.s32 $0x20;
	s31 =	sor.u32 $0x380, s0  }
.LBB2_48:
0x2b3: {  	p0 =	seq.s32 s30, $0x3F0;
	v8 =	vld [tilespmem:s31+$0xC200];
	[tilespmem:s28+$0x8200] =	vst v7;
	s28 =	smov.u32 s31  }
0x2b4: {  	v7 =	vld [tilespmem:s28+$0x8200];
	_ =	sdelay $0x3  }
.Ltmp23:
0x2b5: {  	(pc) =	sbr.rel @!p0 .LBB2_48-.Ltmp23, $4  }
0x2b6: {  	v8 =	vmul.f32 v8, v6;
	v7 =	vmul.f32 v7, v5  }
0x2b7: {  	s29 =	sadd.s32 $0x80, s29  }
0x2b8: {  	s0 =	sor.u32 s29, s30;
	v7 =	vadd.f32 v8, v7  }
0x2b9: {  	s30 =	sadd.s32 $0x10, s30;
	s31 =	sor.u32 $0x380, s0  }
0x2ba: {  	v8 =	vld [tilespmem:s31+$0xC200];
	[tilespmem:s28+$0x8200] =	vst v7  }
0x2bb: {  	v7 =	vld [tilespmem:s31+$0x8200];
	_ =	sdelay $0x4  }
0x2bc: {  	v6 =	vmul.f32 v8, v6;
	v5 =	vmul.f32 v7, v5;
	_ =	sdelay $0x1  }
0x2bd: {  	s28 =	simm.s32 $0x0;
	v5 =	vadd.f32 v6, v5  }
0x2be: {  	s0 =	sand.u32 $0x70, s28;
	s28 =	sand.u32 $0x1C00, s28  }
0x2bf: {  	s28 =	sor.u32 s28, s0;
	[tilespmem:s31+$0x8200] =	vst v5  }
0x2c0: {  	v7 =	vld [tilespmem:s28+$0xE200]  }
0x2c1: {  	v8 =	vld [tilespmem:s28+$0xA200];
	_ =	sdelay $0x2  }
0x2c2: {  	v6 =	vbroadcast v4, $0x8;
	v5 =	vbroadcast v3, $0x8;
	_ =	sdelay $0x1  }
0x2c3: {  	v8 =	vmul.f32 v8, v5;
	v7 =	vmul.f32 v7, v6  }
0x2c4: {  	s29 =	simm.s32 $0x80;
	s0 =	simm.s32 $0x10  }
0x2c5: {  	s30 =	sand.u32 $0x1C00, s29;
	s0 =	sand.u32 $0x70, s0;
	v7 =	vadd.f32 v7, v8  }
0x2c6: {  	s31 =	sor.u32 s30, s0;
	s30 =	simm.s32 $0x20  }
.LBB2_50:
0x2c7: {  	p0 =	seq.s32 s30, $0x3F0;
	v8 =	vld [tilespmem:s31+$0xE200];
	[tilespmem:s28+$0xA200] =	vst v7;
	s28 =	smov.u32 s31  }
0x2c8: {  	v7 =	vld [tilespmem:s28+$0xA200];
	_ =	sdelay $0x3  }
.Ltmp24:
0x2c9: {  	(pc) =	sbr.rel @!p0 .LBB2_50-.Ltmp24, $4  }
0x2ca: {  	v8 =	vmul.f32 v8, v6;
	v7 =	vmul.f32 v7, v5  }
0x2cb: {  	s29 =	sadd.s32 $0x80, s29  }
0x2cc: {  	s0 =	sand.u32 $0x70, s30;
	s31 =	sand.u32 $0x1C00, s29;
	v7 =	vadd.f32 v8, v7  }
0x2cd: {  	s30 =	sadd.s32 $0x10, s30;
	s31 =	sor.u32 s31, s0  }
0x2ce: {  	v8 =	vld [tilespmem:s31+$0xE200];
	[tilespmem:s28+$0xA200] =	vst v7  }
0x2cf: {  	v7 =	vld [tilespmem:s31+$0xA200];
	_ =	sdelay $0x4  }
0x2d0: {  	v6 =	vmul.f32 v8, v6;
	v5 =	vmul.f32 v7, v5;
	_ =	sdelay $0x1  }
0x2d1: {  	s28 =	simm.s32 $0x0;
	v5 =	vadd.f32 v6, v5  }
0x2d2: {  	s0 =	sand.u32 $0x70, s28;
	s28 =	sand.u32 $0x1C00, s28  }
0x2d3: {  	s28 =	sor.u32 s28, s0;
	[tilespmem:s31+$0xA200] =	vst v5  }
0x2d4: {  	v7 =	vld [tilespmem:s28+$0xE280]  }
0x2d5: {  	v8 =	vld [tilespmem:s28+$0xA280];
	_ =	sdelay $0x2  }
0x2d6: {  	v6 =	vbroadcast v4, $0x9;
	v5 =	vbroadcast v3, $0x9;
	_ =	sdelay $0x1  }
0x2d7: {  	v8 =	vmul.f32 v8, v5;
	v7 =	vmul.f32 v7, v6  }
0x2d8: {  	s29 =	simm.s32 $0x80;
	s0 =	simm.s32 $0x10  }
0x2d9: {  	s30 =	sand.u32 $0x1C00, s29;
	s0 =	sand.u32 $0x70, s0;
	v7 =	vadd.f32 v7, v8  }
0x2da: {  	s31 =	sor.u32 s30, s0;
	s30 =	simm.s32 $0x20  }
.LBB2_52:
0x2db: {  	p0 =	seq.s32 s30, $0x3F0;
	v8 =	vld [tilespmem:s31+$0xE280];
	[tilespmem:s28+$0xA280] =	vst v7;
	s28 =	smov.u32 s31  }
0x2dc: {  	v7 =	vld [tilespmem:s28+$0xA280];
	_ =	sdelay $0x3  }
.Ltmp25:
0x2dd: {  	(pc) =	sbr.rel @!p0 .LBB2_52-.Ltmp25, $4  }
0x2de: {  	v8 =	vmul.f32 v8, v6;
	v7 =	vmul.f32 v7, v5  }
0x2df: {  	s29 =	sadd.s32 $0x80, s29  }
0x2e0: {  	s0 =	sand.u32 $0x70, s30;
	s31 =	sand.u32 $0x1C00, s29;
	v7 =	vadd.f32 v8, v7  }
0x2e1: {  	s30 =	sadd.s32 $0x10, s30;
	s31 =	sor.u32 s31, s0  }
0x2e2: {  	v8 =	vld [tilespmem:s31+$0xE280];
	[tilespmem:s28+$0xA280] =	vst v7  }
0x2e3: {  	v7 =	vld [tilespmem:s31+$0xA280];
	_ =	sdelay $0x4  }
0x2e4: {  	v6 =	vmul.f32 v8, v6;
	v5 =	vmul.f32 v7, v5;
	_ =	sdelay $0x1  }
0x2e5: {  	s28 =	simm.s32 $0x0;
	v5 =	vadd.f32 v6, v5  }
0x2e6: {  	s0 =	sand.u32 $0x70, s28;
	s28 =	sand.u32 $0x1C00, s28  }
0x2e7: {  	s28 =	sor.u32 s28, s0;
	[tilespmem:s31+$0xA280] =	vst v5  }
0x2e8: {  	v7 =	vld [tilespmem:s28+$0xE300]  }
0x2e9: {  	v8 =	vld [tilespmem:s28+$0xA300];
	_ =	sdelay $0x2  }
0x2ea: {  	v6 =	vbroadcast v4, $0xA;
	v5 =	vbroadcast v3, $0xA;
	_ =	sdelay $0x1  }
0x2eb: {  	v8 =	vmul.f32 v8, v5;
	v7 =	vmul.f32 v7, v6  }
0x2ec: {  	s29 =	simm.s32 $0x80;
	s0 =	simm.s32 $0x10  }
0x2ed: {  	s30 =	sand.u32 $0x1C00, s29;
	s0 =	sand.u32 $0x70, s0;
	v7 =	vadd.f32 v7, v8  }
0x2ee: {  	s31 =	sor.u32 s30, s0;
	s30 =	simm.s32 $0x20  }
.LBB2_54:
0x2ef: {  	p0 =	seq.s32 s30, $0x3F0;
	v8 =	vld [tilespmem:s31+$0xE300];
	[tilespmem:s28+$0xA300] =	vst v7;
	s28 =	smov.u32 s31  }
0x2f0: {  	v7 =	vld [tilespmem:s28+$0xA300];
	_ =	sdelay $0x3  }
.Ltmp26:
0x2f1: {  	(pc) =	sbr.rel @!p0 .LBB2_54-.Ltmp26, $4  }
0x2f2: {  	v8 =	vmul.f32 v8, v6;
	v7 =	vmul.f32 v7, v5  }
0x2f3: {  	s29 =	sadd.s32 $0x80, s29  }
0x2f4: {  	s0 =	sand.u32 $0x70, s30;
	s31 =	sand.u32 $0x1C00, s29;
	v7 =	vadd.f32 v8, v7  }
0x2f5: {  	s30 =	sadd.s32 $0x10, s30;
	s31 =	sor.u32 s31, s0  }
0x2f6: {  	v8 =	vld [tilespmem:s31+$0xE300];
	[tilespmem:s28+$0xA300] =	vst v7  }
0x2f7: {  	v7 =	vld [tilespmem:s31+$0xA300];
	_ =	sdelay $0x4  }
0x2f8: {  	v6 =	vmul.f32 v8, v6;
	v5 =	vmul.f32 v7, v5;
	_ =	sdelay $0x1  }
0x2f9: {  	s28 =	simm.s32 $0x0;
	v5 =	vadd.f32 v6, v5  }
0x2fa: {  	s0 =	sand.u32 $0x70, s28;
	s28 =	sand.u32 $0x1C00, s28  }
0x2fb: {  	s28 =	sor.u32 s28, s0;
	[tilespmem:s31+$0xA300] =	vst v5  }
0x2fc: {  	v7 =	vld [tilespmem:s28+$0xE380]  }
0x2fd: {  	v8 =	vld [tilespmem:s28+$0xA380];
	_ =	sdelay $0x2  }
0x2fe: {  	v6 =	vbroadcast v4, $0xB;
	v5 =	vbroadcast v3, $0xB;
	_ =	sdelay $0x1  }
0x2ff: {  	v8 =	vmul.f32 v8, v5;
	v7 =	vmul.f32 v7, v6  }
0x300: {  	s29 =	simm.s32 $0x80;
	s0 =	simm.s32 $0x10  }
0x301: {  	s30 =	sand.u32 $0x1C00, s29;
	s0 =	sand.u32 $0x70, s0;
	v7 =	vadd.f32 v7, v8  }
0x302: {  	s31 =	sor.u32 s30, s0;
	s30 =	simm.s32 $0x20  }
.LBB2_56:
0x303: {  	p0 =	seq.s32 s30, $0x3F0;
	v8 =	vld [tilespmem:s31+$0xE380];
	[tilespmem:s28+$0xA380] =	vst v7;
	s28 =	smov.u32 s31  }
0x304: {  	v7 =	vld [tilespmem:s28+$0xA380];
	_ =	sdelay $0x3  }
.Ltmp27:
0x305: {  	(pc) =	sbr.rel @!p0 .LBB2_56-.Ltmp27, $4  }
0x306: {  	v8 =	vmul.f32 v8, v6;
	v7 =	vmul.f32 v7, v5  }
0x307: {  	s29 =	sadd.s32 $0x80, s29  }
0x308: {  	s0 =	sand.u32 $0x70, s30;
	s31 =	sand.u32 $0x1C00, s29;
	v7 =	vadd.f32 v8, v7  }
0x309: {  	s30 =	sadd.s32 $0x10, s30;
	s31 =	sor.u32 s31, s0  }
0x30a: {  	v8 =	vld [tilespmem:s31+$0xE380];
	[tilespmem:s28+$0xA380] =	vst v7  }
0x30b: {  	v7 =	vld [tilespmem:s31+$0xA380];
	_ =	sdelay $0x4  }
0x30c: {  	v6 =	vmul.f32 v8, v6;
	v5 =	vmul.f32 v7, v5;
	_ =	sdelay $0x1  }
0x30d: {  	s28 =	simm.s32 $0x0;
	v5 =	vadd.f32 v6, v5  }
0x30e: {  	s0 =	sand.u32 $0x70, s28;
	s28 =	sand.u32 $0x1C00, s28  }
0x30f: {  	s28 =	sor.u32 s28, s0;
	[tilespmem:s31+$0xA380] =	vst v5  }
0x310: {  	v7 =	vld [tilespmem:s28+$0xE400]  }
0x311: {  	v8 =	vld [tilespmem:s28+$0xA400];
	_ =	sdelay $0x2  }
0x312: {  	v6 =	vbroadcast v4, $0xC;
	v5 =	vbroadcast v3, $0xC;
	_ =	sdelay $0x1  }
0x313: {  	v8 =	vmul.f32 v8, v5;
	v7 =	vmul.f32 v7, v6  }
0x314: {  	s29 =	simm.s32 $0x80;
	s0 =	simm.s32 $0x10  }
0x315: {  	s30 =	sand.u32 $0x1C00, s29;
	s0 =	sand.u32 $0x70, s0;
	v7 =	vadd.f32 v7, v8  }
0x316: {  	s31 =	sor.u32 s30, s0;
	s30 =	simm.s32 $0x20  }
.LBB2_58:
0x317: {  	p0 =	seq.s32 s30, $0x3F0;
	v8 =	vld [tilespmem:s31+$0xE400];
	[tilespmem:s28+$0xA400] =	vst v7;
	s28 =	smov.u32 s31  }
0x318: {  	v7 =	vld [tilespmem:s28+$0xA400];
	_ =	sdelay $0x3  }
.Ltmp28:
0x319: {  	(pc) =	sbr.rel @!p0 .LBB2_58-.Ltmp28, $4  }
0x31a: {  	v8 =	vmul.f32 v8, v6;
	v7 =	vmul.f32 v7, v5  }
0x31b: {  	s29 =	sadd.s32 $0x80, s29  }
0x31c: {  	s0 =	sand.u32 $0x70, s30;
	s31 =	sand.u32 $0x1C00, s29;
	v7 =	vadd.f32 v8, v7  }
0x31d: {  	s30 =	sadd.s32 $0x10, s30;
	s31 =	sor.u32 s31, s0  }
0x31e: {  	v8 =	vld [tilespmem:s31+$0xE400];
	[tilespmem:s28+$0xA400] =	vst v7  }
0x31f: {  	v7 =	vld [tilespmem:s31+$0xA400];
	_ =	sdelay $0x4  }
0x320: {  	v6 =	vmul.f32 v8, v6;
	v5 =	vmul.f32 v7, v5;
	_ =	sdelay $0x1  }
0x321: {  	s28 =	simm.s32 $0x0;
	v5 =	vadd.f32 v6, v5  }
0x322: {  	s0 =	sand.u32 $0x70, s28;
	s28 =	sand.u32 $0x1C00, s28  }
0x323: {  	s28 =	sor.u32 s28, s0;
	[tilespmem:s31+$0xA400] =	vst v5  }
0x324: {  	v7 =	vld [tilespmem:s28+$0xE480]  }
0x325: {  	v8 =	vld [tilespmem:s28+$0xA480];
	_ =	sdelay $0x2  }
0x326: {  	v6 =	vbroadcast v4, $0xD;
	v5 =	vbroadcast v3, $0xD;
	_ =	sdelay $0x1  }
0x327: {  	v8 =	vmul.f32 v8, v5;
	v7 =	vmul.f32 v7, v6  }
0x328: {  	s29 =	simm.s32 $0x80;
	s0 =	simm.s32 $0x10  }
0x329: {  	s30 =	sand.u32 $0x1C00, s29;
	s0 =	sand.u32 $0x70, s0;
	v7 =	vadd.f32 v7, v8  }
0x32a: {  	s31 =	sor.u32 s30, s0;
	s30 =	simm.s32 $0x20  }
.LBB2_60:
0x32b: {  	p0 =	seq.s32 s30, $0x3F0;
	v8 =	vld [tilespmem:s31+$0xE480];
	[tilespmem:s28+$0xA480] =	vst v7;
	s28 =	smov.u32 s31  }
0x32c: {  	v7 =	vld [tilespmem:s28+$0xA480];
	_ =	sdelay $0x3  }
.Ltmp29:
0x32d: {  	(pc) =	sbr.rel @!p0 .LBB2_60-.Ltmp29, $4  }
0x32e: {  	v8 =	vmul.f32 v8, v6;
	v7 =	vmul.f32 v7, v5  }
0x32f: {  	s29 =	sadd.s32 $0x80, s29  }
0x330: {  	s0 =	sand.u32 $0x70, s30;
	s31 =	sand.u32 $0x1C00, s29;
	v7 =	vadd.f32 v8, v7  }
0x331: {  	s30 =	sadd.s32 $0x10, s30;
	s31 =	sor.u32 s31, s0  }
0x332: {  	v8 =	vld [tilespmem:s31+$0xE480];
	[tilespmem:s28+$0xA480] =	vst v7  }
0x333: {  	v7 =	vld [tilespmem:s31+$0xA480];
	_ =	sdelay $0x4  }
0x334: {  	v6 =	vmul.f32 v8, v6;
	v5 =	vmul.f32 v7, v5;
	_ =	sdelay $0x1  }
0x335: {  	s28 =	simm.s32 $0x0;
	v5 =	vadd.f32 v6, v5  }
0x336: {  	s0 =	sand.u32 $0x70, s28;
	s28 =	sand.u32 $0x1C00, s28  }
0x337: {  	s28 =	sor.u32 s28, s0;
	[tilespmem:s31+$0xA480] =	vst v5  }
0x338: {  	v7 =	vld [tilespmem:s28+$0xE500]  }
0x339: {  	v8 =	vld [tilespmem:s28+$0xA500];
	_ =	sdelay $0x2  }
0x33a: {  	v6 =	vbroadcast v4, $0xE;
	v5 =	vbroadcast v3, $0xE;
	_ =	sdelay $0x1  }
0x33b: {  	v8 =	vmul.f32 v8, v5;
	v7 =	vmul.f32 v7, v6  }
0x33c: {  	s29 =	simm.s32 $0x80;
	s0 =	simm.s32 $0x10  }
0x33d: {  	s30 =	sand.u32 $0x1C00, s29;
	s0 =	sand.u32 $0x70, s0;
	v7 =	vadd.f32 v7, v8  }
0x33e: {  	s31 =	sor.u32 s30, s0;
	s30 =	simm.s32 $0x20  }
.LBB2_62:
0x33f: {  	p0 =	seq.s32 s30, $0x3F0;
	v8 =	vld [tilespmem:s31+$0xE500];
	[tilespmem:s28+$0xA500] =	vst v7;
	s28 =	smov.u32 s31  }
0x340: {  	v7 =	vld [tilespmem:s28+$0xA500];
	_ =	sdelay $0x3  }
.Ltmp30:
0x341: {  	(pc) =	sbr.rel @!p0 .LBB2_62-.Ltmp30, $4  }
0x342: {  	v8 =	vmul.f32 v8, v6;
	v7 =	vmul.f32 v7, v5  }
0x343: {  	s29 =	sadd.s32 $0x80, s29  }
0x344: {  	s0 =	sand.u32 $0x70, s30;
	s31 =	sand.u32 $0x1C00, s29;
	v7 =	vadd.f32 v8, v7  }
0x345: {  	s30 =	sadd.s32 $0x10, s30;
	s31 =	sor.u32 s31, s0  }
0x346: {  	v8 =	vld [tilespmem:s31+$0xE500];
	[tilespmem:s28+$0xA500] =	vst v7  }
0x347: {  	v7 =	vld [tilespmem:s31+$0xA500];
	_ =	sdelay $0x4  }
0x348: {  	v6 =	vmul.f32 v8, v6;
	v5 =	vmul.f32 v7, v5;
	_ =	sdelay $0x1  }
0x349: {  	s28 =	simm.s32 $0x0;
	v5 =	vadd.f32 v6, v5  }
0x34a: {  	s0 =	sor.u32 s28, s28  }
0x34b: {  	s28 =	sor.u32 $0x2380, s0;
	[tilespmem:s31+$0xA500] =	vst v5  }
0x34c: {  	v5 =	vld [tilespmem:s28+$0xC200]  }
0x34d: {  	v6 =	vld [tilespmem:s28+$0x8200];
	_ =	sdelay $0x2  }
0x34e: {  	v3 =	vbroadcast v3, $0xF;
	v4 =	vbroadcast v4, $0xF;
	_ =	sdelay $0x1  }
0x34f: {  	v6 =	vmul.f32 v6, v3;
	v5 =	vmul.f32 v5, v4  }
0x350: {  	s29 =	simm.s32 $0x80;
	s0 =	simm.s32 $0x10  }
0x351: {  	s0 =	sor.u32 s29, s0;
	v5 =	vadd.f32 v5, v6  }
0x352: {  	s30 =	simm.s32 $0x20;
	s31 =	sor.u32 $0x2380, s0  }
.LBB2_64:
0x353: {  	p0 =	sne.s32 s30, $0x3F0;
	v6 =	vld [tilespmem:s31+$0xC200];
	[tilespmem:s28+$0x8200] =	vst v5;
	s28 =	smov.u32 s31  }
0x354: {  	v5 =	vld [tilespmem:s28+$0x8200];
	_ =	sdelay $0x3  }
.Ltmp31:
0x355: {  	(pc) =	sbr.rel @p0 .LBB2_64-.Ltmp31, $4  }
0x356: {  	v6 =	vmul.f32 v6, v4;
	v5 =	vmul.f32 v5, v3  }
0x357: {  	s29 =	sadd.s32 $0x80, s29  }
0x358: {  	s0 =	sor.u32 s29, s30;
	v5 =	vadd.f32 v6, v5  }
0x359: {  	s30 =	sadd.s32 $0x10, s30;
	s31 =	sor.u32 $0x2380, s0  }
0x35a: {  	v6 =	vld [tilespmem:s31+$0xC200];
	[tilespmem:s28+$0x8200] =	vst v5  }
0x35b: {  	v5 =	vld [tilespmem:s31+$0x8200];
	_ =	sdelay $0x4  }
0x35c: {  	v4 =	vmul.f32 v6, v4;
	v3 =	vmul.f32 v5, v3;
	_ =	sdelay $0x1  }
0x35d: {  	v3 =	vadd.f32 v4, v3;
	_ =	sdelay $0x1  }
0x35e: {  	s28 =	simm.s32 $0x0;
	[tilespmem:s31+$0x8200] =	vst v3  }
0x35f: {  	[hbm4b:s12+s28] =	stream.linear.scatter [tilespmem:s21], [sflag:$0x2], $0x4000, $0x38;
	[tilespmem:$0x18200] =	vst v63  }
0x360: {  	_ =	swait.ge [sflag:s25], $0x4000  }
0x361: {  	[sflag:s25] =	ssyncset.done $0x0  }
0x362: {  	[sflag:s25] =	ssyncadd.s32 $0xFFFFC000  }
0x363: {  	_ =	swait.ge [sflag:s25], $0x4000  }
0x364: {  	[sflag:s25] =	ssyncset.done $0x0  }
0x365: {  	[sflag:s25] =	ssyncadd.s32 $0xFFFFC000  }
0x366: {  	s0 =	sand.u32 $0x70, s28;
	s28 =	sand.u32 $0x1C00, s28;
	v3 =	vld [tilespmem:$0x120]  }
0x367: {  	s28 =	sor.u32 s0, s28;
	v4 =	vld [tilespmem:$0x1A0]  }
0x368: {  	v7 =	vld [tilespmem:s28+$0x14200]  }
0x369: {  	v8 =	vld [tilespmem:s28+$0x10200];
	_ =	sdelay $0x2  }
0x36a: {  	v5 =	vbroadcast v3, $0x0;
	v6 =	vbroadcast v4, $0x0;
	_ =	sdelay $0x1  }
0x36b: {  	v8 =	vmul.f32 v8, v5;
	v7 =	vmul.f32 v7, v6  }
0x36c: {  	s29 =	simm.s32 $0x80;
	s0 =	simm.s32 $0x10  }
0x36d: {  	s30 =	sand.u32 $0x1C00, s29;
	s0 =	sand.u32 $0x70, s0;
	v7 =	vadd.f32 v7, v8  }
0x36e: {  	s31 =	sor.u32 s0, s30;
	s30 =	simm.s32 $0x20  }
.LBB2_66:
0x36f: {  	p0 =	seq.s32 s30, $0x3F0;
	v8 =	vld [tilespmem:s31+$0x14200];
	[tilespmem:s28+$0x10200] =	vst v7;
	s28 =	smov.u32 s31  }
0x370: {  	v7 =	vld [tilespmem:s28+$0x10200];
	_ =	sdelay $0x3  }
.Ltmp32:
0x371: {  	(pc) =	sbr.rel @!p0 .LBB2_66-.Ltmp32, $4  }
0x372: {  	v8 =	vmul.f32 v8, v6;
	v7 =	vmul.f32 v7, v5  }
0x373: {  	s29 =	sadd.s32 $0x80, s29  }
0x374: {  	s0 =	sand.u32 $0x70, s30;
	s31 =	sand.u32 $0x1C00, s29;
	v7 =	vadd.f32 v8, v7  }
0x375: {  	s30 =	sadd.s32 $0x10, s30;
	s31 =	sor.u32 s0, s31  }
0x376: {  	v8 =	vld [tilespmem:s31+$0x14200];
	[tilespmem:s28+$0x10200] =	vst v7  }
0x377: {  	v7 =	vld [tilespmem:s31+$0x10200];
	_ =	sdelay $0x4  }
0x378: {  	v6 =	vmul.f32 v8, v6;
	v5 =	vmul.f32 v7, v5;
	_ =	sdelay $0x1  }
0x379: {  	s28 =	simm.s32 $0x0;
	v5 =	vadd.f32 v6, v5  }
0x37a: {  	s0 =	sand.u32 $0x70, s28;
	s28 =	sand.u32 $0x1C00, s28  }
0x37b: {  	s28 =	sor.u32 s28, s0;
	[tilespmem:s31+$0x10200] =	vst v5  }
0x37c: {  	v7 =	vld [tilespmem:s28+$0x14280]  }
0x37d: {  	v8 =	vld [tilespmem:s28+$0x10280];
	_ =	sdelay $0x2  }
0x37e: {  	v6 =	vbroadcast v4, $0x1;
	v5 =	vbroadcast v3, $0x1;
	_ =	sdelay $0x1  }
0x37f: {  	v8 =	vmul.f32 v8, v5;
	v7 =	vmul.f32 v7, v6  }
0x380: {  	s29 =	simm.s32 $0x80;
	s0 =	simm.s32 $0x10  }
0x381: {  	s30 =	sand.u32 $0x1C00, s29;
	s0 =	sand.u32 $0x70, s0;
	v7 =	vadd.f32 v7, v8  }
0x382: {  	s31 =	sor.u32 s30, s0;
	s30 =	simm.s32 $0x20  }
.LBB2_68:
0x383: {  	p0 =	seq.s32 s30, $0x3F0;
	v8 =	vld [tilespmem:s31+$0x14280];
	[tilespmem:s28+$0x10280] =	vst v7;
	s28 =	smov.u32 s31  }
0x384: {  	v7 =	vld [tilespmem:s28+$0x10280];
	_ =	sdelay $0x3  }
.Ltmp33:
0x385: {  	(pc) =	sbr.rel @!p0 .LBB2_68-.Ltmp33, $4  }
0x386: {  	v8 =	vmul.f32 v8, v6;
	v7 =	vmul.f32 v7, v5  }
0x387: {  	s29 =	sadd.s32 $0x80, s29  }
0x388: {  	s0 =	sand.u32 $0x70, s30;
	s31 =	sand.u32 $0x1C00, s29;
	v7 =	vadd.f32 v8, v7  }
0x389: {  	s30 =	sadd.s32 $0x10, s30;
	s31 =	sor.u32 s31, s0  }
0x38a: {  	v8 =	vld [tilespmem:s31+$0x14280];
	[tilespmem:s28+$0x10280] =	vst v7  }
0x38b: {  	v7 =	vld [tilespmem:s31+$0x10280];
	_ =	sdelay $0x4  }
0x38c: {  	v6 =	vmul.f32 v8, v6;
	v5 =	vmul.f32 v7, v5;
	_ =	sdelay $0x1  }
0x38d: {  	s28 =	simm.s32 $0x0;
	v5 =	vadd.f32 v6, v5  }
0x38e: {  	s0 =	sand.u32 $0x70, s28;
	s28 =	sand.u32 $0x1C00, s28  }
0x38f: {  	s28 =	sor.u32 s28, s0;
	[tilespmem:s31+$0x10280] =	vst v5  }
0x390: {  	v7 =	vld [tilespmem:s28+$0x14300]  }
0x391: {  	v8 =	vld [tilespmem:s28+$0x10300];
	_ =	sdelay $0x2  }
0x392: {  	v6 =	vbroadcast v4, $0x2;
	v5 =	vbroadcast v3, $0x2;
	_ =	sdelay $0x1  }
0x393: {  	v8 =	vmul.f32 v8, v5;
	v7 =	vmul.f32 v7, v6  }
0x394: {  	s29 =	simm.s32 $0x80;
	s0 =	simm.s32 $0x10  }
0x395: {  	s30 =	sand.u32 $0x1C00, s29;
	s0 =	sand.u32 $0x70, s0;
	v7 =	vadd.f32 v7, v8  }
0x396: {  	s31 =	sor.u32 s30, s0;
	s30 =	simm.s32 $0x20  }
.LBB2_70:
0x397: {  	p0 =	seq.s32 s30, $0x3F0;
	v8 =	vld [tilespmem:s31+$0x14300];
	[tilespmem:s28+$0x10300] =	vst v7;
	s28 =	smov.u32 s31  }
0x398: {  	v7 =	vld [tilespmem:s28+$0x10300];
	_ =	sdelay $0x3  }
.Ltmp34:
0x399: {  	(pc) =	sbr.rel @!p0 .LBB2_70-.Ltmp34, $4  }
0x39a: {  	v8 =	vmul.f32 v8, v6;
	v7 =	vmul.f32 v7, v5  }
0x39b: {  	s29 =	sadd.s32 $0x80, s29  }
0x39c: {  	s0 =	sand.u32 $0x70, s30;
	s31 =	sand.u32 $0x1C00, s29;
	v7 =	vadd.f32 v8, v7  }
0x39d: {  	s30 =	sadd.s32 $0x10, s30;
	s31 =	sor.u32 s31, s0  }
0x39e: {  	v8 =	vld [tilespmem:s31+$0x14300];
	[tilespmem:s28+$0x10300] =	vst v7  }
0x39f: {  	v7 =	vld [tilespmem:s31+$0x10300];
	_ =	sdelay $0x4  }
0x3a0: {  	v6 =	vmul.f32 v8, v6;
	v5 =	vmul.f32 v7, v5;
	_ =	sdelay $0x1  }
0x3a1: {  	s28 =	simm.s32 $0x0;
	v5 =	vadd.f32 v6, v5  }
0x3a2: {  	s0 =	sand.u32 $0x70, s28;
	s28 =	sand.u32 $0x1C00, s28  }
0x3a3: {  	s28 =	sor.u32 s28, s0;
	[tilespmem:s31+$0x10300] =	vst v5  }
0x3a4: {  	v7 =	vld [tilespmem:s28+$0x14380]  }
0x3a5: {  	v8 =	vld [tilespmem:s28+$0x10380];
	_ =	sdelay $0x2  }
0x3a6: {  	v6 =	vbroadcast v4, $0x3;
	v5 =	vbroadcast v3, $0x3;
	_ =	sdelay $0x1  }
0x3a7: {  	v8 =	vmul.f32 v8, v5;
	v7 =	vmul.f32 v7, v6  }
0x3a8: {  	s29 =	simm.s32 $0x80;
	s0 =	simm.s32 $0x10  }
0x3a9: {  	s30 =	sand.u32 $0x1C00, s29;
	s0 =	sand.u32 $0x70, s0;
	v7 =	vadd.f32 v7, v8  }
0x3aa: {  	s31 =	sor.u32 s30, s0;
	s30 =	simm.s32 $0x20  }
.LBB2_72:
0x3ab: {  	p0 =	seq.s32 s30, $0x3F0;
	v8 =	vld [tilespmem:s31+$0x14380];
	[tilespmem:s28+$0x10380] =	vst v7;
	s28 =	smov.u32 s31  }
0x3ac: {  	v7 =	vld [tilespmem:s28+$0x10380];
	_ =	sdelay $0x3  }
.Ltmp35:
0x3ad: {  	(pc) =	sbr.rel @!p0 .LBB2_72-.Ltmp35, $4  }
0x3ae: {  	v8 =	vmul.f32 v8, v6;
	v7 =	vmul.f32 v7, v5  }
0x3af: {  	s29 =	sadd.s32 $0x80, s29  }
0x3b0: {  	s0 =	sand.u32 $0x70, s30;
	s31 =	sand.u32 $0x1C00, s29;
	v7 =	vadd.f32 v8, v7  }
0x3b1: {  	s30 =	sadd.s32 $0x10, s30;
	s31 =	sor.u32 s31, s0  }
0x3b2: {  	v8 =	vld [tilespmem:s31+$0x14380];
	[tilespmem:s28+$0x10380] =	vst v7  }
0x3b3: {  	v7 =	vld [tilespmem:s31+$0x10380];
	_ =	sdelay $0x4  }
0x3b4: {  	v6 =	vmul.f32 v8, v6;
	v5 =	vmul.f32 v7, v5;
	_ =	sdelay $0x1  }
0x3b5: {  	s28 =	simm.s32 $0x0;
	v5 =	vadd.f32 v6, v5  }
0x3b6: {  	s0 =	sand.u32 $0x70, s28;
	s28 =	sand.u32 $0x1C00, s28  }
0x3b7: {  	s28 =	sor.u32 s28, s0;
	[tilespmem:s31+$0x10380] =	vst v5  }
0x3b8: {  	v7 =	vld [tilespmem:s28+$0x14400]  }
0x3b9: {  	v8 =	vld [tilespmem:s28+$0x10400];
	_ =	sdelay $0x2  }
0x3ba: {  	v6 =	vbroadcast v4, $0x4;
	v5 =	vbroadcast v3, $0x4;
	_ =	sdelay $0x1  }
0x3bb: {  	v8 =	vmul.f32 v8, v5;
	v7 =	vmul.f32 v7, v6  }
0x3bc: {  	s29 =	simm.s32 $0x80;
	s0 =	simm.s32 $0x10  }
0x3bd: {  	s30 =	sand.u32 $0x1C00, s29;
	s0 =	sand.u32 $0x70, s0;
	v7 =	vadd.f32 v7, v8  }
0x3be: {  	s31 =	sor.u32 s30, s0;
	s30 =	simm.s32 $0x20  }
.LBB2_74:
0x3bf: {  	p0 =	seq.s32 s30, $0x3F0;
	v8 =	vld [tilespmem:s31+$0x14400];
	[tilespmem:s28+$0x10400] =	vst v7;
	s28 =	smov.u32 s31  }
0x3c0: {  	v7 =	vld [tilespmem:s28+$0x10400];
	_ =	sdelay $0x3  }
.Ltmp36:
0x3c1: {  	(pc) =	sbr.rel @!p0 .LBB2_74-.Ltmp36, $4  }
0x3c2: {  	v8 =	vmul.f32 v8, v6;
	v7 =	vmul.f32 v7, v5  }
0x3c3: {  	s29 =	sadd.s32 $0x80, s29  }
0x3c4: {  	s0 =	sand.u32 $0x70, s30;
	s31 =	sand.u32 $0x1C00, s29;
	v7 =	vadd.f32 v8, v7  }
0x3c5: {  	s30 =	sadd.s32 $0x10, s30;
	s31 =	sor.u32 s31, s0  }
0x3c6: {  	v8 =	vld [tilespmem:s31+$0x14400];
	[tilespmem:s28+$0x10400] =	vst v7  }
0x3c7: {  	v7 =	vld [tilespmem:s31+$0x10400];
	_ =	sdelay $0x4  }
0x3c8: {  	v6 =	vmul.f32 v8, v6;
	v5 =	vmul.f32 v7, v5;
	_ =	sdelay $0x1  }
0x3c9: {  	s28 =	simm.s32 $0x0;
	v5 =	vadd.f32 v6, v5  }
0x3ca: {  	s0 =	sand.u32 $0x70, s28;
	s28 =	sand.u32 $0x1C00, s28  }
0x3cb: {  	s28 =	sor.u32 s28, s0;
	[tilespmem:s31+$0x10400] =	vst v5  }
0x3cc: {  	v7 =	vld [tilespmem:s28+$0x14480]  }
0x3cd: {  	v8 =	vld [tilespmem:s28+$0x10480];
	_ =	sdelay $0x2  }
0x3ce: {  	v6 =	vbroadcast v4, $0x5;
	v5 =	vbroadcast v3, $0x5;
	_ =	sdelay $0x1  }
0x3cf: {  	v8 =	vmul.f32 v8, v5;
	v7 =	vmul.f32 v7, v6  }
0x3d0: {  	s29 =	simm.s32 $0x80;
	s0 =	simm.s32 $0x10  }
0x3d1: {  	s30 =	sand.u32 $0x1C00, s29;
	s0 =	sand.u32 $0x70, s0;
	v7 =	vadd.f32 v7, v8  }
0x3d2: {  	s31 =	sor.u32 s30, s0;
	s30 =	simm.s32 $0x20  }
.LBB2_76:
0x3d3: {  	p0 =	seq.s32 s30, $0x3F0;
	v8 =	vld [tilespmem:s31+$0x14480];
	[tilespmem:s28+$0x10480] =	vst v7;
	s28 =	smov.u32 s31  }
0x3d4: {  	v7 =	vld [tilespmem:s28+$0x10480];
	_ =	sdelay $0x3  }
.Ltmp37:
0x3d5: {  	(pc) =	sbr.rel @!p0 .LBB2_76-.Ltmp37, $4  }
0x3d6: {  	v8 =	vmul.f32 v8, v6;
	v7 =	vmul.f32 v7, v5  }
0x3d7: {  	s29 =	sadd.s32 $0x80, s29  }
0x3d8: {  	s0 =	sand.u32 $0x70, s30;
	s31 =	sand.u32 $0x1C00, s29;
	v7 =	vadd.f32 v8, v7  }
0x3d9: {  	s30 =	sadd.s32 $0x10, s30;
	s31 =	sor.u32 s31, s0  }
0x3da: {  	v8 =	vld [tilespmem:s31+$0x14480];
	[tilespmem:s28+$0x10480] =	vst v7  }
0x3db: {  	v7 =	vld [tilespmem:s31+$0x10480];
	_ =	sdelay $0x4  }
0x3dc: {  	v6 =	vmul.f32 v8, v6;
	v5 =	vmul.f32 v7, v5;
	_ =	sdelay $0x1  }
0x3dd: {  	s28 =	simm.s32 $0x0;
	v5 =	vadd.f32 v6, v5  }
0x3de: {  	s0 =	sand.u32 $0x70, s28;
	s28 =	sand.u32 $0x1C00, s28  }
0x3df: {  	s28 =	sor.u32 s28, s0;
	[tilespmem:s31+$0x10480] =	vst v5  }
0x3e0: {  	v7 =	vld [tilespmem:s28+$0x14500]  }
0x3e1: {  	v8 =	vld [tilespmem:s28+$0x10500];
	_ =	sdelay $0x2  }
0x3e2: {  	v6 =	vbroadcast v4, $0x6;
	v5 =	vbroadcast v3, $0x6;
	_ =	sdelay $0x1  }
0x3e3: {  	v8 =	vmul.f32 v8, v5;
	v7 =	vmul.f32 v7, v6  }
0x3e4: {  	s29 =	simm.s32 $0x80;
	s0 =	simm.s32 $0x10  }
0x3e5: {  	s30 =	sand.u32 $0x1C00, s29;
	s0 =	sand.u32 $0x70, s0;
	v7 =	vadd.f32 v7, v8  }
0x3e6: {  	s31 =	sor.u32 s30, s0;
	s30 =	simm.s32 $0x20  }
.LBB2_78:
0x3e7: {  	p0 =	seq.s32 s30, $0x3F0;
	v8 =	vld [tilespmem:s31+$0x14500];
	[tilespmem:s28+$0x10500] =	vst v7;
	s28 =	smov.u32 s31  }
0x3e8: {  	v7 =	vld [tilespmem:s28+$0x10500];
	_ =	sdelay $0x3  }
.Ltmp38:
0x3e9: {  	(pc) =	sbr.rel @!p0 .LBB2_78-.Ltmp38, $4  }
0x3ea: {  	v8 =	vmul.f32 v8, v6;
	v7 =	vmul.f32 v7, v5  }
0x3eb: {  	s29 =	sadd.s32 $0x80, s29  }
0x3ec: {  	s0 =	sand.u32 $0x70, s30;
	s31 =	sand.u32 $0x1C00, s29;
	v7 =	vadd.f32 v8, v7  }
0x3ed: {  	s30 =	sadd.s32 $0x10, s30;
	s31 =	sor.u32 s31, s0  }
0x3ee: {  	v8 =	vld [tilespmem:s31+$0x14500];
	[tilespmem:s28+$0x10500] =	vst v7  }
0x3ef: {  	v7 =	vld [tilespmem:s31+$0x10500];
	_ =	sdelay $0x4  }
0x3f0: {  	v6 =	vmul.f32 v8, v6;
	v5 =	vmul.f32 v7, v5;
	_ =	sdelay $0x1  }
0x3f1: {  	s28 =	simm.s32 $0x0;
	v5 =	vadd.f32 v6, v5  }
0x3f2: {  	s0 =	sor.u32 s28, s28  }
0x3f3: {  	s28 =	sor.u32 $0x380, s0;
	[tilespmem:s31+$0x10500] =	vst v5  }
0x3f4: {  	v7 =	vld [tilespmem:s28+$0x14200]  }
0x3f5: {  	v8 =	vld [tilespmem:s28+$0x10200];
	_ =	sdelay $0x2  }
0x3f6: {  	v6 =	vbroadcast v4, $0x7;
	v5 =	vbroadcast v3, $0x7;
	_ =	sdelay $0x1  }
0x3f7: {  	v8 =	vmul.f32 v8, v5;
	v7 =	vmul.f32 v7, v6  }
0x3f8: {  	s29 =	simm.s32 $0x80;
	s0 =	simm.s32 $0x10  }
0x3f9: {  	s0 =	sor.u32 s29, s0;
	v7 =	vadd.f32 v7, v8  }
0x3fa: {  	s30 =	simm.s32 $0x20;
	s31 =	sor.u32 $0x380, s0  }
.LBB2_80:
0x3fb: {  	p0 =	seq.s32 s30, $0x3F0;
	v8 =	vld [tilespmem:s31+$0x14200];
	[tilespmem:s28+$0x10200] =	vst v7;
	s28 =	smov.u32 s31  }
0x3fc: {  	v7 =	vld [tilespmem:s28+$0x10200];
	_ =	sdelay $0x3  }
.Ltmp39:
0x3fd: {  	(pc) =	sbr.rel @!p0 .LBB2_80-.Ltmp39, $4  }
0x3fe: {  	v8 =	vmul.f32 v8, v6;
	v7 =	vmul.f32 v7, v5  }
0x3ff: {  	s29 =	sadd.s32 $0x80, s29  }
0x400: {  	s0 =	sor.u32 s29, s30;
	v7 =	vadd.f32 v8, v7  }
0x401: {  	s30 =	sadd.s32 $0x10, s30;
	s31 =	sor.u32 $0x380, s0  }
0x402: {  	v8 =	vld [tilespmem:s31+$0x14200];
	[tilespmem:s28+$0x10200] =	vst v7  }
0x403: {  	v7 =	vld [tilespmem:s31+$0x10200];
	_ =	sdelay $0x4  }
0x404: {  	v6 =	vmul.f32 v8, v6;
	v5 =	vmul.f32 v7, v5;
	_ =	sdelay $0x1  }
0x405: {  	s28 =	simm.s32 $0x0;
	v5 =	vadd.f32 v6, v5  }
0x406: {  	s0 =	sand.u32 $0x70, s28;
	s28 =	sand.u32 $0x1C00, s28  }
0x407: {  	s28 =	sor.u32 s28, s0;
	[tilespmem:s31+$0x10200] =	vst v5  }
0x408: {  	v7 =	vld [tilespmem:s28+$0x16200]  }
0x409: {  	v8 =	vld [tilespmem:s28+$0x12200];
	_ =	sdelay $0x2  }
0x40a: {  	v6 =	vbroadcast v4, $0x8;
	v5 =	vbroadcast v3, $0x8;
	_ =	sdelay $0x1  }
0x40b: {  	v8 =	vmul.f32 v8, v5;
	v7 =	vmul.f32 v7, v6  }
0x40c: {  	s29 =	simm.s32 $0x80;
	s0 =	simm.s32 $0x10  }
0x40d: {  	s30 =	sand.u32 $0x1C00, s29;
	s0 =	sand.u32 $0x70, s0;
	v7 =	vadd.f32 v7, v8  }
0x40e: {  	s31 =	sor.u32 s30, s0;
	s30 =	simm.s32 $0x20  }
.LBB2_82:
0x40f: {  	p0 =	seq.s32 s30, $0x3F0;
	v8 =	vld [tilespmem:s31+$0x16200];
	[tilespmem:s28+$0x12200] =	vst v7;
	s28 =	smov.u32 s31  }
0x410: {  	v7 =	vld [tilespmem:s28+$0x12200];
	_ =	sdelay $0x3  }
.Ltmp40:
0x411: {  	(pc) =	sbr.rel @!p0 .LBB2_82-.Ltmp40, $4  }
0x412: {  	v8 =	vmul.f32 v8, v6;
	v7 =	vmul.f32 v7, v5  }
0x413: {  	s29 =	sadd.s32 $0x80, s29  }
0x414: {  	s0 =	sand.u32 $0x70, s30;
	s31 =	sand.u32 $0x1C00, s29;
	v7 =	vadd.f32 v8, v7  }
0x415: {  	s30 =	sadd.s32 $0x10, s30;
	s31 =	sor.u32 s31, s0  }
0x416: {  	v8 =	vld [tilespmem:s31+$0x16200];
	[tilespmem:s28+$0x12200] =	vst v7  }
0x417: {  	v7 =	vld [tilespmem:s31+$0x12200];
	_ =	sdelay $0x4  }
0x418: {  	v6 =	vmul.f32 v8, v6;
	v5 =	vmul.f32 v7, v5;
	_ =	sdelay $0x1  }
0x419: {  	s28 =	simm.s32 $0x0;
	v5 =	vadd.f32 v6, v5  }
0x41a: {  	s0 =	sand.u32 $0x70, s28;
	s28 =	sand.u32 $0x1C00, s28  }
0x41b: {  	s28 =	sor.u32 s28, s0;
	[tilespmem:s31+$0x12200] =	vst v5  }
0x41c: {  	v7 =	vld [tilespmem:s28+$0x16280]  }
0x41d: {  	v8 =	vld [tilespmem:s28+$0x12280];
	_ =	sdelay $0x2  }
0x41e: {  	v6 =	vbroadcast v4, $0x9;
	v5 =	vbroadcast v3, $0x9;
	_ =	sdelay $0x1  }
0x41f: {  	v8 =	vmul.f32 v8, v5;
	v7 =	vmul.f32 v7, v6  }
0x420: {  	s29 =	simm.s32 $0x80;
	s0 =	simm.s32 $0x10  }
0x421: {  	s30 =	sand.u32 $0x1C00, s29;
	s0 =	sand.u32 $0x70, s0;
	v7 =	vadd.f32 v7, v8  }
0x422: {  	s31 =	sor.u32 s30, s0;
	s30 =	simm.s32 $0x20  }
.LBB2_84:
0x423: {  	p0 =	seq.s32 s30, $0x3F0;
	v8 =	vld [tilespmem:s31+$0x16280];
	[tilespmem:s28+$0x12280] =	vst v7;
	s28 =	smov.u32 s31  }
0x424: {  	v7 =	vld [tilespmem:s28+$0x12280];
	_ =	sdelay $0x3  }
.Ltmp41:
0x425: {  	(pc) =	sbr.rel @!p0 .LBB2_84-.Ltmp41, $4  }
0x426: {  	v8 =	vmul.f32 v8, v6;
	v7 =	vmul.f32 v7, v5  }
0x427: {  	s29 =	sadd.s32 $0x80, s29  }
0x428: {  	s0 =	sand.u32 $0x70, s30;
	s31 =	sand.u32 $0x1C00, s29;
	v7 =	vadd.f32 v8, v7  }
0x429: {  	s30 =	sadd.s32 $0x10, s30;
	s31 =	sor.u32 s31, s0  }
0x42a: {  	v8 =	vld [tilespmem:s31+$0x16280];
	[tilespmem:s28+$0x12280] =	vst v7  }
0x42b: {  	v7 =	vld [tilespmem:s31+$0x12280];
	_ =	sdelay $0x4  }
0x42c: {  	v6 =	vmul.f32 v8, v6;
	v5 =	vmul.f32 v7, v5;
	_ =	sdelay $0x1  }
0x42d: {  	s28 =	simm.s32 $0x0;
	v5 =	vadd.f32 v6, v5  }
0x42e: {  	s0 =	sand.u32 $0x70, s28;
	s28 =	sand.u32 $0x1C00, s28  }
0x42f: {  	s28 =	sor.u32 s28, s0;
	[tilespmem:s31+$0x12280] =	vst v5  }
0x430: {  	v7 =	vld [tilespmem:s28+$0x16300]  }
0x431: {  	v8 =	vld [tilespmem:s28+$0x12300];
	_ =	sdelay $0x2  }
0x432: {  	v6 =	vbroadcast v4, $0xA;
	v5 =	vbroadcast v3, $0xA;
	_ =	sdelay $0x1  }
0x433: {  	v8 =	vmul.f32 v8, v5;
	v7 =	vmul.f32 v7, v6  }
0x434: {  	s29 =	simm.s32 $0x80;
	s0 =	simm.s32 $0x10  }
0x435: {  	s30 =	sand.u32 $0x1C00, s29;
	s0 =	sand.u32 $0x70, s0;
	v7 =	vadd.f32 v7, v8  }
0x436: {  	s31 =	sor.u32 s30, s0;
	s30 =	simm.s32 $0x20  }
.LBB2_86:
0x437: {  	p0 =	seq.s32 s30, $0x3F0;
	v8 =	vld [tilespmem:s31+$0x16300];
	[tilespmem:s28+$0x12300] =	vst v7;
	s28 =	smov.u32 s31  }
0x438: {  	v7 =	vld [tilespmem:s28+$0x12300];
	_ =	sdelay $0x3  }
.Ltmp42:
0x439: {  	(pc) =	sbr.rel @!p0 .LBB2_86-.Ltmp42, $4  }
0x43a: {  	v8 =	vmul.f32 v8, v6;
	v7 =	vmul.f32 v7, v5  }
0x43b: {  	s29 =	sadd.s32 $0x80, s29  }
0x43c: {  	s0 =	sand.u32 $0x70, s30;
	s31 =	sand.u32 $0x1C00, s29;
	v7 =	vadd.f32 v8, v7  }
0x43d: {  	s30 =	sadd.s32 $0x10, s30;
	s31 =	sor.u32 s31, s0  }
0x43e: {  	v8 =	vld [tilespmem:s31+$0x16300];
	[tilespmem:s28+$0x12300] =	vst v7  }
0x43f: {  	v7 =	vld [tilespmem:s31+$0x12300];
	_ =	sdelay $0x4  }
0x440: {  	v6 =	vmul.f32 v8, v6;
	v5 =	vmul.f32 v7, v5;
	_ =	sdelay $0x1  }
0x441: {  	s28 =	simm.s32 $0x0;
	v5 =	vadd.f32 v6, v5  }
0x442: {  	s0 =	sand.u32 $0x70, s28;
	s28 =	sand.u32 $0x1C00, s28  }
0x443: {  	s28 =	sor.u32 s28, s0;
	[tilespmem:s31+$0x12300] =	vst v5  }
0x444: {  	v7 =	vld [tilespmem:s28+$0x16380]  }
0x445: {  	v8 =	vld [tilespmem:s28+$0x12380];
	_ =	sdelay $0x2  }
0x446: {  	v6 =	vbroadcast v4, $0xB;
	v5 =	vbroadcast v3, $0xB;
	_ =	sdelay $0x1  }
0x447: {  	v8 =	vmul.f32 v8, v5;
	v7 =	vmul.f32 v7, v6  }
0x448: {  	s29 =	simm.s32 $0x80;
	s0 =	simm.s32 $0x10  }
0x449: {  	s30 =	sand.u32 $0x1C00, s29;
	s0 =	sand.u32 $0x70, s0;
	v7 =	vadd.f32 v7, v8  }
0x44a: {  	s31 =	sor.u32 s30, s0;
	s30 =	simm.s32 $0x20  }
.LBB2_88:
0x44b: {  	p0 =	seq.s32 s30, $0x3F0;
	v8 =	vld [tilespmem:s31+$0x16380];
	[tilespmem:s28+$0x12380] =	vst v7;
	s28 =	smov.u32 s31  }
0x44c: {  	v7 =	vld [tilespmem:s28+$0x12380];
	_ =	sdelay $0x3  }
.Ltmp43:
0x44d: {  	(pc) =	sbr.rel @!p0 .LBB2_88-.Ltmp43, $4  }
0x44e: {  	v8 =	vmul.f32 v8, v6;
	v7 =	vmul.f32 v7, v5  }
0x44f: {  	s29 =	sadd.s32 $0x80, s29  }
0x450: {  	s0 =	sand.u32 $0x70, s30;
	s31 =	sand.u32 $0x1C00, s29;
	v7 =	vadd.f32 v8, v7  }
0x451: {  	s30 =	sadd.s32 $0x10, s30;
	s31 =	sor.u32 s31, s0  }
0x452: {  	v8 =	vld [tilespmem:s31+$0x16380];
	[tilespmem:s28+$0x12380] =	vst v7  }
0x453: {  	v7 =	vld [tilespmem:s31+$0x12380];
	_ =	sdelay $0x4  }
0x454: {  	v6 =	vmul.f32 v8, v6;
	v5 =	vmul.f32 v7, v5;
	_ =	sdelay $0x1  }
0x455: {  	s28 =	simm.s32 $0x0;
	v5 =	vadd.f32 v6, v5  }
0x456: {  	s0 =	sand.u32 $0x70, s28;
	s28 =	sand.u32 $0x1C00, s28  }
0x457: {  	s28 =	sor.u32 s28, s0;
	[tilespmem:s31+$0x12380] =	vst v5  }
0x458: {  	v7 =	vld [tilespmem:s28+$0x16400]  }
0x459: {  	v8 =	vld [tilespmem:s28+$0x12400];
	_ =	sdelay $0x2  }
0x45a: {  	v6 =	vbroadcast v4, $0xC;
	v5 =	vbroadcast v3, $0xC;
	_ =	sdelay $0x1  }
0x45b: {  	v8 =	vmul.f32 v8, v5;
	v7 =	vmul.f32 v7, v6  }
0x45c: {  	s29 =	simm.s32 $0x80;
	s0 =	simm.s32 $0x10  }
0x45d: {  	s30 =	sand.u32 $0x1C00, s29;
	s0 =	sand.u32 $0x70, s0;
	v7 =	vadd.f32 v7, v8  }
0x45e: {  	s31 =	sor.u32 s30, s0;
	s30 =	simm.s32 $0x20  }
.LBB2_90:
0x45f: {  	p0 =	seq.s32 s30, $0x3F0;
	v8 =	vld [tilespmem:s31+$0x16400];
	[tilespmem:s28+$0x12400] =	vst v7;
	s28 =	smov.u32 s31  }
0x460: {  	v7 =	vld [tilespmem:s28+$0x12400];
	_ =	sdelay $0x3  }
.Ltmp44:
0x461: {  	(pc) =	sbr.rel @!p0 .LBB2_90-.Ltmp44, $4  }
0x462: {  	v8 =	vmul.f32 v8, v6;
	v7 =	vmul.f32 v7, v5  }
0x463: {  	s29 =	sadd.s32 $0x80, s29  }
0x464: {  	s0 =	sand.u32 $0x70, s30;
	s31 =	sand.u32 $0x1C00, s29;
	v7 =	vadd.f32 v8, v7  }
0x465: {  	s30 =	sadd.s32 $0x10, s30;
	s31 =	sor.u32 s31, s0  }
0x466: {  	v8 =	vld [tilespmem:s31+$0x16400];
	[tilespmem:s28+$0x12400] =	vst v7  }
0x467: {  	v7 =	vld [tilespmem:s31+$0x12400];
	_ =	sdelay $0x4  }
0x468: {  	v6 =	vmul.f32 v8, v6;
	v5 =	vmul.f32 v7, v5;
	_ =	sdelay $0x1  }
0x469: {  	s28 =	simm.s32 $0x0;
	v5 =	vadd.f32 v6, v5  }
0x46a: {  	s0 =	sand.u32 $0x70, s28;
	s28 =	sand.u32 $0x1C00, s28  }
0x46b: {  	s28 =	sor.u32 s28, s0;
	[tilespmem:s31+$0x12400] =	vst v5  }
0x46c: {  	v7 =	vld [tilespmem:s28+$0x16480]  }
0x46d: {  	v8 =	vld [tilespmem:s28+$0x12480];
	_ =	sdelay $0x2  }
0x46e: {  	v6 =	vbroadcast v4, $0xD;
	v5 =	vbroadcast v3, $0xD;
	_ =	sdelay $0x1  }
0x46f: {  	v8 =	vmul.f32 v8, v5;
	v7 =	vmul.f32 v7, v6  }
0x470: {  	s29 =	simm.s32 $0x80;
	s0 =	simm.s32 $0x10  }
0x471: {  	s30 =	sand.u32 $0x1C00, s29;
	s0 =	sand.u32 $0x70, s0;
	v7 =	vadd.f32 v7, v8  }
0x472: {  	s31 =	sor.u32 s30, s0;
	s30 =	simm.s32 $0x20  }
.LBB2_92:
0x473: {  	p0 =	seq.s32 s30, $0x3F0;
	v8 =	vld [tilespmem:s31+$0x16480];
	[tilespmem:s28+$0x12480] =	vst v7;
	s28 =	smov.u32 s31  }
0x474: {  	v7 =	vld [tilespmem:s28+$0x12480];
	_ =	sdelay $0x3  }
.Ltmp45:
0x475: {  	(pc) =	sbr.rel @!p0 .LBB2_92-.Ltmp45, $4  }
0x476: {  	v8 =	vmul.f32 v8, v6;
	v7 =	vmul.f32 v7, v5  }
0x477: {  	s29 =	sadd.s32 $0x80, s29  }
0x478: {  	s0 =	sand.u32 $0x70, s30;
	s31 =	sand.u32 $0x1C00, s29;
	v7 =	vadd.f32 v8, v7  }
0x479: {  	s30 =	sadd.s32 $0x10, s30;
	s31 =	sor.u32 s31, s0  }
0x47a: {  	v8 =	vld [tilespmem:s31+$0x16480];
	[tilespmem:s28+$0x12480] =	vst v7  }
0x47b: {  	v7 =	vld [tilespmem:s31+$0x12480];
	_ =	sdelay $0x4  }
0x47c: {  	v6 =	vmul.f32 v8, v6;
	v5 =	vmul.f32 v7, v5;
	_ =	sdelay $0x1  }
0x47d: {  	s28 =	simm.s32 $0x0;
	v5 =	vadd.f32 v6, v5  }
0x47e: {  	s0 =	sand.u32 $0x70, s28;
	s28 =	sand.u32 $0x1C00, s28  }
0x47f: {  	s28 =	sor.u32 s28, s0;
	[tilespmem:s31+$0x12480] =	vst v5  }
0x480: {  	v7 =	vld [tilespmem:s28+$0x16500]  }
0x481: {  	v8 =	vld [tilespmem:s28+$0x12500];
	_ =	sdelay $0x2  }
0x482: {  	v6 =	vbroadcast v4, $0xE;
	v5 =	vbroadcast v3, $0xE;
	_ =	sdelay $0x1  }
0x483: {  	v8 =	vmul.f32 v8, v5;
	v7 =	vmul.f32 v7, v6  }
0x484: {  	s29 =	simm.s32 $0x80;
	s0 =	simm.s32 $0x10  }
0x485: {  	s30 =	sand.u32 $0x1C00, s29;
	s0 =	sand.u32 $0x70, s0;
	v7 =	vadd.f32 v7, v8  }
0x486: {  	s31 =	sor.u32 s30, s0;
	s30 =	simm.s32 $0x20  }
.LBB2_94:
0x487: {  	p0 =	seq.s32 s30, $0x3F0;
	v8 =	vld [tilespmem:s31+$0x16500];
	[tilespmem:s28+$0x12500] =	vst v7;
	s28 =	smov.u32 s31  }
0x488: {  	v7 =	vld [tilespmem:s28+$0x12500];
	_ =	sdelay $0x3  }
.Ltmp46:
0x489: {  	(pc) =	sbr.rel @!p0 .LBB2_94-.Ltmp46, $4  }
0x48a: {  	v8 =	vmul.f32 v8, v6;
	v7 =	vmul.f32 v7, v5  }
0x48b: {  	s29 =	sadd.s32 $0x80, s29  }
0x48c: {  	s0 =	sand.u32 $0x70, s30;
	s31 =	sand.u32 $0x1C00, s29;
	v7 =	vadd.f32 v8, v7  }
0x48d: {  	s30 =	sadd.s32 $0x10, s30;
	s31 =	sor.u32 s31, s0  }
0x48e: {  	v8 =	vld [tilespmem:s31+$0x16500];
	[tilespmem:s28+$0x12500] =	vst v7  }
0x48f: {  	v7 =	vld [tilespmem:s31+$0x12500];
	_ =	sdelay $0x4  }
0x490: {  	v6 =	vmul.f32 v8, v6;
	v5 =	vmul.f32 v7, v5;
	_ =	sdelay $0x1  }
0x491: {  	s28 =	simm.s32 $0x0;
	v5 =	vadd.f32 v6, v5  }
0x492: {  	s0 =	sor.u32 s28, s28  }
0x493: {  	s28 =	sor.u32 $0x2380, s0;
	[tilespmem:s31+$0x12500] =	vst v5  }
0x494: {  	v5 =	vld [tilespmem:s28+$0x14200]  }
0x495: {  	v6 =	vld [tilespmem:s28+$0x10200];
	_ =	sdelay $0x2  }
0x496: {  	v3 =	vbroadcast v3, $0xF;
	v4 =	vbroadcast v4, $0xF;
	_ =	sdelay $0x1  }
0x497: {  	v6 =	vmul.f32 v6, v3;
	v5 =	vmul.f32 v5, v4  }
0x498: {  	s29 =	simm.s32 $0x80;
	s0 =	simm.s32 $0x10  }
0x499: {  	s0 =	sor.u32 s29, s0;
	v5 =	vadd.f32 v5, v6  }
0x49a: {  	s30 =	simm.s32 $0x20;
	s31 =	sor.u32 $0x2380, s0  }
.LBB2_96:
0x49b: {  	p0 =	sne.s32 s30, $0x3F0;
	v6 =	vld [tilespmem:s31+$0x14200];
	[tilespmem:s28+$0x10200] =	vst v5;
	s28 =	smov.u32 s31  }
0x49c: {  	v5 =	vld [tilespmem:s28+$0x10200];
	_ =	sdelay $0x3  }
.Ltmp47:
0x49d: {  	(pc) =	sbr.rel @p0 .LBB2_96-.Ltmp47, $4  }
0x49e: {  	v6 =	vmul.f32 v6, v4;
	v5 =	vmul.f32 v5, v3  }
0x49f: {  	s29 =	sadd.s32 $0x80, s29  }
0x4a0: {  	s0 =	sor.u32 s29, s30;
	v5 =	vadd.f32 v6, v5  }
0x4a1: {  	s30 =	sadd.s32 $0x10, s30;
	s31 =	sor.u32 $0x2380, s0  }
0x4a2: {  	v6 =	vld [tilespmem:s31+$0x14200];
	[tilespmem:s28+$0x10200] =	vst v5  }
0x4a3: {  	v5 =	vld [tilespmem:s31+$0x10200];
	_ =	sdelay $0x4  }
0x4a4: {  	v4 =	vmul.f32 v6, v4;
	v3 =	vmul.f32 v5, v3;
	_ =	sdelay $0x1  }
0x4a5: {  	v3 =	vadd.f32 v4, v3;
	_ =	sdelay $0x1  }
0x4a6: {  	s28 =	simm.s32 $0x0;
	[tilespmem:s31+$0x10200] =	vst v3  }
0x4a7: {  	[hbm4b:s13+s28] =	stream.linear.scatter [tilespmem:s22], [sflag:$0x3], $0x4000, $0x38;
	[tilespmem:$0x18200] =	vst v63  }
0x4a8: {  	_ =	swait.ge [sflag:s23], $0x4000  }
0x4a9: {  	[sflag:s23] =	ssyncset.done $0x0  }
0x4aa: {  	[sflag:s23] =	ssyncadd.s32 $0xFFFFC000  }
0x4ab: {  	_ =	swait.ge [sflag:s23], $0x4000  }
0x4ac: {  	[sflag:s23] =	ssyncset.done $0x0  }
0x4ad: {  	[sflag:s23] =	ssyncadd.s32 $0xFFFFC000  }
0x4ae: {  	s0 =	sand.u32 $0x70, s28;
	s28 =	sand.u32 $0x1C00, s28;
	v3 =	vld [tilespmem:$0x130]  }
0x4af: {  	s28 =	sor.u32 s0, s28;
	v4 =	vld [tilespmem:$0x1B0]  }
0x4b0: {  	v7 =	vld [tilespmem:s28+$0x4200]  }
0x4b1: {  	v8 =	vld [tilespmem:s28+$0x200];
	_ =	sdelay $0x2  }
0x4b2: {  	v5 =	vbroadcast v3, $0x0;
	v6 =	vbroadcast v4, $0x0;
	_ =	sdelay $0x1  }
0x4b3: {  	v8 =	vmul.f32 v8, v5;
	v7 =	vmul.f32 v7, v6  }
0x4b4: {  	s29 =	simm.s32 $0x80;
	s0 =	simm.s32 $0x10  }
0x4b5: {  	s30 =	sand.u32 $0x1C00, s29;
	s0 =	sand.u32 $0x70, s0;
	v7 =	vadd.f32 v7, v8  }
0x4b6: {  	s31 =	sor.u32 s0, s30;
	s30 =	simm.s32 $0x20  }
.LBB2_98:
0x4b7: {  	p0 =	seq.s32 s30, $0x3F0;
	v8 =	vld [tilespmem:s31+$0x4200];
	[tilespmem:s28+$0x200] =	vst v7;
	s28 =	smov.u32 s31  }
0x4b8: {  	v7 =	vld [tilespmem:s28+$0x200];
	_ =	sdelay $0x3  }
.Ltmp48:
0x4b9: {  	(pc) =	sbr.rel @!p0 .LBB2_98-.Ltmp48, $4  }
0x4ba: {  	v8 =	vmul.f32 v8, v6;
	v7 =	vmul.f32 v7, v5  }
0x4bb: {  	s29 =	sadd.s32 $0x80, s29  }
0x4bc: {  	s0 =	sand.u32 $0x70, s30;
	s31 =	sand.u32 $0x1C00, s29;
	v7 =	vadd.f32 v8, v7  }
0x4bd: {  	s30 =	sadd.s32 $0x10, s30;
	s31 =	sor.u32 s0, s31  }
0x4be: {  	v8 =	vld [tilespmem:s31+$0x4200];
	[tilespmem:s28+$0x200] =	vst v7  }
0x4bf: {  	v7 =	vld [tilespmem:s31+$0x200];
	_ =	sdelay $0x4  }
0x4c0: {  	v6 =	vmul.f32 v8, v6;
	v5 =	vmul.f32 v7, v5;
	_ =	sdelay $0x1  }
0x4c1: {  	s28 =	simm.s32 $0x0;
	v5 =	vadd.f32 v6, v5  }
0x4c2: {  	s0 =	sand.u32 $0x70, s28;
	s28 =	sand.u32 $0x1C00, s28  }
0x4c3: {  	s28 =	sor.u32 s28, s0;
	[tilespmem:s31+$0x200] =	vst v5  }
0x4c4: {  	v7 =	vld [tilespmem:s28+$0x4280]  }
0x4c5: {  	v8 =	vld [tilespmem:s28+$0x280];
	_ =	sdelay $0x2  }
0x4c6: {  	v6 =	vbroadcast v4, $0x1;
	v5 =	vbroadcast v3, $0x1;
	_ =	sdelay $0x1  }
0x4c7: {  	v8 =	vmul.f32 v8, v5;
	v7 =	vmul.f32 v7, v6  }
0x4c8: {  	s29 =	simm.s32 $0x80;
	s0 =	simm.s32 $0x10  }
0x4c9: {  	s30 =	sand.u32 $0x1C00, s29;
	s0 =	sand.u32 $0x70, s0;
	v7 =	vadd.f32 v7, v8  }
0x4ca: {  	s31 =	sor.u32 s30, s0;
	s30 =	simm.s32 $0x20  }
.LBB2_100:
0x4cb: {  	p0 =	seq.s32 s30, $0x3F0;
	v8 =	vld [tilespmem:s31+$0x4280];
	[tilespmem:s28+$0x280] =	vst v7;
	s28 =	smov.u32 s31  }
0x4cc: {  	v7 =	vld [tilespmem:s28+$0x280];
	_ =	sdelay $0x3  }
.Ltmp49:
0x4cd: {  	(pc) =	sbr.rel @!p0 .LBB2_100-.Ltmp49, $4  }
0x4ce: {  	v8 =	vmul.f32 v8, v6;
	v7 =	vmul.f32 v7, v5  }
0x4cf: {  	s29 =	sadd.s32 $0x80, s29  }
0x4d0: {  	s0 =	sand.u32 $0x70, s30;
	s31 =	sand.u32 $0x1C00, s29;
	v7 =	vadd.f32 v8, v7  }
0x4d1: {  	s30 =	sadd.s32 $0x10, s30;
	s31 =	sor.u32 s31, s0  }
0x4d2: {  	v8 =	vld [tilespmem:s31+$0x4280];
	[tilespmem:s28+$0x280] =	vst v7  }
0x4d3: {  	v7 =	vld [tilespmem:s31+$0x280];
	_ =	sdelay $0x4  }
0x4d4: {  	v6 =	vmul.f32 v8, v6;
	v5 =	vmul.f32 v7, v5;
	_ =	sdelay $0x1  }
0x4d5: {  	s28 =	simm.s32 $0x0;
	v5 =	vadd.f32 v6, v5  }
0x4d6: {  	s0 =	sand.u32 $0x70, s28;
	s28 =	sand.u32 $0x1C00, s28  }
0x4d7: {  	s28 =	sor.u32 s28, s0;
	[tilespmem:s31+$0x280] =	vst v5  }
0x4d8: {  	v7 =	vld [tilespmem:s28+$0x4300]  }
0x4d9: {  	v8 =	vld [tilespmem:s28+$0x300];
	_ =	sdelay $0x2  }
0x4da: {  	v6 =	vbroadcast v4, $0x2;
	v5 =	vbroadcast v3, $0x2;
	_ =	sdelay $0x1  }
0x4db: {  	v8 =	vmul.f32 v8, v5;
	v7 =	vmul.f32 v7, v6  }
0x4dc: {  	s29 =	simm.s32 $0x80;
	s0 =	simm.s32 $0x10  }
0x4dd: {  	s30 =	sand.u32 $0x1C00, s29;
	s0 =	sand.u32 $0x70, s0;
	v7 =	vadd.f32 v7, v8  }
0x4de: {  	s31 =	sor.u32 s30, s0;
	s30 =	simm.s32 $0x20  }
.LBB2_102:
0x4df: {  	p0 =	seq.s32 s30, $0x3F0;
	v8 =	vld [tilespmem:s31+$0x4300];
	[tilespmem:s28+$0x300] =	vst v7;
	s28 =	smov.u32 s31  }
0x4e0: {  	v7 =	vld [tilespmem:s28+$0x300];
	_ =	sdelay $0x3  }
.Ltmp50:
0x4e1: {  	(pc) =	sbr.rel @!p0 .LBB2_102-.Ltmp50, $4  }
0x4e2: {  	v8 =	vmul.f32 v8, v6;
	v7 =	vmul.f32 v7, v5  }
0x4e3: {  	s29 =	sadd.s32 $0x80, s29  }
0x4e4: {  	s0 =	sand.u32 $0x70, s30;
	s31 =	sand.u32 $0x1C00, s29;
	v7 =	vadd.f32 v8, v7  }
0x4e5: {  	s30 =	sadd.s32 $0x10, s30;
	s31 =	sor.u32 s31, s0  }
0x4e6: {  	v8 =	vld [tilespmem:s31+$0x4300];
	[tilespmem:s28+$0x300] =	vst v7  }
0x4e7: {  	v7 =	vld [tilespmem:s31+$0x300];
	_ =	sdelay $0x4  }
0x4e8: {  	v6 =	vmul.f32 v8, v6;
	v5 =	vmul.f32 v7, v5;
	_ =	sdelay $0x1  }
0x4e9: {  	s28 =	simm.s32 $0x0;
	v5 =	vadd.f32 v6, v5  }
0x4ea: {  	s0 =	sand.u32 $0x70, s28;
	s28 =	sand.u32 $0x1C00, s28  }
0x4eb: {  	s28 =	sor.u32 s28, s0;
	[tilespmem:s31+$0x300] =	vst v5  }
0x4ec: {  	v7 =	vld [tilespmem:s28+$0x4380]  }
0x4ed: {  	v8 =	vld [tilespmem:s28+$0x380];
	_ =	sdelay $0x2  }
0x4ee: {  	v6 =	vbroadcast v4, $0x3;
	v5 =	vbroadcast v3, $0x3;
	_ =	sdelay $0x1  }
0x4ef: {  	v8 =	vmul.f32 v8, v5;
	v7 =	vmul.f32 v7, v6  }
0x4f0: {  	s29 =	simm.s32 $0x80;
	s0 =	simm.s32 $0x10  }
0x4f1: {  	s30 =	sand.u32 $0x1C00, s29;
	s0 =	sand.u32 $0x70, s0;
	v7 =	vadd.f32 v7, v8  }
0x4f2: {  	s31 =	sor.u32 s30, s0;
	s30 =	simm.s32 $0x20  }
.LBB2_104:
0x4f3: {  	p0 =	seq.s32 s30, $0x3F0;
	v8 =	vld [tilespmem:s31+$0x4380];
	[tilespmem:s28+$0x380] =	vst v7;
	s28 =	smov.u32 s31  }
0x4f4: {  	v7 =	vld [tilespmem:s28+$0x380];
	_ =	sdelay $0x3  }
.Ltmp51:
0x4f5: {  	(pc) =	sbr.rel @!p0 .LBB2_104-.Ltmp51, $4  }
0x4f6: {  	v8 =	vmul.f32 v8, v6;
	v7 =	vmul.f32 v7, v5  }
0x4f7: {  	s29 =	sadd.s32 $0x80, s29  }
0x4f8: {  	s0 =	sand.u32 $0x70, s30;
	s31 =	sand.u32 $0x1C00, s29;
	v7 =	vadd.f32 v8, v7  }
0x4f9: {  	s30 =	sadd.s32 $0x10, s30;
	s31 =	sor.u32 s31, s0  }
0x4fa: {  	v8 =	vld [tilespmem:s31+$0x4380];
	[tilespmem:s28+$0x380] =	vst v7  }
0x4fb: {  	v7 =	vld [tilespmem:s31+$0x380];
	_ =	sdelay $0x4  }
0x4fc: {  	v6 =	vmul.f32 v8, v6;
	v5 =	vmul.f32 v7, v5;
	_ =	sdelay $0x1  }
0x4fd: {  	s28 =	simm.s32 $0x0;
	v5 =	vadd.f32 v6, v5  }
0x4fe: {  	s0 =	sand.u32 $0x70, s28;
	s28 =	sand.u32 $0x1C00, s28  }
0x4ff: {  	s28 =	sor.u32 s28, s0;
	[tilespmem:s31+$0x380] =	vst v5  }
0x500: {  	v7 =	vld [tilespmem:s28+$0x4400]  }
0x501: {  	v8 =	vld [tilespmem:s28+$0x400];
	_ =	sdelay $0x2  }
0x502: {  	v6 =	vbroadcast v4, $0x4;
	v5 =	vbroadcast v3, $0x4;
	_ =	sdelay $0x1  }
0x503: {  	v8 =	vmul.f32 v8, v5;
	v7 =	vmul.f32 v7, v6  }
0x504: {  	s29 =	simm.s32 $0x80;
	s0 =	simm.s32 $0x10  }
0x505: {  	s30 =	sand.u32 $0x1C00, s29;
	s0 =	sand.u32 $0x70, s0;
	v7 =	vadd.f32 v7, v8  }
0x506: {  	s31 =	sor.u32 s30, s0;
	s30 =	simm.s32 $0x20  }
.LBB2_106:
0x507: {  	p0 =	seq.s32 s30, $0x3F0;
	v8 =	vld [tilespmem:s31+$0x4400];
	[tilespmem:s28+$0x400] =	vst v7;
	s28 =	smov.u32 s31  }
0x508: {  	v7 =	vld [tilespmem:s28+$0x400];
	_ =	sdelay $0x3  }
.Ltmp52:
0x509: {  	(pc) =	sbr.rel @!p0 .LBB2_106-.Ltmp52, $4  }
0x50a: {  	v8 =	vmul.f32 v8, v6;
	v7 =	vmul.f32 v7, v5  }
0x50b: {  	s29 =	sadd.s32 $0x80, s29  }
0x50c: {  	s0 =	sand.u32 $0x70, s30;
	s31 =	sand.u32 $0x1C00, s29;
	v7 =	vadd.f32 v8, v7  }
0x50d: {  	s30 =	sadd.s32 $0x10, s30;
	s31 =	sor.u32 s31, s0  }
0x50e: {  	v8 =	vld [tilespmem:s31+$0x4400];
	[tilespmem:s28+$0x400] =	vst v7  }
0x50f: {  	v7 =	vld [tilespmem:s31+$0x400];
	_ =	sdelay $0x4  }
0x510: {  	v6 =	vmul.f32 v8, v6;
	v5 =	vmul.f32 v7, v5;
	_ =	sdelay $0x1  }
0x511: {  	s28 =	simm.s32 $0x0;
	v5 =	vadd.f32 v6, v5  }
0x512: {  	s0 =	sand.u32 $0x70, s28;
	s28 =	sand.u32 $0x1C00, s28  }
0x513: {  	s28 =	sor.u32 s28, s0;
	[tilespmem:s31+$0x400] =	vst v5  }
0x514: {  	v7 =	vld [tilespmem:s28+$0x4480]  }
0x515: {  	v8 =	vld [tilespmem:s28+$0x480];
	_ =	sdelay $0x2  }
0x516: {  	v6 =	vbroadcast v4, $0x5;
	v5 =	vbroadcast v3, $0x5;
	_ =	sdelay $0x1  }
0x517: {  	v8 =	vmul.f32 v8, v5;
	v7 =	vmul.f32 v7, v6  }
0x518: {  	s29 =	simm.s32 $0x80;
	s0 =	simm.s32 $0x10  }
0x519: {  	s30 =	sand.u32 $0x1C00, s29;
	s0 =	sand.u32 $0x70, s0;
	v7 =	vadd.f32 v7, v8  }
0x51a: {  	s31 =	sor.u32 s30, s0;
	s30 =	simm.s32 $0x20  }
.LBB2_108:
0x51b: {  	p0 =	seq.s32 s30, $0x3F0;
	v8 =	vld [tilespmem:s31+$0x4480];
	[tilespmem:s28+$0x480] =	vst v7;
	s28 =	smov.u32 s31  }
0x51c: {  	v7 =	vld [tilespmem:s28+$0x480];
	_ =	sdelay $0x3  }
.Ltmp53:
0x51d: {  	(pc) =	sbr.rel @!p0 .LBB2_108-.Ltmp53, $4  }
0x51e: {  	v8 =	vmul.f32 v8, v6;
	v7 =	vmul.f32 v7, v5  }
0x51f: {  	s29 =	sadd.s32 $0x80, s29  }
0x520: {  	s0 =	sand.u32 $0x70, s30;
	s31 =	sand.u32 $0x1C00, s29;
	v7 =	vadd.f32 v8, v7  }
0x521: {  	s30 =	sadd.s32 $0x10, s30;
	s31 =	sor.u32 s31, s0  }
0x522: {  	v8 =	vld [tilespmem:s31+$0x4480];
	[tilespmem:s28+$0x480] =	vst v7  }
0x523: {  	v7 =	vld [tilespmem:s31+$0x480];
	_ =	sdelay $0x4  }
0x524: {  	v6 =	vmul.f32 v8, v6;
	v5 =	vmul.f32 v7, v5;
	_ =	sdelay $0x1  }
0x525: {  	s28 =	simm.s32 $0x0;
	v5 =	vadd.f32 v6, v5  }
0x526: {  	s0 =	sand.u32 $0x70, s28;
	s28 =	sand.u32 $0x1C00, s28  }
0x527: {  	s28 =	sor.u32 s28, s0;
	[tilespmem:s31+$0x480] =	vst v5  }
0x528: {  	v7 =	vld [tilespmem:s28+$0x4500]  }
0x529: {  	v8 =	vld [tilespmem:s28+$0x500];
	_ =	sdelay $0x2  }
0x52a: {  	v6 =	vbroadcast v4, $0x6;
	v5 =	vbroadcast v3, $0x6;
	_ =	sdelay $0x1  }
0x52b: {  	v8 =	vmul.f32 v8, v5;
	v7 =	vmul.f32 v7, v6  }
0x52c: {  	s29 =	simm.s32 $0x80;
	s0 =	simm.s32 $0x10  }
0x52d: {  	s30 =	sand.u32 $0x1C00, s29;
	s0 =	sand.u32 $0x70, s0;
	v7 =	vadd.f32 v7, v8  }
0x52e: {  	s31 =	sor.u32 s30, s0;
	s30 =	simm.s32 $0x20  }
.LBB2_110:
0x52f: {  	p0 =	seq.s32 s30, $0x3F0;
	v8 =	vld [tilespmem:s31+$0x4500];
	[tilespmem:s28+$0x500] =	vst v7;
	s28 =	smov.u32 s31  }
0x530: {  	v7 =	vld [tilespmem:s28+$0x500];
	_ =	sdelay $0x3  }
.Ltmp54:
0x531: {  	(pc) =	sbr.rel @!p0 .LBB2_110-.Ltmp54, $4  }
0x532: {  	v8 =	vmul.f32 v8, v6;
	v7 =	vmul.f32 v7, v5  }
0x533: {  	s29 =	sadd.s32 $0x80, s29  }
0x534: {  	s0 =	sand.u32 $0x70, s30;
	s31 =	sand.u32 $0x1C00, s29;
	v7 =	vadd.f32 v8, v7  }
0x535: {  	s30 =	sadd.s32 $0x10, s30;
	s31 =	sor.u32 s31, s0  }
0x536: {  	v8 =	vld [tilespmem:s31+$0x4500];
	[tilespmem:s28+$0x500] =	vst v7  }
0x537: {  	v7 =	vld [tilespmem:s31+$0x500];
	_ =	sdelay $0x4  }
0x538: {  	v6 =	vmul.f32 v8, v6;
	v5 =	vmul.f32 v7, v5;
	_ =	sdelay $0x1  }
0x539: {  	s28 =	simm.s32 $0x0;
	v5 =	vadd.f32 v6, v5  }
0x53a: {  	s0 =	sor.u32 s28, s28  }
0x53b: {  	s28 =	sor.u32 $0x380, s0;
	[tilespmem:s31+$0x500] =	vst v5  }
0x53c: {  	v7 =	vld [tilespmem:s28+$0x4200]  }
0x53d: {  	v8 =	vld [tilespmem:s28+$0x200];
	_ =	sdelay $0x2  }
0x53e: {  	v6 =	vbroadcast v4, $0x7;
	v5 =	vbroadcast v3, $0x7;
	_ =	sdelay $0x1  }
0x53f: {  	v8 =	vmul.f32 v8, v5;
	v7 =	vmul.f32 v7, v6  }
0x540: {  	s29 =	simm.s32 $0x80;
	s0 =	simm.s32 $0x10  }
0x541: {  	s0 =	sor.u32 s29, s0;
	v7 =	vadd.f32 v7, v8  }
0x542: {  	s30 =	simm.s32 $0x20;
	s31 =	sor.u32 $0x380, s0  }
.LBB2_112:
0x543: {  	p0 =	seq.s32 s30, $0x3F0;
	v8 =	vld [tilespmem:s31+$0x4200];
	[tilespmem:s28+$0x200] =	vst v7;
	s28 =	smov.u32 s31  }
0x544: {  	v7 =	vld [tilespmem:s28+$0x200];
	_ =	sdelay $0x3  }
.Ltmp55:
0x545: {  	(pc) =	sbr.rel @!p0 .LBB2_112-.Ltmp55, $4  }
0x546: {  	v8 =	vmul.f32 v8, v6;
	v7 =	vmul.f32 v7, v5  }
0x547: {  	s29 =	sadd.s32 $0x80, s29  }
0x548: {  	s0 =	sor.u32 s29, s30;
	v7 =	vadd.f32 v8, v7  }
0x549: {  	s30 =	sadd.s32 $0x10, s30;
	s31 =	sor.u32 $0x380, s0  }
0x54a: {  	v8 =	vld [tilespmem:s31+$0x4200];
	[tilespmem:s28+$0x200] =	vst v7  }
0x54b: {  	v7 =	vld [tilespmem:s31+$0x200];
	_ =	sdelay $0x4  }
0x54c: {  	v6 =	vmul.f32 v8, v6;
	v5 =	vmul.f32 v7, v5;
	_ =	sdelay $0x1  }
0x54d: {  	s28 =	simm.s32 $0x0;
	v5 =	vadd.f32 v6, v5  }
0x54e: {  	s0 =	sand.u32 $0x70, s28;
	s28 =	sand.u32 $0x1C00, s28  }
0x54f: {  	s28 =	sor.u32 s28, s0;
	[tilespmem:s31+$0x200] =	vst v5  }
0x550: {  	v7 =	vld [tilespmem:s28+$0x6200]  }
0x551: {  	v8 =	vld [tilespmem:s28+$0x2200];
	_ =	sdelay $0x2  }
0x552: {  	v6 =	vbroadcast v4, $0x8;
	v5 =	vbroadcast v3, $0x8;
	_ =	sdelay $0x1  }
0x553: {  	v8 =	vmul.f32 v8, v5;
	v7 =	vmul.f32 v7, v6  }
0x554: {  	s29 =	simm.s32 $0x80;
	s0 =	simm.s32 $0x10  }
0x555: {  	s30 =	sand.u32 $0x1C00, s29;
	s0 =	sand.u32 $0x70, s0;
	v7 =	vadd.f32 v7, v8  }
0x556: {  	s31 =	sor.u32 s30, s0;
	s30 =	simm.s32 $0x20  }
.LBB2_114:
0x557: {  	p0 =	seq.s32 s30, $0x3F0;
	v8 =	vld [tilespmem:s31+$0x6200];
	[tilespmem:s28+$0x2200] =	vst v7;
	s28 =	smov.u32 s31  }
0x558: {  	v7 =	vld [tilespmem:s28+$0x2200];
	_ =	sdelay $0x3  }
.Ltmp56:
0x559: {  	(pc) =	sbr.rel @!p0 .LBB2_114-.Ltmp56, $4  }
0x55a: {  	v8 =	vmul.f32 v8, v6;
	v7 =	vmul.f32 v7, v5  }
0x55b: {  	s29 =	sadd.s32 $0x80, s29  }
0x55c: {  	s0 =	sand.u32 $0x70, s30;
	s31 =	sand.u32 $0x1C00, s29;
	v7 =	vadd.f32 v8, v7  }
0x55d: {  	s30 =	sadd.s32 $0x10, s30;
	s31 =	sor.u32 s31, s0  }
0x55e: {  	v8 =	vld [tilespmem:s31+$0x6200];
	[tilespmem:s28+$0x2200] =	vst v7  }
0x55f: {  	v7 =	vld [tilespmem:s31+$0x2200];
	_ =	sdelay $0x4  }
0x560: {  	v6 =	vmul.f32 v8, v6;
	v5 =	vmul.f32 v7, v5;
	_ =	sdelay $0x1  }
0x561: {  	s28 =	simm.s32 $0x0;
	v5 =	vadd.f32 v6, v5  }
0x562: {  	s0 =	sand.u32 $0x70, s28;
	s28 =	sand.u32 $0x1C00, s28  }
0x563: {  	s28 =	sor.u32 s28, s0;
	[tilespmem:s31+$0x2200] =	vst v5  }
0x564: {  	v7 =	vld [tilespmem:s28+$0x6280]  }
0x565: {  	v8 =	vld [tilespmem:s28+$0x2280];
	_ =	sdelay $0x2  }
0x566: {  	v6 =	vbroadcast v4, $0x9;
	v5 =	vbroadcast v3, $0x9;
	_ =	sdelay $0x1  }
0x567: {  	v8 =	vmul.f32 v8, v5;
	v7 =	vmul.f32 v7, v6  }
0x568: {  	s29 =	simm.s32 $0x80;
	s0 =	simm.s32 $0x10  }
0x569: {  	s30 =	sand.u32 $0x1C00, s29;
	s0 =	sand.u32 $0x70, s0;
	v7 =	vadd.f32 v7, v8  }
0x56a: {  	s31 =	sor.u32 s30, s0;
	s30 =	simm.s32 $0x20  }
.LBB2_116:
0x56b: {  	p0 =	seq.s32 s30, $0x3F0;
	v8 =	vld [tilespmem:s31+$0x6280];
	[tilespmem:s28+$0x2280] =	vst v7;
	s28 =	smov.u32 s31  }
0x56c: {  	v7 =	vld [tilespmem:s28+$0x2280];
	_ =	sdelay $0x3  }
.Ltmp57:
0x56d: {  	(pc) =	sbr.rel @!p0 .LBB2_116-.Ltmp57, $4  }
0x56e: {  	v8 =	vmul.f32 v8, v6;
	v7 =	vmul.f32 v7, v5  }
0x56f: {  	s29 =	sadd.s32 $0x80, s29  }
0x570: {  	s0 =	sand.u32 $0x70, s30;
	s31 =	sand.u32 $0x1C00, s29;
	v7 =	vadd.f32 v8, v7  }
0x571: {  	s30 =	sadd.s32 $0x10, s30;
	s31 =	sor.u32 s31, s0  }
0x572: {  	v8 =	vld [tilespmem:s31+$0x6280];
	[tilespmem:s28+$0x2280] =	vst v7  }
0x573: {  	v7 =	vld [tilespmem:s31+$0x2280];
	_ =	sdelay $0x4  }
0x574: {  	v6 =	vmul.f32 v8, v6;
	v5 =	vmul.f32 v7, v5;
	_ =	sdelay $0x1  }
0x575: {  	s28 =	simm.s32 $0x0;
	v5 =	vadd.f32 v6, v5  }
0x576: {  	s0 =	sand.u32 $0x70, s28;
	s28 =	sand.u32 $0x1C00, s28  }
0x577: {  	s28 =	sor.u32 s28, s0;
	[tilespmem:s31+$0x2280] =	vst v5  }
0x578: {  	v7 =	vld [tilespmem:s28+$0x6300]  }
0x579: {  	v8 =	vld [tilespmem:s28+$0x2300];
	_ =	sdelay $0x2  }
0x57a: {  	v6 =	vbroadcast v4, $0xA;
	v5 =	vbroadcast v3, $0xA;
	_ =	sdelay $0x1  }
0x57b: {  	v8 =	vmul.f32 v8, v5;
	v7 =	vmul.f32 v7, v6  }
0x57c: {  	s29 =	simm.s32 $0x80;
	s0 =	simm.s32 $0x10  }
0x57d: {  	s30 =	sand.u32 $0x1C00, s29;
	s0 =	sand.u32 $0x70, s0;
	v7 =	vadd.f32 v7, v8  }
0x57e: {  	s31 =	sor.u32 s30, s0;
	s30 =	simm.s32 $0x20  }
.LBB2_118:
0x57f: {  	p0 =	seq.s32 s30, $0x3F0;
	v8 =	vld [tilespmem:s31+$0x6300];
	[tilespmem:s28+$0x2300] =	vst v7;
	s28 =	smov.u32 s31  }
0x580: {  	v7 =	vld [tilespmem:s28+$0x2300];
	_ =	sdelay $0x3  }
.Ltmp58:
0x581: {  	(pc) =	sbr.rel @!p0 .LBB2_118-.Ltmp58, $4  }
0x582: {  	v8 =	vmul.f32 v8, v6;
	v7 =	vmul.f32 v7, v5  }
0x583: {  	s29 =	sadd.s32 $0x80, s29  }
0x584: {  	s0 =	sand.u32 $0x70, s30;
	s31 =	sand.u32 $0x1C00, s29;
	v7 =	vadd.f32 v8, v7  }
0x585: {  	s30 =	sadd.s32 $0x10, s30;
	s31 =	sor.u32 s31, s0  }
0x586: {  	v8 =	vld [tilespmem:s31+$0x6300];
	[tilespmem:s28+$0x2300] =	vst v7  }
0x587: {  	v7 =	vld [tilespmem:s31+$0x2300];
	_ =	sdelay $0x4  }
0x588: {  	v6 =	vmul.f32 v8, v6;
	v5 =	vmul.f32 v7, v5;
	_ =	sdelay $0x1  }
0x589: {  	s28 =	simm.s32 $0x0;
	v5 =	vadd.f32 v6, v5  }
0x58a: {  	s0 =	sand.u32 $0x70, s28;
	s28 =	sand.u32 $0x1C00, s28  }
0x58b: {  	s28 =	sor.u32 s28, s0;
	[tilespmem:s31+$0x2300] =	vst v5  }
0x58c: {  	v7 =	vld [tilespmem:s28+$0x6380]  }
0x58d: {  	v8 =	vld [tilespmem:s28+$0x2380];
	_ =	sdelay $0x2  }
0x58e: {  	v6 =	vbroadcast v4, $0xB;
	v5 =	vbroadcast v3, $0xB;
	_ =	sdelay $0x1  }
0x58f: {  	v8 =	vmul.f32 v8, v5;
	v7 =	vmul.f32 v7, v6  }
0x590: {  	s29 =	simm.s32 $0x80;
	s0 =	simm.s32 $0x10  }
0x591: {  	s30 =	sand.u32 $0x1C00, s29;
	s0 =	sand.u32 $0x70, s0;
	v7 =	vadd.f32 v7, v8  }
0x592: {  	s31 =	sor.u32 s30, s0;
	s30 =	simm.s32 $0x20  }
.LBB2_120:
0x593: {  	p0 =	seq.s32 s30, $0x3F0;
	v8 =	vld [tilespmem:s31+$0x6380];
	[tilespmem:s28+$0x2380] =	vst v7;
	s28 =	smov.u32 s31  }
0x594: {  	v7 =	vld [tilespmem:s28+$0x2380];
	_ =	sdelay $0x3  }
.Ltmp59:
0x595: {  	(pc) =	sbr.rel @!p0 .LBB2_120-.Ltmp59, $4  }
0x596: {  	v8 =	vmul.f32 v8, v6;
	v7 =	vmul.f32 v7, v5  }
0x597: {  	s29 =	sadd.s32 $0x80, s29  }
0x598: {  	s0 =	sand.u32 $0x70, s30;
	s31 =	sand.u32 $0x1C00, s29;
	v7 =	vadd.f32 v8, v7  }
0x599: {  	s30 =	sadd.s32 $0x10, s30;
	s31 =	sor.u32 s31, s0  }
0x59a: {  	v8 =	vld [tilespmem:s31+$0x6380];
	[tilespmem:s28+$0x2380] =	vst v7  }
0x59b: {  	v7 =	vld [tilespmem:s31+$0x2380];
	_ =	sdelay $0x4  }
0x59c: {  	v6 =	vmul.f32 v8, v6;
	v5 =	vmul.f32 v7, v5;
	_ =	sdelay $0x1  }
0x59d: {  	s28 =	simm.s32 $0x0;
	v5 =	vadd.f32 v6, v5  }
0x59e: {  	s0 =	sand.u32 $0x70, s28;
	s28 =	sand.u32 $0x1C00, s28  }
0x59f: {  	s28 =	sor.u32 s28, s0;
	[tilespmem:s31+$0x2380] =	vst v5  }
0x5a0: {  	v7 =	vld [tilespmem:s28+$0x6400]  }
0x5a1: {  	v8 =	vld [tilespmem:s28+$0x2400];
	_ =	sdelay $0x2  }
0x5a2: {  	v6 =	vbroadcast v4, $0xC;
	v5 =	vbroadcast v3, $0xC;
	_ =	sdelay $0x1  }
0x5a3: {  	v8 =	vmul.f32 v8, v5;
	v7 =	vmul.f32 v7, v6  }
0x5a4: {  	s29 =	simm.s32 $0x80;
	s0 =	simm.s32 $0x10  }
0x5a5: {  	s30 =	sand.u32 $0x1C00, s29;
	s0 =	sand.u32 $0x70, s0;
	v7 =	vadd.f32 v7, v8  }
0x5a6: {  	s31 =	sor.u32 s30, s0;
	s30 =	simm.s32 $0x20  }
.LBB2_122:
0x5a7: {  	p0 =	seq.s32 s30, $0x3F0;
	v8 =	vld [tilespmem:s31+$0x6400];
	[tilespmem:s28+$0x2400] =	vst v7;
	s28 =	smov.u32 s31  }
0x5a8: {  	v7 =	vld [tilespmem:s28+$0x2400];
	_ =	sdelay $0x3  }
.Ltmp60:
0x5a9: {  	(pc) =	sbr.rel @!p0 .LBB2_122-.Ltmp60, $4  }
0x5aa: {  	v8 =	vmul.f32 v8, v6;
	v7 =	vmul.f32 v7, v5  }
0x5ab: {  	s29 =	sadd.s32 $0x80, s29  }
0x5ac: {  	s0 =	sand.u32 $0x70, s30;
	s31 =	sand.u32 $0x1C00, s29;
	v7 =	vadd.f32 v8, v7  }
0x5ad: {  	s30 =	sadd.s32 $0x10, s30;
	s31 =	sor.u32 s31, s0  }
0x5ae: {  	v8 =	vld [tilespmem:s31+$0x6400];
	[tilespmem:s28+$0x2400] =	vst v7  }
0x5af: {  	v7 =	vld [tilespmem:s31+$0x2400];
	_ =	sdelay $0x4  }
0x5b0: {  	v6 =	vmul.f32 v8, v6;
	v5 =	vmul.f32 v7, v5;
	_ =	sdelay $0x1  }
0x5b1: {  	s28 =	simm.s32 $0x0;
	v5 =	vadd.f32 v6, v5  }
0x5b2: {  	s0 =	sand.u32 $0x70, s28;
	s28 =	sand.u32 $0x1C00, s28  }
0x5b3: {  	s28 =	sor.u32 s28, s0;
	[tilespmem:s31+$0x2400] =	vst v5  }
0x5b4: {  	v7 =	vld [tilespmem:s28+$0x6480]  }
0x5b5: {  	v8 =	vld [tilespmem:s28+$0x2480];
	_ =	sdelay $0x2  }
0x5b6: {  	v6 =	vbroadcast v4, $0xD;
	v5 =	vbroadcast v3, $0xD;
	_ =	sdelay $0x1  }
0x5b7: {  	v8 =	vmul.f32 v8, v5;
	v7 =	vmul.f32 v7, v6  }
0x5b8: {  	s29 =	simm.s32 $0x80;
	s0 =	simm.s32 $0x10  }
0x5b9: {  	s30 =	sand.u32 $0x1C00, s29;
	s0 =	sand.u32 $0x70, s0;
	v7 =	vadd.f32 v7, v8  }
0x5ba: {  	s31 =	sor.u32 s30, s0;
	s30 =	simm.s32 $0x20  }
.LBB2_124:
0x5bb: {  	p0 =	seq.s32 s30, $0x3F0;
	v8 =	vld [tilespmem:s31+$0x6480];
	[tilespmem:s28+$0x2480] =	vst v7;
	s28 =	smov.u32 s31  }
0x5bc: {  	v7 =	vld [tilespmem:s28+$0x2480];
	_ =	sdelay $0x3  }
.Ltmp61:
0x5bd: {  	(pc) =	sbr.rel @!p0 .LBB2_124-.Ltmp61, $4  }
0x5be: {  	v8 =	vmul.f32 v8, v6;
	v7 =	vmul.f32 v7, v5  }
0x5bf: {  	s29 =	sadd.s32 $0x80, s29  }
0x5c0: {  	s0 =	sand.u32 $0x70, s30;
	s31 =	sand.u32 $0x1C00, s29;
	v7 =	vadd.f32 v8, v7  }
0x5c1: {  	s30 =	sadd.s32 $0x10, s30;
	s31 =	sor.u32 s31, s0  }
0x5c2: {  	v8 =	vld [tilespmem:s31+$0x6480];
	[tilespmem:s28+$0x2480] =	vst v7  }
0x5c3: {  	v7 =	vld [tilespmem:s31+$0x2480];
	_ =	sdelay $0x4  }
0x5c4: {  	v6 =	vmul.f32 v8, v6;
	v5 =	vmul.f32 v7, v5;
	_ =	sdelay $0x1  }
0x5c5: {  	s28 =	simm.s32 $0x0;
	v5 =	vadd.f32 v6, v5  }
0x5c6: {  	s0 =	sand.u32 $0x70, s28;
	s28 =	sand.u32 $0x1C00, s28  }
0x5c7: {  	s28 =	sor.u32 s28, s0;
	[tilespmem:s31+$0x2480] =	vst v5  }
0x5c8: {  	v7 =	vld [tilespmem:s28+$0x6500]  }
0x5c9: {  	v8 =	vld [tilespmem:s28+$0x2500];
	_ =	sdelay $0x2  }
0x5ca: {  	v6 =	vbroadcast v4, $0xE;
	v5 =	vbroadcast v3, $0xE;
	_ =	sdelay $0x1  }
0x5cb: {  	v8 =	vmul.f32 v8, v5;
	v7 =	vmul.f32 v7, v6  }
0x5cc: {  	s29 =	simm.s32 $0x80;
	s0 =	simm.s32 $0x10  }
0x5cd: {  	s30 =	sand.u32 $0x1C00, s29;
	s0 =	sand.u32 $0x70, s0;
	v7 =	vadd.f32 v7, v8  }
0x5ce: {  	s31 =	sor.u32 s30, s0;
	s30 =	simm.s32 $0x20  }
.LBB2_126:
0x5cf: {  	p0 =	seq.s32 s30, $0x3F0;
	v8 =	vld [tilespmem:s31+$0x6500];
	[tilespmem:s28+$0x2500] =	vst v7;
	s28 =	smov.u32 s31  }
0x5d0: {  	v7 =	vld [tilespmem:s28+$0x2500];
	_ =	sdelay $0x3  }
.Ltmp62:
0x5d1: {  	(pc) =	sbr.rel @!p0 .LBB2_126-.Ltmp62, $4  }
0x5d2: {  	v8 =	vmul.f32 v8, v6;
	v7 =	vmul.f32 v7, v5  }
0x5d3: {  	s29 =	sadd.s32 $0x80, s29  }
0x5d4: {  	s0 =	sand.u32 $0x70, s30;
	s31 =	sand.u32 $0x1C00, s29;
	v7 =	vadd.f32 v8, v7  }
0x5d5: {  	s30 =	sadd.s32 $0x10, s30;
	s31 =	sor.u32 s31, s0  }
0x5d6: {  	v8 =	vld [tilespmem:s31+$0x6500];
	[tilespmem:s28+$0x2500] =	vst v7  }
0x5d7: {  	v7 =	vld [tilespmem:s31+$0x2500];
	_ =	sdelay $0x4  }
0x5d8: {  	v6 =	vmul.f32 v8, v6;
	v5 =	vmul.f32 v7, v5;
	_ =	sdelay $0x1  }
0x5d9: {  	s28 =	simm.s32 $0x0;
	v5 =	vadd.f32 v6, v5  }
0x5da: {  	s0 =	sor.u32 s28, s28  }
0x5db: {  	s28 =	sor.u32 $0x2380, s0;
	[tilespmem:s31+$0x2500] =	vst v5  }
0x5dc: {  	v5 =	vld [tilespmem:s28+$0x4200]  }
0x5dd: {  	v6 =	vld [tilespmem:s28+$0x200];
	_ =	sdelay $0x2  }
0x5de: {  	v3 =	vbroadcast v3, $0xF;
	v4 =	vbroadcast v4, $0xF;
	_ =	sdelay $0x1  }
0x5df: {  	v6 =	vmul.f32 v6, v3;
	v5 =	vmul.f32 v5, v4  }
0x5e0: {  	s29 =	simm.s32 $0x80;
	s0 =	simm.s32 $0x10  }
0x5e1: {  	s0 =	sor.u32 s29, s0;
	v5 =	vadd.f32 v5, v6  }
0x5e2: {  	s30 =	simm.s32 $0x20;
	s31 =	sor.u32 $0x2380, s0  }
.LBB2_128:
0x5e3: {  	p0 =	sne.s32 s30, $0x3F0;
	v6 =	vld [tilespmem:s31+$0x4200];
	[tilespmem:s28+$0x200] =	vst v5;
	s28 =	smov.u32 s31  }
0x5e4: {  	v5 =	vld [tilespmem:s28+$0x200];
	_ =	sdelay $0x3  }
.Ltmp63:
0x5e5: {  	(pc) =	sbr.rel @p0 .LBB2_128-.Ltmp63, $4  }
0x5e6: {  	v6 =	vmul.f32 v6, v4;
	v5 =	vmul.f32 v5, v3  }
0x5e7: {  	s29 =	sadd.s32 $0x80, s29  }
0x5e8: {  	s0 =	sor.u32 s29, s30;
	v5 =	vadd.f32 v6, v5  }
0x5e9: {  	s30 =	sadd.s32 $0x10, s30;
	s31 =	sor.u32 $0x2380, s0  }
0x5ea: {  	v6 =	vld [tilespmem:s31+$0x4200];
	[tilespmem:s28+$0x200] =	vst v5  }
0x5eb: {  	v5 =	vld [tilespmem:s31+$0x200];
	_ =	sdelay $0x4  }
0x5ec: {  	v4 =	vmul.f32 v6, v4;
	v3 =	vmul.f32 v5, v3;
	_ =	sdelay $0x1  }
0x5ed: {  	v3 =	vadd.f32 v4, v3;
	_ =	sdelay $0x1  }
0x5ee: {  	[tilespmem:s31+$0x200] =	vst v3  }
0x5ef: {  	[hbm4b:s14+s2] =	stream.linear.scatter [tilespmem:s20], [sflag:$0x1], $0x4000, $0x38;
	[tilespmem:$0x18200] =	vst v63  }
0x5f0: {  	_ =	swait.ge [sflag:s24], $0x4000  }
0x5f1: {  	[sflag:s24] =	ssyncset.done $0x0  }
0x5f2: {  	s26 =	sadd.s32 $0x1, s26;
	[sflag:s24] =	ssyncadd.s32 $0xFFFFC000  }
0x5f3: {  	p0 =	sne.s32 s26, s15;
	_ =	swait.ge [sflag:s25], $0x4000  }
.Ltmp64:
0x5f4: {  	[sflag:s25] =	ssyncset.done $0x0;
	(pc) =	sbr.rel @p0 .LBB2_1-.Ltmp64, $4  }
0x5f5: {  	[sflag:s25] =	ssyncadd.s32 $0xFFFFC000  }
0x5f6: {  	_ =	swait.ge [sflag:s23], $0x4000  }
0x5f7: {  	[sflag:s23] =	ssyncset.done $0x0  }
0x5f8: {  	[sflag:s23] =	ssyncadd.s32 $0xFFFFC000  }
0x5f9: {  	_ =	sfence.sel $0x180000  }
0x5fa: {  	[bflag:$0x0] =	sbarrier.arrive $0xFFFF  }
0x5fb: {  	_ =	strace $0x9000004A  }
0x5fc: {  	s0 =	stileid.u32;
	[bflag:$0x2] =	sbarrier.arrive $0xFFFF  }
0x5fd: {  	p0 =	sne.s32 s0, $0x0;
	s0 =	rddreg [dreg:$0x2]  }
0x5fe: {  	s0 =	sadd.s32 @!p0 $0x100000, s0  }
0x5ff: {  	[sflag:s0] =	ssyncadd.tile.s32 @!p0 $0x1;
	_ =	shalt  }
.Lfunc_end2:
_tile_overlayer_lowered:
.L_overlay_start_2:
0x600: {  	(tag) =	ssettag $0x2  }
0x601: {  	s0 =	rddreg [dreg:$0x0];
	s2 =	stileid.u32  }
0x602: {  	s1 =	rddreg [dreg:$0x1];
	p0 =	sne.s32 s2, $0x0  }
0x603: {  	s3 =	rddreg [dreg:$0x2];
	[bflag:$0x3] =	sbarrier.arrive $0xFFFF;
	s2 =	simm.s32 @!p0 $0x1C04  }
0x604: {  	[timem:s3], [sflag:s2] =	dma.local @!p0 [hbm:s0], s1  }
0x605: {  	s0 =	simm.s32 @!p0 $0x4  }
0x606: {  	_ =	swait.ge @!p0 [sflag:s0], s1  }
0x607: {  	s1 =	ssub.s32 @!p0 $0x0, s1;
	[sflag:s0] =	ssyncset.done @!p0 $0x0  }
0x608: {  	[sflag:s0] =	ssyncadd.s32 @!p0 s1  }
0x609: {  	[bflag:$0x3] =	sbarrier.arrive $0xFFFF  }
0x60a: {  	_ =	shalt  }

</sc_bundles>
